<compile_context>
chip_gen: v7x
topology: tpu7x:2x2x1
jax: 0.10.2.dev20260603
libtpu: 0.0.44.dev20260713+nightly
codegen_flags: <defaults>
</compile_context>

<pallas_src>
import functools

import jax
import jax.numpy as jnp
from jax import lax
from jax.experimental import pallas as pl
from jax.experimental.pallas import tpu as pltpu
from jax.experimental.pallas import tpu_sc as plsc

_SCALE = 0.125
_NUM_BUCKETS = 32

_NMIN = (
    0, 1, 2, 3, 4, 5, 6, 7, 8, 9, 10, 11, 12, 13, 14, 15,
    16, 19, 21, 24, 27, 31, 35, 40, 46, 52, 59, 67, 77, 87, 99, 113,
)

_N = 4096
_B = 512
_R_SC = 512
_NC = 2
_NS = 16
_NW = _NC * _NS
_RPW = _R_SC // _NW
_WLEN = 2 * _N


def _sc_body(table_hbm, out_hbm, tab_v, w_v, sem):
    c = lax.axis_index("c")
    s = lax.axis_index("s")
    wid = s * _NC + c
    r = (4095 - wid) % 32

    pltpu.sync_copy(table_hbm, tab_v)
    tab_lo = tab_v[pl.ds(0, 16)] * _SCALE
    tab_hi = tab_v[pl.ds(16, 16)] * _SCALE

    dnums = lax.GatherDimensionNumbers(
        offset_dims=(), collapsed_slice_dims=(0,), start_index_map=(0,))

    def take16(vec, idx):
        return lax.gather(
            vec, idx[:, None], dnums, (1,),
            mode=lax.GatherScatterMode.PROMISE_IN_BOUNDS)

    def lookup(b):
        b15 = jnp.bitwise_and(b, 15)
        return jnp.where(b < 16, take16(tab_lo, b15), take16(tab_hi, b15))

    t31 = lookup(jnp.full((16,), 31, jnp.int32))
    t0 = lookup(jnp.zeros((16,), jnp.int32))

    def fill(k, carry):
        for u in range(8):
            w_v[pl.ds(128 * k + 16 * u, 16)] = t31
            w_v[pl.ds(_N + 128 * k + 16 * u, 16)] = t0
        return carry

    lax.fori_loop(0, _N // 128, fill, 0)

    lanes = lax.iota(jnp.int32, 16)
    for k in range(247, 256):
        d = (4095 - r) - (k * 16 + lanes)
        b = jnp.zeros((16,), jnp.int32)
        for bb in range(1, _NUM_BUCKETS):
            b = jnp.where(d >= _NMIN[bb], bb, b)
        w_v[pl.ds(k * 16, 16)] = lookup(b)

    GRP = 8

    def fire(n):
        pltpu.async_copy(
            w_v.at[pl.ds(4064 - 32 * n, _N)],
            out_hbm.at[wid + 32 * n],
            sem,
        )

    def retire_one():
        pltpu.make_async_copy(
            out_hbm.at[0], w_v.at[pl.ds(_N, _N)], sem).wait()

    for u in range(GRP):
        fire(u)

    def group(g, carry):
        for u in range(GRP):
            fire(GRP + g * GRP + u)
        for u in range(GRP):
            retire_one()
        return carry

    lax.fori_loop(0, _RPW // GRP - 1, group, 0)
    for u in range(GRP):
        retire_one()


_sc_bias = functools.partial(
    pl.kernel,
    mesh=plsc.VectorSubcoreMesh(core_axis_name="c", subcore_axis_name="s"),
    out_type=jax.ShapeDtypeStruct((_R_SC, _N), jnp.float32),
    compiler_params=pltpu.CompilerParams(use_tc_tiling_on_sc=False),
    scratch_types=[
        pltpu.VMEM((_NUM_BUCKETS,), jnp.float32),
        pltpu.VMEM((_WLEN,), jnp.float32),
        pltpu.SemaphoreType.DMA,
    ],
)(_sc_body)


def _band_block(table_ref, d0, t0):
    lane = jax.lax.broadcasted_iota(jnp.int32, (8, 128), 1)
    w = jnp.full((8, 128), t0, dtype=jnp.float32)
    for b in range(1, _NUM_BUCKETS):
        w = jnp.where(lane >= _NMIN[b], table_ref[b, 0] * _SCALE, w)
    w_b = jnp.broadcast_to(w[0:1, :], (_B, 128))

    row = jax.lax.broadcasted_iota(jnp.int32, (_B, _B), 0)
    col = jax.lax.broadcasted_iota(jnp.int32, (_B, _B), 1)
    idx = jnp.clip((row - col) + d0, 0, 127)
    return jnp.take_along_axis(w_b, idx, axis=1)


def _tc_body(table_ref, out_ref, const0, const31, band0, band1, sems):
    t0 = table_ref[0, 0] * _SCALE
    t_last = table_ref[_NUM_BUCKETS - 1, 0] * _SCALE

    nb = _N // _B
    r0 = _R_SC // _B
    copies = []

    def start(src, dst):
        c = pltpu.make_async_copy(src, dst, sems.at[len(copies)])
        c.start()
        copies.append(c)

    def rows(r):
        return pl.ds((r - r0) * _B, _B)

    const0[...] = jnp.full((_B, _N - _B), t0, dtype=jnp.float32)
    const31[...] = jnp.full((_B, _N - 2 * _B), t_last, dtype=jnp.float32)
    for r in range(r0, nb):
        w0 = _N - (r + 1) * _B
        if w0 > 0:
            start(const0.at[:, pl.ds(0, w0)],
                  out_ref.at[rows(r), pl.ds((r + 1) * _B, w0)])
        w31 = (r - 1) * _B
        if w31 > 0:
            start(const31.at[:, pl.ds(0, w31)],
                  out_ref.at[rows(r), pl.ds(0, w31)])

    band0[...] = _band_block(table_ref, 0, t0)
    for r in range(r0, nb):
        start(band0, out_ref.at[rows(r), pl.ds(r * _B, _B)])
    band1[...] = _band_block(table_ref, _B, t0)
    for r in range(max(r0, 1), nb):
        start(band1, out_ref.at[rows(r), pl.ds((r - 1) * _B, _B)])

    for c in copies:
        c.wait()


def _tc_bias(table):
    return pl.pallas_call(
        _tc_body,
        in_specs=[pl.BlockSpec(memory_space=pltpu.SMEM)],
        out_specs=pl.BlockSpec(memory_space=pl.ANY),
        out_shape=jax.ShapeDtypeStruct((_N - _R_SC, _N), jnp.float32),
        scratch_shapes=[
            pltpu.VMEM((_B, _N - _B), jnp.float32),
            pltpu.VMEM((_B, _N - 2 * _B), jnp.float32),
            pltpu.VMEM((_B, _B), jnp.float32),
            pltpu.VMEM((_B, _B), jnp.float32),
            pltpu.SemaphoreType.DMA((32,)),
        ],
    )(table)


@jax.jit
def kernel(x, table):
    del x
    sc_rows = _sc_bias(table.reshape(-1))
    tc_rows = _tc_bias(table)
    return jnp.concatenate([sc_rows, tc_rows], axis=0)

# --- scband reference (transcript-rebuilt; emitter-appended) ---
"""Pipeline reference for scband-t5-relative-position-bias-17136919511671 (READ-ONLY COPY).

The authoritative reference and input builder live on the scoring server;
editing this copy changes nothing except your own understanding.
"""

import jax, jax.numpy as jnp
import numpy as np
import math

SCALE = 0.125
CAUSAL = True
NUM_BUCKETS = 32
MAX_DISTANCE = 128


def setup_inputs(seed: int = 0) -> dict:
    key = jax.random.key(seed)
    k1, k2 = jax.random.split(key)
    x = jax.random.normal(k1, (4096, 4096), dtype=jnp.float32)
    # learned parameter: relative_attention_bias embedding table [num_buckets, 1]
    table = jax.random.normal(k2, (NUM_BUCKETS, 1), dtype=jnp.float32) * 0.02
    return {"x": x, "table": table}


def _relative_position_bucket(relative_position, causal=True, num_buckets=32, max_distance=128):
    n = -relative_position
    if not causal:
        num_buckets = num_buckets // 2
        offset = (n < 0).astype(jnp.int32) * num_buckets
        n = jnp.abs(n)
    else:
        offset = jnp.zeros_like(n)
        n = jnp.maximum(n, jnp.zeros_like(n))
    max_exact = num_buckets // 2
    is_small = n < max_exact
    n_f = n.astype(jnp.float32)
    val_if_large = max_exact + jnp.log(n_f / max_exact) / math.log(max_distance / max_exact) * (num_buckets - max_exact)
    val_if_large = jnp.minimum(val_if_large, jnp.full_like(val_if_large, float(num_buckets - 1)))
    ret = offset.astype(jnp.float32) + jnp.where(is_small, n_f, val_if_large)
    # keras Embedding casts float indices to int32 (truncation)
    return ret.astype(jnp.int32)


def reference(x, table):
    i, j = x.shape[-2], x.shape[-1]
    q_pos = jnp.arange(i, dtype=jnp.int32)
    k_pos = jnp.arange(j, dtype=jnp.int32)
    rel_pos = k_pos[None, :] - q_pos[:, None]  # [i, j]
    rp_bucket = _relative_position_bucket(rel_pos, causal=CAUSAL, num_buckets=NUM_BUCKETS, max_distance=MAX_DISTANCE)
    values = jnp.take(table, rp_bucket, axis=0)  # [i, j, 1] embedding gather
    bias = values[..., 0]  # rearrange 'i j 1 -> i j'
    return bias * SCALE

if __name__ == "__main__":
    import jax
    _d = setup_inputs()
    print(jax.jit(kernel)(*tuple(_d.values())))

</pallas_src>

<mosaic_0001>
#map = affine_map<(d0, d1) -> (0)>
#map1 = affine_map<(d0, d1) -> (0, 0)>
module attributes {stable_mosaic.version = 14 : i64} {
  func.func @_sc_body(%arg0: i32, %arg1: i32, %arg2: memref<32xf32, #tpu.memory_space<hbm>>, %arg3: memref<512x4096xf32, #tpu.memory_space<hbm>>, %arg4: memref<32xf32, #tpu.memory_space<vmem>>, %arg5: memref<8192xf32, #tpu.memory_space<vmem>>, %arg6: memref<!tpu.dma_semaphore, #tpu.memory_space<semaphore_mem>>) attributes {dimension_semantics = [#tpu.dimension_semantics<core_parallel>, #tpu.dimension_semantics<subcore_parallel>], iteration_bounds = array<i64: 2, 16>, scalar_prefetch = 0 : i64, scratch_operands = 3 : i64, tpu.core_type = #tpu.core_type<sc_vector_subcore>, window_params = [{transform_indices = #map}, {transform_indices = #map1}]} {
    %mul3A = arith.constant 2 : i32
    %mul3A_0 = arith.muli %arg1, %mul3A : i32
    %add3A = arith.addi %mul3A_0, %arg0 : i32
    %sub3A = arith.constant 4095 : i32
    %sub3A_1 = arith.subi %sub3A, %add3A : i32
    %jit3A = arith.constant 32 : i32
    %eq3A = arith.constant 0 : i32
    %eq3A_2 = arith.cmpi eq, %jit3A, %eq3A : i32
    %jit3A_3 = arith.constant 1 : i32
    %select_n3A = arith.select %eq3A_2, %jit3A_3, %jit3A : i32
    %rem3A = arith.remsi %sub3A_1, %select_n3A : i32
    %ne3A = arith.constant 0 : i32
    %ne3A_4 = arith.cmpi ne, %rem3A, %ne3A : i32
    %lt3A = arith.constant 0 : i32
    %lt3A_5 = arith.cmpi slt, %rem3A, %lt3A : i32
    %lt3A_6 = arith.constant 0 : i32
    %lt3A_7 = arith.cmpi slt, %select_n3A, %lt3A_6 : i32
    %ne3A_8 = arith.xori %lt3A_5, %lt3A_7 : i1
    %and3A = arith.andi %ne3A_8, %ne3A_4 : i1
    %add3A_9 = arith.addi %rem3A, %select_n3A : i32
    %select_n3A_10 = arith.select %and3A, %add3A_9, %rem3A : i32
    "tpu.region"() ({
      %run_scoped3A = tpu.sem_alloc : memref<!tpu.dma_semaphore, #tpu.memory_space<semaphore_mem>>
      tpu.enqueue_dma source(%arg2 : memref<32xf32, #tpu.memory_space<hbm>>) target(%arg4 : memref<32xf32, #tpu.memory_space<vmem>>) target_semaphore(%run_scoped3A : memref<!tpu.dma_semaphore, #tpu.memory_space<semaphore_mem>>)
      tpu.wait_dma2 semaphore(%run_scoped3A : memref<!tpu.dma_semaphore, #tpu.memory_space<semaphore_mem>>) src(%arg2 : memref<32xf32, #tpu.memory_space<hbm>>) dst(%arg4 : memref<32xf32, #tpu.memory_space<vmem>>)
      tpu.yield
    }) : () -> ()
    %get3A = arith.constant 0 : index
    %get3A_11 = tpu.vector_load %arg4[%get3A] {strides = array<i32>} : memref<32xf32, #tpu.memory_space<vmem>>, vector<16xf32>,
    %get3A_12 = vector.shape_cast %get3A_11 : vector<16xf32> to vector<16xf32>
    %mul3A_13 = arith.constant 1.250000e-01 : f32
    %mul3A_14 = vector.broadcast %mul3A_13 : f32 to vector<16xf32>
    %mul3A_15 = arith.mulf %get3A_12, %mul3A_14 : vector<16xf32>
    %get3A_16 = arith.constant 16 : index
    %get3A_17 = tpu.vector_load %arg4[%get3A_16] {strides = array<i32>} : memref<32xf32, #tpu.memory_space<vmem>>, vector<16xf32>,
    %get3A_18 = vector.shape_cast %get3A_17 : vector<16xf32> to vector<16xf32>
    %mul3A_19 = arith.constant 1.250000e-01 : f32
    %mul3A_20 = vector.broadcast %mul3A_19 : f32 to vector<16xf32>
    %mul3A_21 = arith.mulf %get3A_18, %mul3A_20 : vector<16xf32>
    %broadcast_in_dim3A = arith.constant 31 : i32
    %broadcast_in_dim3A_22 = vector.broadcast %broadcast_in_dim3A : i32 to vector<16xi32>
    %and3A_23 = arith.constant 15 : i32
    %and3A_24 = vector.broadcast %and3A_23 : i32 to vector<16xi32>
    %and3A_25 = arith.andi %broadcast_in_dim3A_22, %and3A_24 : vector<16xi32>
    %lt3A_26 = arith.constant 16 : i32
    %lt3A_27 = vector.broadcast %lt3A_26 : i32 to vector<16xi32>
    %lt3A_28 = arith.cmpi slt, %broadcast_in_dim3A_22, %lt3A_27 : vector<16xi32>
    %broadcast_in_dim3A_29 = vector.shape_cast %and3A_25 : vector<16xi32> to vector<16x1xi32>
    %gather3A = vector.shape_cast %broadcast_in_dim3A_29 : vector<16x1xi32> to vector<16xi32>
    %gather3A_30 = tpu.dynamic_gather %mul3A_15[%gather3A] in [0] : vector<16xf32>, vector<16xi32> -> vector<16xf32>
    %broadcast_in_dim3A_31 = vector.shape_cast %and3A_25 : vector<16xi32> to vector<16x1xi32>
    %gather3A_32 = vector.shape_cast %broadcast_in_dim3A_31 : vector<16x1xi32> to vector<16xi32>
    %gather3A_33 = tpu.dynamic_gather %mul3A_21[%gather3A_32] in [0] : vector<16xf32>, vector<16xi32> -> vector<16xf32>
    %select_n3A_34 = arith.select %lt3A_28, %gather3A_30, %gather3A_33 : vector<16xi1>, vector<16xf32>
    %broadcast_in_dim3A_35 = arith.constant 0 : i32
    %broadcast_in_dim3A_36 = vector.broadcast %broadcast_in_dim3A_35 : i32 to vector<16xi32>
    %and3A_37 = arith.constant 15 : i32
    %and3A_38 = vector.broadcast %and3A_37 : i32 to vector<16xi32>
    %and3A_39 = arith.andi %broadcast_in_dim3A_36, %and3A_38 : vector<16xi32>
    %lt3A_40 = arith.constant 16 : i32
    %lt3A_41 = vector.broadcast %lt3A_40 : i32 to vector<16xi32>
    %lt3A_42 = arith.cmpi slt, %broadcast_in_dim3A_36, %lt3A_41 : vector<16xi32>
    %broadcast_in_dim3A_43 = vector.shape_cast %and3A_39 : vector<16xi32> to vector<16x1xi32>
    %gather3A_44 = vector.shape_cast %broadcast_in_dim3A_43 : vector<16x1xi32> to vector<16xi32>
    %gather3A_45 = tpu.dynamic_gather %mul3A_15[%gather3A_44] in [0] : vector<16xf32>, vector<16xi32> -> vector<16xf32>
    %broadcast_in_dim3A_46 = vector.shape_cast %and3A_39 : vector<16xi32> to vector<16x1xi32>
    %gather3A_47 = vector.shape_cast %broadcast_in_dim3A_46 : vector<16x1xi32> to vector<16xi32>
    %gather3A_48 = tpu.dynamic_gather %mul3A_21[%gather3A_47] in [0] : vector<16xf32>, vector<16xi32> -> vector<16xf32>
    %select_n3A_49 = arith.select %lt3A_42, %gather3A_45, %gather3A_48 : vector<16xi1>, vector<16xf32>
    %scan3A = arith.constant 0 : i32
    %scan3A_50 = arith.constant 0 : i32
    %scan3A_51 = arith.constant 32 : i32
    %scan3A_52 = arith.addi %scan3A_50, %scan3A_51 : i32
    %scan3A_53 = arith.constant 1 : i32
    scf.for %scan3A_2402 = %scan3A_50 to %scan3A_52 step %scan3A_53  : i32 {
      %mul3A_2403 = arith.constant 128 : i32
      %mul3A_2404 = arith.muli %mul3A_2403, %scan3A_2402 : i32
      %add3A_2405 = arith.constant 0 : i32
      %add3A_2406 = arith.addi %mul3A_2404, %add3A_2405 : i32
      %swap3A_2407 = arith.index_cast %add3A_2406 : i32 to index
      %swap3A_2408 = tpu.vector_load %arg5[%swap3A_2407] {strides = array<i32>} : memref<8192xf32, #tpu.memory_space<vmem>>, vector<16xf32>,
      %swap3A_2409 = vector.shape_cast %swap3A_2408 : vector<16xf32> to vector<16xf32>
      %swap3A_2410 = vector.shape_cast %select_n3A_34 : vector<16xf32> to vector<16xf32>
      tpu.vector_store %arg5[%swap3A_2407], %swap3A_2410 {strides = array<i32>} : memref<8192xf32, #tpu.memory_space<vmem>>, vector<16xf32>,
      %mul3A_2411 = arith.constant 128 : i32
      %mul3A_2412 = arith.muli %mul3A_2411, %scan3A_2402 : i32
      %add3A_2413 = arith.constant 4096 : i32
      %add3A_2414 = arith.addi %add3A_2413, %mul3A_2412 : i32
      %add3A_2415 = arith.constant 0 : i32
      %add3A_2416 = arith.addi %add3A_2414, %add3A_2415 : i32
      %swap3A_2417 = arith.index_cast %add3A_2416 : i32 to index
      %swap3A_2418 = tpu.vector_load %arg5[%swap3A_2417] {strides = array<i32>} : memref<8192xf32, #tpu.memory_space<vmem>>, vector<16xf32>,
      %swap3A_2419 = vector.shape_cast %swap3A_2418 : vector<16xf32> to vector<16xf32>
      %swap3A_2420 = vector.shape_cast %select_n3A_49 : vector<16xf32> to vector<16xf32>
      tpu.vector_store %arg5[%swap3A_2417], %swap3A_2420 {strides = array<i32>} : memref<8192xf32, #tpu.memory_space<vmem>>, vector<16xf32>,
      %mul3A_2421 = arith.constant 128 : i32
      %mul3A_2422 = arith.muli %mul3A_2421, %scan3A_2402 : i32
      %add3A_2423 = arith.constant 16 : i32
      %add3A_2424 = arith.addi %mul3A_2422, %add3A_2423 : i32
      %swap3A_2425 = arith.index_cast %add3A_2424 : i32 to index
      %swap3A_2426 = tpu.vector_load %arg5[%swap3A_2425] {strides = array<i32>} : memref<8192xf32, #tpu.memory_space<vmem>>, vector<16xf32>,
      %swap3A_2427 = vector.shape_cast %swap3A_2426 : vector<16xf32> to vector<16xf32>
      %swap3A_2428 = vector.shape_cast %select_n3A_34 : vector<16xf32> to vector<16xf32>
      tpu.vector_store %arg5[%swap3A_2425], %swap3A_2428 {strides = array<i32>} : memref<8192xf32, #tpu.memory_space<vmem>>, vector<16xf32>,
      %mul3A_2429 = arith.constant 128 : i32
      %mul3A_2430 = arith.muli %mul3A_2429, %scan3A_2402 : i32
      %add3A_2431 = arith.constant 4096 : i32
      %add3A_2432 = arith.addi %add3A_2431, %mul3A_2430 : i32
      %add3A_2433 = arith.constant 16 : i32
      %add3A_2434 = arith.addi %add3A_2432, %add3A_2433 : i32
      %swap3A_2435 = arith.index_cast %add3A_2434 : i32 to index
      %swap3A_2436 = tpu.vector_load %arg5[%swap3A_2435] {strides = array<i32>} : memref<8192xf32, #tpu.memory_space<vmem>>, vector<16xf32>,
      %swap3A_2437 = vector.shape_cast %swap3A_2436 : vector<16xf32> to vector<16xf32>
      %swap3A_2438 = vector.shape_cast %select_n3A_49 : vector<16xf32> to vector<16xf32>
      tpu.vector_store %arg5[%swap3A_2435], %swap3A_2438 {strides = array<i32>} : memref<8192xf32, #tpu.memory_space<vmem>>, vector<16xf32>,
      %mul3A_2439 = arith.constant 128 : i32
      %mul3A_2440 = arith.muli %mul3A_2439, %scan3A_2402 : i32
      %add3A_2441 = arith.constant 32 : i32
      %add3A_2442 = arith.addi %mul3A_2440, %add3A_2441 : i32
      %swap3A_2443 = arith.index_cast %add3A_2442 : i32 to index
      %swap3A_2444 = tpu.vector_load %arg5[%swap3A_2443] {strides = array<i32>} : memref<8192xf32, #tpu.memory_space<vmem>>, vector<16xf32>,
      %swap3A_2445 = vector.shape_cast %swap3A_2444 : vector<16xf32> to vector<16xf32>
      %swap3A_2446 = vector.shape_cast %select_n3A_34 : vector<16xf32> to vector<16xf32>
      tpu.vector_store %arg5[%swap3A_2443], %swap3A_2446 {strides = array<i32>} : memref<8192xf32, #tpu.memory_space<vmem>>, vector<16xf32>,
      %mul3A_2447 = arith.constant 128 : i32
      %mul3A_2448 = arith.muli %mul3A_2447, %scan3A_2402 : i32
      %add3A_2449 = arith.constant 4096 : i32
      %add3A_2450 = arith.addi %add3A_2449, %mul3A_2448 : i32
      %add3A_2451 = arith.constant 32 : i32
      %add3A_2452 = arith.addi %add3A_2450, %add3A_2451 : i32
      %swap3A_2453 = arith.index_cast %add3A_2452 : i32 to index
      %swap3A_2454 = tpu.vector_load %arg5[%swap3A_2453] {strides = array<i32>} : memref<8192xf32, #tpu.memory_space<vmem>>, vector<16xf32>,
      %swap3A_2455 = vector.shape_cast %swap3A_2454 : vector<16xf32> to vector<16xf32>
      %swap3A_2456 = vector.shape_cast %select_n3A_49 : vector<16xf32> to vector<16xf32>
      tpu.vector_store %arg5[%swap3A_2453], %swap3A_2456 {strides = array<i32>} : memref<8192xf32, #tpu.memory_space<vmem>>, vector<16xf32>,
      %mul3A_2457 = arith.constant 128 : i32
      %mul3A_2458 = arith.muli %mul3A_2457, %scan3A_2402 : i32
      %add3A_2459 = arith.constant 48 : i32
      %add3A_2460 = arith.addi %mul3A_2458, %add3A_2459 : i32
      %swap3A_2461 = arith.index_cast %add3A_2460 : i32 to index
      %swap3A_2462 = tpu.vector_load %arg5[%swap3A_2461] {strides = array<i32>} : memref<8192xf32, #tpu.memory_space<vmem>>, vector<16xf32>,
      %swap3A_2463 = vector.shape_cast %swap3A_2462 : vector<16xf32> to vector<16xf32>
      %swap3A_2464 = vector.shape_cast %select_n3A_34 : vector<16xf32> to vector<16xf32>
      tpu.vector_store %arg5[%swap3A_2461], %swap3A_2464 {strides = array<i32>} : memref<8192xf32, #tpu.memory_space<vmem>>, vector<16xf32>,
      %mul3A_2465 = arith.constant 128 : i32
      %mul3A_2466 = arith.muli %mul3A_2465, %scan3A_2402 : i32
      %add3A_2467 = arith.constant 4096 : i32
      %add3A_2468 = arith.addi %add3A_2467, %mul3A_2466 : i32
      %add3A_2469 = arith.constant 48 : i32
      %add3A_2470 = arith.addi %add3A_2468, %add3A_2469 : i32
      %swap3A_2471 = arith.index_cast %add3A_2470 : i32 to index
      %swap3A_2472 = tpu.vector_load %arg5[%swap3A_2471] {strides = array<i32>} : memref<8192xf32, #tpu.memory_space<vmem>>, vector<16xf32>,
      %swap3A_2473 = vector.shape_cast %swap3A_2472 : vector<16xf32> to vector<16xf32>
      %swap3A_2474 = vector.shape_cast %select_n3A_49 : vector<16xf32> to vector<16xf32>
      tpu.vector_store %arg5[%swap3A_2471], %swap3A_2474 {strides = array<i32>} : memref<8192xf32, #tpu.memory_space<vmem>>, vector<16xf32>,
      %mul3A_2475 = arith.constant 128 : i32
      %mul3A_2476 = arith.muli %mul3A_2475, %scan3A_2402 : i32
      %add3A_2477 = arith.constant 64 : i32
      %add3A_2478 = arith.addi %mul3A_2476, %add3A_2477 : i32
      %swap3A_2479 = arith.index_cast %add3A_2478 : i32 to index
      %swap3A_2480 = tpu.vector_load %arg5[%swap3A_2479] {strides = array<i32>} : memref<8192xf32, #tpu.memory_space<vmem>>, vector<16xf32>,
      %swap3A_2481 = vector.shape_cast %swap3A_2480 : vector<16xf32> to vector<16xf32>
      %swap3A_2482 = vector.shape_cast %select_n3A_34 : vector<16xf32> to vector<16xf32>
      tpu.vector_store %arg5[%swap3A_2479], %swap3A_2482 {strides = array<i32>} : memref<8192xf32, #tpu.memory_space<vmem>>, vector<16xf32>,
      %mul3A_2483 = arith.constant 128 : i32
      %mul3A_2484 = arith.muli %mul3A_2483, %scan3A_2402 : i32
      %add3A_2485 = arith.constant 4096 : i32
      %add3A_2486 = arith.addi %add3A_2485, %mul3A_2484 : i32
      %add3A_2487 = arith.constant 64 : i32
      %add3A_2488 = arith.addi %add3A_2486, %add3A_2487 : i32
      %swap3A_2489 = arith.index_cast %add3A_2488 : i32 to index
      %swap3A_2490 = tpu.vector_load %arg5[%swap3A_2489] {strides = array<i32>} : memref<8192xf32, #tpu.memory_space<vmem>>, vector<16xf32>,
      %swap3A_2491 = vector.shape_cast %swap3A_2490 : vector<16xf32> to vector<16xf32>
      %swap3A_2492 = vector.shape_cast %select_n3A_49 : vector<16xf32> to vector<16xf32>
      tpu.vector_store %arg5[%swap3A_2489], %swap3A_2492 {strides = array<i32>} : memref<8192xf32, #tpu.memory_space<vmem>>, vector<16xf32>,
      %mul3A_2493 = arith.constant 128 : i32
      %mul3A_2494 = arith.muli %mul3A_2493, %scan3A_2402 : i32
      %add3A_2495 = arith.constant 80 : i32
      %add3A_2496 = arith.addi %mul3A_2494, %add3A_2495 : i32
      %swap3A_2497 = arith.index_cast %add3A_2496 : i32 to index
      %swap3A_2498 = tpu.vector_load %arg5[%swap3A_2497] {strides = array<i32>} : memref<8192xf32, #tpu.memory_space<vmem>>, vector<16xf32>,
      %swap3A_2499 = vector.shape_cast %swap3A_2498 : vector<16xf32> to vector<16xf32>
      %swap3A_2500 = vector.shape_cast %select_n3A_34 : vector<16xf32> to vector<16xf32>
      tpu.vector_store %arg5[%swap3A_2497], %swap3A_2500 {strides = array<i32>} : memref<8192xf32, #tpu.memory_space<vmem>>, vector<16xf32>,
      %mul3A_2501 = arith.constant 128 : i32
      %mul3A_2502 = arith.muli %mul3A_2501, %scan3A_2402 : i32
      %add3A_2503 = arith.constant 4096 : i32
      %add3A_2504 = arith.addi %add3A_2503, %mul3A_2502 : i32
      %add3A_2505 = arith.constant 80 : i32
      %add3A_2506 = arith.addi %add3A_2504, %add3A_2505 : i32
      %swap3A_2507 = arith.index_cast %add3A_2506 : i32 to index
      %swap3A_2508 = tpu.vector_load %arg5[%swap3A_2507] {strides = array<i32>} : memref<8192xf32, #tpu.memory_space<vmem>>, vector<16xf32>,
      %swap3A_2509 = vector.shape_cast %swap3A_2508 : vector<16xf32> to vector<16xf32>
      %swap3A_2510 = vector.shape_cast %select_n3A_49 : vector<16xf32> to vector<16xf32>
      tpu.vector_store %arg5[%swap3A_2507], %swap3A_2510 {strides = array<i32>} : memref<8192xf32, #tpu.memory_space<vmem>>, vector<16xf32>,
      %mul3A_2511 = arith.constant 128 : i32
      %mul3A_2512 = arith.muli %mul3A_2511, %scan3A_2402 : i32
      %add3A_2513 = arith.constant 96 : i32
      %add3A_2514 = arith.addi %mul3A_2512, %add3A_2513 : i32
      %swap3A_2515 = arith.index_cast %add3A_2514 : i32 to index
      %swap3A_2516 = tpu.vector_load %arg5[%swap3A_2515] {strides = array<i32>} : memref<8192xf32, #tpu.memory_space<vmem>>, vector<16xf32>,
      %swap3A_2517 = vector.shape_cast %swap3A_2516 : vector<16xf32> to vector<16xf32>
      %swap3A_2518 = vector.shape_cast %select_n3A_34 : vector<16xf32> to vector<16xf32>
      tpu.vector_store %arg5[%swap3A_2515], %swap3A_2518 {strides = array<i32>} : memref<8192xf32, #tpu.memory_space<vmem>>, vector<16xf32>,
      %mul3A_2519 = arith.constant 128 : i32
      %mul3A_2520 = arith.muli %mul3A_2519, %scan3A_2402 : i32
      %add3A_2521 = arith.constant 4096 : i32
      %add3A_2522 = arith.addi %add3A_2521, %mul3A_2520 : i32
      %add3A_2523 = arith.constant 96 : i32
      %add3A_2524 = arith.addi %add3A_2522, %add3A_2523 : i32
      %swap3A_2525 = arith.index_cast %add3A_2524 : i32 to index
      %swap3A_2526 = tpu.vector_load %arg5[%swap3A_2525] {strides = array<i32>} : memref<8192xf32, #tpu.memory_space<vmem>>, vector<16xf32>,
      %swap3A_2527 = vector.shape_cast %swap3A_2526 : vector<16xf32> to vector<16xf32>
      %swap3A_2528 = vector.shape_cast %select_n3A_49 : vector<16xf32> to vector<16xf32>
      tpu.vector_store %arg5[%swap3A_2525], %swap3A_2528 {strides = array<i32>} : memref<8192xf32, #tpu.memory_space<vmem>>, vector<16xf32>,
      %mul3A_2529 = arith.constant 128 : i32
      %mul3A_2530 = arith.muli %mul3A_2529, %scan3A_2402 : i32
      %add3A_2531 = arith.constant 112 : i32
      %add3A_2532 = arith.addi %mul3A_2530, %add3A_2531 : i32
      %swap3A_2533 = arith.index_cast %add3A_2532 : i32 to index
      %swap3A_2534 = tpu.vector_load %arg5[%swap3A_2533] {strides = array<i32>} : memref<8192xf32, #tpu.memory_space<vmem>>, vector<16xf32>,
      %swap3A_2535 = vector.shape_cast %swap3A_2534 : vector<16xf32> to vector<16xf32>
      %swap3A_2536 = vector.shape_cast %select_n3A_34 : vector<16xf32> to vector<16xf32>
      tpu.vector_store %arg5[%swap3A_2533], %swap3A_2536 {strides = array<i32>} : memref<8192xf32, #tpu.memory_space<vmem>>, vector<16xf32>,
      %mul3A_2537 = arith.constant 128 : i32
      %mul3A_2538 = arith.muli %mul3A_2537, %scan3A_2402 : i32
      %add3A_2539 = arith.constant 4096 : i32
      %add3A_2540 = arith.addi %add3A_2539, %mul3A_2538 : i32
      %add3A_2541 = arith.constant 112 : i32
      %add3A_2542 = arith.addi %add3A_2540, %add3A_2541 : i32
      %swap3A_2543 = arith.index_cast %add3A_2542 : i32 to index
      %swap3A_2544 = tpu.vector_load %arg5[%swap3A_2543] {strides = array<i32>} : memref<8192xf32, #tpu.memory_space<vmem>>, vector<16xf32>,
      %swap3A_2545 = vector.shape_cast %swap3A_2544 : vector<16xf32> to vector<16xf32>
      %swap3A_2546 = vector.shape_cast %select_n3A_49 : vector<16xf32> to vector<16xf32>
      tpu.vector_store %arg5[%swap3A_2543], %swap3A_2546 {strides = array<i32>} : memref<8192xf32, #tpu.memory_space<vmem>>, vector<16xf32>,
    }
    %scan3A_54 = arith.constant 32 : i32
    %iota3A = tpu.iota {dimensions = array<i32: 0>} : vector<16xi32>
    %sub3A_55 = arith.constant 4095 : i32
    %sub3A_56 = arith.subi %sub3A_55, %select_n3A_10 : i32
    %add3A_57 = arith.constant 3952 : i32
    %add3A_58 = vector.broadcast %add3A_57 : i32 to vector<16xi32>
    %add3A_59 = arith.addi %add3A_58, %iota3A : vector<16xi32>
    %sub3A_60 = vector.broadcast %sub3A_56 : i32 to vector<16xi32>
    %sub3A_61 = arith.subi %sub3A_60, %add3A_59 : vector<16xi32>
    %broadcast_in_dim3A_62 = arith.constant 0 : i32
    %broadcast_in_dim3A_63 = vector.broadcast %broadcast_in_dim3A_62 : i32 to vector<16xi32>
    %ge3A = arith.constant 1 : i32
    %ge3A_64 = vector.broadcast %ge3A : i32 to vector<16xi32>
    %ge3A_65 = arith.cmpi sge, %sub3A_61, %ge3A_64 : vector<16xi32>
    %jit3A_66 = arith.constant 1 : i32
    %broadcast_in_dim3A_67 = vector.broadcast %jit3A_66 : i32 to vector<16xi32>
    %select_n3A_68 = arith.select %ge3A_65, %broadcast_in_dim3A_67, %broadcast_in_dim3A_63 : vector<16xi1>, vector<16xi32>
    %ge3A_69 = arith.constant 2 : i32
    %ge3A_70 = vector.broadcast %ge3A_69 : i32 to vector<16xi32>
    %ge3A_71 = arith.cmpi sge, %sub3A_61, %ge3A_70 : vector<16xi32>
    %jit3A_72 = arith.constant 2 : i32
    %broadcast_in_dim3A_73 = vector.broadcast %jit3A_72 : i32 to vector<16xi32>
    %select_n3A_74 = arith.select %ge3A_71, %broadcast_in_dim3A_73, %select_n3A_68 : vector<16xi1>, vector<16xi32>
    %ge3A_75 = arith.constant 3 : i32
    %ge3A_76 = vector.broadcast %ge3A_75 : i32 to vector<16xi32>
    %ge3A_77 = arith.cmpi sge, %sub3A_61, %ge3A_76 : vector<16xi32>
    %jit3A_78 = arith.constant 3 : i32
    %broadcast_in_dim3A_79 = vector.broadcast %jit3A_78 : i32 to vector<16xi32>
    %select_n3A_80 = arith.select %ge3A_77, %broadcast_in_dim3A_79, %select_n3A_74 : vector<16xi1>, vector<16xi32>
    %ge3A_81 = arith.constant 4 : i32
    %ge3A_82 = vector.broadcast %ge3A_81 : i32 to vector<16xi32>
    %ge3A_83 = arith.cmpi sge, %sub3A_61, %ge3A_82 : vector<16xi32>
    %jit3A_84 = arith.constant 4 : i32
    %broadcast_in_dim3A_85 = vector.broadcast %jit3A_84 : i32 to vector<16xi32>
    %select_n3A_86 = arith.select %ge3A_83, %broadcast_in_dim3A_85, %select_n3A_80 : vector<16xi1>, vector<16xi32>
    %ge3A_87 = arith.constant 5 : i32
    %ge3A_88 = vector.broadcast %ge3A_87 : i32 to vector<16xi32>
    %ge3A_89 = arith.cmpi sge, %sub3A_61, %ge3A_88 : vector<16xi32>
    %jit3A_90 = arith.constant 5 : i32
    %broadcast_in_dim3A_91 = vector.broadcast %jit3A_90 : i32 to vector<16xi32>
    %select_n3A_92 = arith.select %ge3A_89, %broadcast_in_dim3A_91, %select_n3A_86 : vector<16xi1>, vector<16xi32>
    %ge3A_93 = arith.constant 6 : i32
    %ge3A_94 = vector.broadcast %ge3A_93 : i32 to vector<16xi32>
    %ge3A_95 = arith.cmpi sge, %sub3A_61, %ge3A_94 : vector<16xi32>
    %jit3A_96 = arith.constant 6 : i32
    %broadcast_in_dim3A_97 = vector.broadcast %jit3A_96 : i32 to vector<16xi32>
    %select_n3A_98 = arith.select %ge3A_95, %broadcast_in_dim3A_97, %select_n3A_92 : vector<16xi1>, vector<16xi32>
    %ge3A_99 = arith.constant 7 : i32
    %ge3A_100 = vector.broadcast %ge3A_99 : i32 to vector<16xi32>
    %ge3A_101 = arith.cmpi sge, %sub3A_61, %ge3A_100 : vector<16xi32>
    %jit3A_102 = arith.constant 7 : i32
    %broadcast_in_dim3A_103 = vector.broadcast %jit3A_102 : i32 to vector<16xi32>
    %select_n3A_104 = arith.select %ge3A_101, %broadcast_in_dim3A_103, %select_n3A_98 : vector<16xi1>, vector<16xi32>
    %ge3A_105 = arith.constant 8 : i32
    %ge3A_106 = vector.broadcast %ge3A_105 : i32 to vector<16xi32>
    %ge3A_107 = arith.cmpi sge, %sub3A_61, %ge3A_106 : vector<16xi32>
    %jit3A_108 = arith.constant 8 : i32
    %broadcast_in_dim3A_109 = vector.broadcast %jit3A_108 : i32 to vector<16xi32>
    %select_n3A_110 = arith.select %ge3A_107, %broadcast_in_dim3A_109, %select_n3A_104 : vector<16xi1>, vector<16xi32>
    %ge3A_111 = arith.constant 9 : i32
    %ge3A_112 = vector.broadcast %ge3A_111 : i32 to vector<16xi32>
    %ge3A_113 = arith.cmpi sge, %sub3A_61, %ge3A_112 : vector<16xi32>
    %jit3A_114 = arith.constant 9 : i32
    %broadcast_in_dim3A_115 = vector.broadcast %jit3A_114 : i32 to vector<16xi32>
    %select_n3A_116 = arith.select %ge3A_113, %broadcast_in_dim3A_115, %select_n3A_110 : vector<16xi1>, vector<16xi32>
    %ge3A_117 = arith.constant 10 : i32
    %ge3A_118 = vector.broadcast %ge3A_117 : i32 to vector<16xi32>
    %ge3A_119 = arith.cmpi sge, %sub3A_61, %ge3A_118 : vector<16xi32>
    %jit3A_120 = arith.constant 10 : i32
    %broadcast_in_dim3A_121 = vector.broadcast %jit3A_120 : i32 to vector<16xi32>
    %select_n3A_122 = arith.select %ge3A_119, %broadcast_in_dim3A_121, %select_n3A_116 : vector<16xi1>, vector<16xi32>
    %ge3A_123 = arith.constant 11 : i32
    %ge3A_124 = vector.broadcast %ge3A_123 : i32 to vector<16xi32>
    %ge3A_125 = arith.cmpi sge, %sub3A_61, %ge3A_124 : vector<16xi32>
    %jit3A_126 = arith.constant 11 : i32
    %broadcast_in_dim3A_127 = vector.broadcast %jit3A_126 : i32 to vector<16xi32>
    %select_n3A_128 = arith.select %ge3A_125, %broadcast_in_dim3A_127, %select_n3A_122 : vector<16xi1>, vector<16xi32>
    %ge3A_129 = arith.constant 12 : i32
    %ge3A_130 = vector.broadcast %ge3A_129 : i32 to vector<16xi32>
    %ge3A_131 = arith.cmpi sge, %sub3A_61, %ge3A_130 : vector<16xi32>
    %jit3A_132 = arith.constant 12 : i32
    %broadcast_in_dim3A_133 = vector.broadcast %jit3A_132 : i32 to vector<16xi32>
    %select_n3A_134 = arith.select %ge3A_131, %broadcast_in_dim3A_133, %select_n3A_128 : vector<16xi1>, vector<16xi32>
    %ge3A_135 = arith.constant 13 : i32
    %ge3A_136 = vector.broadcast %ge3A_135 : i32 to vector<16xi32>
    %ge3A_137 = arith.cmpi sge, %sub3A_61, %ge3A_136 : vector<16xi32>
    %jit3A_138 = arith.constant 13 : i32
    %broadcast_in_dim3A_139 = vector.broadcast %jit3A_138 : i32 to vector<16xi32>
    %select_n3A_140 = arith.select %ge3A_137, %broadcast_in_dim3A_139, %select_n3A_134 : vector<16xi1>, vector<16xi32>
    %ge3A_141 = arith.constant 14 : i32
    %ge3A_142 = vector.broadcast %ge3A_141 : i32 to vector<16xi32>
    %ge3A_143 = arith.cmpi sge, %sub3A_61, %ge3A_142 : vector<16xi32>
    %jit3A_144 = arith.constant 14 : i32
    %broadcast_in_dim3A_145 = vector.broadcast %jit3A_144 : i32 to vector<16xi32>
    %select_n3A_146 = arith.select %ge3A_143, %broadcast_in_dim3A_145, %select_n3A_140 : vector<16xi1>, vector<16xi32>
    %ge3A_147 = arith.constant 15 : i32
    %ge3A_148 = vector.broadcast %ge3A_147 : i32 to vector<16xi32>
    %ge3A_149 = arith.cmpi sge, %sub3A_61, %ge3A_148 : vector<16xi32>
    %jit3A_150 = arith.constant 15 : i32
    %broadcast_in_dim3A_151 = vector.broadcast %jit3A_150 : i32 to vector<16xi32>
    %select_n3A_152 = arith.select %ge3A_149, %broadcast_in_dim3A_151, %select_n3A_146 : vector<16xi1>, vector<16xi32>
    %ge3A_153 = arith.constant 16 : i32
    %ge3A_154 = vector.broadcast %ge3A_153 : i32 to vector<16xi32>
    %ge3A_155 = arith.cmpi sge, %sub3A_61, %ge3A_154 : vector<16xi32>
    %jit3A_156 = arith.constant 16 : i32
    %broadcast_in_dim3A_157 = vector.broadcast %jit3A_156 : i32 to vector<16xi32>
    %select_n3A_158 = arith.select %ge3A_155, %broadcast_in_dim3A_157, %select_n3A_152 : vector<16xi1>, vector<16xi32>
    %ge3A_159 = arith.constant 19 : i32
    %ge3A_160 = vector.broadcast %ge3A_159 : i32 to vector<16xi32>
    %ge3A_161 = arith.cmpi sge, %sub3A_61, %ge3A_160 : vector<16xi32>
    %jit3A_162 = arith.constant 17 : i32
    %broadcast_in_dim3A_163 = vector.broadcast %jit3A_162 : i32 to vector<16xi32>
    %select_n3A_164 = arith.select %ge3A_161, %broadcast_in_dim3A_163, %select_n3A_158 : vector<16xi1>, vector<16xi32>
    %ge3A_165 = arith.constant 21 : i32
    %ge3A_166 = vector.broadcast %ge3A_165 : i32 to vector<16xi32>
    %ge3A_167 = arith.cmpi sge, %sub3A_61, %ge3A_166 : vector<16xi32>
    %jit3A_168 = arith.constant 18 : i32
    %broadcast_in_dim3A_169 = vector.broadcast %jit3A_168 : i32 to vector<16xi32>
    %select_n3A_170 = arith.select %ge3A_167, %broadcast_in_dim3A_169, %select_n3A_164 : vector<16xi1>, vector<16xi32>
    %ge3A_171 = arith.constant 24 : i32
    %ge3A_172 = vector.broadcast %ge3A_171 : i32 to vector<16xi32>
    %ge3A_173 = arith.cmpi sge, %sub3A_61, %ge3A_172 : vector<16xi32>
    %jit3A_174 = arith.constant 19 : i32
    %broadcast_in_dim3A_175 = vector.broadcast %jit3A_174 : i32 to vector<16xi32>
    %select_n3A_176 = arith.select %ge3A_173, %broadcast_in_dim3A_175, %select_n3A_170 : vector<16xi1>, vector<16xi32>
    %ge3A_177 = arith.constant 27 : i32
    %ge3A_178 = vector.broadcast %ge3A_177 : i32 to vector<16xi32>
    %ge3A_179 = arith.cmpi sge, %sub3A_61, %ge3A_178 : vector<16xi32>
    %jit3A_180 = arith.constant 20 : i32
    %broadcast_in_dim3A_181 = vector.broadcast %jit3A_180 : i32 to vector<16xi32>
    %select_n3A_182 = arith.select %ge3A_179, %broadcast_in_dim3A_181, %select_n3A_176 : vector<16xi1>, vector<16xi32>
    %ge3A_183 = arith.constant 31 : i32
    %ge3A_184 = vector.broadcast %ge3A_183 : i32 to vector<16xi32>
    %ge3A_185 = arith.cmpi sge, %sub3A_61, %ge3A_184 : vector<16xi32>
    %jit3A_186 = arith.constant 21 : i32
    %broadcast_in_dim3A_187 = vector.broadcast %jit3A_186 : i32 to vector<16xi32>
    %select_n3A_188 = arith.select %ge3A_185, %broadcast_in_dim3A_187, %select_n3A_182 : vector<16xi1>, vector<16xi32>
    %ge3A_189 = arith.constant 35 : i32
    %ge3A_190 = vector.broadcast %ge3A_189 : i32 to vector<16xi32>
    %ge3A_191 = arith.cmpi sge, %sub3A_61, %ge3A_190 : vector<16xi32>
    %jit3A_192 = arith.constant 22 : i32
    %broadcast_in_dim3A_193 = vector.broadcast %jit3A_192 : i32 to vector<16xi32>
    %select_n3A_194 = arith.select %ge3A_191, %broadcast_in_dim3A_193, %select_n3A_188 : vector<16xi1>, vector<16xi32>
    %ge3A_195 = arith.constant 40 : i32
    %ge3A_196 = vector.broadcast %ge3A_195 : i32 to vector<16xi32>
    %ge3A_197 = arith.cmpi sge, %sub3A_61, %ge3A_196 : vector<16xi32>
    %jit3A_198 = arith.constant 23 : i32
    %broadcast_in_dim3A_199 = vector.broadcast %jit3A_198 : i32 to vector<16xi32>
    %select_n3A_200 = arith.select %ge3A_197, %broadcast_in_dim3A_199, %select_n3A_194 : vector<16xi1>, vector<16xi32>
    %ge3A_201 = arith.constant 46 : i32
    %ge3A_202 = vector.broadcast %ge3A_201 : i32 to vector<16xi32>
    %ge3A_203 = arith.cmpi sge, %sub3A_61, %ge3A_202 : vector<16xi32>
    %jit3A_204 = arith.constant 24 : i32
    %broadcast_in_dim3A_205 = vector.broadcast %jit3A_204 : i32 to vector<16xi32>
    %select_n3A_206 = arith.select %ge3A_203, %broadcast_in_dim3A_205, %select_n3A_200 : vector<16xi1>, vector<16xi32>
    %ge3A_207 = arith.constant 52 : i32
    %ge3A_208 = vector.broadcast %ge3A_207 : i32 to vector<16xi32>
    %ge3A_209 = arith.cmpi sge, %sub3A_61, %ge3A_208 : vector<16xi32>
    %jit3A_210 = arith.constant 25 : i32
    %broadcast_in_dim3A_211 = vector.broadcast %jit3A_210 : i32 to vector<16xi32>
    %select_n3A_212 = arith.select %ge3A_209, %broadcast_in_dim3A_211, %select_n3A_206 : vector<16xi1>, vector<16xi32>
    %ge3A_213 = arith.constant 59 : i32
    %ge3A_214 = vector.broadcast %ge3A_213 : i32 to vector<16xi32>
    %ge3A_215 = arith.cmpi sge, %sub3A_61, %ge3A_214 : vector<16xi32>
    %jit3A_216 = arith.constant 26 : i32
    %broadcast_in_dim3A_217 = vector.broadcast %jit3A_216 : i32 to vector<16xi32>
    %select_n3A_218 = arith.select %ge3A_215, %broadcast_in_dim3A_217, %select_n3A_212 : vector<16xi1>, vector<16xi32>
    %ge3A_219 = arith.constant 67 : i32
    %ge3A_220 = vector.broadcast %ge3A_219 : i32 to vector<16xi32>
    %ge3A_221 = arith.cmpi sge, %sub3A_61, %ge3A_220 : vector<16xi32>
    %jit3A_222 = arith.constant 27 : i32
    %broadcast_in_dim3A_223 = vector.broadcast %jit3A_222 : i32 to vector<16xi32>
    %select_n3A_224 = arith.select %ge3A_221, %broadcast_in_dim3A_223, %select_n3A_218 : vector<16xi1>, vector<16xi32>
    %ge3A_225 = arith.constant 77 : i32
    %ge3A_226 = vector.broadcast %ge3A_225 : i32 to vector<16xi32>
    %ge3A_227 = arith.cmpi sge, %sub3A_61, %ge3A_226 : vector<16xi32>
    %jit3A_228 = arith.constant 28 : i32
    %broadcast_in_dim3A_229 = vector.broadcast %jit3A_228 : i32 to vector<16xi32>
    %select_n3A_230 = arith.select %ge3A_227, %broadcast_in_dim3A_229, %select_n3A_224 : vector<16xi1>, vector<16xi32>
    %ge3A_231 = arith.constant 87 : i32
    %ge3A_232 = vector.broadcast %ge3A_231 : i32 to vector<16xi32>
    %ge3A_233 = arith.cmpi sge, %sub3A_61, %ge3A_232 : vector<16xi32>
    %jit3A_234 = arith.constant 29 : i32
    %broadcast_in_dim3A_235 = vector.broadcast %jit3A_234 : i32 to vector<16xi32>
    %select_n3A_236 = arith.select %ge3A_233, %broadcast_in_dim3A_235, %select_n3A_230 : vector<16xi1>, vector<16xi32>
    %ge3A_237 = arith.constant 99 : i32
    %ge3A_238 = vector.broadcast %ge3A_237 : i32 to vector<16xi32>
    %ge3A_239 = arith.cmpi sge, %sub3A_61, %ge3A_238 : vector<16xi32>
    %jit3A_240 = arith.constant 30 : i32
    %broadcast_in_dim3A_241 = vector.broadcast %jit3A_240 : i32 to vector<16xi32>
    %select_n3A_242 = arith.select %ge3A_239, %broadcast_in_dim3A_241, %select_n3A_236 : vector<16xi1>, vector<16xi32>
    %ge3A_243 = arith.constant 113 : i32
    %ge3A_244 = vector.broadcast %ge3A_243 : i32 to vector<16xi32>
    %ge3A_245 = arith.cmpi sge, %sub3A_61, %ge3A_244 : vector<16xi32>
    %jit3A_246 = arith.constant 31 : i32
    %broadcast_in_dim3A_247 = vector.broadcast %jit3A_246 : i32 to vector<16xi32>
    %select_n3A_248 = arith.select %ge3A_245, %broadcast_in_dim3A_247, %select_n3A_242 : vector<16xi1>, vector<16xi32>
    %and3A_249 = arith.constant 15 : i32
    %and3A_250 = vector.broadcast %and3A_249 : i32 to vector<16xi32>
    %and3A_251 = arith.andi %select_n3A_248, %and3A_250 : vector<16xi32>
    %lt3A_252 = arith.constant 16 : i32
    %lt3A_253 = vector.broadcast %lt3A_252 : i32 to vector<16xi32>
    %lt3A_254 = arith.cmpi slt, %select_n3A_248, %lt3A_253 : vector<16xi32>
    %broadcast_in_dim3A_255 = vector.shape_cast %and3A_251 : vector<16xi32> to vector<16x1xi32>
    %gather3A_256 = vector.shape_cast %broadcast_in_dim3A_255 : vector<16x1xi32> to vector<16xi32>
    %gather3A_257 = tpu.dynamic_gather %mul3A_15[%gather3A_256] in [0] : vector<16xf32>, vector<16xi32> -> vector<16xf32>
    %broadcast_in_dim3A_258 = vector.shape_cast %and3A_251 : vector<16xi32> to vector<16x1xi32>
    %gather3A_259 = vector.shape_cast %broadcast_in_dim3A_258 : vector<16x1xi32> to vector<16xi32>
    %gather3A_260 = tpu.dynamic_gather %mul3A_21[%gather3A_259] in [0] : vector<16xf32>, vector<16xi32> -> vector<16xf32>
    %select_n3A_261 = arith.select %lt3A_254, %gather3A_257, %gather3A_260 : vector<16xi1>, vector<16xf32>
    %swap3A = arith.constant 3952 : index
    %swap3A_262 = tpu.vector_load %arg5[%swap3A] {strides = array<i32>} : memref<8192xf32, #tpu.memory_space<vmem>>, vector<16xf32>,
    %swap3A_263 = vector.shape_cast %swap3A_262 : vector<16xf32> to vector<16xf32>
    %swap3A_264 = vector.shape_cast %select_n3A_261 : vector<16xf32> to vector<16xf32>
    tpu.vector_store %arg5[%swap3A], %swap3A_264 {strides = array<i32>} : memref<8192xf32, #tpu.memory_space<vmem>>, vector<16xf32>,
    %sub3A_265 = arith.constant 4095 : i32
    %sub3A_266 = arith.subi %sub3A_265, %select_n3A_10 : i32
    %add3A_267 = arith.constant 3968 : i32
    %add3A_268 = vector.broadcast %add3A_267 : i32 to vector<16xi32>
    %add3A_269 = arith.addi %add3A_268, %iota3A : vector<16xi32>
    %sub3A_270 = vector.broadcast %sub3A_266 : i32 to vector<16xi32>
    %sub3A_271 = arith.subi %sub3A_270, %add3A_269 : vector<16xi32>
    %broadcast_in_dim3A_272 = arith.constant 0 : i32
    %broadcast_in_dim3A_273 = vector.broadcast %broadcast_in_dim3A_272 : i32 to vector<16xi32>
    %ge3A_274 = arith.constant 1 : i32
    %ge3A_275 = vector.broadcast %ge3A_274 : i32 to vector<16xi32>
    %ge3A_276 = arith.cmpi sge, %sub3A_271, %ge3A_275 : vector<16xi32>
    %jit3A_277 = arith.constant 1 : i32
    %broadcast_in_dim3A_278 = vector.broadcast %jit3A_277 : i32 to vector<16xi32>
    %select_n3A_279 = arith.select %ge3A_276, %broadcast_in_dim3A_278, %broadcast_in_dim3A_273 : vector<16xi1>, vector<16xi32>
    %ge3A_280 = arith.constant 2 : i32
    %ge3A_281 = vector.broadcast %ge3A_280 : i32 to vector<16xi32>
    %ge3A_282 = arith.cmpi sge, %sub3A_271, %ge3A_281 : vector<16xi32>
    %jit3A_283 = arith.constant 2 : i32
    %broadcast_in_dim3A_284 = vector.broadcast %jit3A_283 : i32 to vector<16xi32>
    %select_n3A_285 = arith.select %ge3A_282, %broadcast_in_dim3A_284, %select_n3A_279 : vector<16xi1>, vector<16xi32>
    %ge3A_286 = arith.constant 3 : i32
    %ge3A_287 = vector.broadcast %ge3A_286 : i32 to vector<16xi32>
    %ge3A_288 = arith.cmpi sge, %sub3A_271, %ge3A_287 : vector<16xi32>
    %jit3A_289 = arith.constant 3 : i32
    %broadcast_in_dim3A_290 = vector.broadcast %jit3A_289 : i32 to vector<16xi32>
    %select_n3A_291 = arith.select %ge3A_288, %broadcast_in_dim3A_290, %select_n3A_285 : vector<16xi1>, vector<16xi32>
    %ge3A_292 = arith.constant 4 : i32
    %ge3A_293 = vector.broadcast %ge3A_292 : i32 to vector<16xi32>
    %ge3A_294 = arith.cmpi sge, %sub3A_271, %ge3A_293 : vector<16xi32>
    %jit3A_295 = arith.constant 4 : i32
    %broadcast_in_dim3A_296 = vector.broadcast %jit3A_295 : i32 to vector<16xi32>
    %select_n3A_297 = arith.select %ge3A_294, %broadcast_in_dim3A_296, %select_n3A_291 : vector<16xi1>, vector<16xi32>
    %ge3A_298 = arith.constant 5 : i32
    %ge3A_299 = vector.broadcast %ge3A_298 : i32 to vector<16xi32>
    %ge3A_300 = arith.cmpi sge, %sub3A_271, %ge3A_299 : vector<16xi32>
    %jit3A_301 = arith.constant 5 : i32
    %broadcast_in_dim3A_302 = vector.broadcast %jit3A_301 : i32 to vector<16xi32>
    %select_n3A_303 = arith.select %ge3A_300, %broadcast_in_dim3A_302, %select_n3A_297 : vector<16xi1>, vector<16xi32>
    %ge3A_304 = arith.constant 6 : i32
    %ge3A_305 = vector.broadcast %ge3A_304 : i32 to vector<16xi32>
    %ge3A_306 = arith.cmpi sge, %sub3A_271, %ge3A_305 : vector<16xi32>
    %jit3A_307 = arith.constant 6 : i32
    %broadcast_in_dim3A_308 = vector.broadcast %jit3A_307 : i32 to vector<16xi32>
    %select_n3A_309 = arith.select %ge3A_306, %broadcast_in_dim3A_308, %select_n3A_303 : vector<16xi1>, vector<16xi32>
    %ge3A_310 = arith.constant 7 : i32
    %ge3A_311 = vector.broadcast %ge3A_310 : i32 to vector<16xi32>
    %ge3A_312 = arith.cmpi sge, %sub3A_271, %ge3A_311 : vector<16xi32>
    %jit3A_313 = arith.constant 7 : i32
    %broadcast_in_dim3A_314 = vector.broadcast %jit3A_313 : i32 to vector<16xi32>
    %select_n3A_315 = arith.select %ge3A_312, %broadcast_in_dim3A_314, %select_n3A_309 : vector<16xi1>, vector<16xi32>
    %ge3A_316 = arith.constant 8 : i32
    %ge3A_317 = vector.broadcast %ge3A_316 : i32 to vector<16xi32>
    %ge3A_318 = arith.cmpi sge, %sub3A_271, %ge3A_317 : vector<16xi32>
    %jit3A_319 = arith.constant 8 : i32
    %broadcast_in_dim3A_320 = vector.broadcast %jit3A_319 : i32 to vector<16xi32>
    %select_n3A_321 = arith.select %ge3A_318, %broadcast_in_dim3A_320, %select_n3A_315 : vector<16xi1>, vector<16xi32>
    %ge3A_322 = arith.constant 9 : i32
    %ge3A_323 = vector.broadcast %ge3A_322 : i32 to vector<16xi32>
    %ge3A_324 = arith.cmpi sge, %sub3A_271, %ge3A_323 : vector<16xi32>
    %jit3A_325 = arith.constant 9 : i32
    %broadcast_in_dim3A_326 = vector.broadcast %jit3A_325 : i32 to vector<16xi32>
    %select_n3A_327 = arith.select %ge3A_324, %broadcast_in_dim3A_326, %select_n3A_321 : vector<16xi1>, vector<16xi32>
    %ge3A_328 = arith.constant 10 : i32
    %ge3A_329 = vector.broadcast %ge3A_328 : i32 to vector<16xi32>
    %ge3A_330 = arith.cmpi sge, %sub3A_271, %ge3A_329 : vector<16xi32>
    %jit3A_331 = arith.constant 10 : i32
    %broadcast_in_dim3A_332 = vector.broadcast %jit3A_331 : i32 to vector<16xi32>
    %select_n3A_333 = arith.select %ge3A_330, %broadcast_in_dim3A_332, %select_n3A_327 : vector<16xi1>, vector<16xi32>
    %ge3A_334 = arith.constant 11 : i32
    %ge3A_335 = vector.broadcast %ge3A_334 : i32 to vector<16xi32>
    %ge3A_336 = arith.cmpi sge, %sub3A_271, %ge3A_335 : vector<16xi32>
    %jit3A_337 = arith.constant 11 : i32
    %broadcast_in_dim3A_338 = vector.broadcast %jit3A_337 : i32 to vector<16xi32>
    %select_n3A_339 = arith.select %ge3A_336, %broadcast_in_dim3A_338, %select_n3A_333 : vector<16xi1>, vector<16xi32>
    %ge3A_340 = arith.constant 12 : i32
    %ge3A_341 = vector.broadcast %ge3A_340 : i32 to vector<16xi32>
    %ge3A_342 = arith.cmpi sge, %sub3A_271, %ge3A_341 : vector<16xi32>
    %jit3A_343 = arith.constant 12 : i32
    %broadcast_in_dim3A_344 = vector.broadcast %jit3A_343 : i32 to vector<16xi32>
    %select_n3A_345 = arith.select %ge3A_342, %broadcast_in_dim3A_344, %select_n3A_339 : vector<16xi1>, vector<16xi32>
    %ge3A_346 = arith.constant 13 : i32
    %ge3A_347 = vector.broadcast %ge3A_346 : i32 to vector<16xi32>
    %ge3A_348 = arith.cmpi sge, %sub3A_271, %ge3A_347 : vector<16xi32>
    %jit3A_349 = arith.constant 13 : i32
    %broadcast_in_dim3A_350 = vector.broadcast %jit3A_349 : i32 to vector<16xi32>
    %select_n3A_351 = arith.select %ge3A_348, %broadcast_in_dim3A_350, %select_n3A_345 : vector<16xi1>, vector<16xi32>
    %ge3A_352 = arith.constant 14 : i32
    %ge3A_353 = vector.broadcast %ge3A_352 : i32 to vector<16xi32>
    %ge3A_354 = arith.cmpi sge, %sub3A_271, %ge3A_353 : vector<16xi32>
    %jit3A_355 = arith.constant 14 : i32
    %broadcast_in_dim3A_356 = vector.broadcast %jit3A_355 : i32 to vector<16xi32>
    %select_n3A_357 = arith.select %ge3A_354, %broadcast_in_dim3A_356, %select_n3A_351 : vector<16xi1>, vector<16xi32>
    %ge3A_358 = arith.constant 15 : i32
    %ge3A_359 = vector.broadcast %ge3A_358 : i32 to vector<16xi32>
    %ge3A_360 = arith.cmpi sge, %sub3A_271, %ge3A_359 : vector<16xi32>
    %jit3A_361 = arith.constant 15 : i32
    %broadcast_in_dim3A_362 = vector.broadcast %jit3A_361 : i32 to vector<16xi32>
    %select_n3A_363 = arith.select %ge3A_360, %broadcast_in_dim3A_362, %select_n3A_357 : vector<16xi1>, vector<16xi32>
    %ge3A_364 = arith.constant 16 : i32
    %ge3A_365 = vector.broadcast %ge3A_364 : i32 to vector<16xi32>
    %ge3A_366 = arith.cmpi sge, %sub3A_271, %ge3A_365 : vector<16xi32>
    %jit3A_367 = arith.constant 16 : i32
    %broadcast_in_dim3A_368 = vector.broadcast %jit3A_367 : i32 to vector<16xi32>
    %select_n3A_369 = arith.select %ge3A_366, %broadcast_in_dim3A_368, %select_n3A_363 : vector<16xi1>, vector<16xi32>
    %ge3A_370 = arith.constant 19 : i32
    %ge3A_371 = vector.broadcast %ge3A_370 : i32 to vector<16xi32>
    %ge3A_372 = arith.cmpi sge, %sub3A_271, %ge3A_371 : vector<16xi32>
    %jit3A_373 = arith.constant 17 : i32
    %broadcast_in_dim3A_374 = vector.broadcast %jit3A_373 : i32 to vector<16xi32>
    %select_n3A_375 = arith.select %ge3A_372, %broadcast_in_dim3A_374, %select_n3A_369 : vector<16xi1>, vector<16xi32>
    %ge3A_376 = arith.constant 21 : i32
    %ge3A_377 = vector.broadcast %ge3A_376 : i32 to vector<16xi32>
    %ge3A_378 = arith.cmpi sge, %sub3A_271, %ge3A_377 : vector<16xi32>
    %jit3A_379 = arith.constant 18 : i32
    %broadcast_in_dim3A_380 = vector.broadcast %jit3A_379 : i32 to vector<16xi32>
    %select_n3A_381 = arith.select %ge3A_378, %broadcast_in_dim3A_380, %select_n3A_375 : vector<16xi1>, vector<16xi32>
    %ge3A_382 = arith.constant 24 : i32
    %ge3A_383 = vector.broadcast %ge3A_382 : i32 to vector<16xi32>
    %ge3A_384 = arith.cmpi sge, %sub3A_271, %ge3A_383 : vector<16xi32>
    %jit3A_385 = arith.constant 19 : i32
    %broadcast_in_dim3A_386 = vector.broadcast %jit3A_385 : i32 to vector<16xi32>
    %select_n3A_387 = arith.select %ge3A_384, %broadcast_in_dim3A_386, %select_n3A_381 : vector<16xi1>, vector<16xi32>
    %ge3A_388 = arith.constant 27 : i32
    %ge3A_389 = vector.broadcast %ge3A_388 : i32 to vector<16xi32>
    %ge3A_390 = arith.cmpi sge, %sub3A_271, %ge3A_389 : vector<16xi32>
    %jit3A_391 = arith.constant 20 : i32
    %broadcast_in_dim3A_392 = vector.broadcast %jit3A_391 : i32 to vector<16xi32>
    %select_n3A_393 = arith.select %ge3A_390, %broadcast_in_dim3A_392, %select_n3A_387 : vector<16xi1>, vector<16xi32>
    %ge3A_394 = arith.constant 31 : i32
    %ge3A_395 = vector.broadcast %ge3A_394 : i32 to vector<16xi32>
    %ge3A_396 = arith.cmpi sge, %sub3A_271, %ge3A_395 : vector<16xi32>
    %jit3A_397 = arith.constant 21 : i32
    %broadcast_in_dim3A_398 = vector.broadcast %jit3A_397 : i32 to vector<16xi32>
    %select_n3A_399 = arith.select %ge3A_396, %broadcast_in_dim3A_398, %select_n3A_393 : vector<16xi1>, vector<16xi32>
    %ge3A_400 = arith.constant 35 : i32
    %ge3A_401 = vector.broadcast %ge3A_400 : i32 to vector<16xi32>
    %ge3A_402 = arith.cmpi sge, %sub3A_271, %ge3A_401 : vector<16xi32>
    %jit3A_403 = arith.constant 22 : i32
    %broadcast_in_dim3A_404 = vector.broadcast %jit3A_403 : i32 to vector<16xi32>
    %select_n3A_405 = arith.select %ge3A_402, %broadcast_in_dim3A_404, %select_n3A_399 : vector<16xi1>, vector<16xi32>
    %ge3A_406 = arith.constant 40 : i32
    %ge3A_407 = vector.broadcast %ge3A_406 : i32 to vector<16xi32>
    %ge3A_408 = arith.cmpi sge, %sub3A_271, %ge3A_407 : vector<16xi32>
    %jit3A_409 = arith.constant 23 : i32
    %broadcast_in_dim3A_410 = vector.broadcast %jit3A_409 : i32 to vector<16xi32>
    %select_n3A_411 = arith.select %ge3A_408, %broadcast_in_dim3A_410, %select_n3A_405 : vector<16xi1>, vector<16xi32>
    %ge3A_412 = arith.constant 46 : i32
    %ge3A_413 = vector.broadcast %ge3A_412 : i32 to vector<16xi32>
    %ge3A_414 = arith.cmpi sge, %sub3A_271, %ge3A_413 : vector<16xi32>
    %jit3A_415 = arith.constant 24 : i32
    %broadcast_in_dim3A_416 = vector.broadcast %jit3A_415 : i32 to vector<16xi32>
    %select_n3A_417 = arith.select %ge3A_414, %broadcast_in_dim3A_416, %select_n3A_411 : vector<16xi1>, vector<16xi32>
    %ge3A_418 = arith.constant 52 : i32
    %ge3A_419 = vector.broadcast %ge3A_418 : i32 to vector<16xi32>
    %ge3A_420 = arith.cmpi sge, %sub3A_271, %ge3A_419 : vector<16xi32>
    %jit3A_421 = arith.constant 25 : i32
    %broadcast_in_dim3A_422 = vector.broadcast %jit3A_421 : i32 to vector<16xi32>
    %select_n3A_423 = arith.select %ge3A_420, %broadcast_in_dim3A_422, %select_n3A_417 : vector<16xi1>, vector<16xi32>
    %ge3A_424 = arith.constant 59 : i32
    %ge3A_425 = vector.broadcast %ge3A_424 : i32 to vector<16xi32>
    %ge3A_426 = arith.cmpi sge, %sub3A_271, %ge3A_425 : vector<16xi32>
    %jit3A_427 = arith.constant 26 : i32
    %broadcast_in_dim3A_428 = vector.broadcast %jit3A_427 : i32 to vector<16xi32>
    %select_n3A_429 = arith.select %ge3A_426, %broadcast_in_dim3A_428, %select_n3A_423 : vector<16xi1>, vector<16xi32>
    %ge3A_430 = arith.constant 67 : i32
    %ge3A_431 = vector.broadcast %ge3A_430 : i32 to vector<16xi32>
    %ge3A_432 = arith.cmpi sge, %sub3A_271, %ge3A_431 : vector<16xi32>
    %jit3A_433 = arith.constant 27 : i32
    %broadcast_in_dim3A_434 = vector.broadcast %jit3A_433 : i32 to vector<16xi32>
    %select_n3A_435 = arith.select %ge3A_432, %broadcast_in_dim3A_434, %select_n3A_429 : vector<16xi1>, vector<16xi32>
    %ge3A_436 = arith.constant 77 : i32
    %ge3A_437 = vector.broadcast %ge3A_436 : i32 to vector<16xi32>
    %ge3A_438 = arith.cmpi sge, %sub3A_271, %ge3A_437 : vector<16xi32>
    %jit3A_439 = arith.constant 28 : i32
    %broadcast_in_dim3A_440 = vector.broadcast %jit3A_439 : i32 to vector<16xi32>
    %select_n3A_441 = arith.select %ge3A_438, %broadcast_in_dim3A_440, %select_n3A_435 : vector<16xi1>, vector<16xi32>
    %ge3A_442 = arith.constant 87 : i32
    %ge3A_443 = vector.broadcast %ge3A_442 : i32 to vector<16xi32>
    %ge3A_444 = arith.cmpi sge, %sub3A_271, %ge3A_443 : vector<16xi32>
    %jit3A_445 = arith.constant 29 : i32
    %broadcast_in_dim3A_446 = vector.broadcast %jit3A_445 : i32 to vector<16xi32>
    %select_n3A_447 = arith.select %ge3A_444, %broadcast_in_dim3A_446, %select_n3A_441 : vector<16xi1>, vector<16xi32>
    %ge3A_448 = arith.constant 99 : i32
    %ge3A_449 = vector.broadcast %ge3A_448 : i32 to vector<16xi32>
    %ge3A_450 = arith.cmpi sge, %sub3A_271, %ge3A_449 : vector<16xi32>
    %jit3A_451 = arith.constant 30 : i32
    %broadcast_in_dim3A_452 = vector.broadcast %jit3A_451 : i32 to vector<16xi32>
    %select_n3A_453 = arith.select %ge3A_450, %broadcast_in_dim3A_452, %select_n3A_447 : vector<16xi1>, vector<16xi32>
    %ge3A_454 = arith.constant 113 : i32
    %ge3A_455 = vector.broadcast %ge3A_454 : i32 to vector<16xi32>
    %ge3A_456 = arith.cmpi sge, %sub3A_271, %ge3A_455 : vector<16xi32>
    %jit3A_457 = arith.constant 31 : i32
    %broadcast_in_dim3A_458 = vector.broadcast %jit3A_457 : i32 to vector<16xi32>
    %select_n3A_459 = arith.select %ge3A_456, %broadcast_in_dim3A_458, %select_n3A_453 : vector<16xi1>, vector<16xi32>
    %and3A_460 = arith.constant 15 : i32
    %and3A_461 = vector.broadcast %and3A_460 : i32 to vector<16xi32>
    %and3A_462 = arith.andi %select_n3A_459, %and3A_461 : vector<16xi32>
    %lt3A_463 = arith.constant 16 : i32
    %lt3A_464 = vector.broadcast %lt3A_463 : i32 to vector<16xi32>
    %lt3A_465 = arith.cmpi slt, %select_n3A_459, %lt3A_464 : vector<16xi32>
    %broadcast_in_dim3A_466 = vector.shape_cast %and3A_462 : vector<16xi32> to vector<16x1xi32>
    %gather3A_467 = vector.shape_cast %broadcast_in_dim3A_466 : vector<16x1xi32> to vector<16xi32>
    %gather3A_468 = tpu.dynamic_gather %mul3A_15[%gather3A_467] in [0] : vector<16xf32>, vector<16xi32> -> vector<16xf32>
    %broadcast_in_dim3A_469 = vector.shape_cast %and3A_462 : vector<16xi32> to vector<16x1xi32>
    %gather3A_470 = vector.shape_cast %broadcast_in_dim3A_469 : vector<16x1xi32> to vector<16xi32>
    %gather3A_471 = tpu.dynamic_gather %mul3A_21[%gather3A_470] in [0] : vector<16xf32>, vector<16xi32> -> vector<16xf32>
    %select_n3A_472 = arith.select %lt3A_465, %gather3A_468, %gather3A_471 : vector<16xi1>, vector<16xf32>
    %swap3A_473 = arith.constant 3968 : index
    %swap3A_474 = tpu.vector_load %arg5[%swap3A_473] {strides = array<i32>} : memref<8192xf32, #tpu.memory_space<vmem>>, vector<16xf32>,
    %swap3A_475 = vector.shape_cast %swap3A_474 : vector<16xf32> to vector<16xf32>
    %swap3A_476 = vector.shape_cast %select_n3A_472 : vector<16xf32> to vector<16xf32>
    tpu.vector_store %arg5[%swap3A_473], %swap3A_476 {strides = array<i32>} : memref<8192xf32, #tpu.memory_space<vmem>>, vector<16xf32>,
    %sub3A_477 = arith.constant 4095 : i32
    %sub3A_478 = arith.subi %sub3A_477, %select_n3A_10 : i32
    %add3A_479 = arith.constant 3984 : i32
    %add3A_480 = vector.broadcast %add3A_479 : i32 to vector<16xi32>
    %add3A_481 = arith.addi %add3A_480, %iota3A : vector<16xi32>
    %sub3A_482 = vector.broadcast %sub3A_478 : i32 to vector<16xi32>
    %sub3A_483 = arith.subi %sub3A_482, %add3A_481 : vector<16xi32>
    %broadcast_in_dim3A_484 = arith.constant 0 : i32
    %broadcast_in_dim3A_485 = vector.broadcast %broadcast_in_dim3A_484 : i32 to vector<16xi32>
    %ge3A_486 = arith.constant 1 : i32
    %ge3A_487 = vector.broadcast %ge3A_486 : i32 to vector<16xi32>
    %ge3A_488 = arith.cmpi sge, %sub3A_483, %ge3A_487 : vector<16xi32>
    %jit3A_489 = arith.constant 1 : i32
    %broadcast_in_dim3A_490 = vector.broadcast %jit3A_489 : i32 to vector<16xi32>
    %select_n3A_491 = arith.select %ge3A_488, %broadcast_in_dim3A_490, %broadcast_in_dim3A_485 : vector<16xi1>, vector<16xi32>
    %ge3A_492 = arith.constant 2 : i32
    %ge3A_493 = vector.broadcast %ge3A_492 : i32 to vector<16xi32>
    %ge3A_494 = arith.cmpi sge, %sub3A_483, %ge3A_493 : vector<16xi32>
    %jit3A_495 = arith.constant 2 : i32
    %broadcast_in_dim3A_496 = vector.broadcast %jit3A_495 : i32 to vector<16xi32>
    %select_n3A_497 = arith.select %ge3A_494, %broadcast_in_dim3A_496, %select_n3A_491 : vector<16xi1>, vector<16xi32>
    %ge3A_498 = arith.constant 3 : i32
    %ge3A_499 = vector.broadcast %ge3A_498 : i32 to vector<16xi32>
    %ge3A_500 = arith.cmpi sge, %sub3A_483, %ge3A_499 : vector<16xi32>
    %jit3A_501 = arith.constant 3 : i32
    %broadcast_in_dim3A_502 = vector.broadcast %jit3A_501 : i32 to vector<16xi32>
    %select_n3A_503 = arith.select %ge3A_500, %broadcast_in_dim3A_502, %select_n3A_497 : vector<16xi1>, vector<16xi32>
    %ge3A_504 = arith.constant 4 : i32
    %ge3A_505 = vector.broadcast %ge3A_504 : i32 to vector<16xi32>
    %ge3A_506 = arith.cmpi sge, %sub3A_483, %ge3A_505 : vector<16xi32>
    %jit3A_507 = arith.constant 4 : i32
    %broadcast_in_dim3A_508 = vector.broadcast %jit3A_507 : i32 to vector<16xi32>
    %select_n3A_509 = arith.select %ge3A_506, %broadcast_in_dim3A_508, %select_n3A_503 : vector<16xi1>, vector<16xi32>
    %ge3A_510 = arith.constant 5 : i32
    %ge3A_511 = vector.broadcast %ge3A_510 : i32 to vector<16xi32>
    %ge3A_512 = arith.cmpi sge, %sub3A_483, %ge3A_511 : vector<16xi32>
    %jit3A_513 = arith.constant 5 : i32
    %broadcast_in_dim3A_514 = vector.broadcast %jit3A_513 : i32 to vector<16xi32>
    %select_n3A_515 = arith.select %ge3A_512, %broadcast_in_dim3A_514, %select_n3A_509 : vector<16xi1>, vector<16xi32>
    %ge3A_516 = arith.constant 6 : i32
    %ge3A_517 = vector.broadcast %ge3A_516 : i32 to vector<16xi32>
    %ge3A_518 = arith.cmpi sge, %sub3A_483, %ge3A_517 : vector<16xi32>
    %jit3A_519 = arith.constant 6 : i32
    %broadcast_in_dim3A_520 = vector.broadcast %jit3A_519 : i32 to vector<16xi32>
    %select_n3A_521 = arith.select %ge3A_518, %broadcast_in_dim3A_520, %select_n3A_515 : vector<16xi1>, vector<16xi32>
    %ge3A_522 = arith.constant 7 : i32
    %ge3A_523 = vector.broadcast %ge3A_522 : i32 to vector<16xi32>
    %ge3A_524 = arith.cmpi sge, %sub3A_483, %ge3A_523 : vector<16xi32>
    %jit3A_525 = arith.constant 7 : i32
    %broadcast_in_dim3A_526 = vector.broadcast %jit3A_525 : i32 to vector<16xi32>
    %select_n3A_527 = arith.select %ge3A_524, %broadcast_in_dim3A_526, %select_n3A_521 : vector<16xi1>, vector<16xi32>
    %ge3A_528 = arith.constant 8 : i32
    %ge3A_529 = vector.broadcast %ge3A_528 : i32 to vector<16xi32>
    %ge3A_530 = arith.cmpi sge, %sub3A_483, %ge3A_529 : vector<16xi32>
    %jit3A_531 = arith.constant 8 : i32
    %broadcast_in_dim3A_532 = vector.broadcast %jit3A_531 : i32 to vector<16xi32>
    %select_n3A_533 = arith.select %ge3A_530, %broadcast_in_dim3A_532, %select_n3A_527 : vector<16xi1>, vector<16xi32>
    %ge3A_534 = arith.constant 9 : i32
    %ge3A_535 = vector.broadcast %ge3A_534 : i32 to vector<16xi32>
    %ge3A_536 = arith.cmpi sge, %sub3A_483, %ge3A_535 : vector<16xi32>
    %jit3A_537 = arith.constant 9 : i32
    %broadcast_in_dim3A_538 = vector.broadcast %jit3A_537 : i32 to vector<16xi32>
    %select_n3A_539 = arith.select %ge3A_536, %broadcast_in_dim3A_538, %select_n3A_533 : vector<16xi1>, vector<16xi32>
    %ge3A_540 = arith.constant 10 : i32
    %ge3A_541 = vector.broadcast %ge3A_540 : i32 to vector<16xi32>
    %ge3A_542 = arith.cmpi sge, %sub3A_483, %ge3A_541 : vector<16xi32>
    %jit3A_543 = arith.constant 10 : i32
    %broadcast_in_dim3A_544 = vector.broadcast %jit3A_543 : i32 to vector<16xi32>
    %select_n3A_545 = arith.select %ge3A_542, %broadcast_in_dim3A_544, %select_n3A_539 : vector<16xi1>, vector<16xi32>
    %ge3A_546 = arith.constant 11 : i32
    %ge3A_547 = vector.broadcast %ge3A_546 : i32 to vector<16xi32>
    %ge3A_548 = arith.cmpi sge, %sub3A_483, %ge3A_547 : vector<16xi32>
    %jit3A_549 = arith.constant 11 : i32
    %broadcast_in_dim3A_550 = vector.broadcast %jit3A_549 : i32 to vector<16xi32>
    %select_n3A_551 = arith.select %ge3A_548, %broadcast_in_dim3A_550, %select_n3A_545 : vector<16xi1>, vector<16xi32>
    %ge3A_552 = arith.constant 12 : i32
    %ge3A_553 = vector.broadcast %ge3A_552 : i32 to vector<16xi32>
    %ge3A_554 = arith.cmpi sge, %sub3A_483, %ge3A_553 : vector<16xi32>
    %jit3A_555 = arith.constant 12 : i32
    %broadcast_in_dim3A_556 = vector.broadcast %jit3A_555 : i32 to vector<16xi32>
    %select_n3A_557 = arith.select %ge3A_554, %broadcast_in_dim3A_556, %select_n3A_551 : vector<16xi1>, vector<16xi32>
    %ge3A_558 = arith.constant 13 : i32
    %ge3A_559 = vector.broadcast %ge3A_558 : i32 to vector<16xi32>
    %ge3A_560 = arith.cmpi sge, %sub3A_483, %ge3A_559 : vector<16xi32>
    %jit3A_561 = arith.constant 13 : i32
    %broadcast_in_dim3A_562 = vector.broadcast %jit3A_561 : i32 to vector<16xi32>
    %select_n3A_563 = arith.select %ge3A_560, %broadcast_in_dim3A_562, %select_n3A_557 : vector<16xi1>, vector<16xi32>
    %ge3A_564 = arith.constant 14 : i32
    %ge3A_565 = vector.broadcast %ge3A_564 : i32 to vector<16xi32>
    %ge3A_566 = arith.cmpi sge, %sub3A_483, %ge3A_565 : vector<16xi32>
    %jit3A_567 = arith.constant 14 : i32
    %broadcast_in_dim3A_568 = vector.broadcast %jit3A_567 : i32 to vector<16xi32>
    %select_n3A_569 = arith.select %ge3A_566, %broadcast_in_dim3A_568, %select_n3A_563 : vector<16xi1>, vector<16xi32>
    %ge3A_570 = arith.constant 15 : i32
    %ge3A_571 = vector.broadcast %ge3A_570 : i32 to vector<16xi32>
    %ge3A_572 = arith.cmpi sge, %sub3A_483, %ge3A_571 : vector<16xi32>
    %jit3A_573 = arith.constant 15 : i32
    %broadcast_in_dim3A_574 = vector.broadcast %jit3A_573 : i32 to vector<16xi32>
    %select_n3A_575 = arith.select %ge3A_572, %broadcast_in_dim3A_574, %select_n3A_569 : vector<16xi1>, vector<16xi32>
    %ge3A_576 = arith.constant 16 : i32
    %ge3A_577 = vector.broadcast %ge3A_576 : i32 to vector<16xi32>
    %ge3A_578 = arith.cmpi sge, %sub3A_483, %ge3A_577 : vector<16xi32>
    %jit3A_579 = arith.constant 16 : i32
    %broadcast_in_dim3A_580 = vector.broadcast %jit3A_579 : i32 to vector<16xi32>
    %select_n3A_581 = arith.select %ge3A_578, %broadcast_in_dim3A_580, %select_n3A_575 : vector<16xi1>, vector<16xi32>
    %ge3A_582 = arith.constant 19 : i32
    %ge3A_583 = vector.broadcast %ge3A_582 : i32 to vector<16xi32>
    %ge3A_584 = arith.cmpi sge, %sub3A_483, %ge3A_583 : vector<16xi32>
    %jit3A_585 = arith.constant 17 : i32
    %broadcast_in_dim3A_586 = vector.broadcast %jit3A_585 : i32 to vector<16xi32>
    %select_n3A_587 = arith.select %ge3A_584, %broadcast_in_dim3A_586, %select_n3A_581 : vector<16xi1>, vector<16xi32>
    %ge3A_588 = arith.constant 21 : i32
    %ge3A_589 = vector.broadcast %ge3A_588 : i32 to vector<16xi32>
    %ge3A_590 = arith.cmpi sge, %sub3A_483, %ge3A_589 : vector<16xi32>
    %jit3A_591 = arith.constant 18 : i32
    %broadcast_in_dim3A_592 = vector.broadcast %jit3A_591 : i32 to vector<16xi32>
    %select_n3A_593 = arith.select %ge3A_590, %broadcast_in_dim3A_592, %select_n3A_587 : vector<16xi1>, vector<16xi32>
    %ge3A_594 = arith.constant 24 : i32
    %ge3A_595 = vector.broadcast %ge3A_594 : i32 to vector<16xi32>
    %ge3A_596 = arith.cmpi sge, %sub3A_483, %ge3A_595 : vector<16xi32>
    %jit3A_597 = arith.constant 19 : i32
    %broadcast_in_dim3A_598 = vector.broadcast %jit3A_597 : i32 to vector<16xi32>
    %select_n3A_599 = arith.select %ge3A_596, %broadcast_in_dim3A_598, %select_n3A_593 : vector<16xi1>, vector<16xi32>
    %ge3A_600 = arith.constant 27 : i32
    %ge3A_601 = vector.broadcast %ge3A_600 : i32 to vector<16xi32>
    %ge3A_602 = arith.cmpi sge, %sub3A_483, %ge3A_601 : vector<16xi32>
    %jit3A_603 = arith.constant 20 : i32
    %broadcast_in_dim3A_604 = vector.broadcast %jit3A_603 : i32 to vector<16xi32>
    %select_n3A_605 = arith.select %ge3A_602, %broadcast_in_dim3A_604, %select_n3A_599 : vector<16xi1>, vector<16xi32>
    %ge3A_606 = arith.constant 31 : i32
    %ge3A_607 = vector.broadcast %ge3A_606 : i32 to vector<16xi32>
    %ge3A_608 = arith.cmpi sge, %sub3A_483, %ge3A_607 : vector<16xi32>
    %jit3A_609 = arith.constant 21 : i32
    %broadcast_in_dim3A_610 = vector.broadcast %jit3A_609 : i32 to vector<16xi32>
    %select_n3A_611 = arith.select %ge3A_608, %broadcast_in_dim3A_610, %select_n3A_605 : vector<16xi1>, vector<16xi32>
    %ge3A_612 = arith.constant 35 : i32
    %ge3A_613 = vector.broadcast %ge3A_612 : i32 to vector<16xi32>
    %ge3A_614 = arith.cmpi sge, %sub3A_483, %ge3A_613 : vector<16xi32>
    %jit3A_615 = arith.constant 22 : i32
    %broadcast_in_dim3A_616 = vector.broadcast %jit3A_615 : i32 to vector<16xi32>
    %select_n3A_617 = arith.select %ge3A_614, %broadcast_in_dim3A_616, %select_n3A_611 : vector<16xi1>, vector<16xi32>
    %ge3A_618 = arith.constant 40 : i32
    %ge3A_619 = vector.broadcast %ge3A_618 : i32 to vector<16xi32>
    %ge3A_620 = arith.cmpi sge, %sub3A_483, %ge3A_619 : vector<16xi32>
    %jit3A_621 = arith.constant 23 : i32
    %broadcast_in_dim3A_622 = vector.broadcast %jit3A_621 : i32 to vector<16xi32>
    %select_n3A_623 = arith.select %ge3A_620, %broadcast_in_dim3A_622, %select_n3A_617 : vector<16xi1>, vector<16xi32>
    %ge3A_624 = arith.constant 46 : i32
    %ge3A_625 = vector.broadcast %ge3A_624 : i32 to vector<16xi32>
    %ge3A_626 = arith.cmpi sge, %sub3A_483, %ge3A_625 : vector<16xi32>
    %jit3A_627 = arith.constant 24 : i32
    %broadcast_in_dim3A_628 = vector.broadcast %jit3A_627 : i32 to vector<16xi32>
    %select_n3A_629 = arith.select %ge3A_626, %broadcast_in_dim3A_628, %select_n3A_623 : vector<16xi1>, vector<16xi32>
    %ge3A_630 = arith.constant 52 : i32
    %ge3A_631 = vector.broadcast %ge3A_630 : i32 to vector<16xi32>
    %ge3A_632 = arith.cmpi sge, %sub3A_483, %ge3A_631 : vector<16xi32>
    %jit3A_633 = arith.constant 25 : i32
    %broadcast_in_dim3A_634 = vector.broadcast %jit3A_633 : i32 to vector<16xi32>
    %select_n3A_635 = arith.select %ge3A_632, %broadcast_in_dim3A_634, %select_n3A_629 : vector<16xi1>, vector<16xi32>
    %ge3A_636 = arith.constant 59 : i32
    %ge3A_637 = vector.broadcast %ge3A_636 : i32 to vector<16xi32>
    %ge3A_638 = arith.cmpi sge, %sub3A_483, %ge3A_637 : vector<16xi32>
    %jit3A_639 = arith.constant 26 : i32
    %broadcast_in_dim3A_640 = vector.broadcast %jit3A_639 : i32 to vector<16xi32>
    %select_n3A_641 = arith.select %ge3A_638, %broadcast_in_dim3A_640, %select_n3A_635 : vector<16xi1>, vector<16xi32>
    %ge3A_642 = arith.constant 67 : i32
    %ge3A_643 = vector.broadcast %ge3A_642 : i32 to vector<16xi32>
    %ge3A_644 = arith.cmpi sge, %sub3A_483, %ge3A_643 : vector<16xi32>
    %jit3A_645 = arith.constant 27 : i32
    %broadcast_in_dim3A_646 = vector.broadcast %jit3A_645 : i32 to vector<16xi32>
    %select_n3A_647 = arith.select %ge3A_644, %broadcast_in_dim3A_646, %select_n3A_641 : vector<16xi1>, vector<16xi32>
    %ge3A_648 = arith.constant 77 : i32
    %ge3A_649 = vector.broadcast %ge3A_648 : i32 to vector<16xi32>
    %ge3A_650 = arith.cmpi sge, %sub3A_483, %ge3A_649 : vector<16xi32>
    %jit3A_651 = arith.constant 28 : i32
    %broadcast_in_dim3A_652 = vector.broadcast %jit3A_651 : i32 to vector<16xi32>
    %select_n3A_653 = arith.select %ge3A_650, %broadcast_in_dim3A_652, %select_n3A_647 : vector<16xi1>, vector<16xi32>
    %ge3A_654 = arith.constant 87 : i32
    %ge3A_655 = vector.broadcast %ge3A_654 : i32 to vector<16xi32>
    %ge3A_656 = arith.cmpi sge, %sub3A_483, %ge3A_655 : vector<16xi32>
    %jit3A_657 = arith.constant 29 : i32
    %broadcast_in_dim3A_658 = vector.broadcast %jit3A_657 : i32 to vector<16xi32>
    %select_n3A_659 = arith.select %ge3A_656, %broadcast_in_dim3A_658, %select_n3A_653 : vector<16xi1>, vector<16xi32>
    %ge3A_660 = arith.constant 99 : i32
    %ge3A_661 = vector.broadcast %ge3A_660 : i32 to vector<16xi32>
    %ge3A_662 = arith.cmpi sge, %sub3A_483, %ge3A_661 : vector<16xi32>
    %jit3A_663 = arith.constant 30 : i32
    %broadcast_in_dim3A_664 = vector.broadcast %jit3A_663 : i32 to vector<16xi32>
    %select_n3A_665 = arith.select %ge3A_662, %broadcast_in_dim3A_664, %select_n3A_659 : vector<16xi1>, vector<16xi32>
    %ge3A_666 = arith.constant 113 : i32
    %ge3A_667 = vector.broadcast %ge3A_666 : i32 to vector<16xi32>
    %ge3A_668 = arith.cmpi sge, %sub3A_483, %ge3A_667 : vector<16xi32>
    %jit3A_669 = arith.constant 31 : i32
    %broadcast_in_dim3A_670 = vector.broadcast %jit3A_669 : i32 to vector<16xi32>
    %select_n3A_671 = arith.select %ge3A_668, %broadcast_in_dim3A_670, %select_n3A_665 : vector<16xi1>, vector<16xi32>
    %and3A_672 = arith.constant 15 : i32
    %and3A_673 = vector.broadcast %and3A_672 : i32 to vector<16xi32>
    %and3A_674 = arith.andi %select_n3A_671, %and3A_673 : vector<16xi32>
    %lt3A_675 = arith.constant 16 : i32
    %lt3A_676 = vector.broadcast %lt3A_675 : i32 to vector<16xi32>
    %lt3A_677 = arith.cmpi slt, %select_n3A_671, %lt3A_676 : vector<16xi32>
    %broadcast_in_dim3A_678 = vector.shape_cast %and3A_674 : vector<16xi32> to vector<16x1xi32>
    %gather3A_679 = vector.shape_cast %broadcast_in_dim3A_678 : vector<16x1xi32> to vector<16xi32>
    %gather3A_680 = tpu.dynamic_gather %mul3A_15[%gather3A_679] in [0] : vector<16xf32>, vector<16xi32> -> vector<16xf32>
    %broadcast_in_dim3A_681 = vector.shape_cast %and3A_674 : vector<16xi32> to vector<16x1xi32>
    %gather3A_682 = vector.shape_cast %broadcast_in_dim3A_681 : vector<16x1xi32> to vector<16xi32>
    %gather3A_683 = tpu.dynamic_gather %mul3A_21[%gather3A_682] in [0] : vector<16xf32>, vector<16xi32> -> vector<16xf32>
    %select_n3A_684 = arith.select %lt3A_677, %gather3A_680, %gather3A_683 : vector<16xi1>, vector<16xf32>
    %swap3A_685 = arith.constant 3984 : index
    %swap3A_686 = tpu.vector_load %arg5[%swap3A_685] {strides = array<i32>} : memref<8192xf32, #tpu.memory_space<vmem>>, vector<16xf32>,
    %swap3A_687 = vector.shape_cast %swap3A_686 : vector<16xf32> to vector<16xf32>
    %swap3A_688 = vector.shape_cast %select_n3A_684 : vector<16xf32> to vector<16xf32>
    tpu.vector_store %arg5[%swap3A_685], %swap3A_688 {strides = array<i32>} : memref<8192xf32, #tpu.memory_space<vmem>>, vector<16xf32>,
    %sub3A_689 = arith.constant 4095 : i32
    %sub3A_690 = arith.subi %sub3A_689, %select_n3A_10 : i32
    %add3A_691 = arith.constant 4000 : i32
    %add3A_692 = vector.broadcast %add3A_691 : i32 to vector<16xi32>
    %add3A_693 = arith.addi %add3A_692, %iota3A : vector<16xi32>
    %sub3A_694 = vector.broadcast %sub3A_690 : i32 to vector<16xi32>
    %sub3A_695 = arith.subi %sub3A_694, %add3A_693 : vector<16xi32>
    %broadcast_in_dim3A_696 = arith.constant 0 : i32
    %broadcast_in_dim3A_697 = vector.broadcast %broadcast_in_dim3A_696 : i32 to vector<16xi32>
    %ge3A_698 = arith.constant 1 : i32
    %ge3A_699 = vector.broadcast %ge3A_698 : i32 to vector<16xi32>
    %ge3A_700 = arith.cmpi sge, %sub3A_695, %ge3A_699 : vector<16xi32>
    %jit3A_701 = arith.constant 1 : i32
    %broadcast_in_dim3A_702 = vector.broadcast %jit3A_701 : i32 to vector<16xi32>
    %select_n3A_703 = arith.select %ge3A_700, %broadcast_in_dim3A_702, %broadcast_in_dim3A_697 : vector<16xi1>, vector<16xi32>
    %ge3A_704 = arith.constant 2 : i32
    %ge3A_705 = vector.broadcast %ge3A_704 : i32 to vector<16xi32>
    %ge3A_706 = arith.cmpi sge, %sub3A_695, %ge3A_705 : vector<16xi32>
    %jit3A_707 = arith.constant 2 : i32
    %broadcast_in_dim3A_708 = vector.broadcast %jit3A_707 : i32 to vector<16xi32>
    %select_n3A_709 = arith.select %ge3A_706, %broadcast_in_dim3A_708, %select_n3A_703 : vector<16xi1>, vector<16xi32>
    %ge3A_710 = arith.constant 3 : i32
    %ge3A_711 = vector.broadcast %ge3A_710 : i32 to vector<16xi32>
    %ge3A_712 = arith.cmpi sge, %sub3A_695, %ge3A_711 : vector<16xi32>
    %jit3A_713 = arith.constant 3 : i32
    %broadcast_in_dim3A_714 = vector.broadcast %jit3A_713 : i32 to vector<16xi32>
    %select_n3A_715 = arith.select %ge3A_712, %broadcast_in_dim3A_714, %select_n3A_709 : vector<16xi1>, vector<16xi32>
    %ge3A_716 = arith.constant 4 : i32
    %ge3A_717 = vector.broadcast %ge3A_716 : i32 to vector<16xi32>
    %ge3A_718 = arith.cmpi sge, %sub3A_695, %ge3A_717 : vector<16xi32>
    %jit3A_719 = arith.constant 4 : i32
    %broadcast_in_dim3A_720 = vector.broadcast %jit3A_719 : i32 to vector<16xi32>
    %select_n3A_721 = arith.select %ge3A_718, %broadcast_in_dim3A_720, %select_n3A_715 : vector<16xi1>, vector<16xi32>
    %ge3A_722 = arith.constant 5 : i32
    %ge3A_723 = vector.broadcast %ge3A_722 : i32 to vector<16xi32>
    %ge3A_724 = arith.cmpi sge, %sub3A_695, %ge3A_723 : vector<16xi32>
    %jit3A_725 = arith.constant 5 : i32
    %broadcast_in_dim3A_726 = vector.broadcast %jit3A_725 : i32 to vector<16xi32>
    %select_n3A_727 = arith.select %ge3A_724, %broadcast_in_dim3A_726, %select_n3A_721 : vector<16xi1>, vector<16xi32>
    %ge3A_728 = arith.constant 6 : i32
    %ge3A_729 = vector.broadcast %ge3A_728 : i32 to vector<16xi32>
    %ge3A_730 = arith.cmpi sge, %sub3A_695, %ge3A_729 : vector<16xi32>
    %jit3A_731 = arith.constant 6 : i32
    %broadcast_in_dim3A_732 = vector.broadcast %jit3A_731 : i32 to vector<16xi32>
    %select_n3A_733 = arith.select %ge3A_730, %broadcast_in_dim3A_732, %select_n3A_727 : vector<16xi1>, vector<16xi32>
    %ge3A_734 = arith.constant 7 : i32
    %ge3A_735 = vector.broadcast %ge3A_734 : i32 to vector<16xi32>
    %ge3A_736 = arith.cmpi sge, %sub3A_695, %ge3A_735 : vector<16xi32>
    %jit3A_737 = arith.constant 7 : i32
    %broadcast_in_dim3A_738 = vector.broadcast %jit3A_737 : i32 to vector<16xi32>
    %select_n3A_739 = arith.select %ge3A_736, %broadcast_in_dim3A_738, %select_n3A_733 : vector<16xi1>, vector<16xi32>
    %ge3A_740 = arith.constant 8 : i32
    %ge3A_741 = vector.broadcast %ge3A_740 : i32 to vector<16xi32>
    %ge3A_742 = arith.cmpi sge, %sub3A_695, %ge3A_741 : vector<16xi32>
    %jit3A_743 = arith.constant 8 : i32
    %broadcast_in_dim3A_744 = vector.broadcast %jit3A_743 : i32 to vector<16xi32>
    %select_n3A_745 = arith.select %ge3A_742, %broadcast_in_dim3A_744, %select_n3A_739 : vector<16xi1>, vector<16xi32>
    %ge3A_746 = arith.constant 9 : i32
    %ge3A_747 = vector.broadcast %ge3A_746 : i32 to vector<16xi32>
    %ge3A_748 = arith.cmpi sge, %sub3A_695, %ge3A_747 : vector<16xi32>
    %jit3A_749 = arith.constant 9 : i32
    %broadcast_in_dim3A_750 = vector.broadcast %jit3A_749 : i32 to vector<16xi32>
    %select_n3A_751 = arith.select %ge3A_748, %broadcast_in_dim3A_750, %select_n3A_745 : vector<16xi1>, vector<16xi32>
    %ge3A_752 = arith.constant 10 : i32
    %ge3A_753 = vector.broadcast %ge3A_752 : i32 to vector<16xi32>
    %ge3A_754 = arith.cmpi sge, %sub3A_695, %ge3A_753 : vector<16xi32>
    %jit3A_755 = arith.constant 10 : i32
    %broadcast_in_dim3A_756 = vector.broadcast %jit3A_755 : i32 to vector<16xi32>
    %select_n3A_757 = arith.select %ge3A_754, %broadcast_in_dim3A_756, %select_n3A_751 : vector<16xi1>, vector<16xi32>
    %ge3A_758 = arith.constant 11 : i32
    %ge3A_759 = vector.broadcast %ge3A_758 : i32 to vector<16xi32>
    %ge3A_760 = arith.cmpi sge, %sub3A_695, %ge3A_759 : vector<16xi32>
    %jit3A_761 = arith.constant 11 : i32
    %broadcast_in_dim3A_762 = vector.broadcast %jit3A_761 : i32 to vector<16xi32>
    %select_n3A_763 = arith.select %ge3A_760, %broadcast_in_dim3A_762, %select_n3A_757 : vector<16xi1>, vector<16xi32>
    %ge3A_764 = arith.constant 12 : i32
    %ge3A_765 = vector.broadcast %ge3A_764 : i32 to vector<16xi32>
    %ge3A_766 = arith.cmpi sge, %sub3A_695, %ge3A_765 : vector<16xi32>
    %jit3A_767 = arith.constant 12 : i32
    %broadcast_in_dim3A_768 = vector.broadcast %jit3A_767 : i32 to vector<16xi32>
    %select_n3A_769 = arith.select %ge3A_766, %broadcast_in_dim3A_768, %select_n3A_763 : vector<16xi1>, vector<16xi32>
    %ge3A_770 = arith.constant 13 : i32
    %ge3A_771 = vector.broadcast %ge3A_770 : i32 to vector<16xi32>
    %ge3A_772 = arith.cmpi sge, %sub3A_695, %ge3A_771 : vector<16xi32>
    %jit3A_773 = arith.constant 13 : i32
    %broadcast_in_dim3A_774 = vector.broadcast %jit3A_773 : i32 to vector<16xi32>
    %select_n3A_775 = arith.select %ge3A_772, %broadcast_in_dim3A_774, %select_n3A_769 : vector<16xi1>, vector<16xi32>
    %ge3A_776 = arith.constant 14 : i32
    %ge3A_777 = vector.broadcast %ge3A_776 : i32 to vector<16xi32>
    %ge3A_778 = arith.cmpi sge, %sub3A_695, %ge3A_777 : vector<16xi32>
    %jit3A_779 = arith.constant 14 : i32
    %broadcast_in_dim3A_780 = vector.broadcast %jit3A_779 : i32 to vector<16xi32>
    %select_n3A_781 = arith.select %ge3A_778, %broadcast_in_dim3A_780, %select_n3A_775 : vector<16xi1>, vector<16xi32>
    %ge3A_782 = arith.constant 15 : i32
    %ge3A_783 = vector.broadcast %ge3A_782 : i32 to vector<16xi32>
    %ge3A_784 = arith.cmpi sge, %sub3A_695, %ge3A_783 : vector<16xi32>
    %jit3A_785 = arith.constant 15 : i32
    %broadcast_in_dim3A_786 = vector.broadcast %jit3A_785 : i32 to vector<16xi32>
    %select_n3A_787 = arith.select %ge3A_784, %broadcast_in_dim3A_786, %select_n3A_781 : vector<16xi1>, vector<16xi32>
    %ge3A_788 = arith.constant 16 : i32
    %ge3A_789 = vector.broadcast %ge3A_788 : i32 to vector<16xi32>
    %ge3A_790 = arith.cmpi sge, %sub3A_695, %ge3A_789 : vector<16xi32>
    %jit3A_791 = arith.constant 16 : i32
    %broadcast_in_dim3A_792 = vector.broadcast %jit3A_791 : i32 to vector<16xi32>
    %select_n3A_793 = arith.select %ge3A_790, %broadcast_in_dim3A_792, %select_n3A_787 : vector<16xi1>, vector<16xi32>
    %ge3A_794 = arith.constant 19 : i32
    %ge3A_795 = vector.broadcast %ge3A_794 : i32 to vector<16xi32>
    %ge3A_796 = arith.cmpi sge, %sub3A_695, %ge3A_795 : vector<16xi32>
    %jit3A_797 = arith.constant 17 : i32
    %broadcast_in_dim3A_798 = vector.broadcast %jit3A_797 : i32 to vector<16xi32>
    %select_n3A_799 = arith.select %ge3A_796, %broadcast_in_dim3A_798, %select_n3A_793 : vector<16xi1>, vector<16xi32>
    %ge3A_800 = arith.constant 21 : i32
    %ge3A_801 = vector.broadcast %ge3A_800 : i32 to vector<16xi32>
    %ge3A_802 = arith.cmpi sge, %sub3A_695, %ge3A_801 : vector<16xi32>
    %jit3A_803 = arith.constant 18 : i32
    %broadcast_in_dim3A_804 = vector.broadcast %jit3A_803 : i32 to vector<16xi32>
    %select_n3A_805 = arith.select %ge3A_802, %broadcast_in_dim3A_804, %select_n3A_799 : vector<16xi1>, vector<16xi32>
    %ge3A_806 = arith.constant 24 : i32
    %ge3A_807 = vector.broadcast %ge3A_806 : i32 to vector<16xi32>
    %ge3A_808 = arith.cmpi sge, %sub3A_695, %ge3A_807 : vector<16xi32>
    %jit3A_809 = arith.constant 19 : i32
    %broadcast_in_dim3A_810 = vector.broadcast %jit3A_809 : i32 to vector<16xi32>
    %select_n3A_811 = arith.select %ge3A_808, %broadcast_in_dim3A_810, %select_n3A_805 : vector<16xi1>, vector<16xi32>
    %ge3A_812 = arith.constant 27 : i32
    %ge3A_813 = vector.broadcast %ge3A_812 : i32 to vector<16xi32>
    %ge3A_814 = arith.cmpi sge, %sub3A_695, %ge3A_813 : vector<16xi32>
    %jit3A_815 = arith.constant 20 : i32
    %broadcast_in_dim3A_816 = vector.broadcast %jit3A_815 : i32 to vector<16xi32>
    %select_n3A_817 = arith.select %ge3A_814, %broadcast_in_dim3A_816, %select_n3A_811 : vector<16xi1>, vector<16xi32>
    %ge3A_818 = arith.constant 31 : i32
    %ge3A_819 = vector.broadcast %ge3A_818 : i32 to vector<16xi32>
    %ge3A_820 = arith.cmpi sge, %sub3A_695, %ge3A_819 : vector<16xi32>
    %jit3A_821 = arith.constant 21 : i32
    %broadcast_in_dim3A_822 = vector.broadcast %jit3A_821 : i32 to vector<16xi32>
    %select_n3A_823 = arith.select %ge3A_820, %broadcast_in_dim3A_822, %select_n3A_817 : vector<16xi1>, vector<16xi32>
    %ge3A_824 = arith.constant 35 : i32
    %ge3A_825 = vector.broadcast %ge3A_824 : i32 to vector<16xi32>
    %ge3A_826 = arith.cmpi sge, %sub3A_695, %ge3A_825 : vector<16xi32>
    %jit3A_827 = arith.constant 22 : i32
    %broadcast_in_dim3A_828 = vector.broadcast %jit3A_827 : i32 to vector<16xi32>
    %select_n3A_829 = arith.select %ge3A_826, %broadcast_in_dim3A_828, %select_n3A_823 : vector<16xi1>, vector<16xi32>
    %ge3A_830 = arith.constant 40 : i32
    %ge3A_831 = vector.broadcast %ge3A_830 : i32 to vector<16xi32>
    %ge3A_832 = arith.cmpi sge, %sub3A_695, %ge3A_831 : vector<16xi32>
    %jit3A_833 = arith.constant 23 : i32
    %broadcast_in_dim3A_834 = vector.broadcast %jit3A_833 : i32 to vector<16xi32>
    %select_n3A_835 = arith.select %ge3A_832, %broadcast_in_dim3A_834, %select_n3A_829 : vector<16xi1>, vector<16xi32>
    %ge3A_836 = arith.constant 46 : i32
    %ge3A_837 = vector.broadcast %ge3A_836 : i32 to vector<16xi32>
    %ge3A_838 = arith.cmpi sge, %sub3A_695, %ge3A_837 : vector<16xi32>
    %jit3A_839 = arith.constant 24 : i32
    %broadcast_in_dim3A_840 = vector.broadcast %jit3A_839 : i32 to vector<16xi32>
    %select_n3A_841 = arith.select %ge3A_838, %broadcast_in_dim3A_840, %select_n3A_835 : vector<16xi1>, vector<16xi32>
    %ge3A_842 = arith.constant 52 : i32
    %ge3A_843 = vector.broadcast %ge3A_842 : i32 to vector<16xi32>
    %ge3A_844 = arith.cmpi sge, %sub3A_695, %ge3A_843 : vector<16xi32>
    %jit3A_845 = arith.constant 25 : i32
    %broadcast_in_dim3A_846 = vector.broadcast %jit3A_845 : i32 to vector<16xi32>
    %select_n3A_847 = arith.select %ge3A_844, %broadcast_in_dim3A_846, %select_n3A_841 : vector<16xi1>, vector<16xi32>
    %ge3A_848 = arith.constant 59 : i32
    %ge3A_849 = vector.broadcast %ge3A_848 : i32 to vector<16xi32>
    %ge3A_850 = arith.cmpi sge, %sub3A_695, %ge3A_849 : vector<16xi32>
    %jit3A_851 = arith.constant 26 : i32
    %broadcast_in_dim3A_852 = vector.broadcast %jit3A_851 : i32 to vector<16xi32>
    %select_n3A_853 = arith.select %ge3A_850, %broadcast_in_dim3A_852, %select_n3A_847 : vector<16xi1>, vector<16xi32>
    %ge3A_854 = arith.constant 67 : i32
    %ge3A_855 = vector.broadcast %ge3A_854 : i32 to vector<16xi32>
    %ge3A_856 = arith.cmpi sge, %sub3A_695, %ge3A_855 : vector<16xi32>
    %jit3A_857 = arith.constant 27 : i32
    %broadcast_in_dim3A_858 = vector.broadcast %jit3A_857 : i32 to vector<16xi32>
    %select_n3A_859 = arith.select %ge3A_856, %broadcast_in_dim3A_858, %select_n3A_853 : vector<16xi1>, vector<16xi32>
    %ge3A_860 = arith.constant 77 : i32
    %ge3A_861 = vector.broadcast %ge3A_860 : i32 to vector<16xi32>
    %ge3A_862 = arith.cmpi sge, %sub3A_695, %ge3A_861 : vector<16xi32>
    %jit3A_863 = arith.constant 28 : i32
    %broadcast_in_dim3A_864 = vector.broadcast %jit3A_863 : i32 to vector<16xi32>
    %select_n3A_865 = arith.select %ge3A_862, %broadcast_in_dim3A_864, %select_n3A_859 : vector<16xi1>, vector<16xi32>
    %ge3A_866 = arith.constant 87 : i32
    %ge3A_867 = vector.broadcast %ge3A_866 : i32 to vector<16xi32>
    %ge3A_868 = arith.cmpi sge, %sub3A_695, %ge3A_867 : vector<16xi32>
    %jit3A_869 = arith.constant 29 : i32
    %broadcast_in_dim3A_870 = vector.broadcast %jit3A_869 : i32 to vector<16xi32>
    %select_n3A_871 = arith.select %ge3A_868, %broadcast_in_dim3A_870, %select_n3A_865 : vector<16xi1>, vector<16xi32>
    %ge3A_872 = arith.constant 99 : i32
    %ge3A_873 = vector.broadcast %ge3A_872 : i32 to vector<16xi32>
    %ge3A_874 = arith.cmpi sge, %sub3A_695, %ge3A_873 : vector<16xi32>
    %jit3A_875 = arith.constant 30 : i32
    %broadcast_in_dim3A_876 = vector.broadcast %jit3A_875 : i32 to vector<16xi32>
    %select_n3A_877 = arith.select %ge3A_874, %broadcast_in_dim3A_876, %select_n3A_871 : vector<16xi1>, vector<16xi32>
    %ge3A_878 = arith.constant 113 : i32
    %ge3A_879 = vector.broadcast %ge3A_878 : i32 to vector<16xi32>
    %ge3A_880 = arith.cmpi sge, %sub3A_695, %ge3A_879 : vector<16xi32>
    %jit3A_881 = arith.constant 31 : i32
    %broadcast_in_dim3A_882 = vector.broadcast %jit3A_881 : i32 to vector<16xi32>
    %select_n3A_883 = arith.select %ge3A_880, %broadcast_in_dim3A_882, %select_n3A_877 : vector<16xi1>, vector<16xi32>
    %and3A_884 = arith.constant 15 : i32
    %and3A_885 = vector.broadcast %and3A_884 : i32 to vector<16xi32>
    %and3A_886 = arith.andi %select_n3A_883, %and3A_885 : vector<16xi32>
    %lt3A_887 = arith.constant 16 : i32
    %lt3A_888 = vector.broadcast %lt3A_887 : i32 to vector<16xi32>
    %lt3A_889 = arith.cmpi slt, %select_n3A_883, %lt3A_888 : vector<16xi32>
    %broadcast_in_dim3A_890 = vector.shape_cast %and3A_886 : vector<16xi32> to vector<16x1xi32>
    %gather3A_891 = vector.shape_cast %broadcast_in_dim3A_890 : vector<16x1xi32> to vector<16xi32>
    %gather3A_892 = tpu.dynamic_gather %mul3A_15[%gather3A_891] in [0] : vector<16xf32>, vector<16xi32> -> vector<16xf32>
    %broadcast_in_dim3A_893 = vector.shape_cast %and3A_886 : vector<16xi32> to vector<16x1xi32>
    %gather3A_894 = vector.shape_cast %broadcast_in_dim3A_893 : vector<16x1xi32> to vector<16xi32>
    %gather3A_895 = tpu.dynamic_gather %mul3A_21[%gather3A_894] in [0] : vector<16xf32>, vector<16xi32> -> vector<16xf32>
    %select_n3A_896 = arith.select %lt3A_889, %gather3A_892, %gather3A_895 : vector<16xi1>, vector<16xf32>
    %swap3A_897 = arith.constant 4000 : index
    %swap3A_898 = tpu.vector_load %arg5[%swap3A_897] {strides = array<i32>} : memref<8192xf32, #tpu.memory_space<vmem>>, vector<16xf32>,
    %swap3A_899 = vector.shape_cast %swap3A_898 : vector<16xf32> to vector<16xf32>
    %swap3A_900 = vector.shape_cast %select_n3A_896 : vector<16xf32> to vector<16xf32>
    tpu.vector_store %arg5[%swap3A_897], %swap3A_900 {strides = array<i32>} : memref<8192xf32, #tpu.memory_space<vmem>>, vector<16xf32>,
    %sub3A_901 = arith.constant 4095 : i32
    %sub3A_902 = arith.subi %sub3A_901, %select_n3A_10 : i32
    %add3A_903 = arith.constant 4016 : i32
    %add3A_904 = vector.broadcast %add3A_903 : i32 to vector<16xi32>
    %add3A_905 = arith.addi %add3A_904, %iota3A : vector<16xi32>
    %sub3A_906 = vector.broadcast %sub3A_902 : i32 to vector<16xi32>
    %sub3A_907 = arith.subi %sub3A_906, %add3A_905 : vector<16xi32>
    %broadcast_in_dim3A_908 = arith.constant 0 : i32
    %broadcast_in_dim3A_909 = vector.broadcast %broadcast_in_dim3A_908 : i32 to vector<16xi32>
    %ge3A_910 = arith.constant 1 : i32
    %ge3A_911 = vector.broadcast %ge3A_910 : i32 to vector<16xi32>
    %ge3A_912 = arith.cmpi sge, %sub3A_907, %ge3A_911 : vector<16xi32>
    %jit3A_913 = arith.constant 1 : i32
    %broadcast_in_dim3A_914 = vector.broadcast %jit3A_913 : i32 to vector<16xi32>
    %select_n3A_915 = arith.select %ge3A_912, %broadcast_in_dim3A_914, %broadcast_in_dim3A_909 : vector<16xi1>, vector<16xi32>
    %ge3A_916 = arith.constant 2 : i32
    %ge3A_917 = vector.broadcast %ge3A_916 : i32 to vector<16xi32>
    %ge3A_918 = arith.cmpi sge, %sub3A_907, %ge3A_917 : vector<16xi32>
    %jit3A_919 = arith.constant 2 : i32
    %broadcast_in_dim3A_920 = vector.broadcast %jit3A_919 : i32 to vector<16xi32>
    %select_n3A_921 = arith.select %ge3A_918, %broadcast_in_dim3A_920, %select_n3A_915 : vector<16xi1>, vector<16xi32>
    %ge3A_922 = arith.constant 3 : i32
    %ge3A_923 = vector.broadcast %ge3A_922 : i32 to vector<16xi32>
    %ge3A_924 = arith.cmpi sge, %sub3A_907, %ge3A_923 : vector<16xi32>
    %jit3A_925 = arith.constant 3 : i32
    %broadcast_in_dim3A_926 = vector.broadcast %jit3A_925 : i32 to vector<16xi32>
    %select_n3A_927 = arith.select %ge3A_924, %broadcast_in_dim3A_926, %select_n3A_921 : vector<16xi1>, vector<16xi32>
    %ge3A_928 = arith.constant 4 : i32
    %ge3A_929 = vector.broadcast %ge3A_928 : i32 to vector<16xi32>
    %ge3A_930 = arith.cmpi sge, %sub3A_907, %ge3A_929 : vector<16xi32>
    %jit3A_931 = arith.constant 4 : i32
    %broadcast_in_dim3A_932 = vector.broadcast %jit3A_931 : i32 to vector<16xi32>
    %select_n3A_933 = arith.select %ge3A_930, %broadcast_in_dim3A_932, %select_n3A_927 : vector<16xi1>, vector<16xi32>
    %ge3A_934 = arith.constant 5 : i32
    %ge3A_935 = vector.broadcast %ge3A_934 : i32 to vector<16xi32>
    %ge3A_936 = arith.cmpi sge, %sub3A_907, %ge3A_935 : vector<16xi32>
    %jit3A_937 = arith.constant 5 : i32
    %broadcast_in_dim3A_938 = vector.broadcast %jit3A_937 : i32 to vector<16xi32>
    %select_n3A_939 = arith.select %ge3A_936, %broadcast_in_dim3A_938, %select_n3A_933 : vector<16xi1>, vector<16xi32>
    %ge3A_940 = arith.constant 6 : i32
    %ge3A_941 = vector.broadcast %ge3A_940 : i32 to vector<16xi32>
    %ge3A_942 = arith.cmpi sge, %sub3A_907, %ge3A_941 : vector<16xi32>
    %jit3A_943 = arith.constant 6 : i32
    %broadcast_in_dim3A_944 = vector.broadcast %jit3A_943 : i32 to vector<16xi32>
    %select_n3A_945 = arith.select %ge3A_942, %broadcast_in_dim3A_944, %select_n3A_939 : vector<16xi1>, vector<16xi32>
    %ge3A_946 = arith.constant 7 : i32
    %ge3A_947 = vector.broadcast %ge3A_946 : i32 to vector<16xi32>
    %ge3A_948 = arith.cmpi sge, %sub3A_907, %ge3A_947 : vector<16xi32>
    %jit3A_949 = arith.constant 7 : i32
    %broadcast_in_dim3A_950 = vector.broadcast %jit3A_949 : i32 to vector<16xi32>
    %select_n3A_951 = arith.select %ge3A_948, %broadcast_in_dim3A_950, %select_n3A_945 : vector<16xi1>, vector<16xi32>
    %ge3A_952 = arith.constant 8 : i32
    %ge3A_953 = vector.broadcast %ge3A_952 : i32 to vector<16xi32>
    %ge3A_954 = arith.cmpi sge, %sub3A_907, %ge3A_953 : vector<16xi32>
    %jit3A_955 = arith.constant 8 : i32
    %broadcast_in_dim3A_956 = vector.broadcast %jit3A_955 : i32 to vector<16xi32>
    %select_n3A_957 = arith.select %ge3A_954, %broadcast_in_dim3A_956, %select_n3A_951 : vector<16xi1>, vector<16xi32>
    %ge3A_958 = arith.constant 9 : i32
    %ge3A_959 = vector.broadcast %ge3A_958 : i32 to vector<16xi32>
    %ge3A_960 = arith.cmpi sge, %sub3A_907, %ge3A_959 : vector<16xi32>
    %jit3A_961 = arith.constant 9 : i32
    %broadcast_in_dim3A_962 = vector.broadcast %jit3A_961 : i32 to vector<16xi32>
    %select_n3A_963 = arith.select %ge3A_960, %broadcast_in_dim3A_962, %select_n3A_957 : vector<16xi1>, vector<16xi32>
    %ge3A_964 = arith.constant 10 : i32
    %ge3A_965 = vector.broadcast %ge3A_964 : i32 to vector<16xi32>
    %ge3A_966 = arith.cmpi sge, %sub3A_907, %ge3A_965 : vector<16xi32>
    %jit3A_967 = arith.constant 10 : i32
    %broadcast_in_dim3A_968 = vector.broadcast %jit3A_967 : i32 to vector<16xi32>
    %select_n3A_969 = arith.select %ge3A_966, %broadcast_in_dim3A_968, %select_n3A_963 : vector<16xi1>, vector<16xi32>
    %ge3A_970 = arith.constant 11 : i32
    %ge3A_971 = vector.broadcast %ge3A_970 : i32 to vector<16xi32>
    %ge3A_972 = arith.cmpi sge, %sub3A_907, %ge3A_971 : vector<16xi32>
    %jit3A_973 = arith.constant 11 : i32
    %broadcast_in_dim3A_974 = vector.broadcast %jit3A_973 : i32 to vector<16xi32>
    %select_n3A_975 = arith.select %ge3A_972, %broadcast_in_dim3A_974, %select_n3A_969 : vector<16xi1>, vector<16xi32>
    %ge3A_976 = arith.constant 12 : i32
    %ge3A_977 = vector.broadcast %ge3A_976 : i32 to vector<16xi32>
    %ge3A_978 = arith.cmpi sge, %sub3A_907, %ge3A_977 : vector<16xi32>
    %jit3A_979 = arith.constant 12 : i32
    %broadcast_in_dim3A_980 = vector.broadcast %jit3A_979 : i32 to vector<16xi32>
    %select_n3A_981 = arith.select %ge3A_978, %broadcast_in_dim3A_980, %select_n3A_975 : vector<16xi1>, vector<16xi32>
    %ge3A_982 = arith.constant 13 : i32
    %ge3A_983 = vector.broadcast %ge3A_982 : i32 to vector<16xi32>
    %ge3A_984 = arith.cmpi sge, %sub3A_907, %ge3A_983 : vector<16xi32>
    %jit3A_985 = arith.constant 13 : i32
    %broadcast_in_dim3A_986 = vector.broadcast %jit3A_985 : i32 to vector<16xi32>
    %select_n3A_987 = arith.select %ge3A_984, %broadcast_in_dim3A_986, %select_n3A_981 : vector<16xi1>, vector<16xi32>
    %ge3A_988 = arith.constant 14 : i32
    %ge3A_989 = vector.broadcast %ge3A_988 : i32 to vector<16xi32>
    %ge3A_990 = arith.cmpi sge, %sub3A_907, %ge3A_989 : vector<16xi32>
    %jit3A_991 = arith.constant 14 : i32
    %broadcast_in_dim3A_992 = vector.broadcast %jit3A_991 : i32 to vector<16xi32>
    %select_n3A_993 = arith.select %ge3A_990, %broadcast_in_dim3A_992, %select_n3A_987 : vector<16xi1>, vector<16xi32>
    %ge3A_994 = arith.constant 15 : i32
    %ge3A_995 = vector.broadcast %ge3A_994 : i32 to vector<16xi32>
    %ge3A_996 = arith.cmpi sge, %sub3A_907, %ge3A_995 : vector<16xi32>
    %jit3A_997 = arith.constant 15 : i32
    %broadcast_in_dim3A_998 = vector.broadcast %jit3A_997 : i32 to vector<16xi32>
    %select_n3A_999 = arith.select %ge3A_996, %broadcast_in_dim3A_998, %select_n3A_993 : vector<16xi1>, vector<16xi32>
    %ge3A_1000 = arith.constant 16 : i32
    %ge3A_1001 = vector.broadcast %ge3A_1000 : i32 to vector<16xi32>
    %ge3A_1002 = arith.cmpi sge, %sub3A_907, %ge3A_1001 : vector<16xi32>
    %jit3A_1003 = arith.constant 16 : i32
    %broadcast_in_dim3A_1004 = vector.broadcast %jit3A_1003 : i32 to vector<16xi32>
    %select_n3A_1005 = arith.select %ge3A_1002, %broadcast_in_dim3A_1004, %select_n3A_999 : vector<16xi1>, vector<16xi32>
    %ge3A_1006 = arith.constant 19 : i32
    %ge3A_1007 = vector.broadcast %ge3A_1006 : i32 to vector<16xi32>
    %ge3A_1008 = arith.cmpi sge, %sub3A_907, %ge3A_1007 : vector<16xi32>
    %jit3A_1009 = arith.constant 17 : i32
    %broadcast_in_dim3A_1010 = vector.broadcast %jit3A_1009 : i32 to vector<16xi32>
    %select_n3A_1011 = arith.select %ge3A_1008, %broadcast_in_dim3A_1010, %select_n3A_1005 : vector<16xi1>, vector<16xi32>
    %ge3A_1012 = arith.constant 21 : i32
    %ge3A_1013 = vector.broadcast %ge3A_1012 : i32 to vector<16xi32>
    %ge3A_1014 = arith.cmpi sge, %sub3A_907, %ge3A_1013 : vector<16xi32>
    %jit3A_1015 = arith.constant 18 : i32
    %broadcast_in_dim3A_1016 = vector.broadcast %jit3A_1015 : i32 to vector<16xi32>
    %select_n3A_1017 = arith.select %ge3A_1014, %broadcast_in_dim3A_1016, %select_n3A_1011 : vector<16xi1>, vector<16xi32>
    %ge3A_1018 = arith.constant 24 : i32
    %ge3A_1019 = vector.broadcast %ge3A_1018 : i32 to vector<16xi32>
    %ge3A_1020 = arith.cmpi sge, %sub3A_907, %ge3A_1019 : vector<16xi32>
    %jit3A_1021 = arith.constant 19 : i32
    %broadcast_in_dim3A_1022 = vector.broadcast %jit3A_1021 : i32 to vector<16xi32>
    %select_n3A_1023 = arith.select %ge3A_1020, %broadcast_in_dim3A_1022, %select_n3A_1017 : vector<16xi1>, vector<16xi32>
    %ge3A_1024 = arith.constant 27 : i32
    %ge3A_1025 = vector.broadcast %ge3A_1024 : i32 to vector<16xi32>
    %ge3A_1026 = arith.cmpi sge, %sub3A_907, %ge3A_1025 : vector<16xi32>
    %jit3A_1027 = arith.constant 20 : i32
    %broadcast_in_dim3A_1028 = vector.broadcast %jit3A_1027 : i32 to vector<16xi32>
    %select_n3A_1029 = arith.select %ge3A_1026, %broadcast_in_dim3A_1028, %select_n3A_1023 : vector<16xi1>, vector<16xi32>
    %ge3A_1030 = arith.constant 31 : i32
    %ge3A_1031 = vector.broadcast %ge3A_1030 : i32 to vector<16xi32>
    %ge3A_1032 = arith.cmpi sge, %sub3A_907, %ge3A_1031 : vector<16xi32>
    %jit3A_1033 = arith.constant 21 : i32
    %broadcast_in_dim3A_1034 = vector.broadcast %jit3A_1033 : i32 to vector<16xi32>
    %select_n3A_1035 = arith.select %ge3A_1032, %broadcast_in_dim3A_1034, %select_n3A_1029 : vector<16xi1>, vector<16xi32>
    %ge3A_1036 = arith.constant 35 : i32
    %ge3A_1037 = vector.broadcast %ge3A_1036 : i32 to vector<16xi32>
    %ge3A_1038 = arith.cmpi sge, %sub3A_907, %ge3A_1037 : vector<16xi32>
    %jit3A_1039 = arith.constant 22 : i32
    %broadcast_in_dim3A_1040 = vector.broadcast %jit3A_1039 : i32 to vector<16xi32>
    %select_n3A_1041 = arith.select %ge3A_1038, %broadcast_in_dim3A_1040, %select_n3A_1035 : vector<16xi1>, vector<16xi32>
    %ge3A_1042 = arith.constant 40 : i32
    %ge3A_1043 = vector.broadcast %ge3A_1042 : i32 to vector<16xi32>
    %ge3A_1044 = arith.cmpi sge, %sub3A_907, %ge3A_1043 : vector<16xi32>
    %jit3A_1045 = arith.constant 23 : i32
    %broadcast_in_dim3A_1046 = vector.broadcast %jit3A_1045 : i32 to vector<16xi32>
    %select_n3A_1047 = arith.select %ge3A_1044, %broadcast_in_dim3A_1046, %select_n3A_1041 : vector<16xi1>, vector<16xi32>
    %ge3A_1048 = arith.constant 46 : i32
    %ge3A_1049 = vector.broadcast %ge3A_1048 : i32 to vector<16xi32>
    %ge3A_1050 = arith.cmpi sge, %sub3A_907, %ge3A_1049 : vector<16xi32>
    %jit3A_1051 = arith.constant 24 : i32
    %broadcast_in_dim3A_1052 = vector.broadcast %jit3A_1051 : i32 to vector<16xi32>
    %select_n3A_1053 = arith.select %ge3A_1050, %broadcast_in_dim3A_1052, %select_n3A_1047 : vector<16xi1>, vector<16xi32>
    %ge3A_1054 = arith.constant 52 : i32
    %ge3A_1055 = vector.broadcast %ge3A_1054 : i32 to vector<16xi32>
    %ge3A_1056 = arith.cmpi sge, %sub3A_907, %ge3A_1055 : vector<16xi32>
    %jit3A_1057 = arith.constant 25 : i32
    %broadcast_in_dim3A_1058 = vector.broadcast %jit3A_1057 : i32 to vector<16xi32>
    %select_n3A_1059 = arith.select %ge3A_1056, %broadcast_in_dim3A_1058, %select_n3A_1053 : vector<16xi1>, vector<16xi32>
    %ge3A_1060 = arith.constant 59 : i32
    %ge3A_1061 = vector.broadcast %ge3A_1060 : i32 to vector<16xi32>
    %ge3A_1062 = arith.cmpi sge, %sub3A_907, %ge3A_1061 : vector<16xi32>
    %jit3A_1063 = arith.constant 26 : i32
    %broadcast_in_dim3A_1064 = vector.broadcast %jit3A_1063 : i32 to vector<16xi32>
    %select_n3A_1065 = arith.select %ge3A_1062, %broadcast_in_dim3A_1064, %select_n3A_1059 : vector<16xi1>, vector<16xi32>
    %ge3A_1066 = arith.constant 67 : i32
    %ge3A_1067 = vector.broadcast %ge3A_1066 : i32 to vector<16xi32>
    %ge3A_1068 = arith.cmpi sge, %sub3A_907, %ge3A_1067 : vector<16xi32>
    %jit3A_1069 = arith.constant 27 : i32
    %broadcast_in_dim3A_1070 = vector.broadcast %jit3A_1069 : i32 to vector<16xi32>
    %select_n3A_1071 = arith.select %ge3A_1068, %broadcast_in_dim3A_1070, %select_n3A_1065 : vector<16xi1>, vector<16xi32>
    %ge3A_1072 = arith.constant 77 : i32
    %ge3A_1073 = vector.broadcast %ge3A_1072 : i32 to vector<16xi32>
    %ge3A_1074 = arith.cmpi sge, %sub3A_907, %ge3A_1073 : vector<16xi32>
    %jit3A_1075 = arith.constant 28 : i32
    %broadcast_in_dim3A_1076 = vector.broadcast %jit3A_1075 : i32 to vector<16xi32>
    %select_n3A_1077 = arith.select %ge3A_1074, %broadcast_in_dim3A_1076, %select_n3A_1071 : vector<16xi1>, vector<16xi32>
    %ge3A_1078 = arith.constant 87 : i32
    %ge3A_1079 = vector.broadcast %ge3A_1078 : i32 to vector<16xi32>
    %ge3A_1080 = arith.cmpi sge, %sub3A_907, %ge3A_1079 : vector<16xi32>
    %jit3A_1081 = arith.constant 29 : i32
    %broadcast_in_dim3A_1082 = vector.broadcast %jit3A_1081 : i32 to vector<16xi32>
    %select_n3A_1083 = arith.select %ge3A_1080, %broadcast_in_dim3A_1082, %select_n3A_1077 : vector<16xi1>, vector<16xi32>
    %ge3A_1084 = arith.constant 99 : i32
    %ge3A_1085 = vector.broadcast %ge3A_1084 : i32 to vector<16xi32>
    %ge3A_1086 = arith.cmpi sge, %sub3A_907, %ge3A_1085 : vector<16xi32>
    %jit3A_1087 = arith.constant 30 : i32
    %broadcast_in_dim3A_1088 = vector.broadcast %jit3A_1087 : i32 to vector<16xi32>
    %select_n3A_1089 = arith.select %ge3A_1086, %broadcast_in_dim3A_1088, %select_n3A_1083 : vector<16xi1>, vector<16xi32>
    %ge3A_1090 = arith.constant 113 : i32
    %ge3A_1091 = vector.broadcast %ge3A_1090 : i32 to vector<16xi32>
    %ge3A_1092 = arith.cmpi sge, %sub3A_907, %ge3A_1091 : vector<16xi32>
    %jit3A_1093 = arith.constant 31 : i32
    %broadcast_in_dim3A_1094 = vector.broadcast %jit3A_1093 : i32 to vector<16xi32>
    %select_n3A_1095 = arith.select %ge3A_1092, %broadcast_in_dim3A_1094, %select_n3A_1089 : vector<16xi1>, vector<16xi32>
    %and3A_1096 = arith.constant 15 : i32
    %and3A_1097 = vector.broadcast %and3A_1096 : i32 to vector<16xi32>
    %and3A_1098 = arith.andi %select_n3A_1095, %and3A_1097 : vector<16xi32>
    %lt3A_1099 = arith.constant 16 : i32
    %lt3A_1100 = vector.broadcast %lt3A_1099 : i32 to vector<16xi32>
    %lt3A_1101 = arith.cmpi slt, %select_n3A_1095, %lt3A_1100 : vector<16xi32>
    %broadcast_in_dim3A_1102 = vector.shape_cast %and3A_1098 : vector<16xi32> to vector<16x1xi32>
    %gather3A_1103 = vector.shape_cast %broadcast_in_dim3A_1102 : vector<16x1xi32> to vector<16xi32>
    %gather3A_1104 = tpu.dynamic_gather %mul3A_15[%gather3A_1103] in [0] : vector<16xf32>, vector<16xi32> -> vector<16xf32>
    %broadcast_in_dim3A_1105 = vector.shape_cast %and3A_1098 : vector<16xi32> to vector<16x1xi32>
    %gather3A_1106 = vector.shape_cast %broadcast_in_dim3A_1105 : vector<16x1xi32> to vector<16xi32>
    %gather3A_1107 = tpu.dynamic_gather %mul3A_21[%gather3A_1106] in [0] : vector<16xf32>, vector<16xi32> -> vector<16xf32>
    %select_n3A_1108 = arith.select %lt3A_1101, %gather3A_1104, %gather3A_1107 : vector<16xi1>, vector<16xf32>
    %swap3A_1109 = arith.constant 4016 : index
    %swap3A_1110 = tpu.vector_load %arg5[%swap3A_1109] {strides = array<i32>} : memref<8192xf32, #tpu.memory_space<vmem>>, vector<16xf32>,
    %swap3A_1111 = vector.shape_cast %swap3A_1110 : vector<16xf32> to vector<16xf32>
    %swap3A_1112 = vector.shape_cast %select_n3A_1108 : vector<16xf32> to vector<16xf32>
    tpu.vector_store %arg5[%swap3A_1109], %swap3A_1112 {strides = array<i32>} : memref<8192xf32, #tpu.memory_space<vmem>>, vector<16xf32>,
    %sub3A_1113 = arith.constant 4095 : i32
    %sub3A_1114 = arith.subi %sub3A_1113, %select_n3A_10 : i32
    %add3A_1115 = arith.constant 4032 : i32
    %add3A_1116 = vector.broadcast %add3A_1115 : i32 to vector<16xi32>
    %add3A_1117 = arith.addi %add3A_1116, %iota3A : vector<16xi32>
    %sub3A_1118 = vector.broadcast %sub3A_1114 : i32 to vector<16xi32>
    %sub3A_1119 = arith.subi %sub3A_1118, %add3A_1117 : vector<16xi32>
    %broadcast_in_dim3A_1120 = arith.constant 0 : i32
    %broadcast_in_dim3A_1121 = vector.broadcast %broadcast_in_dim3A_1120 : i32 to vector<16xi32>
    %ge3A_1122 = arith.constant 1 : i32
    %ge3A_1123 = vector.broadcast %ge3A_1122 : i32 to vector<16xi32>
    %ge3A_1124 = arith.cmpi sge, %sub3A_1119, %ge3A_1123 : vector<16xi32>
    %jit3A_1125 = arith.constant 1 : i32
    %broadcast_in_dim3A_1126 = vector.broadcast %jit3A_1125 : i32 to vector<16xi32>
    %select_n3A_1127 = arith.select %ge3A_1124, %broadcast_in_dim3A_1126, %broadcast_in_dim3A_1121 : vector<16xi1>, vector<16xi32>
    %ge3A_1128 = arith.constant 2 : i32
    %ge3A_1129 = vector.broadcast %ge3A_1128 : i32 to vector<16xi32>
    %ge3A_1130 = arith.cmpi sge, %sub3A_1119, %ge3A_1129 : vector<16xi32>
    %jit3A_1131 = arith.constant 2 : i32
    %broadcast_in_dim3A_1132 = vector.broadcast %jit3A_1131 : i32 to vector<16xi32>
    %select_n3A_1133 = arith.select %ge3A_1130, %broadcast_in_dim3A_1132, %select_n3A_1127 : vector<16xi1>, vector<16xi32>
    %ge3A_1134 = arith.constant 3 : i32
    %ge3A_1135 = vector.broadcast %ge3A_1134 : i32 to vector<16xi32>
    %ge3A_1136 = arith.cmpi sge, %sub3A_1119, %ge3A_1135 : vector<16xi32>
    %jit3A_1137 = arith.constant 3 : i32
    %broadcast_in_dim3A_1138 = vector.broadcast %jit3A_1137 : i32 to vector<16xi32>
    %select_n3A_1139 = arith.select %ge3A_1136, %broadcast_in_dim3A_1138, %select_n3A_1133 : vector<16xi1>, vector<16xi32>
    %ge3A_1140 = arith.constant 4 : i32
    %ge3A_1141 = vector.broadcast %ge3A_1140 : i32 to vector<16xi32>
    %ge3A_1142 = arith.cmpi sge, %sub3A_1119, %ge3A_1141 : vector<16xi32>
    %jit3A_1143 = arith.constant 4 : i32
    %broadcast_in_dim3A_1144 = vector.broadcast %jit3A_1143 : i32 to vector<16xi32>
    %select_n3A_1145 = arith.select %ge3A_1142, %broadcast_in_dim3A_1144, %select_n3A_1139 : vector<16xi1>, vector<16xi32>
    %ge3A_1146 = arith.constant 5 : i32
    %ge3A_1147 = vector.broadcast %ge3A_1146 : i32 to vector<16xi32>
    %ge3A_1148 = arith.cmpi sge, %sub3A_1119, %ge3A_1147 : vector<16xi32>
    %jit3A_1149 = arith.constant 5 : i32
    %broadcast_in_dim3A_1150 = vector.broadcast %jit3A_1149 : i32 to vector<16xi32>
    %select_n3A_1151 = arith.select %ge3A_1148, %broadcast_in_dim3A_1150, %select_n3A_1145 : vector<16xi1>, vector<16xi32>
    %ge3A_1152 = arith.constant 6 : i32
    %ge3A_1153 = vector.broadcast %ge3A_1152 : i32 to vector<16xi32>
    %ge3A_1154 = arith.cmpi sge, %sub3A_1119, %ge3A_1153 : vector<16xi32>
    %jit3A_1155 = arith.constant 6 : i32
    %broadcast_in_dim3A_1156 = vector.broadcast %jit3A_1155 : i32 to vector<16xi32>
    %select_n3A_1157 = arith.select %ge3A_1154, %broadcast_in_dim3A_1156, %select_n3A_1151 : vector<16xi1>, vector<16xi32>
    %ge3A_1158 = arith.constant 7 : i32
    %ge3A_1159 = vector.broadcast %ge3A_1158 : i32 to vector<16xi32>
    %ge3A_1160 = arith.cmpi sge, %sub3A_1119, %ge3A_1159 : vector<16xi32>
    %jit3A_1161 = arith.constant 7 : i32
    %broadcast_in_dim3A_1162 = vector.broadcast %jit3A_1161 : i32 to vector<16xi32>
    %select_n3A_1163 = arith.select %ge3A_1160, %broadcast_in_dim3A_1162, %select_n3A_1157 : vector<16xi1>, vector<16xi32>
    %ge3A_1164 = arith.constant 8 : i32
    %ge3A_1165 = vector.broadcast %ge3A_1164 : i32 to vector<16xi32>
    %ge3A_1166 = arith.cmpi sge, %sub3A_1119, %ge3A_1165 : vector<16xi32>
    %jit3A_1167 = arith.constant 8 : i32
    %broadcast_in_dim3A_1168 = vector.broadcast %jit3A_1167 : i32 to vector<16xi32>
    %select_n3A_1169 = arith.select %ge3A_1166, %broadcast_in_dim3A_1168, %select_n3A_1163 : vector<16xi1>, vector<16xi32>
    %ge3A_1170 = arith.constant 9 : i32
    %ge3A_1171 = vector.broadcast %ge3A_1170 : i32 to vector<16xi32>
    %ge3A_1172 = arith.cmpi sge, %sub3A_1119, %ge3A_1171 : vector<16xi32>
    %jit3A_1173 = arith.constant 9 : i32
    %broadcast_in_dim3A_1174 = vector.broadcast %jit3A_1173 : i32 to vector<16xi32>
    %select_n3A_1175 = arith.select %ge3A_1172, %broadcast_in_dim3A_1174, %select_n3A_1169 : vector<16xi1>, vector<16xi32>
    %ge3A_1176 = arith.constant 10 : i32
    %ge3A_1177 = vector.broadcast %ge3A_1176 : i32 to vector<16xi32>
    %ge3A_1178 = arith.cmpi sge, %sub3A_1119, %ge3A_1177 : vector<16xi32>
    %jit3A_1179 = arith.constant 10 : i32
    %broadcast_in_dim3A_1180 = vector.broadcast %jit3A_1179 : i32 to vector<16xi32>
    %select_n3A_1181 = arith.select %ge3A_1178, %broadcast_in_dim3A_1180, %select_n3A_1175 : vector<16xi1>, vector<16xi32>
    %ge3A_1182 = arith.constant 11 : i32
    %ge3A_1183 = vector.broadcast %ge3A_1182 : i32 to vector<16xi32>
    %ge3A_1184 = arith.cmpi sge, %sub3A_1119, %ge3A_1183 : vector<16xi32>
    %jit3A_1185 = arith.constant 11 : i32
    %broadcast_in_dim3A_1186 = vector.broadcast %jit3A_1185 : i32 to vector<16xi32>
    %select_n3A_1187 = arith.select %ge3A_1184, %broadcast_in_dim3A_1186, %select_n3A_1181 : vector<16xi1>, vector<16xi32>
    %ge3A_1188 = arith.constant 12 : i32
    %ge3A_1189 = vector.broadcast %ge3A_1188 : i32 to vector<16xi32>
    %ge3A_1190 = arith.cmpi sge, %sub3A_1119, %ge3A_1189 : vector<16xi32>
    %jit3A_1191 = arith.constant 12 : i32
    %broadcast_in_dim3A_1192 = vector.broadcast %jit3A_1191 : i32 to vector<16xi32>
    %select_n3A_1193 = arith.select %ge3A_1190, %broadcast_in_dim3A_1192, %select_n3A_1187 : vector<16xi1>, vector<16xi32>
    %ge3A_1194 = arith.constant 13 : i32
    %ge3A_1195 = vector.broadcast %ge3A_1194 : i32 to vector<16xi32>
    %ge3A_1196 = arith.cmpi sge, %sub3A_1119, %ge3A_1195 : vector<16xi32>
    %jit3A_1197 = arith.constant 13 : i32
    %broadcast_in_dim3A_1198 = vector.broadcast %jit3A_1197 : i32 to vector<16xi32>
    %select_n3A_1199 = arith.select %ge3A_1196, %broadcast_in_dim3A_1198, %select_n3A_1193 : vector<16xi1>, vector<16xi32>
    %ge3A_1200 = arith.constant 14 : i32
    %ge3A_1201 = vector.broadcast %ge3A_1200 : i32 to vector<16xi32>
    %ge3A_1202 = arith.cmpi sge, %sub3A_1119, %ge3A_1201 : vector<16xi32>
    %jit3A_1203 = arith.constant 14 : i32
    %broadcast_in_dim3A_1204 = vector.broadcast %jit3A_1203 : i32 to vector<16xi32>
    %select_n3A_1205 = arith.select %ge3A_1202, %broadcast_in_dim3A_1204, %select_n3A_1199 : vector<16xi1>, vector<16xi32>
    %ge3A_1206 = arith.constant 15 : i32
    %ge3A_1207 = vector.broadcast %ge3A_1206 : i32 to vector<16xi32>
    %ge3A_1208 = arith.cmpi sge, %sub3A_1119, %ge3A_1207 : vector<16xi32>
    %jit3A_1209 = arith.constant 15 : i32
    %broadcast_in_dim3A_1210 = vector.broadcast %jit3A_1209 : i32 to vector<16xi32>
    %select_n3A_1211 = arith.select %ge3A_1208, %broadcast_in_dim3A_1210, %select_n3A_1205 : vector<16xi1>, vector<16xi32>
    %ge3A_1212 = arith.constant 16 : i32
    %ge3A_1213 = vector.broadcast %ge3A_1212 : i32 to vector<16xi32>
    %ge3A_1214 = arith.cmpi sge, %sub3A_1119, %ge3A_1213 : vector<16xi32>
    %jit3A_1215 = arith.constant 16 : i32
    %broadcast_in_dim3A_1216 = vector.broadcast %jit3A_1215 : i32 to vector<16xi32>
    %select_n3A_1217 = arith.select %ge3A_1214, %broadcast_in_dim3A_1216, %select_n3A_1211 : vector<16xi1>, vector<16xi32>
    %ge3A_1218 = arith.constant 19 : i32
    %ge3A_1219 = vector.broadcast %ge3A_1218 : i32 to vector<16xi32>
    %ge3A_1220 = arith.cmpi sge, %sub3A_1119, %ge3A_1219 : vector<16xi32>
    %jit3A_1221 = arith.constant 17 : i32
    %broadcast_in_dim3A_1222 = vector.broadcast %jit3A_1221 : i32 to vector<16xi32>
    %select_n3A_1223 = arith.select %ge3A_1220, %broadcast_in_dim3A_1222, %select_n3A_1217 : vector<16xi1>, vector<16xi32>
    %ge3A_1224 = arith.constant 21 : i32
    %ge3A_1225 = vector.broadcast %ge3A_1224 : i32 to vector<16xi32>
    %ge3A_1226 = arith.cmpi sge, %sub3A_1119, %ge3A_1225 : vector<16xi32>
    %jit3A_1227 = arith.constant 18 : i32
    %broadcast_in_dim3A_1228 = vector.broadcast %jit3A_1227 : i32 to vector<16xi32>
    %select_n3A_1229 = arith.select %ge3A_1226, %broadcast_in_dim3A_1228, %select_n3A_1223 : vector<16xi1>, vector<16xi32>
    %ge3A_1230 = arith.constant 24 : i32
    %ge3A_1231 = vector.broadcast %ge3A_1230 : i32 to vector<16xi32>
    %ge3A_1232 = arith.cmpi sge, %sub3A_1119, %ge3A_1231 : vector<16xi32>
    %jit3A_1233 = arith.constant 19 : i32
    %broadcast_in_dim3A_1234 = vector.broadcast %jit3A_1233 : i32 to vector<16xi32>
    %select_n3A_1235 = arith.select %ge3A_1232, %broadcast_in_dim3A_1234, %select_n3A_1229 : vector<16xi1>, vector<16xi32>
    %ge3A_1236 = arith.constant 27 : i32
    %ge3A_1237 = vector.broadcast %ge3A_1236 : i32 to vector<16xi32>
    %ge3A_1238 = arith.cmpi sge, %sub3A_1119, %ge3A_1237 : vector<16xi32>
    %jit3A_1239 = arith.constant 20 : i32
    %broadcast_in_dim3A_1240 = vector.broadcast %jit3A_1239 : i32 to vector<16xi32>
    %select_n3A_1241 = arith.select %ge3A_1238, %broadcast_in_dim3A_1240, %select_n3A_1235 : vector<16xi1>, vector<16xi32>
    %ge3A_1242 = arith.constant 31 : i32
    %ge3A_1243 = vector.broadcast %ge3A_1242 : i32 to vector<16xi32>
    %ge3A_1244 = arith.cmpi sge, %sub3A_1119, %ge3A_1243 : vector<16xi32>
    %jit3A_1245 = arith.constant 21 : i32
    %broadcast_in_dim3A_1246 = vector.broadcast %jit3A_1245 : i32 to vector<16xi32>
    %select_n3A_1247 = arith.select %ge3A_1244, %broadcast_in_dim3A_1246, %select_n3A_1241 : vector<16xi1>, vector<16xi32>
    %ge3A_1248 = arith.constant 35 : i32
    %ge3A_1249 = vector.broadcast %ge3A_1248 : i32 to vector<16xi32>
    %ge3A_1250 = arith.cmpi sge, %sub3A_1119, %ge3A_1249 : vector<16xi32>
    %jit3A_1251 = arith.constant 22 : i32
    %broadcast_in_dim3A_1252 = vector.broadcast %jit3A_1251 : i32 to vector<16xi32>
    %select_n3A_1253 = arith.select %ge3A_1250, %broadcast_in_dim3A_1252, %select_n3A_1247 : vector<16xi1>, vector<16xi32>
    %ge3A_1254 = arith.constant 40 : i32
    %ge3A_1255 = vector.broadcast %ge3A_1254 : i32 to vector<16xi32>
    %ge3A_1256 = arith.cmpi sge, %sub3A_1119, %ge3A_1255 : vector<16xi32>
    %jit3A_1257 = arith.constant 23 : i32
    %broadcast_in_dim3A_1258 = vector.broadcast %jit3A_1257 : i32 to vector<16xi32>
    %select_n3A_1259 = arith.select %ge3A_1256, %broadcast_in_dim3A_1258, %select_n3A_1253 : vector<16xi1>, vector<16xi32>
    %ge3A_1260 = arith.constant 46 : i32
    %ge3A_1261 = vector.broadcast %ge3A_1260 : i32 to vector<16xi32>
    %ge3A_1262 = arith.cmpi sge, %sub3A_1119, %ge3A_1261 : vector<16xi32>
    %jit3A_1263 = arith.constant 24 : i32
    %broadcast_in_dim3A_1264 = vector.broadcast %jit3A_1263 : i32 to vector<16xi32>
    %select_n3A_1265 = arith.select %ge3A_1262, %broadcast_in_dim3A_1264, %select_n3A_1259 : vector<16xi1>, vector<16xi32>
    %ge3A_1266 = arith.constant 52 : i32
    %ge3A_1267 = vector.broadcast %ge3A_1266 : i32 to vector<16xi32>
    %ge3A_1268 = arith.cmpi sge, %sub3A_1119, %ge3A_1267 : vector<16xi32>
    %jit3A_1269 = arith.constant 25 : i32
    %broadcast_in_dim3A_1270 = vector.broadcast %jit3A_1269 : i32 to vector<16xi32>
    %select_n3A_1271 = arith.select %ge3A_1268, %broadcast_in_dim3A_1270, %select_n3A_1265 : vector<16xi1>, vector<16xi32>
    %ge3A_1272 = arith.constant 59 : i32
    %ge3A_1273 = vector.broadcast %ge3A_1272 : i32 to vector<16xi32>
    %ge3A_1274 = arith.cmpi sge, %sub3A_1119, %ge3A_1273 : vector<16xi32>
    %jit3A_1275 = arith.constant 26 : i32
    %broadcast_in_dim3A_1276 = vector.broadcast %jit3A_1275 : i32 to vector<16xi32>
    %select_n3A_1277 = arith.select %ge3A_1274, %broadcast_in_dim3A_1276, %select_n3A_1271 : vector<16xi1>, vector<16xi32>
    %ge3A_1278 = arith.constant 67 : i32
    %ge3A_1279 = vector.broadcast %ge3A_1278 : i32 to vector<16xi32>
    %ge3A_1280 = arith.cmpi sge, %sub3A_1119, %ge3A_1279 : vector<16xi32>
    %jit3A_1281 = arith.constant 27 : i32
    %broadcast_in_dim3A_1282 = vector.broadcast %jit3A_1281 : i32 to vector<16xi32>
    %select_n3A_1283 = arith.select %ge3A_1280, %broadcast_in_dim3A_1282, %select_n3A_1277 : vector<16xi1>, vector<16xi32>
    %ge3A_1284 = arith.constant 77 : i32
    %ge3A_1285 = vector.broadcast %ge3A_1284 : i32 to vector<16xi32>
    %ge3A_1286 = arith.cmpi sge, %sub3A_1119, %ge3A_1285 : vector<16xi32>
    %jit3A_1287 = arith.constant 28 : i32
    %broadcast_in_dim3A_1288 = vector.broadcast %jit3A_1287 : i32 to vector<16xi32>
    %select_n3A_1289 = arith.select %ge3A_1286, %broadcast_in_dim3A_1288, %select_n3A_1283 : vector<16xi1>, vector<16xi32>
    %ge3A_1290 = arith.constant 87 : i32
    %ge3A_1291 = vector.broadcast %ge3A_1290 : i32 to vector<16xi32>
    %ge3A_1292 = arith.cmpi sge, %sub3A_1119, %ge3A_1291 : vector<16xi32>
    %jit3A_1293 = arith.constant 29 : i32
    %broadcast_in_dim3A_1294 = vector.broadcast %jit3A_1293 : i32 to vector<16xi32>
    %select_n3A_1295 = arith.select %ge3A_1292, %broadcast_in_dim3A_1294, %select_n3A_1289 : vector<16xi1>, vector<16xi32>
    %ge3A_1296 = arith.constant 99 : i32
    %ge3A_1297 = vector.broadcast %ge3A_1296 : i32 to vector<16xi32>
    %ge3A_1298 = arith.cmpi sge, %sub3A_1119, %ge3A_1297 : vector<16xi32>
    %jit3A_1299 = arith.constant 30 : i32
    %broadcast_in_dim3A_1300 = vector.broadcast %jit3A_1299 : i32 to vector<16xi32>
    %select_n3A_1301 = arith.select %ge3A_1298, %broadcast_in_dim3A_1300, %select_n3A_1295 : vector<16xi1>, vector<16xi32>
    %ge3A_1302 = arith.constant 113 : i32
    %ge3A_1303 = vector.broadcast %ge3A_1302 : i32 to vector<16xi32>
    %ge3A_1304 = arith.cmpi sge, %sub3A_1119, %ge3A_1303 : vector<16xi32>
    %jit3A_1305 = arith.constant 31 : i32
    %broadcast_in_dim3A_1306 = vector.broadcast %jit3A_1305 : i32 to vector<16xi32>
    %select_n3A_1307 = arith.select %ge3A_1304, %broadcast_in_dim3A_1306, %select_n3A_1301 : vector<16xi1>, vector<16xi32>
    %and3A_1308 = arith.constant 15 : i32
    %and3A_1309 = vector.broadcast %and3A_1308 : i32 to vector<16xi32>
    %and3A_1310 = arith.andi %select_n3A_1307, %and3A_1309 : vector<16xi32>
    %lt3A_1311 = arith.constant 16 : i32
    %lt3A_1312 = vector.broadcast %lt3A_1311 : i32 to vector<16xi32>
    %lt3A_1313 = arith.cmpi slt, %select_n3A_1307, %lt3A_1312 : vector<16xi32>
    %broadcast_in_dim3A_1314 = vector.shape_cast %and3A_1310 : vector<16xi32> to vector<16x1xi32>
    %gather3A_1315 = vector.shape_cast %broadcast_in_dim3A_1314 : vector<16x1xi32> to vector<16xi32>
    %gather3A_1316 = tpu.dynamic_gather %mul3A_15[%gather3A_1315] in [0] : vector<16xf32>, vector<16xi32> -> vector<16xf32>
    %broadcast_in_dim3A_1317 = vector.shape_cast %and3A_1310 : vector<16xi32> to vector<16x1xi32>
    %gather3A_1318 = vector.shape_cast %broadcast_in_dim3A_1317 : vector<16x1xi32> to vector<16xi32>
    %gather3A_1319 = tpu.dynamic_gather %mul3A_21[%gather3A_1318] in [0] : vector<16xf32>, vector<16xi32> -> vector<16xf32>
    %select_n3A_1320 = arith.select %lt3A_1313, %gather3A_1316, %gather3A_1319 : vector<16xi1>, vector<16xf32>
    %swap3A_1321 = arith.constant 4032 : index
    %swap3A_1322 = tpu.vector_load %arg5[%swap3A_1321] {strides = array<i32>} : memref<8192xf32, #tpu.memory_space<vmem>>, vector<16xf32>,
    %swap3A_1323 = vector.shape_cast %swap3A_1322 : vector<16xf32> to vector<16xf32>
    %swap3A_1324 = vector.shape_cast %select_n3A_1320 : vector<16xf32> to vector<16xf32>
    tpu.vector_store %arg5[%swap3A_1321], %swap3A_1324 {strides = array<i32>} : memref<8192xf32, #tpu.memory_space<vmem>>, vector<16xf32>,
    %sub3A_1325 = arith.constant 4095 : i32
    %sub3A_1326 = arith.subi %sub3A_1325, %select_n3A_10 : i32
    %add3A_1327 = arith.constant 4048 : i32
    %add3A_1328 = vector.broadcast %add3A_1327 : i32 to vector<16xi32>
    %add3A_1329 = arith.addi %add3A_1328, %iota3A : vector<16xi32>
    %sub3A_1330 = vector.broadcast %sub3A_1326 : i32 to vector<16xi32>
    %sub3A_1331 = arith.subi %sub3A_1330, %add3A_1329 : vector<16xi32>
    %broadcast_in_dim3A_1332 = arith.constant 0 : i32
    %broadcast_in_dim3A_1333 = vector.broadcast %broadcast_in_dim3A_1332 : i32 to vector<16xi32>
    %ge3A_1334 = arith.constant 1 : i32
    %ge3A_1335 = vector.broadcast %ge3A_1334 : i32 to vector<16xi32>
    %ge3A_1336 = arith.cmpi sge, %sub3A_1331, %ge3A_1335 : vector<16xi32>
    %jit3A_1337 = arith.constant 1 : i32
    %broadcast_in_dim3A_1338 = vector.broadcast %jit3A_1337 : i32 to vector<16xi32>
    %select_n3A_1339 = arith.select %ge3A_1336, %broadcast_in_dim3A_1338, %broadcast_in_dim3A_1333 : vector<16xi1>, vector<16xi32>
    %ge3A_1340 = arith.constant 2 : i32
    %ge3A_1341 = vector.broadcast %ge3A_1340 : i32 to vector<16xi32>
    %ge3A_1342 = arith.cmpi sge, %sub3A_1331, %ge3A_1341 : vector<16xi32>
    %jit3A_1343 = arith.constant 2 : i32
    %broadcast_in_dim3A_1344 = vector.broadcast %jit3A_1343 : i32 to vector<16xi32>
    %select_n3A_1345 = arith.select %ge3A_1342, %broadcast_in_dim3A_1344, %select_n3A_1339 : vector<16xi1>, vector<16xi32>
    %ge3A_1346 = arith.constant 3 : i32
    %ge3A_1347 = vector.broadcast %ge3A_1346 : i32 to vector<16xi32>
    %ge3A_1348 = arith.cmpi sge, %sub3A_1331, %ge3A_1347 : vector<16xi32>
    %jit3A_1349 = arith.constant 3 : i32
    %broadcast_in_dim3A_1350 = vector.broadcast %jit3A_1349 : i32 to vector<16xi32>
    %select_n3A_1351 = arith.select %ge3A_1348, %broadcast_in_dim3A_1350, %select_n3A_1345 : vector<16xi1>, vector<16xi32>
    %ge3A_1352 = arith.constant 4 : i32
    %ge3A_1353 = vector.broadcast %ge3A_1352 : i32 to vector<16xi32>
    %ge3A_1354 = arith.cmpi sge, %sub3A_1331, %ge3A_1353 : vector<16xi32>
    %jit3A_1355 = arith.constant 4 : i32
    %broadcast_in_dim3A_1356 = vector.broadcast %jit3A_1355 : i32 to vector<16xi32>
    %select_n3A_1357 = arith.select %ge3A_1354, %broadcast_in_dim3A_1356, %select_n3A_1351 : vector<16xi1>, vector<16xi32>
    %ge3A_1358 = arith.constant 5 : i32
    %ge3A_1359 = vector.broadcast %ge3A_1358 : i32 to vector<16xi32>
    %ge3A_1360 = arith.cmpi sge, %sub3A_1331, %ge3A_1359 : vector<16xi32>
    %jit3A_1361 = arith.constant 5 : i32
    %broadcast_in_dim3A_1362 = vector.broadcast %jit3A_1361 : i32 to vector<16xi32>
    %select_n3A_1363 = arith.select %ge3A_1360, %broadcast_in_dim3A_1362, %select_n3A_1357 : vector<16xi1>, vector<16xi32>
    %ge3A_1364 = arith.constant 6 : i32
    %ge3A_1365 = vector.broadcast %ge3A_1364 : i32 to vector<16xi32>
    %ge3A_1366 = arith.cmpi sge, %sub3A_1331, %ge3A_1365 : vector<16xi32>
    %jit3A_1367 = arith.constant 6 : i32
    %broadcast_in_dim3A_1368 = vector.broadcast %jit3A_1367 : i32 to vector<16xi32>
    %select_n3A_1369 = arith.select %ge3A_1366, %broadcast_in_dim3A_1368, %select_n3A_1363 : vector<16xi1>, vector<16xi32>
    %ge3A_1370 = arith.constant 7 : i32
    %ge3A_1371 = vector.broadcast %ge3A_1370 : i32 to vector<16xi32>
    %ge3A_1372 = arith.cmpi sge, %sub3A_1331, %ge3A_1371 : vector<16xi32>
    %jit3A_1373 = arith.constant 7 : i32
    %broadcast_in_dim3A_1374 = vector.broadcast %jit3A_1373 : i32 to vector<16xi32>
    %select_n3A_1375 = arith.select %ge3A_1372, %broadcast_in_dim3A_1374, %select_n3A_1369 : vector<16xi1>, vector<16xi32>
    %ge3A_1376 = arith.constant 8 : i32
    %ge3A_1377 = vector.broadcast %ge3A_1376 : i32 to vector<16xi32>
    %ge3A_1378 = arith.cmpi sge, %sub3A_1331, %ge3A_1377 : vector<16xi32>
    %jit3A_1379 = arith.constant 8 : i32
    %broadcast_in_dim3A_1380 = vector.broadcast %jit3A_1379 : i32 to vector<16xi32>
    %select_n3A_1381 = arith.select %ge3A_1378, %broadcast_in_dim3A_1380, %select_n3A_1375 : vector<16xi1>, vector<16xi32>
    %ge3A_1382 = arith.constant 9 : i32
    %ge3A_1383 = vector.broadcast %ge3A_1382 : i32 to vector<16xi32>
    %ge3A_1384 = arith.cmpi sge, %sub3A_1331, %ge3A_1383 : vector<16xi32>
    %jit3A_1385 = arith.constant 9 : i32
    %broadcast_in_dim3A_1386 = vector.broadcast %jit3A_1385 : i32 to vector<16xi32>
    %select_n3A_1387 = arith.select %ge3A_1384, %broadcast_in_dim3A_1386, %select_n3A_1381 : vector<16xi1>, vector<16xi32>
    %ge3A_1388 = arith.constant 10 : i32
    %ge3A_1389 = vector.broadcast %ge3A_1388 : i32 to vector<16xi32>
    %ge3A_1390 = arith.cmpi sge, %sub3A_1331, %ge3A_1389 : vector<16xi32>
    %jit3A_1391 = arith.constant 10 : i32
    %broadcast_in_dim3A_1392 = vector.broadcast %jit3A_1391 : i32 to vector<16xi32>
    %select_n3A_1393 = arith.select %ge3A_1390, %broadcast_in_dim3A_1392, %select_n3A_1387 : vector<16xi1>, vector<16xi32>
    %ge3A_1394 = arith.constant 11 : i32
    %ge3A_1395 = vector.broadcast %ge3A_1394 : i32 to vector<16xi32>
    %ge3A_1396 = arith.cmpi sge, %sub3A_1331, %ge3A_1395 : vector<16xi32>
    %jit3A_1397 = arith.constant 11 : i32
    %broadcast_in_dim3A_1398 = vector.broadcast %jit3A_1397 : i32 to vector<16xi32>
    %select_n3A_1399 = arith.select %ge3A_1396, %broadcast_in_dim3A_1398, %select_n3A_1393 : vector<16xi1>, vector<16xi32>
    %ge3A_1400 = arith.constant 12 : i32
    %ge3A_1401 = vector.broadcast %ge3A_1400 : i32 to vector<16xi32>
    %ge3A_1402 = arith.cmpi sge, %sub3A_1331, %ge3A_1401 : vector<16xi32>
    %jit3A_1403 = arith.constant 12 : i32
    %broadcast_in_dim3A_1404 = vector.broadcast %jit3A_1403 : i32 to vector<16xi32>
    %select_n3A_1405 = arith.select %ge3A_1402, %broadcast_in_dim3A_1404, %select_n3A_1399 : vector<16xi1>, vector<16xi32>
    %ge3A_1406 = arith.constant 13 : i32
    %ge3A_1407 = vector.broadcast %ge3A_1406 : i32 to vector<16xi32>
    %ge3A_1408 = arith.cmpi sge, %sub3A_1331, %ge3A_1407 : vector<16xi32>
    %jit3A_1409 = arith.constant 13 : i32
    %broadcast_in_dim3A_1410 = vector.broadcast %jit3A_1409 : i32 to vector<16xi32>
    %select_n3A_1411 = arith.select %ge3A_1408, %broadcast_in_dim3A_1410, %select_n3A_1405 : vector<16xi1>, vector<16xi32>
    %ge3A_1412 = arith.constant 14 : i32
    %ge3A_1413 = vector.broadcast %ge3A_1412 : i32 to vector<16xi32>
    %ge3A_1414 = arith.cmpi sge, %sub3A_1331, %ge3A_1413 : vector<16xi32>
    %jit3A_1415 = arith.constant 14 : i32
    %broadcast_in_dim3A_1416 = vector.broadcast %jit3A_1415 : i32 to vector<16xi32>
    %select_n3A_1417 = arith.select %ge3A_1414, %broadcast_in_dim3A_1416, %select_n3A_1411 : vector<16xi1>, vector<16xi32>
    %ge3A_1418 = arith.constant 15 : i32
    %ge3A_1419 = vector.broadcast %ge3A_1418 : i32 to vector<16xi32>
    %ge3A_1420 = arith.cmpi sge, %sub3A_1331, %ge3A_1419 : vector<16xi32>
    %jit3A_1421 = arith.constant 15 : i32
    %broadcast_in_dim3A_1422 = vector.broadcast %jit3A_1421 : i32 to vector<16xi32>
    %select_n3A_1423 = arith.select %ge3A_1420, %broadcast_in_dim3A_1422, %select_n3A_1417 : vector<16xi1>, vector<16xi32>
    %ge3A_1424 = arith.constant 16 : i32
    %ge3A_1425 = vector.broadcast %ge3A_1424 : i32 to vector<16xi32>
    %ge3A_1426 = arith.cmpi sge, %sub3A_1331, %ge3A_1425 : vector<16xi32>
    %jit3A_1427 = arith.constant 16 : i32
    %broadcast_in_dim3A_1428 = vector.broadcast %jit3A_1427 : i32 to vector<16xi32>
    %select_n3A_1429 = arith.select %ge3A_1426, %broadcast_in_dim3A_1428, %select_n3A_1423 : vector<16xi1>, vector<16xi32>
    %ge3A_1430 = arith.constant 19 : i32
    %ge3A_1431 = vector.broadcast %ge3A_1430 : i32 to vector<16xi32>
    %ge3A_1432 = arith.cmpi sge, %sub3A_1331, %ge3A_1431 : vector<16xi32>
    %jit3A_1433 = arith.constant 17 : i32
    %broadcast_in_dim3A_1434 = vector.broadcast %jit3A_1433 : i32 to vector<16xi32>
    %select_n3A_1435 = arith.select %ge3A_1432, %broadcast_in_dim3A_1434, %select_n3A_1429 : vector<16xi1>, vector<16xi32>
    %ge3A_1436 = arith.constant 21 : i32
    %ge3A_1437 = vector.broadcast %ge3A_1436 : i32 to vector<16xi32>
    %ge3A_1438 = arith.cmpi sge, %sub3A_1331, %ge3A_1437 : vector<16xi32>
    %jit3A_1439 = arith.constant 18 : i32
    %broadcast_in_dim3A_1440 = vector.broadcast %jit3A_1439 : i32 to vector<16xi32>
    %select_n3A_1441 = arith.select %ge3A_1438, %broadcast_in_dim3A_1440, %select_n3A_1435 : vector<16xi1>, vector<16xi32>
    %ge3A_1442 = arith.constant 24 : i32
    %ge3A_1443 = vector.broadcast %ge3A_1442 : i32 to vector<16xi32>
    %ge3A_1444 = arith.cmpi sge, %sub3A_1331, %ge3A_1443 : vector<16xi32>
    %jit3A_1445 = arith.constant 19 : i32
    %broadcast_in_dim3A_1446 = vector.broadcast %jit3A_1445 : i32 to vector<16xi32>
    %select_n3A_1447 = arith.select %ge3A_1444, %broadcast_in_dim3A_1446, %select_n3A_1441 : vector<16xi1>, vector<16xi32>
    %ge3A_1448 = arith.constant 27 : i32
    %ge3A_1449 = vector.broadcast %ge3A_1448 : i32 to vector<16xi32>
    %ge3A_1450 = arith.cmpi sge, %sub3A_1331, %ge3A_1449 : vector<16xi32>
    %jit3A_1451 = arith.constant 20 : i32
    %broadcast_in_dim3A_1452 = vector.broadcast %jit3A_1451 : i32 to vector<16xi32>
    %select_n3A_1453 = arith.select %ge3A_1450, %broadcast_in_dim3A_1452, %select_n3A_1447 : vector<16xi1>, vector<16xi32>
    %ge3A_1454 = arith.constant 31 : i32
    %ge3A_1455 = vector.broadcast %ge3A_1454 : i32 to vector<16xi32>
    %ge3A_1456 = arith.cmpi sge, %sub3A_1331, %ge3A_1455 : vector<16xi32>
    %jit3A_1457 = arith.constant 21 : i32
    %broadcast_in_dim3A_1458 = vector.broadcast %jit3A_1457 : i32 to vector<16xi32>
    %select_n3A_1459 = arith.select %ge3A_1456, %broadcast_in_dim3A_1458, %select_n3A_1453 : vector<16xi1>, vector<16xi32>
    %ge3A_1460 = arith.constant 35 : i32
    %ge3A_1461 = vector.broadcast %ge3A_1460 : i32 to vector<16xi32>
    %ge3A_1462 = arith.cmpi sge, %sub3A_1331, %ge3A_1461 : vector<16xi32>
    %jit3A_1463 = arith.constant 22 : i32
    %broadcast_in_dim3A_1464 = vector.broadcast %jit3A_1463 : i32 to vector<16xi32>
    %select_n3A_1465 = arith.select %ge3A_1462, %broadcast_in_dim3A_1464, %select_n3A_1459 : vector<16xi1>, vector<16xi32>
    %ge3A_1466 = arith.constant 40 : i32
    %ge3A_1467 = vector.broadcast %ge3A_1466 : i32 to vector<16xi32>
    %ge3A_1468 = arith.cmpi sge, %sub3A_1331, %ge3A_1467 : vector<16xi32>
    %jit3A_1469 = arith.constant 23 : i32
    %broadcast_in_dim3A_1470 = vector.broadcast %jit3A_1469 : i32 to vector<16xi32>
    %select_n3A_1471 = arith.select %ge3A_1468, %broadcast_in_dim3A_1470, %select_n3A_1465 : vector<16xi1>, vector<16xi32>
    %ge3A_1472 = arith.constant 46 : i32
    %ge3A_1473 = vector.broadcast %ge3A_1472 : i32 to vector<16xi32>
    %ge3A_1474 = arith.cmpi sge, %sub3A_1331, %ge3A_1473 : vector<16xi32>
    %jit3A_1475 = arith.constant 24 : i32
    %broadcast_in_dim3A_1476 = vector.broadcast %jit3A_1475 : i32 to vector<16xi32>
    %select_n3A_1477 = arith.select %ge3A_1474, %broadcast_in_dim3A_1476, %select_n3A_1471 : vector<16xi1>, vector<16xi32>
    %ge3A_1478 = arith.constant 52 : i32
    %ge3A_1479 = vector.broadcast %ge3A_1478 : i32 to vector<16xi32>
    %ge3A_1480 = arith.cmpi sge, %sub3A_1331, %ge3A_1479 : vector<16xi32>
    %jit3A_1481 = arith.constant 25 : i32
    %broadcast_in_dim3A_1482 = vector.broadcast %jit3A_1481 : i32 to vector<16xi32>
    %select_n3A_1483 = arith.select %ge3A_1480, %broadcast_in_dim3A_1482, %select_n3A_1477 : vector<16xi1>, vector<16xi32>
    %ge3A_1484 = arith.constant 59 : i32
    %ge3A_1485 = vector.broadcast %ge3A_1484 : i32 to vector<16xi32>
    %ge3A_1486 = arith.cmpi sge, %sub3A_1331, %ge3A_1485 : vector<16xi32>
    %jit3A_1487 = arith.constant 26 : i32
    %broadcast_in_dim3A_1488 = vector.broadcast %jit3A_1487 : i32 to vector<16xi32>
    %select_n3A_1489 = arith.select %ge3A_1486, %broadcast_in_dim3A_1488, %select_n3A_1483 : vector<16xi1>, vector<16xi32>
    %ge3A_1490 = arith.constant 67 : i32
    %ge3A_1491 = vector.broadcast %ge3A_1490 : i32 to vector<16xi32>
    %ge3A_1492 = arith.cmpi sge, %sub3A_1331, %ge3A_1491 : vector<16xi32>
    %jit3A_1493 = arith.constant 27 : i32
    %broadcast_in_dim3A_1494 = vector.broadcast %jit3A_1493 : i32 to vector<16xi32>
    %select_n3A_1495 = arith.select %ge3A_1492, %broadcast_in_dim3A_1494, %select_n3A_1489 : vector<16xi1>, vector<16xi32>
    %ge3A_1496 = arith.constant 77 : i32
    %ge3A_1497 = vector.broadcast %ge3A_1496 : i32 to vector<16xi32>
    %ge3A_1498 = arith.cmpi sge, %sub3A_1331, %ge3A_1497 : vector<16xi32>
    %jit3A_1499 = arith.constant 28 : i32
    %broadcast_in_dim3A_1500 = vector.broadcast %jit3A_1499 : i32 to vector<16xi32>
    %select_n3A_1501 = arith.select %ge3A_1498, %broadcast_in_dim3A_1500, %select_n3A_1495 : vector<16xi1>, vector<16xi32>
    %ge3A_1502 = arith.constant 87 : i32
    %ge3A_1503 = vector.broadcast %ge3A_1502 : i32 to vector<16xi32>
    %ge3A_1504 = arith.cmpi sge, %sub3A_1331, %ge3A_1503 : vector<16xi32>
    %jit3A_1505 = arith.constant 29 : i32
    %broadcast_in_dim3A_1506 = vector.broadcast %jit3A_1505 : i32 to vector<16xi32>
    %select_n3A_1507 = arith.select %ge3A_1504, %broadcast_in_dim3A_1506, %select_n3A_1501 : vector<16xi1>, vector<16xi32>
    %ge3A_1508 = arith.constant 99 : i32
    %ge3A_1509 = vector.broadcast %ge3A_1508 : i32 to vector<16xi32>
    %ge3A_1510 = arith.cmpi sge, %sub3A_1331, %ge3A_1509 : vector<16xi32>
    %jit3A_1511 = arith.constant 30 : i32
    %broadcast_in_dim3A_1512 = vector.broadcast %jit3A_1511 : i32 to vector<16xi32>
    %select_n3A_1513 = arith.select %ge3A_1510, %broadcast_in_dim3A_1512, %select_n3A_1507 : vector<16xi1>, vector<16xi32>
    %ge3A_1514 = arith.constant 113 : i32
    %ge3A_1515 = vector.broadcast %ge3A_1514 : i32 to vector<16xi32>
    %ge3A_1516 = arith.cmpi sge, %sub3A_1331, %ge3A_1515 : vector<16xi32>
    %jit3A_1517 = arith.constant 31 : i32
    %broadcast_in_dim3A_1518 = vector.broadcast %jit3A_1517 : i32 to vector<16xi32>
    %select_n3A_1519 = arith.select %ge3A_1516, %broadcast_in_dim3A_1518, %select_n3A_1513 : vector<16xi1>, vector<16xi32>
    %and3A_1520 = arith.constant 15 : i32
    %and3A_1521 = vector.broadcast %and3A_1520 : i32 to vector<16xi32>
    %and3A_1522 = arith.andi %select_n3A_1519, %and3A_1521 : vector<16xi32>
    %lt3A_1523 = arith.constant 16 : i32
    %lt3A_1524 = vector.broadcast %lt3A_1523 : i32 to vector<16xi32>
    %lt3A_1525 = arith.cmpi slt, %select_n3A_1519, %lt3A_1524 : vector<16xi32>
    %broadcast_in_dim3A_1526 = vector.shape_cast %and3A_1522 : vector<16xi32> to vector<16x1xi32>
    %gather3A_1527 = vector.shape_cast %broadcast_in_dim3A_1526 : vector<16x1xi32> to vector<16xi32>
    %gather3A_1528 = tpu.dynamic_gather %mul3A_15[%gather3A_1527] in [0] : vector<16xf32>, vector<16xi32> -> vector<16xf32>
    %broadcast_in_dim3A_1529 = vector.shape_cast %and3A_1522 : vector<16xi32> to vector<16x1xi32>
    %gather3A_1530 = vector.shape_cast %broadcast_in_dim3A_1529 : vector<16x1xi32> to vector<16xi32>
    %gather3A_1531 = tpu.dynamic_gather %mul3A_21[%gather3A_1530] in [0] : vector<16xf32>, vector<16xi32> -> vector<16xf32>
    %select_n3A_1532 = arith.select %lt3A_1525, %gather3A_1528, %gather3A_1531 : vector<16xi1>, vector<16xf32>
    %swap3A_1533 = arith.constant 4048 : index
    %swap3A_1534 = tpu.vector_load %arg5[%swap3A_1533] {strides = array<i32>} : memref<8192xf32, #tpu.memory_space<vmem>>, vector<16xf32>,
    %swap3A_1535 = vector.shape_cast %swap3A_1534 : vector<16xf32> to vector<16xf32>
    %swap3A_1536 = vector.shape_cast %select_n3A_1532 : vector<16xf32> to vector<16xf32>
    tpu.vector_store %arg5[%swap3A_1533], %swap3A_1536 {strides = array<i32>} : memref<8192xf32, #tpu.memory_space<vmem>>, vector<16xf32>,
    %sub3A_1537 = arith.constant 4095 : i32
    %sub3A_1538 = arith.subi %sub3A_1537, %select_n3A_10 : i32
    %add3A_1539 = arith.constant 4064 : i32
    %add3A_1540 = vector.broadcast %add3A_1539 : i32 to vector<16xi32>
    %add3A_1541 = arith.addi %add3A_1540, %iota3A : vector<16xi32>
    %sub3A_1542 = vector.broadcast %sub3A_1538 : i32 to vector<16xi32>
    %sub3A_1543 = arith.subi %sub3A_1542, %add3A_1541 : vector<16xi32>
    %broadcast_in_dim3A_1544 = arith.constant 0 : i32
    %broadcast_in_dim3A_1545 = vector.broadcast %broadcast_in_dim3A_1544 : i32 to vector<16xi32>
    %ge3A_1546 = arith.constant 1 : i32
    %ge3A_1547 = vector.broadcast %ge3A_1546 : i32 to vector<16xi32>
    %ge3A_1548 = arith.cmpi sge, %sub3A_1543, %ge3A_1547 : vector<16xi32>
    %jit3A_1549 = arith.constant 1 : i32
    %broadcast_in_dim3A_1550 = vector.broadcast %jit3A_1549 : i32 to vector<16xi32>
    %select_n3A_1551 = arith.select %ge3A_1548, %broadcast_in_dim3A_1550, %broadcast_in_dim3A_1545 : vector<16xi1>, vector<16xi32>
    %ge3A_1552 = arith.constant 2 : i32
    %ge3A_1553 = vector.broadcast %ge3A_1552 : i32 to vector<16xi32>
    %ge3A_1554 = arith.cmpi sge, %sub3A_1543, %ge3A_1553 : vector<16xi32>
    %jit3A_1555 = arith.constant 2 : i32
    %broadcast_in_dim3A_1556 = vector.broadcast %jit3A_1555 : i32 to vector<16xi32>
    %select_n3A_1557 = arith.select %ge3A_1554, %broadcast_in_dim3A_1556, %select_n3A_1551 : vector<16xi1>, vector<16xi32>
    %ge3A_1558 = arith.constant 3 : i32
    %ge3A_1559 = vector.broadcast %ge3A_1558 : i32 to vector<16xi32>
    %ge3A_1560 = arith.cmpi sge, %sub3A_1543, %ge3A_1559 : vector<16xi32>
    %jit3A_1561 = arith.constant 3 : i32
    %broadcast_in_dim3A_1562 = vector.broadcast %jit3A_1561 : i32 to vector<16xi32>
    %select_n3A_1563 = arith.select %ge3A_1560, %broadcast_in_dim3A_1562, %select_n3A_1557 : vector<16xi1>, vector<16xi32>
    %ge3A_1564 = arith.constant 4 : i32
    %ge3A_1565 = vector.broadcast %ge3A_1564 : i32 to vector<16xi32>
    %ge3A_1566 = arith.cmpi sge, %sub3A_1543, %ge3A_1565 : vector<16xi32>
    %jit3A_1567 = arith.constant 4 : i32
    %broadcast_in_dim3A_1568 = vector.broadcast %jit3A_1567 : i32 to vector<16xi32>
    %select_n3A_1569 = arith.select %ge3A_1566, %broadcast_in_dim3A_1568, %select_n3A_1563 : vector<16xi1>, vector<16xi32>
    %ge3A_1570 = arith.constant 5 : i32
    %ge3A_1571 = vector.broadcast %ge3A_1570 : i32 to vector<16xi32>
    %ge3A_1572 = arith.cmpi sge, %sub3A_1543, %ge3A_1571 : vector<16xi32>
    %jit3A_1573 = arith.constant 5 : i32
    %broadcast_in_dim3A_1574 = vector.broadcast %jit3A_1573 : i32 to vector<16xi32>
    %select_n3A_1575 = arith.select %ge3A_1572, %broadcast_in_dim3A_1574, %select_n3A_1569 : vector<16xi1>, vector<16xi32>
    %ge3A_1576 = arith.constant 6 : i32
    %ge3A_1577 = vector.broadcast %ge3A_1576 : i32 to vector<16xi32>
    %ge3A_1578 = arith.cmpi sge, %sub3A_1543, %ge3A_1577 : vector<16xi32>
    %jit3A_1579 = arith.constant 6 : i32
    %broadcast_in_dim3A_1580 = vector.broadcast %jit3A_1579 : i32 to vector<16xi32>
    %select_n3A_1581 = arith.select %ge3A_1578, %broadcast_in_dim3A_1580, %select_n3A_1575 : vector<16xi1>, vector<16xi32>
    %ge3A_1582 = arith.constant 7 : i32
    %ge3A_1583 = vector.broadcast %ge3A_1582 : i32 to vector<16xi32>
    %ge3A_1584 = arith.cmpi sge, %sub3A_1543, %ge3A_1583 : vector<16xi32>
    %jit3A_1585 = arith.constant 7 : i32
    %broadcast_in_dim3A_1586 = vector.broadcast %jit3A_1585 : i32 to vector<16xi32>
    %select_n3A_1587 = arith.select %ge3A_1584, %broadcast_in_dim3A_1586, %select_n3A_1581 : vector<16xi1>, vector<16xi32>
    %ge3A_1588 = arith.constant 8 : i32
    %ge3A_1589 = vector.broadcast %ge3A_1588 : i32 to vector<16xi32>
    %ge3A_1590 = arith.cmpi sge, %sub3A_1543, %ge3A_1589 : vector<16xi32>
    %jit3A_1591 = arith.constant 8 : i32
    %broadcast_in_dim3A_1592 = vector.broadcast %jit3A_1591 : i32 to vector<16xi32>
    %select_n3A_1593 = arith.select %ge3A_1590, %broadcast_in_dim3A_1592, %select_n3A_1587 : vector<16xi1>, vector<16xi32>
    %ge3A_1594 = arith.constant 9 : i32
    %ge3A_1595 = vector.broadcast %ge3A_1594 : i32 to vector<16xi32>
    %ge3A_1596 = arith.cmpi sge, %sub3A_1543, %ge3A_1595 : vector<16xi32>
    %jit3A_1597 = arith.constant 9 : i32
    %broadcast_in_dim3A_1598 = vector.broadcast %jit3A_1597 : i32 to vector<16xi32>
    %select_n3A_1599 = arith.select %ge3A_1596, %broadcast_in_dim3A_1598, %select_n3A_1593 : vector<16xi1>, vector<16xi32>
    %ge3A_1600 = arith.constant 10 : i32
    %ge3A_1601 = vector.broadcast %ge3A_1600 : i32 to vector<16xi32>
    %ge3A_1602 = arith.cmpi sge, %sub3A_1543, %ge3A_1601 : vector<16xi32>
    %jit3A_1603 = arith.constant 10 : i32
    %broadcast_in_dim3A_1604 = vector.broadcast %jit3A_1603 : i32 to vector<16xi32>
    %select_n3A_1605 = arith.select %ge3A_1602, %broadcast_in_dim3A_1604, %select_n3A_1599 : vector<16xi1>, vector<16xi32>
    %ge3A_1606 = arith.constant 11 : i32
    %ge3A_1607 = vector.broadcast %ge3A_1606 : i32 to vector<16xi32>
    %ge3A_1608 = arith.cmpi sge, %sub3A_1543, %ge3A_1607 : vector<16xi32>
    %jit3A_1609 = arith.constant 11 : i32
    %broadcast_in_dim3A_1610 = vector.broadcast %jit3A_1609 : i32 to vector<16xi32>
    %select_n3A_1611 = arith.select %ge3A_1608, %broadcast_in_dim3A_1610, %select_n3A_1605 : vector<16xi1>, vector<16xi32>
    %ge3A_1612 = arith.constant 12 : i32
    %ge3A_1613 = vector.broadcast %ge3A_1612 : i32 to vector<16xi32>
    %ge3A_1614 = arith.cmpi sge, %sub3A_1543, %ge3A_1613 : vector<16xi32>
    %jit3A_1615 = arith.constant 12 : i32
    %broadcast_in_dim3A_1616 = vector.broadcast %jit3A_1615 : i32 to vector<16xi32>
    %select_n3A_1617 = arith.select %ge3A_1614, %broadcast_in_dim3A_1616, %select_n3A_1611 : vector<16xi1>, vector<16xi32>
    %ge3A_1618 = arith.constant 13 : i32
    %ge3A_1619 = vector.broadcast %ge3A_1618 : i32 to vector<16xi32>
    %ge3A_1620 = arith.cmpi sge, %sub3A_1543, %ge3A_1619 : vector<16xi32>
    %jit3A_1621 = arith.constant 13 : i32
    %broadcast_in_dim3A_1622 = vector.broadcast %jit3A_1621 : i32 to vector<16xi32>
    %select_n3A_1623 = arith.select %ge3A_1620, %broadcast_in_dim3A_1622, %select_n3A_1617 : vector<16xi1>, vector<16xi32>
    %ge3A_1624 = arith.constant 14 : i32
    %ge3A_1625 = vector.broadcast %ge3A_1624 : i32 to vector<16xi32>
    %ge3A_1626 = arith.cmpi sge, %sub3A_1543, %ge3A_1625 : vector<16xi32>
    %jit3A_1627 = arith.constant 14 : i32
    %broadcast_in_dim3A_1628 = vector.broadcast %jit3A_1627 : i32 to vector<16xi32>
    %select_n3A_1629 = arith.select %ge3A_1626, %broadcast_in_dim3A_1628, %select_n3A_1623 : vector<16xi1>, vector<16xi32>
    %ge3A_1630 = arith.constant 15 : i32
    %ge3A_1631 = vector.broadcast %ge3A_1630 : i32 to vector<16xi32>
    %ge3A_1632 = arith.cmpi sge, %sub3A_1543, %ge3A_1631 : vector<16xi32>
    %jit3A_1633 = arith.constant 15 : i32
    %broadcast_in_dim3A_1634 = vector.broadcast %jit3A_1633 : i32 to vector<16xi32>
    %select_n3A_1635 = arith.select %ge3A_1632, %broadcast_in_dim3A_1634, %select_n3A_1629 : vector<16xi1>, vector<16xi32>
    %ge3A_1636 = arith.constant 16 : i32
    %ge3A_1637 = vector.broadcast %ge3A_1636 : i32 to vector<16xi32>
    %ge3A_1638 = arith.cmpi sge, %sub3A_1543, %ge3A_1637 : vector<16xi32>
    %jit3A_1639 = arith.constant 16 : i32
    %broadcast_in_dim3A_1640 = vector.broadcast %jit3A_1639 : i32 to vector<16xi32>
    %select_n3A_1641 = arith.select %ge3A_1638, %broadcast_in_dim3A_1640, %select_n3A_1635 : vector<16xi1>, vector<16xi32>
    %ge3A_1642 = arith.constant 19 : i32
    %ge3A_1643 = vector.broadcast %ge3A_1642 : i32 to vector<16xi32>
    %ge3A_1644 = arith.cmpi sge, %sub3A_1543, %ge3A_1643 : vector<16xi32>
    %jit3A_1645 = arith.constant 17 : i32
    %broadcast_in_dim3A_1646 = vector.broadcast %jit3A_1645 : i32 to vector<16xi32>
    %select_n3A_1647 = arith.select %ge3A_1644, %broadcast_in_dim3A_1646, %select_n3A_1641 : vector<16xi1>, vector<16xi32>
    %ge3A_1648 = arith.constant 21 : i32
    %ge3A_1649 = vector.broadcast %ge3A_1648 : i32 to vector<16xi32>
    %ge3A_1650 = arith.cmpi sge, %sub3A_1543, %ge3A_1649 : vector<16xi32>
    %jit3A_1651 = arith.constant 18 : i32
    %broadcast_in_dim3A_1652 = vector.broadcast %jit3A_1651 : i32 to vector<16xi32>
    %select_n3A_1653 = arith.select %ge3A_1650, %broadcast_in_dim3A_1652, %select_n3A_1647 : vector<16xi1>, vector<16xi32>
    %ge3A_1654 = arith.constant 24 : i32
    %ge3A_1655 = vector.broadcast %ge3A_1654 : i32 to vector<16xi32>
    %ge3A_1656 = arith.cmpi sge, %sub3A_1543, %ge3A_1655 : vector<16xi32>
    %jit3A_1657 = arith.constant 19 : i32
    %broadcast_in_dim3A_1658 = vector.broadcast %jit3A_1657 : i32 to vector<16xi32>
    %select_n3A_1659 = arith.select %ge3A_1656, %broadcast_in_dim3A_1658, %select_n3A_1653 : vector<16xi1>, vector<16xi32>
    %ge3A_1660 = arith.constant 27 : i32
    %ge3A_1661 = vector.broadcast %ge3A_1660 : i32 to vector<16xi32>
    %ge3A_1662 = arith.cmpi sge, %sub3A_1543, %ge3A_1661 : vector<16xi32>
    %jit3A_1663 = arith.constant 20 : i32
    %broadcast_in_dim3A_1664 = vector.broadcast %jit3A_1663 : i32 to vector<16xi32>
    %select_n3A_1665 = arith.select %ge3A_1662, %broadcast_in_dim3A_1664, %select_n3A_1659 : vector<16xi1>, vector<16xi32>
    %ge3A_1666 = arith.constant 31 : i32
    %ge3A_1667 = vector.broadcast %ge3A_1666 : i32 to vector<16xi32>
    %ge3A_1668 = arith.cmpi sge, %sub3A_1543, %ge3A_1667 : vector<16xi32>
    %jit3A_1669 = arith.constant 21 : i32
    %broadcast_in_dim3A_1670 = vector.broadcast %jit3A_1669 : i32 to vector<16xi32>
    %select_n3A_1671 = arith.select %ge3A_1668, %broadcast_in_dim3A_1670, %select_n3A_1665 : vector<16xi1>, vector<16xi32>
    %ge3A_1672 = arith.constant 35 : i32
    %ge3A_1673 = vector.broadcast %ge3A_1672 : i32 to vector<16xi32>
    %ge3A_1674 = arith.cmpi sge, %sub3A_1543, %ge3A_1673 : vector<16xi32>
    %jit3A_1675 = arith.constant 22 : i32
    %broadcast_in_dim3A_1676 = vector.broadcast %jit3A_1675 : i32 to vector<16xi32>
    %select_n3A_1677 = arith.select %ge3A_1674, %broadcast_in_dim3A_1676, %select_n3A_1671 : vector<16xi1>, vector<16xi32>
    %ge3A_1678 = arith.constant 40 : i32
    %ge3A_1679 = vector.broadcast %ge3A_1678 : i32 to vector<16xi32>
    %ge3A_1680 = arith.cmpi sge, %sub3A_1543, %ge3A_1679 : vector<16xi32>
    %jit3A_1681 = arith.constant 23 : i32
    %broadcast_in_dim3A_1682 = vector.broadcast %jit3A_1681 : i32 to vector<16xi32>
    %select_n3A_1683 = arith.select %ge3A_1680, %broadcast_in_dim3A_1682, %select_n3A_1677 : vector<16xi1>, vector<16xi32>
    %ge3A_1684 = arith.constant 46 : i32
    %ge3A_1685 = vector.broadcast %ge3A_1684 : i32 to vector<16xi32>
    %ge3A_1686 = arith.cmpi sge, %sub3A_1543, %ge3A_1685 : vector<16xi32>
    %jit3A_1687 = arith.constant 24 : i32
    %broadcast_in_dim3A_1688 = vector.broadcast %jit3A_1687 : i32 to vector<16xi32>
    %select_n3A_1689 = arith.select %ge3A_1686, %broadcast_in_dim3A_1688, %select_n3A_1683 : vector<16xi1>, vector<16xi32>
    %ge3A_1690 = arith.constant 52 : i32
    %ge3A_1691 = vector.broadcast %ge3A_1690 : i32 to vector<16xi32>
    %ge3A_1692 = arith.cmpi sge, %sub3A_1543, %ge3A_1691 : vector<16xi32>
    %jit3A_1693 = arith.constant 25 : i32
    %broadcast_in_dim3A_1694 = vector.broadcast %jit3A_1693 : i32 to vector<16xi32>
    %select_n3A_1695 = arith.select %ge3A_1692, %broadcast_in_dim3A_1694, %select_n3A_1689 : vector<16xi1>, vector<16xi32>
    %ge3A_1696 = arith.constant 59 : i32
    %ge3A_1697 = vector.broadcast %ge3A_1696 : i32 to vector<16xi32>
    %ge3A_1698 = arith.cmpi sge, %sub3A_1543, %ge3A_1697 : vector<16xi32>
    %jit3A_1699 = arith.constant 26 : i32
    %broadcast_in_dim3A_1700 = vector.broadcast %jit3A_1699 : i32 to vector<16xi32>
    %select_n3A_1701 = arith.select %ge3A_1698, %broadcast_in_dim3A_1700, %select_n3A_1695 : vector<16xi1>, vector<16xi32>
    %ge3A_1702 = arith.constant 67 : i32
    %ge3A_1703 = vector.broadcast %ge3A_1702 : i32 to vector<16xi32>
    %ge3A_1704 = arith.cmpi sge, %sub3A_1543, %ge3A_1703 : vector<16xi32>
    %jit3A_1705 = arith.constant 27 : i32
    %broadcast_in_dim3A_1706 = vector.broadcast %jit3A_1705 : i32 to vector<16xi32>
    %select_n3A_1707 = arith.select %ge3A_1704, %broadcast_in_dim3A_1706, %select_n3A_1701 : vector<16xi1>, vector<16xi32>
    %ge3A_1708 = arith.constant 77 : i32
    %ge3A_1709 = vector.broadcast %ge3A_1708 : i32 to vector<16xi32>
    %ge3A_1710 = arith.cmpi sge, %sub3A_1543, %ge3A_1709 : vector<16xi32>
    %jit3A_1711 = arith.constant 28 : i32
    %broadcast_in_dim3A_1712 = vector.broadcast %jit3A_1711 : i32 to vector<16xi32>
    %select_n3A_1713 = arith.select %ge3A_1710, %broadcast_in_dim3A_1712, %select_n3A_1707 : vector<16xi1>, vector<16xi32>
    %ge3A_1714 = arith.constant 87 : i32
    %ge3A_1715 = vector.broadcast %ge3A_1714 : i32 to vector<16xi32>
    %ge3A_1716 = arith.cmpi sge, %sub3A_1543, %ge3A_1715 : vector<16xi32>
    %jit3A_1717 = arith.constant 29 : i32
    %broadcast_in_dim3A_1718 = vector.broadcast %jit3A_1717 : i32 to vector<16xi32>
    %select_n3A_1719 = arith.select %ge3A_1716, %broadcast_in_dim3A_1718, %select_n3A_1713 : vector<16xi1>, vector<16xi32>
    %ge3A_1720 = arith.constant 99 : i32
    %ge3A_1721 = vector.broadcast %ge3A_1720 : i32 to vector<16xi32>
    %ge3A_1722 = arith.cmpi sge, %sub3A_1543, %ge3A_1721 : vector<16xi32>
    %jit3A_1723 = arith.constant 30 : i32
    %broadcast_in_dim3A_1724 = vector.broadcast %jit3A_1723 : i32 to vector<16xi32>
    %select_n3A_1725 = arith.select %ge3A_1722, %broadcast_in_dim3A_1724, %select_n3A_1719 : vector<16xi1>, vector<16xi32>
    %ge3A_1726 = arith.constant 113 : i32
    %ge3A_1727 = vector.broadcast %ge3A_1726 : i32 to vector<16xi32>
    %ge3A_1728 = arith.cmpi sge, %sub3A_1543, %ge3A_1727 : vector<16xi32>
    %jit3A_1729 = arith.constant 31 : i32
    %broadcast_in_dim3A_1730 = vector.broadcast %jit3A_1729 : i32 to vector<16xi32>
    %select_n3A_1731 = arith.select %ge3A_1728, %broadcast_in_dim3A_1730, %select_n3A_1725 : vector<16xi1>, vector<16xi32>
    %and3A_1732 = arith.constant 15 : i32
    %and3A_1733 = vector.broadcast %and3A_1732 : i32 to vector<16xi32>
    %and3A_1734 = arith.andi %select_n3A_1731, %and3A_1733 : vector<16xi32>
    %lt3A_1735 = arith.constant 16 : i32
    %lt3A_1736 = vector.broadcast %lt3A_1735 : i32 to vector<16xi32>
    %lt3A_1737 = arith.cmpi slt, %select_n3A_1731, %lt3A_1736 : vector<16xi32>
    %broadcast_in_dim3A_1738 = vector.shape_cast %and3A_1734 : vector<16xi32> to vector<16x1xi32>
    %gather3A_1739 = vector.shape_cast %broadcast_in_dim3A_1738 : vector<16x1xi32> to vector<16xi32>
    %gather3A_1740 = tpu.dynamic_gather %mul3A_15[%gather3A_1739] in [0] : vector<16xf32>, vector<16xi32> -> vector<16xf32>
    %broadcast_in_dim3A_1741 = vector.shape_cast %and3A_1734 : vector<16xi32> to vector<16x1xi32>
    %gather3A_1742 = vector.shape_cast %broadcast_in_dim3A_1741 : vector<16x1xi32> to vector<16xi32>
    %gather3A_1743 = tpu.dynamic_gather %mul3A_21[%gather3A_1742] in [0] : vector<16xf32>, vector<16xi32> -> vector<16xf32>
    %select_n3A_1744 = arith.select %lt3A_1737, %gather3A_1740, %gather3A_1743 : vector<16xi1>, vector<16xf32>
    %swap3A_1745 = arith.constant 4064 : index
    %swap3A_1746 = tpu.vector_load %arg5[%swap3A_1745] {strides = array<i32>} : memref<8192xf32, #tpu.memory_space<vmem>>, vector<16xf32>,
    %swap3A_1747 = vector.shape_cast %swap3A_1746 : vector<16xf32> to vector<16xf32>
    %swap3A_1748 = vector.shape_cast %select_n3A_1744 : vector<16xf32> to vector<16xf32>
    tpu.vector_store %arg5[%swap3A_1745], %swap3A_1748 {strides = array<i32>} : memref<8192xf32, #tpu.memory_space<vmem>>, vector<16xf32>,
    %sub3A_1749 = arith.constant 4095 : i32
    %sub3A_1750 = arith.subi %sub3A_1749, %select_n3A_10 : i32
    %add3A_1751 = arith.constant 4080 : i32
    %add3A_1752 = vector.broadcast %add3A_1751 : i32 to vector<16xi32>
    %add3A_1753 = arith.addi %add3A_1752, %iota3A : vector<16xi32>
    %sub3A_1754 = vector.broadcast %sub3A_1750 : i32 to vector<16xi32>
    %sub3A_1755 = arith.subi %sub3A_1754, %add3A_1753 : vector<16xi32>
    %broadcast_in_dim3A_1756 = arith.constant 0 : i32
    %broadcast_in_dim3A_1757 = vector.broadcast %broadcast_in_dim3A_1756 : i32 to vector<16xi32>
    %ge3A_1758 = arith.constant 1 : i32
    %ge3A_1759 = vector.broadcast %ge3A_1758 : i32 to vector<16xi32>
    %ge3A_1760 = arith.cmpi sge, %sub3A_1755, %ge3A_1759 : vector<16xi32>
    %jit3A_1761 = arith.constant 1 : i32
    %broadcast_in_dim3A_1762 = vector.broadcast %jit3A_1761 : i32 to vector<16xi32>
    %select_n3A_1763 = arith.select %ge3A_1760, %broadcast_in_dim3A_1762, %broadcast_in_dim3A_1757 : vector<16xi1>, vector<16xi32>
    %ge3A_1764 = arith.constant 2 : i32
    %ge3A_1765 = vector.broadcast %ge3A_1764 : i32 to vector<16xi32>
    %ge3A_1766 = arith.cmpi sge, %sub3A_1755, %ge3A_1765 : vector<16xi32>
    %jit3A_1767 = arith.constant 2 : i32
    %broadcast_in_dim3A_1768 = vector.broadcast %jit3A_1767 : i32 to vector<16xi32>
    %select_n3A_1769 = arith.select %ge3A_1766, %broadcast_in_dim3A_1768, %select_n3A_1763 : vector<16xi1>, vector<16xi32>
    %ge3A_1770 = arith.constant 3 : i32
    %ge3A_1771 = vector.broadcast %ge3A_1770 : i32 to vector<16xi32>
    %ge3A_1772 = arith.cmpi sge, %sub3A_1755, %ge3A_1771 : vector<16xi32>
    %jit3A_1773 = arith.constant 3 : i32
    %broadcast_in_dim3A_1774 = vector.broadcast %jit3A_1773 : i32 to vector<16xi32>
    %select_n3A_1775 = arith.select %ge3A_1772, %broadcast_in_dim3A_1774, %select_n3A_1769 : vector<16xi1>, vector<16xi32>
    %ge3A_1776 = arith.constant 4 : i32
    %ge3A_1777 = vector.broadcast %ge3A_1776 : i32 to vector<16xi32>
    %ge3A_1778 = arith.cmpi sge, %sub3A_1755, %ge3A_1777 : vector<16xi32>
    %jit3A_1779 = arith.constant 4 : i32
    %broadcast_in_dim3A_1780 = vector.broadcast %jit3A_1779 : i32 to vector<16xi32>
    %select_n3A_1781 = arith.select %ge3A_1778, %broadcast_in_dim3A_1780, %select_n3A_1775 : vector<16xi1>, vector<16xi32>
    %ge3A_1782 = arith.constant 5 : i32
    %ge3A_1783 = vector.broadcast %ge3A_1782 : i32 to vector<16xi32>
    %ge3A_1784 = arith.cmpi sge, %sub3A_1755, %ge3A_1783 : vector<16xi32>
    %jit3A_1785 = arith.constant 5 : i32
    %broadcast_in_dim3A_1786 = vector.broadcast %jit3A_1785 : i32 to vector<16xi32>
    %select_n3A_1787 = arith.select %ge3A_1784, %broadcast_in_dim3A_1786, %select_n3A_1781 : vector<16xi1>, vector<16xi32>
    %ge3A_1788 = arith.constant 6 : i32
    %ge3A_1789 = vector.broadcast %ge3A_1788 : i32 to vector<16xi32>
    %ge3A_1790 = arith.cmpi sge, %sub3A_1755, %ge3A_1789 : vector<16xi32>
    %jit3A_1791 = arith.constant 6 : i32
    %broadcast_in_dim3A_1792 = vector.broadcast %jit3A_1791 : i32 to vector<16xi32>
    %select_n3A_1793 = arith.select %ge3A_1790, %broadcast_in_dim3A_1792, %select_n3A_1787 : vector<16xi1>, vector<16xi32>
    %ge3A_1794 = arith.constant 7 : i32
    %ge3A_1795 = vector.broadcast %ge3A_1794 : i32 to vector<16xi32>
    %ge3A_1796 = arith.cmpi sge, %sub3A_1755, %ge3A_1795 : vector<16xi32>
    %jit3A_1797 = arith.constant 7 : i32
    %broadcast_in_dim3A_1798 = vector.broadcast %jit3A_1797 : i32 to vector<16xi32>
    %select_n3A_1799 = arith.select %ge3A_1796, %broadcast_in_dim3A_1798, %select_n3A_1793 : vector<16xi1>, vector<16xi32>
    %ge3A_1800 = arith.constant 8 : i32
    %ge3A_1801 = vector.broadcast %ge3A_1800 : i32 to vector<16xi32>
    %ge3A_1802 = arith.cmpi sge, %sub3A_1755, %ge3A_1801 : vector<16xi32>
    %jit3A_1803 = arith.constant 8 : i32
    %broadcast_in_dim3A_1804 = vector.broadcast %jit3A_1803 : i32 to vector<16xi32>
    %select_n3A_1805 = arith.select %ge3A_1802, %broadcast_in_dim3A_1804, %select_n3A_1799 : vector<16xi1>, vector<16xi32>
    %ge3A_1806 = arith.constant 9 : i32
    %ge3A_1807 = vector.broadcast %ge3A_1806 : i32 to vector<16xi32>
    %ge3A_1808 = arith.cmpi sge, %sub3A_1755, %ge3A_1807 : vector<16xi32>
    %jit3A_1809 = arith.constant 9 : i32
    %broadcast_in_dim3A_1810 = vector.broadcast %jit3A_1809 : i32 to vector<16xi32>
    %select_n3A_1811 = arith.select %ge3A_1808, %broadcast_in_dim3A_1810, %select_n3A_1805 : vector<16xi1>, vector<16xi32>
    %ge3A_1812 = arith.constant 10 : i32
    %ge3A_1813 = vector.broadcast %ge3A_1812 : i32 to vector<16xi32>
    %ge3A_1814 = arith.cmpi sge, %sub3A_1755, %ge3A_1813 : vector<16xi32>
    %jit3A_1815 = arith.constant 10 : i32
    %broadcast_in_dim3A_1816 = vector.broadcast %jit3A_1815 : i32 to vector<16xi32>
    %select_n3A_1817 = arith.select %ge3A_1814, %broadcast_in_dim3A_1816, %select_n3A_1811 : vector<16xi1>, vector<16xi32>
    %ge3A_1818 = arith.constant 11 : i32
    %ge3A_1819 = vector.broadcast %ge3A_1818 : i32 to vector<16xi32>
    %ge3A_1820 = arith.cmpi sge, %sub3A_1755, %ge3A_1819 : vector<16xi32>
    %jit3A_1821 = arith.constant 11 : i32
    %broadcast_in_dim3A_1822 = vector.broadcast %jit3A_1821 : i32 to vector<16xi32>
    %select_n3A_1823 = arith.select %ge3A_1820, %broadcast_in_dim3A_1822, %select_n3A_1817 : vector<16xi1>, vector<16xi32>
    %ge3A_1824 = arith.constant 12 : i32
    %ge3A_1825 = vector.broadcast %ge3A_1824 : i32 to vector<16xi32>
    %ge3A_1826 = arith.cmpi sge, %sub3A_1755, %ge3A_1825 : vector<16xi32>
    %jit3A_1827 = arith.constant 12 : i32
    %broadcast_in_dim3A_1828 = vector.broadcast %jit3A_1827 : i32 to vector<16xi32>
    %select_n3A_1829 = arith.select %ge3A_1826, %broadcast_in_dim3A_1828, %select_n3A_1823 : vector<16xi1>, vector<16xi32>
    %ge3A_1830 = arith.constant 13 : i32
    %ge3A_1831 = vector.broadcast %ge3A_1830 : i32 to vector<16xi32>
    %ge3A_1832 = arith.cmpi sge, %sub3A_1755, %ge3A_1831 : vector<16xi32>
    %jit3A_1833 = arith.constant 13 : i32
    %broadcast_in_dim3A_1834 = vector.broadcast %jit3A_1833 : i32 to vector<16xi32>
    %select_n3A_1835 = arith.select %ge3A_1832, %broadcast_in_dim3A_1834, %select_n3A_1829 : vector<16xi1>, vector<16xi32>
    %ge3A_1836 = arith.constant 14 : i32
    %ge3A_1837 = vector.broadcast %ge3A_1836 : i32 to vector<16xi32>
    %ge3A_1838 = arith.cmpi sge, %sub3A_1755, %ge3A_1837 : vector<16xi32>
    %jit3A_1839 = arith.constant 14 : i32
    %broadcast_in_dim3A_1840 = vector.broadcast %jit3A_1839 : i32 to vector<16xi32>
    %select_n3A_1841 = arith.select %ge3A_1838, %broadcast_in_dim3A_1840, %select_n3A_1835 : vector<16xi1>, vector<16xi32>
    %ge3A_1842 = arith.constant 15 : i32
    %ge3A_1843 = vector.broadcast %ge3A_1842 : i32 to vector<16xi32>
    %ge3A_1844 = arith.cmpi sge, %sub3A_1755, %ge3A_1843 : vector<16xi32>
    %jit3A_1845 = arith.constant 15 : i32
    %broadcast_in_dim3A_1846 = vector.broadcast %jit3A_1845 : i32 to vector<16xi32>
    %select_n3A_1847 = arith.select %ge3A_1844, %broadcast_in_dim3A_1846, %select_n3A_1841 : vector<16xi1>, vector<16xi32>
    %ge3A_1848 = arith.constant 16 : i32
    %ge3A_1849 = vector.broadcast %ge3A_1848 : i32 to vector<16xi32>
    %ge3A_1850 = arith.cmpi sge, %sub3A_1755, %ge3A_1849 : vector<16xi32>
    %jit3A_1851 = arith.constant 16 : i32
    %broadcast_in_dim3A_1852 = vector.broadcast %jit3A_1851 : i32 to vector<16xi32>
    %select_n3A_1853 = arith.select %ge3A_1850, %broadcast_in_dim3A_1852, %select_n3A_1847 : vector<16xi1>, vector<16xi32>
    %ge3A_1854 = arith.constant 19 : i32
    %ge3A_1855 = vector.broadcast %ge3A_1854 : i32 to vector<16xi32>
    %ge3A_1856 = arith.cmpi sge, %sub3A_1755, %ge3A_1855 : vector<16xi32>
    %jit3A_1857 = arith.constant 17 : i32
    %broadcast_in_dim3A_1858 = vector.broadcast %jit3A_1857 : i32 to vector<16xi32>
    %select_n3A_1859 = arith.select %ge3A_1856, %broadcast_in_dim3A_1858, %select_n3A_1853 : vector<16xi1>, vector<16xi32>
    %ge3A_1860 = arith.constant 21 : i32
    %ge3A_1861 = vector.broadcast %ge3A_1860 : i32 to vector<16xi32>
    %ge3A_1862 = arith.cmpi sge, %sub3A_1755, %ge3A_1861 : vector<16xi32>
    %jit3A_1863 = arith.constant 18 : i32
    %broadcast_in_dim3A_1864 = vector.broadcast %jit3A_1863 : i32 to vector<16xi32>
    %select_n3A_1865 = arith.select %ge3A_1862, %broadcast_in_dim3A_1864, %select_n3A_1859 : vector<16xi1>, vector<16xi32>
    %ge3A_1866 = arith.constant 24 : i32
    %ge3A_1867 = vector.broadcast %ge3A_1866 : i32 to vector<16xi32>
    %ge3A_1868 = arith.cmpi sge, %sub3A_1755, %ge3A_1867 : vector<16xi32>
    %jit3A_1869 = arith.constant 19 : i32
    %broadcast_in_dim3A_1870 = vector.broadcast %jit3A_1869 : i32 to vector<16xi32>
    %select_n3A_1871 = arith.select %ge3A_1868, %broadcast_in_dim3A_1870, %select_n3A_1865 : vector<16xi1>, vector<16xi32>
    %ge3A_1872 = arith.constant 27 : i32
    %ge3A_1873 = vector.broadcast %ge3A_1872 : i32 to vector<16xi32>
    %ge3A_1874 = arith.cmpi sge, %sub3A_1755, %ge3A_1873 : vector<16xi32>
    %jit3A_1875 = arith.constant 20 : i32
    %broadcast_in_dim3A_1876 = vector.broadcast %jit3A_1875 : i32 to vector<16xi32>
    %select_n3A_1877 = arith.select %ge3A_1874, %broadcast_in_dim3A_1876, %select_n3A_1871 : vector<16xi1>, vector<16xi32>
    %ge3A_1878 = arith.constant 31 : i32
    %ge3A_1879 = vector.broadcast %ge3A_1878 : i32 to vector<16xi32>
    %ge3A_1880 = arith.cmpi sge, %sub3A_1755, %ge3A_1879 : vector<16xi32>
    %jit3A_1881 = arith.constant 21 : i32
    %broadcast_in_dim3A_1882 = vector.broadcast %jit3A_1881 : i32 to vector<16xi32>
    %select_n3A_1883 = arith.select %ge3A_1880, %broadcast_in_dim3A_1882, %select_n3A_1877 : vector<16xi1>, vector<16xi32>
    %ge3A_1884 = arith.constant 35 : i32
    %ge3A_1885 = vector.broadcast %ge3A_1884 : i32 to vector<16xi32>
    %ge3A_1886 = arith.cmpi sge, %sub3A_1755, %ge3A_1885 : vector<16xi32>
    %jit3A_1887 = arith.constant 22 : i32
    %broadcast_in_dim3A_1888 = vector.broadcast %jit3A_1887 : i32 to vector<16xi32>
    %select_n3A_1889 = arith.select %ge3A_1886, %broadcast_in_dim3A_1888, %select_n3A_1883 : vector<16xi1>, vector<16xi32>
    %ge3A_1890 = arith.constant 40 : i32
    %ge3A_1891 = vector.broadcast %ge3A_1890 : i32 to vector<16xi32>
    %ge3A_1892 = arith.cmpi sge, %sub3A_1755, %ge3A_1891 : vector<16xi32>
    %jit3A_1893 = arith.constant 23 : i32
    %broadcast_in_dim3A_1894 = vector.broadcast %jit3A_1893 : i32 to vector<16xi32>
    %select_n3A_1895 = arith.select %ge3A_1892, %broadcast_in_dim3A_1894, %select_n3A_1889 : vector<16xi1>, vector<16xi32>
    %ge3A_1896 = arith.constant 46 : i32
    %ge3A_1897 = vector.broadcast %ge3A_1896 : i32 to vector<16xi32>
    %ge3A_1898 = arith.cmpi sge, %sub3A_1755, %ge3A_1897 : vector<16xi32>
    %jit3A_1899 = arith.constant 24 : i32
    %broadcast_in_dim3A_1900 = vector.broadcast %jit3A_1899 : i32 to vector<16xi32>
    %select_n3A_1901 = arith.select %ge3A_1898, %broadcast_in_dim3A_1900, %select_n3A_1895 : vector<16xi1>, vector<16xi32>
    %ge3A_1902 = arith.constant 52 : i32
    %ge3A_1903 = vector.broadcast %ge3A_1902 : i32 to vector<16xi32>
    %ge3A_1904 = arith.cmpi sge, %sub3A_1755, %ge3A_1903 : vector<16xi32>
    %jit3A_1905 = arith.constant 25 : i32
    %broadcast_in_dim3A_1906 = vector.broadcast %jit3A_1905 : i32 to vector<16xi32>
    %select_n3A_1907 = arith.select %ge3A_1904, %broadcast_in_dim3A_1906, %select_n3A_1901 : vector<16xi1>, vector<16xi32>
    %ge3A_1908 = arith.constant 59 : i32
    %ge3A_1909 = vector.broadcast %ge3A_1908 : i32 to vector<16xi32>
    %ge3A_1910 = arith.cmpi sge, %sub3A_1755, %ge3A_1909 : vector<16xi32>
    %jit3A_1911 = arith.constant 26 : i32
    %broadcast_in_dim3A_1912 = vector.broadcast %jit3A_1911 : i32 to vector<16xi32>
    %select_n3A_1913 = arith.select %ge3A_1910, %broadcast_in_dim3A_1912, %select_n3A_1907 : vector<16xi1>, vector<16xi32>
    %ge3A_1914 = arith.constant 67 : i32
    %ge3A_1915 = vector.broadcast %ge3A_1914 : i32 to vector<16xi32>
    %ge3A_1916 = arith.cmpi sge, %sub3A_1755, %ge3A_1915 : vector<16xi32>
    %jit3A_1917 = arith.constant 27 : i32
    %broadcast_in_dim3A_1918 = vector.broadcast %jit3A_1917 : i32 to vector<16xi32>
    %select_n3A_1919 = arith.select %ge3A_1916, %broadcast_in_dim3A_1918, %select_n3A_1913 : vector<16xi1>, vector<16xi32>
    %ge3A_1920 = arith.constant 77 : i32
    %ge3A_1921 = vector.broadcast %ge3A_1920 : i32 to vector<16xi32>
    %ge3A_1922 = arith.cmpi sge, %sub3A_1755, %ge3A_1921 : vector<16xi32>
    %jit3A_1923 = arith.constant 28 : i32
    %broadcast_in_dim3A_1924 = vector.broadcast %jit3A_1923 : i32 to vector<16xi32>
    %select_n3A_1925 = arith.select %ge3A_1922, %broadcast_in_dim3A_1924, %select_n3A_1919 : vector<16xi1>, vector<16xi32>
    %ge3A_1926 = arith.constant 87 : i32
    %ge3A_1927 = vector.broadcast %ge3A_1926 : i32 to vector<16xi32>
    %ge3A_1928 = arith.cmpi sge, %sub3A_1755, %ge3A_1927 : vector<16xi32>
    %jit3A_1929 = arith.constant 29 : i32
    %broadcast_in_dim3A_1930 = vector.broadcast %jit3A_1929 : i32 to vector<16xi32>
    %select_n3A_1931 = arith.select %ge3A_1928, %broadcast_in_dim3A_1930, %select_n3A_1925 : vector<16xi1>, vector<16xi32>
    %ge3A_1932 = arith.constant 99 : i32
    %ge3A_1933 = vector.broadcast %ge3A_1932 : i32 to vector<16xi32>
    %ge3A_1934 = arith.cmpi sge, %sub3A_1755, %ge3A_1933 : vector<16xi32>
    %jit3A_1935 = arith.constant 30 : i32
    %broadcast_in_dim3A_1936 = vector.broadcast %jit3A_1935 : i32 to vector<16xi32>
    %select_n3A_1937 = arith.select %ge3A_1934, %broadcast_in_dim3A_1936, %select_n3A_1931 : vector<16xi1>, vector<16xi32>
    %ge3A_1938 = arith.constant 113 : i32
    %ge3A_1939 = vector.broadcast %ge3A_1938 : i32 to vector<16xi32>
    %ge3A_1940 = arith.cmpi sge, %sub3A_1755, %ge3A_1939 : vector<16xi32>
    %jit3A_1941 = arith.constant 31 : i32
    %broadcast_in_dim3A_1942 = vector.broadcast %jit3A_1941 : i32 to vector<16xi32>
    %select_n3A_1943 = arith.select %ge3A_1940, %broadcast_in_dim3A_1942, %select_n3A_1937 : vector<16xi1>, vector<16xi32>
    %and3A_1944 = arith.constant 15 : i32
    %and3A_1945 = vector.broadcast %and3A_1944 : i32 to vector<16xi32>
    %and3A_1946 = arith.andi %select_n3A_1943, %and3A_1945 : vector<16xi32>
    %lt3A_1947 = arith.constant 16 : i32
    %lt3A_1948 = vector.broadcast %lt3A_1947 : i32 to vector<16xi32>
    %lt3A_1949 = arith.cmpi slt, %select_n3A_1943, %lt3A_1948 : vector<16xi32>
    %broadcast_in_dim3A_1950 = vector.shape_cast %and3A_1946 : vector<16xi32> to vector<16x1xi32>
    %gather3A_1951 = vector.shape_cast %broadcast_in_dim3A_1950 : vector<16x1xi32> to vector<16xi32>
    %gather3A_1952 = tpu.dynamic_gather %mul3A_15[%gather3A_1951] in [0] : vector<16xf32>, vector<16xi32> -> vector<16xf32>
    %broadcast_in_dim3A_1953 = vector.shape_cast %and3A_1946 : vector<16xi32> to vector<16x1xi32>
    %gather3A_1954 = vector.shape_cast %broadcast_in_dim3A_1953 : vector<16x1xi32> to vector<16xi32>
    %gather3A_1955 = tpu.dynamic_gather %mul3A_21[%gather3A_1954] in [0] : vector<16xf32>, vector<16xi32> -> vector<16xf32>
    %select_n3A_1956 = arith.select %lt3A_1949, %gather3A_1952, %gather3A_1955 : vector<16xi1>, vector<16xf32>
    %swap3A_1957 = arith.constant 4080 : index
    %swap3A_1958 = tpu.vector_load %arg5[%swap3A_1957] {strides = array<i32>} : memref<8192xf32, #tpu.memory_space<vmem>>, vector<16xf32>,
    %swap3A_1959 = vector.shape_cast %swap3A_1958 : vector<16xf32> to vector<16xf32>
    %swap3A_1960 = vector.shape_cast %select_n3A_1956 : vector<16xf32> to vector<16xf32>
    tpu.vector_store %arg5[%swap3A_1957], %swap3A_1960 {strides = array<i32>} : memref<8192xf32, #tpu.memory_space<vmem>>, vector<16xf32>,
    %add3A_1961 = arith.constant 0 : i32
    %add3A_1962 = arith.addi %add3A, %add3A_1961 : i32
    %dma_start3A = arith.constant 4064 : i32
    %dma_start3A_1963 = tpu.memref_slice %arg5[%dma_start3A] : memref<8192xf32, #tpu.memory_space<vmem>> -> memref<4096xf32, #tpu.memory_space<vmem>>
    %dma_start3A_1964 = arith.constant 0 : i32
    %dma_start3A_1965 = tpu.memref_slice %arg3[%add3A_1962, %dma_start3A_1964] : memref<512x4096xf32, #tpu.memory_space<hbm>> -> memref<1x4096xf32, #tpu.memory_space<hbm>>
    %dma_start3A_1966 = tpu.memref_squeeze %dma_start3A_1965 : memref<1x4096xf32, #tpu.memory_space<hbm>> -> memref<4096xf32, #tpu.memory_space<hbm>>
    %dma_start3A_1967 = arith.constant 0 : i32
    %dma_start3A_1968 = tpu.memref_slice %arg3[%add3A_1962, %dma_start3A_1967] : memref<512x4096xf32, #tpu.memory_space<hbm>> -> memref<1x4096xf32, #tpu.memory_space<hbm>>
    %dma_start3A_1969 = tpu.memref_squeeze %dma_start3A_1968 : memref<1x4096xf32, #tpu.memory_space<hbm>> -> memref<4096xf32, #tpu.memory_space<hbm>>
    %dma_start3A_1970 = arith.constant 4064 : i32
    %dma_start3A_1971 = tpu.memref_slice %arg5[%dma_start3A_1970] : memref<8192xf32, #tpu.memory_space<vmem>> -> memref<4096xf32, #tpu.memory_space<vmem>>
    tpu.enqueue_dma source(%dma_start3A_1971 : memref<4096xf32, #tpu.memory_space<vmem>>) target(%dma_start3A_1969 : memref<4096xf32, #tpu.memory_space<hbm>>) target_semaphore(%arg6 : memref<!tpu.dma_semaphore, #tpu.memory_space<semaphore_mem>>)
    %add3A_1972 = arith.constant 32 : i32
    %add3A_1973 = arith.addi %add3A, %add3A_1972 : i32
    %dma_start3A_1974 = arith.constant 4032 : i32
    %dma_start3A_1975 = tpu.memref_slice %arg5[%dma_start3A_1974] : memref<8192xf32, #tpu.memory_space<vmem>> -> memref<4096xf32, #tpu.memory_space<vmem>>
    %dma_start3A_1976 = arith.constant 0 : i32
    %dma_start3A_1977 = tpu.memref_slice %arg3[%add3A_1973, %dma_start3A_1976] : memref<512x4096xf32, #tpu.memory_space<hbm>> -> memref<1x4096xf32, #tpu.memory_space<hbm>>
    %dma_start3A_1978 = tpu.memref_squeeze %dma_start3A_1977 : memref<1x4096xf32, #tpu.memory_space<hbm>> -> memref<4096xf32, #tpu.memory_space<hbm>>
    %dma_start3A_1979 = arith.constant 0 : i32
    %dma_start3A_1980 = tpu.memref_slice %arg3[%add3A_1973, %dma_start3A_1979] : memref<512x4096xf32, #tpu.memory_space<hbm>> -> memref<1x4096xf32, #tpu.memory_space<hbm>>
    %dma_start3A_1981 = tpu.memref_squeeze %dma_start3A_1980 : memref<1x4096xf32, #tpu.memory_space<hbm>> -> memref<4096xf32, #tpu.memory_space<hbm>>
    %dma_start3A_1982 = arith.constant 4032 : i32
    %dma_start3A_1983 = tpu.memref_slice %arg5[%dma_start3A_1982] : memref<8192xf32, #tpu.memory_space<vmem>> -> memref<4096xf32, #tpu.memory_space<vmem>>
    tpu.enqueue_dma source(%dma_start3A_1983 : memref<4096xf32, #tpu.memory_space<vmem>>) target(%dma_start3A_1981 : memref<4096xf32, #tpu.memory_space<hbm>>) target_semaphore(%arg6 : memref<!tpu.dma_semaphore, #tpu.memory_space<semaphore_mem>>)
    %add3A_1984 = arith.constant 64 : i32
    %add3A_1985 = arith.addi %add3A, %add3A_1984 : i32
    %dma_start3A_1986 = arith.constant 4000 : i32
    %dma_start3A_1987 = tpu.memref_slice %arg5[%dma_start3A_1986] : memref<8192xf32, #tpu.memory_space<vmem>> -> memref<4096xf32, #tpu.memory_space<vmem>>
    %dma_start3A_1988 = arith.constant 0 : i32
    %dma_start3A_1989 = tpu.memref_slice %arg3[%add3A_1985, %dma_start3A_1988] : memref<512x4096xf32, #tpu.memory_space<hbm>> -> memref<1x4096xf32, #tpu.memory_space<hbm>>
    %dma_start3A_1990 = tpu.memref_squeeze %dma_start3A_1989 : memref<1x4096xf32, #tpu.memory_space<hbm>> -> memref<4096xf32, #tpu.memory_space<hbm>>
    %dma_start3A_1991 = arith.constant 0 : i32
    %dma_start3A_1992 = tpu.memref_slice %arg3[%add3A_1985, %dma_start3A_1991] : memref<512x4096xf32, #tpu.memory_space<hbm>> -> memref<1x4096xf32, #tpu.memory_space<hbm>>
    %dma_start3A_1993 = tpu.memref_squeeze %dma_start3A_1992 : memref<1x4096xf32, #tpu.memory_space<hbm>> -> memref<4096xf32, #tpu.memory_space<hbm>>
    %dma_start3A_1994 = arith.constant 4000 : i32
    %dma_start3A_1995 = tpu.memref_slice %arg5[%dma_start3A_1994] : memref<8192xf32, #tpu.memory_space<vmem>> -> memref<4096xf32, #tpu.memory_space<vmem>>
    tpu.enqueue_dma source(%dma_start3A_1995 : memref<4096xf32, #tpu.memory_space<vmem>>) target(%dma_start3A_1993 : memref<4096xf32, #tpu.memory_space<hbm>>) target_semaphore(%arg6 : memref<!tpu.dma_semaphore, #tpu.memory_space<semaphore_mem>>)
    %add3A_1996 = arith.constant 96 : i32
    %add3A_1997 = arith.addi %add3A, %add3A_1996 : i32
    %dma_start3A_1998 = arith.constant 3968 : i32
    %dma_start3A_1999 = tpu.memref_slice %arg5[%dma_start3A_1998] : memref<8192xf32, #tpu.memory_space<vmem>> -> memref<4096xf32, #tpu.memory_space<vmem>>
    %dma_start3A_2000 = arith.constant 0 : i32
    %dma_start3A_2001 = tpu.memref_slice %arg3[%add3A_1997, %dma_start3A_2000] : memref<512x4096xf32, #tpu.memory_space<hbm>> -> memref<1x4096xf32, #tpu.memory_space<hbm>>
    %dma_start3A_2002 = tpu.memref_squeeze %dma_start3A_2001 : memref<1x4096xf32, #tpu.memory_space<hbm>> -> memref<4096xf32, #tpu.memory_space<hbm>>
    %dma_start3A_2003 = arith.constant 0 : i32
    %dma_start3A_2004 = tpu.memref_slice %arg3[%add3A_1997, %dma_start3A_2003] : memref<512x4096xf32, #tpu.memory_space<hbm>> -> memref<1x4096xf32, #tpu.memory_space<hbm>>
    %dma_start3A_2005 = tpu.memref_squeeze %dma_start3A_2004 : memref<1x4096xf32, #tpu.memory_space<hbm>> -> memref<4096xf32, #tpu.memory_space<hbm>>
    %dma_start3A_2006 = arith.constant 3968 : i32
    %dma_start3A_2007 = tpu.memref_slice %arg5[%dma_start3A_2006] : memref<8192xf32, #tpu.memory_space<vmem>> -> memref<4096xf32, #tpu.memory_space<vmem>>
    tpu.enqueue_dma source(%dma_start3A_2007 : memref<4096xf32, #tpu.memory_space<vmem>>) target(%dma_start3A_2005 : memref<4096xf32, #tpu.memory_space<hbm>>) target_semaphore(%arg6 : memref<!tpu.dma_semaphore, #tpu.memory_space<semaphore_mem>>)
    %add3A_2008 = arith.constant 128 : i32
    %add3A_2009 = arith.addi %add3A, %add3A_2008 : i32
    %dma_start3A_2010 = arith.constant 3936 : i32
    %dma_start3A_2011 = tpu.memref_slice %arg5[%dma_start3A_2010] : memref<8192xf32, #tpu.memory_space<vmem>> -> memref<4096xf32, #tpu.memory_space<vmem>>
    %dma_start3A_2012 = arith.constant 0 : i32
    %dma_start3A_2013 = tpu.memref_slice %arg3[%add3A_2009, %dma_start3A_2012] : memref<512x4096xf32, #tpu.memory_space<hbm>> -> memref<1x4096xf32, #tpu.memory_space<hbm>>
    %dma_start3A_2014 = tpu.memref_squeeze %dma_start3A_2013 : memref<1x4096xf32, #tpu.memory_space<hbm>> -> memref<4096xf32, #tpu.memory_space<hbm>>
    %dma_start3A_2015 = arith.constant 0 : i32
    %dma_start3A_2016 = tpu.memref_slice %arg3[%add3A_2009, %dma_start3A_2015] : memref<512x4096xf32, #tpu.memory_space<hbm>> -> memref<1x4096xf32, #tpu.memory_space<hbm>>
    %dma_start3A_2017 = tpu.memref_squeeze %dma_start3A_2016 : memref<1x4096xf32, #tpu.memory_space<hbm>> -> memref<4096xf32, #tpu.memory_space<hbm>>
    %dma_start3A_2018 = arith.constant 3936 : i32
    %dma_start3A_2019 = tpu.memref_slice %arg5[%dma_start3A_2018] : memref<8192xf32, #tpu.memory_space<vmem>> -> memref<4096xf32, #tpu.memory_space<vmem>>
    tpu.enqueue_dma source(%dma_start3A_2019 : memref<4096xf32, #tpu.memory_space<vmem>>) target(%dma_start3A_2017 : memref<4096xf32, #tpu.memory_space<hbm>>) target_semaphore(%arg6 : memref<!tpu.dma_semaphore, #tpu.memory_space<semaphore_mem>>)
    %add3A_2020 = arith.constant 160 : i32
    %add3A_2021 = arith.addi %add3A, %add3A_2020 : i32
    %dma_start3A_2022 = arith.constant 3904 : i32
    %dma_start3A_2023 = tpu.memref_slice %arg5[%dma_start3A_2022] : memref<8192xf32, #tpu.memory_space<vmem>> -> memref<4096xf32, #tpu.memory_space<vmem>>
    %dma_start3A_2024 = arith.constant 0 : i32
    %dma_start3A_2025 = tpu.memref_slice %arg3[%add3A_2021, %dma_start3A_2024] : memref<512x4096xf32, #tpu.memory_space<hbm>> -> memref<1x4096xf32, #tpu.memory_space<hbm>>
    %dma_start3A_2026 = tpu.memref_squeeze %dma_start3A_2025 : memref<1x4096xf32, #tpu.memory_space<hbm>> -> memref<4096xf32, #tpu.memory_space<hbm>>
    %dma_start3A_2027 = arith.constant 0 : i32
    %dma_start3A_2028 = tpu.memref_slice %arg3[%add3A_2021, %dma_start3A_2027] : memref<512x4096xf32, #tpu.memory_space<hbm>> -> memref<1x4096xf32, #tpu.memory_space<hbm>>
    %dma_start3A_2029 = tpu.memref_squeeze %dma_start3A_2028 : memref<1x4096xf32, #tpu.memory_space<hbm>> -> memref<4096xf32, #tpu.memory_space<hbm>>
    %dma_start3A_2030 = arith.constant 3904 : i32
    %dma_start3A_2031 = tpu.memref_slice %arg5[%dma_start3A_2030] : memref<8192xf32, #tpu.memory_space<vmem>> -> memref<4096xf32, #tpu.memory_space<vmem>>
    tpu.enqueue_dma source(%dma_start3A_2031 : memref<4096xf32, #tpu.memory_space<vmem>>) target(%dma_start3A_2029 : memref<4096xf32, #tpu.memory_space<hbm>>) target_semaphore(%arg6 : memref<!tpu.dma_semaphore, #tpu.memory_space<semaphore_mem>>)
    %add3A_2032 = arith.constant 192 : i32
    %add3A_2033 = arith.addi %add3A, %add3A_2032 : i32
    %dma_start3A_2034 = arith.constant 3872 : i32
    %dma_start3A_2035 = tpu.memref_slice %arg5[%dma_start3A_2034] : memref<8192xf32, #tpu.memory_space<vmem>> -> memref<4096xf32, #tpu.memory_space<vmem>>
    %dma_start3A_2036 = arith.constant 0 : i32
    %dma_start3A_2037 = tpu.memref_slice %arg3[%add3A_2033, %dma_start3A_2036] : memref<512x4096xf32, #tpu.memory_space<hbm>> -> memref<1x4096xf32, #tpu.memory_space<hbm>>
    %dma_start3A_2038 = tpu.memref_squeeze %dma_start3A_2037 : memref<1x4096xf32, #tpu.memory_space<hbm>> -> memref<4096xf32, #tpu.memory_space<hbm>>
    %dma_start3A_2039 = arith.constant 0 : i32
    %dma_start3A_2040 = tpu.memref_slice %arg3[%add3A_2033, %dma_start3A_2039] : memref<512x4096xf32, #tpu.memory_space<hbm>> -> memref<1x4096xf32, #tpu.memory_space<hbm>>
    %dma_start3A_2041 = tpu.memref_squeeze %dma_start3A_2040 : memref<1x4096xf32, #tpu.memory_space<hbm>> -> memref<4096xf32, #tpu.memory_space<hbm>>
    %dma_start3A_2042 = arith.constant 3872 : i32
    %dma_start3A_2043 = tpu.memref_slice %arg5[%dma_start3A_2042] : memref<8192xf32, #tpu.memory_space<vmem>> -> memref<4096xf32, #tpu.memory_space<vmem>>
    tpu.enqueue_dma source(%dma_start3A_2043 : memref<4096xf32, #tpu.memory_space<vmem>>) target(%dma_start3A_2041 : memref<4096xf32, #tpu.memory_space<hbm>>) target_semaphore(%arg6 : memref<!tpu.dma_semaphore, #tpu.memory_space<semaphore_mem>>)
    %add3A_2044 = arith.constant 224 : i32
    %add3A_2045 = arith.addi %add3A, %add3A_2044 : i32
    %dma_start3A_2046 = arith.constant 3840 : i32
    %dma_start3A_2047 = tpu.memref_slice %arg5[%dma_start3A_2046] : memref<8192xf32, #tpu.memory_space<vmem>> -> memref<4096xf32, #tpu.memory_space<vmem>>
    %dma_start3A_2048 = arith.constant 0 : i32
    %dma_start3A_2049 = tpu.memref_slice %arg3[%add3A_2045, %dma_start3A_2048] : memref<512x4096xf32, #tpu.memory_space<hbm>> -> memref<1x4096xf32, #tpu.memory_space<hbm>>
    %dma_start3A_2050 = tpu.memref_squeeze %dma_start3A_2049 : memref<1x4096xf32, #tpu.memory_space<hbm>> -> memref<4096xf32, #tpu.memory_space<hbm>>
    %dma_start3A_2051 = arith.constant 0 : i32
    %dma_start3A_2052 = tpu.memref_slice %arg3[%add3A_2045, %dma_start3A_2051] : memref<512x4096xf32, #tpu.memory_space<hbm>> -> memref<1x4096xf32, #tpu.memory_space<hbm>>
    %dma_start3A_2053 = tpu.memref_squeeze %dma_start3A_2052 : memref<1x4096xf32, #tpu.memory_space<hbm>> -> memref<4096xf32, #tpu.memory_space<hbm>>
    %dma_start3A_2054 = arith.constant 3840 : i32
    %dma_start3A_2055 = tpu.memref_slice %arg5[%dma_start3A_2054] : memref<8192xf32, #tpu.memory_space<vmem>> -> memref<4096xf32, #tpu.memory_space<vmem>>
    tpu.enqueue_dma source(%dma_start3A_2055 : memref<4096xf32, #tpu.memory_space<vmem>>) target(%dma_start3A_2053 : memref<4096xf32, #tpu.memory_space<hbm>>) target_semaphore(%arg6 : memref<!tpu.dma_semaphore, #tpu.memory_space<semaphore_mem>>)
    %scan3A_2056 = arith.constant 0 : i32
    %scan3A_2057 = arith.constant 0 : i32
    %mul3A_2058 = arith.constant 8 : i32
    %mul3A_2059 = arith.muli %scan3A_2057, %mul3A_2058 : i32
    %add3A_2060 = arith.constant 8 : i32
    %add3A_2061 = arith.addi %add3A_2060, %mul3A_2059 : i32
    %add3A_2062 = arith.constant 0 : i32
    %add3A_2063 = arith.addi %add3A_2061, %add3A_2062 : i32
    %mul3A_2064 = arith.constant 32 : i32
    %mul3A_2065 = arith.muli %mul3A_2064, %add3A_2063 : i32
    %sub3A_2066 = arith.constant 4064 : i32
    %sub3A_2067 = arith.subi %sub3A_2066, %mul3A_2065 : i32
    %mul3A_2068 = arith.constant 32 : i32
    %mul3A_2069 = arith.muli %mul3A_2068, %add3A_2063 : i32
    %add3A_2070 = arith.addi %add3A, %mul3A_2069 : i32
    %dma_start3A_2071 = tpu.memref_slice %arg5[%sub3A_2067] : memref<8192xf32, #tpu.memory_space<vmem>> -> memref<4096xf32, #tpu.memory_space<vmem>>
    %dma_start3A_2072 = arith.constant 0 : i32
    %dma_start3A_2073 = tpu.memref_slice %arg3[%add3A_2070, %dma_start3A_2072] : memref<512x4096xf32, #tpu.memory_space<hbm>> -> memref<1x4096xf32, #tpu.memory_space<hbm>>
    %dma_start3A_2074 = tpu.memref_squeeze %dma_start3A_2073 : memref<1x4096xf32, #tpu.memory_space<hbm>> -> memref<4096xf32, #tpu.memory_space<hbm>>
    %dma_start3A_2075 = arith.constant 0 : i32
    %dma_start3A_2076 = tpu.memref_slice %arg3[%add3A_2070, %dma_start3A_2075] : memref<512x4096xf32, #tpu.memory_space<hbm>> -> memref<1x4096xf32, #tpu.memory_space<hbm>>
    %dma_start3A_2077 = tpu.memref_squeeze %dma_start3A_2076 : memref<1x4096xf32, #tpu.memory_space<hbm>> -> memref<4096xf32, #tpu.memory_space<hbm>>
    %dma_start3A_2078 = tpu.memref_slice %arg5[%sub3A_2067] : memref<8192xf32, #tpu.memory_space<vmem>> -> memref<4096xf32, #tpu.memory_space<vmem>>
    tpu.enqueue_dma source(%dma_start3A_2078 : memref<4096xf32, #tpu.memory_space<vmem>>) target(%dma_start3A_2077 : memref<4096xf32, #tpu.memory_space<hbm>>) target_semaphore(%arg6 : memref<!tpu.dma_semaphore, #tpu.memory_space<semaphore_mem>>)
    %mul3A_2079 = arith.constant 8 : i32
    %mul3A_2080 = arith.muli %scan3A_2057, %mul3A_2079 : i32
    %add3A_2081 = arith.constant 8 : i32
    %add3A_2082 = arith.addi %add3A_2081, %mul3A_2080 : i32
    %add3A_2083 = arith.constant 1 : i32
    %add3A_2084 = arith.addi %add3A_2082, %add3A_2083 : i32
    %mul3A_2085 = arith.constant 32 : i32
    %mul3A_2086 = arith.muli %mul3A_2085, %add3A_2084 : i32
    %sub3A_2087 = arith.constant 4064 : i32
    %sub3A_2088 = arith.subi %sub3A_2087, %mul3A_2086 : i32
    %mul3A_2089 = arith.constant 32 : i32
    %mul3A_2090 = arith.muli %mul3A_2089, %add3A_2084 : i32
    %add3A_2091 = arith.addi %add3A, %mul3A_2090 : i32
    %dma_start3A_2092 = tpu.memref_slice %arg5[%sub3A_2088] : memref<8192xf32, #tpu.memory_space<vmem>> -> memref<4096xf32, #tpu.memory_space<vmem>>
    %dma_start3A_2093 = arith.constant 0 : i32
    %dma_start3A_2094 = tpu.memref_slice %arg3[%add3A_2091, %dma_start3A_2093] : memref<512x4096xf32, #tpu.memory_space<hbm>> -> memref<1x4096xf32, #tpu.memory_space<hbm>>
    %dma_start3A_2095 = tpu.memref_squeeze %dma_start3A_2094 : memref<1x4096xf32, #tpu.memory_space<hbm>> -> memref<4096xf32, #tpu.memory_space<hbm>>
    %dma_start3A_2096 = arith.constant 0 : i32
    %dma_start3A_2097 = tpu.memref_slice %arg3[%add3A_2091, %dma_start3A_2096] : memref<512x4096xf32, #tpu.memory_space<hbm>> -> memref<1x4096xf32, #tpu.memory_space<hbm>>
    %dma_start3A_2098 = tpu.memref_squeeze %dma_start3A_2097 : memref<1x4096xf32, #tpu.memory_space<hbm>> -> memref<4096xf32, #tpu.memory_space<hbm>>
    %dma_start3A_2099 = tpu.memref_slice %arg5[%sub3A_2088] : memref<8192xf32, #tpu.memory_space<vmem>> -> memref<4096xf32, #tpu.memory_space<vmem>>
    tpu.enqueue_dma source(%dma_start3A_2099 : memref<4096xf32, #tpu.memory_space<vmem>>) target(%dma_start3A_2098 : memref<4096xf32, #tpu.memory_space<hbm>>) target_semaphore(%arg6 : memref<!tpu.dma_semaphore, #tpu.memory_space<semaphore_mem>>)
    %mul3A_2100 = arith.constant 8 : i32
    %mul3A_2101 = arith.muli %scan3A_2057, %mul3A_2100 : i32
    %add3A_2102 = arith.constant 8 : i32
    %add3A_2103 = arith.addi %add3A_2102, %mul3A_2101 : i32
    %add3A_2104 = arith.constant 2 : i32
    %add3A_2105 = arith.addi %add3A_2103, %add3A_2104 : i32
    %mul3A_2106 = arith.constant 32 : i32
    %mul3A_2107 = arith.muli %mul3A_2106, %add3A_2105 : i32
    %sub3A_2108 = arith.constant 4064 : i32
    %sub3A_2109 = arith.subi %sub3A_2108, %mul3A_2107 : i32
    %mul3A_2110 = arith.constant 32 : i32
    %mul3A_2111 = arith.muli %mul3A_2110, %add3A_2105 : i32
    %add3A_2112 = arith.addi %add3A, %mul3A_2111 : i32
    %dma_start3A_2113 = tpu.memref_slice %arg5[%sub3A_2109] : memref<8192xf32, #tpu.memory_space<vmem>> -> memref<4096xf32, #tpu.memory_space<vmem>>
    %dma_start3A_2114 = arith.constant 0 : i32
    %dma_start3A_2115 = tpu.memref_slice %arg3[%add3A_2112, %dma_start3A_2114] : memref<512x4096xf32, #tpu.memory_space<hbm>> -> memref<1x4096xf32, #tpu.memory_space<hbm>>
    %dma_start3A_2116 = tpu.memref_squeeze %dma_start3A_2115 : memref<1x4096xf32, #tpu.memory_space<hbm>> -> memref<4096xf32, #tpu.memory_space<hbm>>
    %dma_start3A_2117 = arith.constant 0 : i32
    %dma_start3A_2118 = tpu.memref_slice %arg3[%add3A_2112, %dma_start3A_2117] : memref<512x4096xf32, #tpu.memory_space<hbm>> -> memref<1x4096xf32, #tpu.memory_space<hbm>>
    %dma_start3A_2119 = tpu.memref_squeeze %dma_start3A_2118 : memref<1x4096xf32, #tpu.memory_space<hbm>> -> memref<4096xf32, #tpu.memory_space<hbm>>
    %dma_start3A_2120 = tpu.memref_slice %arg5[%sub3A_2109] : memref<8192xf32, #tpu.memory_space<vmem>> -> memref<4096xf32, #tpu.memory_space<vmem>>
    tpu.enqueue_dma source(%dma_start3A_2120 : memref<4096xf32, #tpu.memory_space<vmem>>) target(%dma_start3A_2119 : memref<4096xf32, #tpu.memory_space<hbm>>) target_semaphore(%arg6 : memref<!tpu.dma_semaphore, #tpu.memory_space<semaphore_mem>>)
    %mul3A_2121 = arith.constant 8 : i32
    %mul3A_2122 = arith.muli %scan3A_2057, %mul3A_2121 : i32
    %add3A_2123 = arith.constant 8 : i32
    %add3A_2124 = arith.addi %add3A_2123, %mul3A_2122 : i32
    %add3A_2125 = arith.constant 3 : i32
    %add3A_2126 = arith.addi %add3A_2124, %add3A_2125 : i32
    %mul3A_2127 = arith.constant 32 : i32
    %mul3A_2128 = arith.muli %mul3A_2127, %add3A_2126 : i32
    %sub3A_2129 = arith.constant 4064 : i32
    %sub3A_2130 = arith.subi %sub3A_2129, %mul3A_2128 : i32
    %mul3A_2131 = arith.constant 32 : i32
    %mul3A_2132 = arith.muli %mul3A_2131, %add3A_2126 : i32
    %add3A_2133 = arith.addi %add3A, %mul3A_2132 : i32
    %dma_start3A_2134 = tpu.memref_slice %arg5[%sub3A_2130] : memref<8192xf32, #tpu.memory_space<vmem>> -> memref<4096xf32, #tpu.memory_space<vmem>>
    %dma_start3A_2135 = arith.constant 0 : i32
    %dma_start3A_2136 = tpu.memref_slice %arg3[%add3A_2133, %dma_start3A_2135] : memref<512x4096xf32, #tpu.memory_space<hbm>> -> memref<1x4096xf32, #tpu.memory_space<hbm>>
    %dma_start3A_2137 = tpu.memref_squeeze %dma_start3A_2136 : memref<1x4096xf32, #tpu.memory_space<hbm>> -> memref<4096xf32, #tpu.memory_space<hbm>>
    %dma_start3A_2138 = arith.constant 0 : i32
    %dma_start3A_2139 = tpu.memref_slice %arg3[%add3A_2133, %dma_start3A_2138] : memref<512x4096xf32, #tpu.memory_space<hbm>> -> memref<1x4096xf32, #tpu.memory_space<hbm>>
    %dma_start3A_2140 = tpu.memref_squeeze %dma_start3A_2139 : memref<1x4096xf32, #tpu.memory_space<hbm>> -> memref<4096xf32, #tpu.memory_space<hbm>>
    %dma_start3A_2141 = tpu.memref_slice %arg5[%sub3A_2130] : memref<8192xf32, #tpu.memory_space<vmem>> -> memref<4096xf32, #tpu.memory_space<vmem>>
    tpu.enqueue_dma source(%dma_start3A_2141 : memref<4096xf32, #tpu.memory_space<vmem>>) target(%dma_start3A_2140 : memref<4096xf32, #tpu.memory_space<hbm>>) target_semaphore(%arg6 : memref<!tpu.dma_semaphore, #tpu.memory_space<semaphore_mem>>)
    %mul3A_2142 = arith.constant 8 : i32
    %mul3A_2143 = arith.muli %scan3A_2057, %mul3A_2142 : i32
    %add3A_2144 = arith.constant 8 : i32
    %add3A_2145 = arith.addi %add3A_2144, %mul3A_2143 : i32
    %add3A_2146 = arith.constant 4 : i32
    %add3A_2147 = arith.addi %add3A_2145, %add3A_2146 : i32
    %mul3A_2148 = arith.constant 32 : i32
    %mul3A_2149 = arith.muli %mul3A_2148, %add3A_2147 : i32
    %sub3A_2150 = arith.constant 4064 : i32
    %sub3A_2151 = arith.subi %sub3A_2150, %mul3A_2149 : i32
    %mul3A_2152 = arith.constant 32 : i32
    %mul3A_2153 = arith.muli %mul3A_2152, %add3A_2147 : i32
    %add3A_2154 = arith.addi %add3A, %mul3A_2153 : i32
    %dma_start3A_2155 = tpu.memref_slice %arg5[%sub3A_2151] : memref<8192xf32, #tpu.memory_space<vmem>> -> memref<4096xf32, #tpu.memory_space<vmem>>
    %dma_start3A_2156 = arith.constant 0 : i32
    %dma_start3A_2157 = tpu.memref_slice %arg3[%add3A_2154, %dma_start3A_2156] : memref<512x4096xf32, #tpu.memory_space<hbm>> -> memref<1x4096xf32, #tpu.memory_space<hbm>>
    %dma_start3A_2158 = tpu.memref_squeeze %dma_start3A_2157 : memref<1x4096xf32, #tpu.memory_space<hbm>> -> memref<4096xf32, #tpu.memory_space<hbm>>
    %dma_start3A_2159 = arith.constant 0 : i32
    %dma_start3A_2160 = tpu.memref_slice %arg3[%add3A_2154, %dma_start3A_2159] : memref<512x4096xf32, #tpu.memory_space<hbm>> -> memref<1x4096xf32, #tpu.memory_space<hbm>>
    %dma_start3A_2161 = tpu.memref_squeeze %dma_start3A_2160 : memref<1x4096xf32, #tpu.memory_space<hbm>> -> memref<4096xf32, #tpu.memory_space<hbm>>
    %dma_start3A_2162 = tpu.memref_slice %arg5[%sub3A_2151] : memref<8192xf32, #tpu.memory_space<vmem>> -> memref<4096xf32, #tpu.memory_space<vmem>>
    tpu.enqueue_dma source(%dma_start3A_2162 : memref<4096xf32, #tpu.memory_space<vmem>>) target(%dma_start3A_2161 : memref<4096xf32, #tpu.memory_space<hbm>>) target_semaphore(%arg6 : memref<!tpu.dma_semaphore, #tpu.memory_space<semaphore_mem>>)
    %mul3A_2163 = arith.constant 8 : i32
    %mul3A_2164 = arith.muli %scan3A_2057, %mul3A_2163 : i32
    %add3A_2165 = arith.constant 8 : i32
    %add3A_2166 = arith.addi %add3A_2165, %mul3A_2164 : i32
    %add3A_2167 = arith.constant 5 : i32
    %add3A_2168 = arith.addi %add3A_2166, %add3A_2167 : i32
    %mul3A_2169 = arith.constant 32 : i32
    %mul3A_2170 = arith.muli %mul3A_2169, %add3A_2168 : i32
    %sub3A_2171 = arith.constant 4064 : i32
    %sub3A_2172 = arith.subi %sub3A_2171, %mul3A_2170 : i32
    %mul3A_2173 = arith.constant 32 : i32
    %mul3A_2174 = arith.muli %mul3A_2173, %add3A_2168 : i32
    %add3A_2175 = arith.addi %add3A, %mul3A_2174 : i32
    %dma_start3A_2176 = tpu.memref_slice %arg5[%sub3A_2172] : memref<8192xf32, #tpu.memory_space<vmem>> -> memref<4096xf32, #tpu.memory_space<vmem>>
    %dma_start3A_2177 = arith.constant 0 : i32
    %dma_start3A_2178 = tpu.memref_slice %arg3[%add3A_2175, %dma_start3A_2177] : memref<512x4096xf32, #tpu.memory_space<hbm>> -> memref<1x4096xf32, #tpu.memory_space<hbm>>
    %dma_start3A_2179 = tpu.memref_squeeze %dma_start3A_2178 : memref<1x4096xf32, #tpu.memory_space<hbm>> -> memref<4096xf32, #tpu.memory_space<hbm>>
    %dma_start3A_2180 = arith.constant 0 : i32
    %dma_start3A_2181 = tpu.memref_slice %arg3[%add3A_2175, %dma_start3A_2180] : memref<512x4096xf32, #tpu.memory_space<hbm>> -> memref<1x4096xf32, #tpu.memory_space<hbm>>
    %dma_start3A_2182 = tpu.memref_squeeze %dma_start3A_2181 : memref<1x4096xf32, #tpu.memory_space<hbm>> -> memref<4096xf32, #tpu.memory_space<hbm>>
    %dma_start3A_2183 = tpu.memref_slice %arg5[%sub3A_2172] : memref<8192xf32, #tpu.memory_space<vmem>> -> memref<4096xf32, #tpu.memory_space<vmem>>
    tpu.enqueue_dma source(%dma_start3A_2183 : memref<4096xf32, #tpu.memory_space<vmem>>) target(%dma_start3A_2182 : memref<4096xf32, #tpu.memory_space<hbm>>) target_semaphore(%arg6 : memref<!tpu.dma_semaphore, #tpu.memory_space<semaphore_mem>>)
    %mul3A_2184 = arith.constant 8 : i32
    %mul3A_2185 = arith.muli %scan3A_2057, %mul3A_2184 : i32
    %add3A_2186 = arith.constant 8 : i32
    %add3A_2187 = arith.addi %add3A_2186, %mul3A_2185 : i32
    %add3A_2188 = arith.constant 6 : i32
    %add3A_2189 = arith.addi %add3A_2187, %add3A_2188 : i32
    %mul3A_2190 = arith.constant 32 : i32
    %mul3A_2191 = arith.muli %mul3A_2190, %add3A_2189 : i32
    %sub3A_2192 = arith.constant 4064 : i32
    %sub3A_2193 = arith.subi %sub3A_2192, %mul3A_2191 : i32
    %mul3A_2194 = arith.constant 32 : i32
    %mul3A_2195 = arith.muli %mul3A_2194, %add3A_2189 : i32
    %add3A_2196 = arith.addi %add3A, %mul3A_2195 : i32
    %dma_start3A_2197 = tpu.memref_slice %arg5[%sub3A_2193] : memref<8192xf32, #tpu.memory_space<vmem>> -> memref<4096xf32, #tpu.memory_space<vmem>>
    %dma_start3A_2198 = arith.constant 0 : i32
    %dma_start3A_2199 = tpu.memref_slice %arg3[%add3A_2196, %dma_start3A_2198] : memref<512x4096xf32, #tpu.memory_space<hbm>> -> memref<1x4096xf32, #tpu.memory_space<hbm>>
    %dma_start3A_2200 = tpu.memref_squeeze %dma_start3A_2199 : memref<1x4096xf32, #tpu.memory_space<hbm>> -> memref<4096xf32, #tpu.memory_space<hbm>>
    %dma_start3A_2201 = arith.constant 0 : i32
    %dma_start3A_2202 = tpu.memref_slice %arg3[%add3A_2196, %dma_start3A_2201] : memref<512x4096xf32, #tpu.memory_space<hbm>> -> memref<1x4096xf32, #tpu.memory_space<hbm>>
    %dma_start3A_2203 = tpu.memref_squeeze %dma_start3A_2202 : memref<1x4096xf32, #tpu.memory_space<hbm>> -> memref<4096xf32, #tpu.memory_space<hbm>>
    %dma_start3A_2204 = tpu.memref_slice %arg5[%sub3A_2193] : memref<8192xf32, #tpu.memory_space<vmem>> -> memref<4096xf32, #tpu.memory_space<vmem>>
    tpu.enqueue_dma source(%dma_start3A_2204 : memref<4096xf32, #tpu.memory_space<vmem>>) target(%dma_start3A_2203 : memref<4096xf32, #tpu.memory_space<hbm>>) target_semaphore(%arg6 : memref<!tpu.dma_semaphore, #tpu.memory_space<semaphore_mem>>)
    %mul3A_2205 = arith.constant 8 : i32
    %mul3A_2206 = arith.muli %scan3A_2057, %mul3A_2205 : i32
    %add3A_2207 = arith.constant 8 : i32
    %add3A_2208 = arith.addi %add3A_2207, %mul3A_2206 : i32
    %add3A_2209 = arith.constant 7 : i32
    %add3A_2210 = arith.addi %add3A_2208, %add3A_2209 : i32
    %mul3A_2211 = arith.constant 32 : i32
    %mul3A_2212 = arith.muli %mul3A_2211, %add3A_2210 : i32
    %sub3A_2213 = arith.constant 4064 : i32
    %sub3A_2214 = arith.subi %sub3A_2213, %mul3A_2212 : i32
    %mul3A_2215 = arith.constant 32 : i32
    %mul3A_2216 = arith.muli %mul3A_2215, %add3A_2210 : i32
    %add3A_2217 = arith.addi %add3A, %mul3A_2216 : i32
    %dma_start3A_2218 = tpu.memref_slice %arg5[%sub3A_2214] : memref<8192xf32, #tpu.memory_space<vmem>> -> memref<4096xf32, #tpu.memory_space<vmem>>
    %dma_start3A_2219 = arith.constant 0 : i32
    %dma_start3A_2220 = tpu.memref_slice %arg3[%add3A_2217, %dma_start3A_2219] : memref<512x4096xf32, #tpu.memory_space<hbm>> -> memref<1x4096xf32, #tpu.memory_space<hbm>>
    %dma_start3A_2221 = tpu.memref_squeeze %dma_start3A_2220 : memref<1x4096xf32, #tpu.memory_space<hbm>> -> memref<4096xf32, #tpu.memory_space<hbm>>
    %dma_start3A_2222 = arith.constant 0 : i32
    %dma_start3A_2223 = tpu.memref_slice %arg3[%add3A_2217, %dma_start3A_2222] : memref<512x4096xf32, #tpu.memory_space<hbm>> -> memref<1x4096xf32, #tpu.memory_space<hbm>>
    %dma_start3A_2224 = tpu.memref_squeeze %dma_start3A_2223 : memref<1x4096xf32, #tpu.memory_space<hbm>> -> memref<4096xf32, #tpu.memory_space<hbm>>
    %dma_start3A_2225 = tpu.memref_slice %arg5[%sub3A_2214] : memref<8192xf32, #tpu.memory_space<vmem>> -> memref<4096xf32, #tpu.memory_space<vmem>>
    tpu.enqueue_dma source(%dma_start3A_2225 : memref<4096xf32, #tpu.memory_space<vmem>>) target(%dma_start3A_2224 : memref<4096xf32, #tpu.memory_space<hbm>>) target_semaphore(%arg6 : memref<!tpu.dma_semaphore, #tpu.memory_space<semaphore_mem>>)
    %dma_wait3A = arith.constant 0 : i32
    %dma_wait3A_2226 = arith.constant 4096 : i32
    %dma_wait3A_2227 = tpu.memref_slice %arg5[%dma_wait3A_2226] : memref<8192xf32, #tpu.memory_space<vmem>> -> memref<4096xf32, #tpu.memory_space<vmem>>
    %dma_wait3A_2228 = arith.constant 0 : i32
    %dma_wait3A_2229 = tpu.memref_slice %arg3[%dma_wait3A, %dma_wait3A_2228] : memref<512x4096xf32, #tpu.memory_space<hbm>> -> memref<1x4096xf32, #tpu.memory_space<hbm>>
    %dma_wait3A_2230 = tpu.memref_squeeze %dma_wait3A_2229 : memref<1x4096xf32, #tpu.memory_space<hbm>> -> memref<4096xf32, #tpu.memory_space<hbm>>
    %dma_wait3A_2231 = arith.constant 4096 : i32
    %dma_wait3A_2232 = tpu.memref_slice %arg5[%dma_wait3A_2231] : memref<8192xf32, #tpu.memory_space<vmem>> -> memref<4096xf32, #tpu.memory_space<vmem>>
    %dma_wait3A_2233 = arith.constant 0 : i32
    %dma_wait3A_2234 = tpu.memref_slice %arg3[%dma_wait3A, %dma_wait3A_2233] : memref<512x4096xf32, #tpu.memory_space<hbm>> -> memref<1x4096xf32, #tpu.memory_space<hbm>>
    %dma_wait3A_2235 = tpu.memref_squeeze %dma_wait3A_2234 : memref<1x4096xf32, #tpu.memory_space<hbm>> -> memref<4096xf32, #tpu.memory_space<hbm>>
    tpu.wait_dma2 semaphore(%arg6 : memref<!tpu.dma_semaphore, #tpu.memory_space<semaphore_mem>>) src(%dma_wait3A_2235 : memref<4096xf32, #tpu.memory_space<hbm>>) dst(%dma_wait3A_2232 : memref<4096xf32, #tpu.memory_space<vmem>>)
    %dma_wait3A_2236 = arith.constant 0 : i32
    %dma_wait3A_2237 = arith.constant 4096 : i32
    %dma_wait3A_2238 = tpu.memref_slice %arg5[%dma_wait3A_2237] : memref<8192xf32, #tpu.memory_space<vmem>> -> memref<4096xf32, #tpu.memory_space<vmem>>
    %dma_wait3A_2239 = arith.constant 0 : i32
    %dma_wait3A_2240 = tpu.memref_slice %arg3[%dma_wait3A_2236, %dma_wait3A_2239] : memref<512x4096xf32, #tpu.memory_space<hbm>> -> memref<1x4096xf32, #tpu.memory_space<hbm>>
    %dma_wait3A_2241 = tpu.memref_squeeze %dma_wait3A_2240 : memref<1x4096xf32, #tpu.memory_space<hbm>> -> memref<4096xf32, #tpu.memory_space<hbm>>
    %dma_wait3A_2242 = arith.constant 4096 : i32
    %dma_wait3A_2243 = tpu.memref_slice %arg5[%dma_wait3A_2242] : memref<8192xf32, #tpu.memory_space<vmem>> -> memref<4096xf32, #tpu.memory_space<vmem>>
    %dma_wait3A_2244 = arith.constant 0 : i32
    %dma_wait3A_2245 = tpu.memref_slice %arg3[%dma_wait3A_2236, %dma_wait3A_2244] : memref<512x4096xf32, #tpu.memory_space<hbm>> -> memref<1x4096xf32, #tpu.memory_space<hbm>>
    %dma_wait3A_2246 = tpu.memref_squeeze %dma_wait3A_2245 : memref<1x4096xf32, #tpu.memory_space<hbm>> -> memref<4096xf32, #tpu.memory_space<hbm>>
    tpu.wait_dma2 semaphore(%arg6 : memref<!tpu.dma_semaphore, #tpu.memory_space<semaphore_mem>>) src(%dma_wait3A_2246 : memref<4096xf32, #tpu.memory_space<hbm>>) dst(%dma_wait3A_2243 : memref<4096xf32, #tpu.memory_space<vmem>>)
    %dma_wait3A_2247 = arith.constant 0 : i32
    %dma_wait3A_2248 = arith.constant 4096 : i32
    %dma_wait3A_2249 = tpu.memref_slice %arg5[%dma_wait3A_2248] : memref<8192xf32, #tpu.memory_space<vmem>> -> memref<4096xf32, #tpu.memory_space<vmem>>
    %dma_wait3A_2250 = arith.constant 0 : i32
    %dma_wait3A_2251 = tpu.memref_slice %arg3[%dma_wait3A_2247, %dma_wait3A_2250] : memref<512x4096xf32, #tpu.memory_space<hbm>> -> memref<1x4096xf32, #tpu.memory_space<hbm>>
    %dma_wait3A_2252 = tpu.memref_squeeze %dma_wait3A_2251 : memref<1x4096xf32, #tpu.memory_space<hbm>> -> memref<4096xf32, #tpu.memory_space<hbm>>
    %dma_wait3A_2253 = arith.constant 4096 : i32
    %dma_wait3A_2254 = tpu.memref_slice %arg5[%dma_wait3A_2253] : memref<8192xf32, #tpu.memory_space<vmem>> -> memref<4096xf32, #tpu.memory_space<vmem>>
    %dma_wait3A_2255 = arith.constant 0 : i32
    %dma_wait3A_2256 = tpu.memref_slice %arg3[%dma_wait3A_2247, %dma_wait3A_2255] : memref<512x4096xf32, #tpu.memory_space<hbm>> -> memref<1x4096xf32, #tpu.memory_space<hbm>>
    %dma_wait3A_2257 = tpu.memref_squeeze %dma_wait3A_2256 : memref<1x4096xf32, #tpu.memory_space<hbm>> -> memref<4096xf32, #tpu.memory_space<hbm>>
    tpu.wait_dma2 semaphore(%arg6 : memref<!tpu.dma_semaphore, #tpu.memory_space<semaphore_mem>>) src(%dma_wait3A_2257 : memref<4096xf32, #tpu.memory_space<hbm>>) dst(%dma_wait3A_2254 : memref<4096xf32, #tpu.memory_space<vmem>>)
    %dma_wait3A_2258 = arith.constant 0 : i32
    %dma_wait3A_2259 = arith.constant 4096 : i32
    %dma_wait3A_2260 = tpu.memref_slice %arg5[%dma_wait3A_2259] : memref<8192xf32, #tpu.memory_space<vmem>> -> memref<4096xf32, #tpu.memory_space<vmem>>
    %dma_wait3A_2261 = arith.constant 0 : i32
    %dma_wait3A_2262 = tpu.memref_slice %arg3[%dma_wait3A_2258, %dma_wait3A_2261] : memref<512x4096xf32, #tpu.memory_space<hbm>> -> memref<1x4096xf32, #tpu.memory_space<hbm>>
    %dma_wait3A_2263 = tpu.memref_squeeze %dma_wait3A_2262 : memref<1x4096xf32, #tpu.memory_space<hbm>> -> memref<4096xf32, #tpu.memory_space<hbm>>
    %dma_wait3A_2264 = arith.constant 4096 : i32
    %dma_wait3A_2265 = tpu.memref_slice %arg5[%dma_wait3A_2264] : memref<8192xf32, #tpu.memory_space<vmem>> -> memref<4096xf32, #tpu.memory_space<vmem>>
    %dma_wait3A_2266 = arith.constant 0 : i32
    %dma_wait3A_2267 = tpu.memref_slice %arg3[%dma_wait3A_2258, %dma_wait3A_2266] : memref<512x4096xf32, #tpu.memory_space<hbm>> -> memref<1x4096xf32, #tpu.memory_space<hbm>>
    %dma_wait3A_2268 = tpu.memref_squeeze %dma_wait3A_2267 : memref<1x4096xf32, #tpu.memory_space<hbm>> -> memref<4096xf32, #tpu.memory_space<hbm>>
    tpu.wait_dma2 semaphore(%arg6 : memref<!tpu.dma_semaphore, #tpu.memory_space<semaphore_mem>>) src(%dma_wait3A_2268 : memref<4096xf32, #tpu.memory_space<hbm>>) dst(%dma_wait3A_2265 : memref<4096xf32, #tpu.memory_space<vmem>>)
    %dma_wait3A_2269 = arith.constant 0 : i32
    %dma_wait3A_2270 = arith.constant 4096 : i32
    %dma_wait3A_2271 = tpu.memref_slice %arg5[%dma_wait3A_2270] : memref<8192xf32, #tpu.memory_space<vmem>> -> memref<4096xf32, #tpu.memory_space<vmem>>
    %dma_wait3A_2272 = arith.constant 0 : i32
    %dma_wait3A_2273 = tpu.memref_slice %arg3[%dma_wait3A_2269, %dma_wait3A_2272] : memref<512x4096xf32, #tpu.memory_space<hbm>> -> memref<1x4096xf32, #tpu.memory_space<hbm>>
    %dma_wait3A_2274 = tpu.memref_squeeze %dma_wait3A_2273 : memref<1x4096xf32, #tpu.memory_space<hbm>> -> memref<4096xf32, #tpu.memory_space<hbm>>
    %dma_wait3A_2275 = arith.constant 4096 : i32
    %dma_wait3A_2276 = tpu.memref_slice %arg5[%dma_wait3A_2275] : memref<8192xf32, #tpu.memory_space<vmem>> -> memref<4096xf32, #tpu.memory_space<vmem>>
    %dma_wait3A_2277 = arith.constant 0 : i32
    %dma_wait3A_2278 = tpu.memref_slice %arg3[%dma_wait3A_2269, %dma_wait3A_2277] : memref<512x4096xf32, #tpu.memory_space<hbm>> -> memref<1x4096xf32, #tpu.memory_space<hbm>>
    %dma_wait3A_2279 = tpu.memref_squeeze %dma_wait3A_2278 : memref<1x4096xf32, #tpu.memory_space<hbm>> -> memref<4096xf32, #tpu.memory_space<hbm>>
    tpu.wait_dma2 semaphore(%arg6 : memref<!tpu.dma_semaphore, #tpu.memory_space<semaphore_mem>>) src(%dma_wait3A_2279 : memref<4096xf32, #tpu.memory_space<hbm>>) dst(%dma_wait3A_2276 : memref<4096xf32, #tpu.memory_space<vmem>>)
    %dma_wait3A_2280 = arith.constant 0 : i32
    %dma_wait3A_2281 = arith.constant 4096 : i32
    %dma_wait3A_2282 = tpu.memref_slice %arg5[%dma_wait3A_2281] : memref<8192xf32, #tpu.memory_space<vmem>> -> memref<4096xf32, #tpu.memory_space<vmem>>
    %dma_wait3A_2283 = arith.constant 0 : i32
    %dma_wait3A_2284 = tpu.memref_slice %arg3[%dma_wait3A_2280, %dma_wait3A_2283] : memref<512x4096xf32, #tpu.memory_space<hbm>> -> memref<1x4096xf32, #tpu.memory_space<hbm>>
    %dma_wait3A_2285 = tpu.memref_squeeze %dma_wait3A_2284 : memref<1x4096xf32, #tpu.memory_space<hbm>> -> memref<4096xf32, #tpu.memory_space<hbm>>
    %dma_wait3A_2286 = arith.constant 4096 : i32
    %dma_wait3A_2287 = tpu.memref_slice %arg5[%dma_wait3A_2286] : memref<8192xf32, #tpu.memory_space<vmem>> -> memref<4096xf32, #tpu.memory_space<vmem>>
    %dma_wait3A_2288 = arith.constant 0 : i32
    %dma_wait3A_2289 = tpu.memref_slice %arg3[%dma_wait3A_2280, %dma_wait3A_2288] : memref<512x4096xf32, #tpu.memory_space<hbm>> -> memref<1x4096xf32, #tpu.memory_space<hbm>>
    %dma_wait3A_2290 = tpu.memref_squeeze %dma_wait3A_2289 : memref<1x4096xf32, #tpu.memory_space<hbm>> -> memref<4096xf32, #tpu.memory_space<hbm>>
    tpu.wait_dma2 semaphore(%arg6 : memref<!tpu.dma_semaphore, #tpu.memory_space<semaphore_mem>>) src(%dma_wait3A_2290 : memref<4096xf32, #tpu.memory_space<hbm>>) dst(%dma_wait3A_2287 : memref<4096xf32, #tpu.memory_space<vmem>>)
    %dma_wait3A_2291 = arith.constant 0 : i32
    %dma_wait3A_2292 = arith.constant 4096 : i32
    %dma_wait3A_2293 = tpu.memref_slice %arg5[%dma_wait3A_2292] : memref<8192xf32, #tpu.memory_space<vmem>> -> memref<4096xf32, #tpu.memory_space<vmem>>
    %dma_wait3A_2294 = arith.constant 0 : i32
    %dma_wait3A_2295 = tpu.memref_slice %arg3[%dma_wait3A_2291, %dma_wait3A_2294] : memref<512x4096xf32, #tpu.memory_space<hbm>> -> memref<1x4096xf32, #tpu.memory_space<hbm>>
    %dma_wait3A_2296 = tpu.memref_squeeze %dma_wait3A_2295 : memref<1x4096xf32, #tpu.memory_space<hbm>> -> memref<4096xf32, #tpu.memory_space<hbm>>
    %dma_wait3A_2297 = arith.constant 4096 : i32
    %dma_wait3A_2298 = tpu.memref_slice %arg5[%dma_wait3A_2297] : memref<8192xf32, #tpu.memory_space<vmem>> -> memref<4096xf32, #tpu.memory_space<vmem>>
    %dma_wait3A_2299 = arith.constant 0 : i32
    %dma_wait3A_2300 = tpu.memref_slice %arg3[%dma_wait3A_2291, %dma_wait3A_2299] : memref<512x4096xf32, #tpu.memory_space<hbm>> -> memref<1x4096xf32, #tpu.memory_space<hbm>>
    %dma_wait3A_2301 = tpu.memref_squeeze %dma_wait3A_2300 : memref<1x4096xf32, #tpu.memory_space<hbm>> -> memref<4096xf32, #tpu.memory_space<hbm>>
    tpu.wait_dma2 semaphore(%arg6 : memref<!tpu.dma_semaphore, #tpu.memory_space<semaphore_mem>>) src(%dma_wait3A_2301 : memref<4096xf32, #tpu.memory_space<hbm>>) dst(%dma_wait3A_2298 : memref<4096xf32, #tpu.memory_space<vmem>>)
    %dma_wait3A_2302 = arith.constant 0 : i32
    %dma_wait3A_2303 = arith.constant 4096 : i32
    %dma_wait3A_2304 = tpu.memref_slice %arg5[%dma_wait3A_2303] : memref<8192xf32, #tpu.memory_space<vmem>> -> memref<4096xf32, #tpu.memory_space<vmem>>
    %dma_wait3A_2305 = arith.constant 0 : i32
    %dma_wait3A_2306 = tpu.memref_slice %arg3[%dma_wait3A_2302, %dma_wait3A_2305] : memref<512x4096xf32, #tpu.memory_space<hbm>> -> memref<1x4096xf32, #tpu.memory_space<hbm>>
    %dma_wait3A_2307 = tpu.memref_squeeze %dma_wait3A_2306 : memref<1x4096xf32, #tpu.memory_space<hbm>> -> memref<4096xf32, #tpu.memory_space<hbm>>
    %dma_wait3A_2308 = arith.constant 4096 : i32
    %dma_wait3A_2309 = tpu.memref_slice %arg5[%dma_wait3A_2308] : memref<8192xf32, #tpu.memory_space<vmem>> -> memref<4096xf32, #tpu.memory_space<vmem>>
    %dma_wait3A_2310 = arith.constant 0 : i32
    %dma_wait3A_2311 = tpu.memref_slice %arg3[%dma_wait3A_2302, %dma_wait3A_2310] : memref<512x4096xf32, #tpu.memory_space<hbm>> -> memref<1x4096xf32, #tpu.memory_space<hbm>>
    %dma_wait3A_2312 = tpu.memref_squeeze %dma_wait3A_2311 : memref<1x4096xf32, #tpu.memory_space<hbm>> -> memref<4096xf32, #tpu.memory_space<hbm>>
    tpu.wait_dma2 semaphore(%arg6 : memref<!tpu.dma_semaphore, #tpu.memory_space<semaphore_mem>>) src(%dma_wait3A_2312 : memref<4096xf32, #tpu.memory_space<hbm>>) dst(%dma_wait3A_2309 : memref<4096xf32, #tpu.memory_space<vmem>>)
    %scan3A_2313 = arith.constant 1 : i32
    %dma_wait3A_2314 = arith.constant 0 : i32
    %dma_wait3A_2315 = arith.constant 4096 : i32
    %dma_wait3A_2316 = tpu.memref_slice %arg5[%dma_wait3A_2315] : memref<8192xf32, #tpu.memory_space<vmem>> -> memref<4096xf32, #tpu.memory_space<vmem>>
    %dma_wait3A_2317 = arith.constant 0 : i32
    %dma_wait3A_2318 = tpu.memref_slice %arg3[%dma_wait3A_2314, %dma_wait3A_2317] : memref<512x4096xf32, #tpu.memory_space<hbm>> -> memref<1x4096xf32, #tpu.memory_space<hbm>>
    %dma_wait3A_2319 = tpu.memref_squeeze %dma_wait3A_2318 : memref<1x4096xf32, #tpu.memory_space<hbm>> -> memref<4096xf32, #tpu.memory_space<hbm>>
    %dma_wait3A_2320 = arith.constant 4096 : i32
    %dma_wait3A_2321 = tpu.memref_slice %arg5[%dma_wait3A_2320] : memref<8192xf32, #tpu.memory_space<vmem>> -> memref<4096xf32, #tpu.memory_space<vmem>>
    %dma_wait3A_2322 = arith.constant 0 : i32
    %dma_wait3A_2323 = tpu.memref_slice %arg3[%dma_wait3A_2314, %dma_wait3A_2322] : memref<512x4096xf32, #tpu.memory_space<hbm>> -> memref<1x4096xf32, #tpu.memory_space<hbm>>
    %dma_wait3A_2324 = tpu.memref_squeeze %dma_wait3A_2323 : memref<1x4096xf32, #tpu.memory_space<hbm>> -> memref<4096xf32, #tpu.memory_space<hbm>>
    tpu.wait_dma2 semaphore(%arg6 : memref<!tpu.dma_semaphore, #tpu.memory_space<semaphore_mem>>) src(%dma_wait3A_2324 : memref<4096xf32, #tpu.memory_space<hbm>>) dst(%dma_wait3A_2321 : memref<4096xf32, #tpu.memory_space<vmem>>)
    %dma_wait3A_2325 = arith.constant 0 : i32
    %dma_wait3A_2326 = arith.constant 4096 : i32
    %dma_wait3A_2327 = tpu.memref_slice %arg5[%dma_wait3A_2326] : memref<8192xf32, #tpu.memory_space<vmem>> -> memref<4096xf32, #tpu.memory_space<vmem>>
    %dma_wait3A_2328 = arith.constant 0 : i32
    %dma_wait3A_2329 = tpu.memref_slice %arg3[%dma_wait3A_2325, %dma_wait3A_2328] : memref<512x4096xf32, #tpu.memory_space<hbm>> -> memref<1x4096xf32, #tpu.memory_space<hbm>>
    %dma_wait3A_2330 = tpu.memref_squeeze %dma_wait3A_2329 : memref<1x4096xf32, #tpu.memory_space<hbm>> -> memref<4096xf32, #tpu.memory_space<hbm>>
    %dma_wait3A_2331 = arith.constant 4096 : i32
    %dma_wait3A_2332 = tpu.memref_slice %arg5[%dma_wait3A_2331] : memref<8192xf32, #tpu.memory_space<vmem>> -> memref<4096xf32, #tpu.memory_space<vmem>>
    %dma_wait3A_2333 = arith.constant 0 : i32
    %dma_wait3A_2334 = tpu.memref_slice %arg3[%dma_wait3A_2325, %dma_wait3A_2333] : memref<512x4096xf32, #tpu.memory_space<hbm>> -> memref<1x4096xf32, #tpu.memory_space<hbm>>
    %dma_wait3A_2335 = tpu.memref_squeeze %dma_wait3A_2334 : memref<1x4096xf32, #tpu.memory_space<hbm>> -> memref<4096xf32, #tpu.memory_space<hbm>>
    tpu.wait_dma2 semaphore(%arg6 : memref<!tpu.dma_semaphore, #tpu.memory_space<semaphore_mem>>) src(%dma_wait3A_2335 : memref<4096xf32, #tpu.memory_space<hbm>>) dst(%dma_wait3A_2332 : memref<4096xf32, #tpu.memory_space<vmem>>)
    %dma_wait3A_2336 = arith.constant 0 : i32
    %dma_wait3A_2337 = arith.constant 4096 : i32
    %dma_wait3A_2338 = tpu.memref_slice %arg5[%dma_wait3A_2337] : memref<8192xf32, #tpu.memory_space<vmem>> -> memref<4096xf32, #tpu.memory_space<vmem>>
    %dma_wait3A_2339 = arith.constant 0 : i32
    %dma_wait3A_2340 = tpu.memref_slice %arg3[%dma_wait3A_2336, %dma_wait3A_2339] : memref<512x4096xf32, #tpu.memory_space<hbm>> -> memref<1x4096xf32, #tpu.memory_space<hbm>>
    %dma_wait3A_2341 = tpu.memref_squeeze %dma_wait3A_2340 : memref<1x4096xf32, #tpu.memory_space<hbm>> -> memref<4096xf32, #tpu.memory_space<hbm>>
    %dma_wait3A_2342 = arith.constant 4096 : i32
    %dma_wait3A_2343 = tpu.memref_slice %arg5[%dma_wait3A_2342] : memref<8192xf32, #tpu.memory_space<vmem>> -> memref<4096xf32, #tpu.memory_space<vmem>>
    %dma_wait3A_2344 = arith.constant 0 : i32
    %dma_wait3A_2345 = tpu.memref_slice %arg3[%dma_wait3A_2336, %dma_wait3A_2344] : memref<512x4096xf32, #tpu.memory_space<hbm>> -> memref<1x4096xf32, #tpu.memory_space<hbm>>
    %dma_wait3A_2346 = tpu.memref_squeeze %dma_wait3A_2345 : memref<1x4096xf32, #tpu.memory_space<hbm>> -> memref<4096xf32, #tpu.memory_space<hbm>>
    tpu.wait_dma2 semaphore(%arg6 : memref<!tpu.dma_semaphore, #tpu.memory_space<semaphore_mem>>) src(%dma_wait3A_2346 : memref<4096xf32, #tpu.memory_space<hbm>>) dst(%dma_wait3A_2343 : memref<4096xf32, #tpu.memory_space<vmem>>)
    %dma_wait3A_2347 = arith.constant 0 : i32
    %dma_wait3A_2348 = arith.constant 4096 : i32
    %dma_wait3A_2349 = tpu.memref_slice %arg5[%dma_wait3A_2348] : memref<8192xf32, #tpu.memory_space<vmem>> -> memref<4096xf32, #tpu.memory_space<vmem>>
    %dma_wait3A_2350 = arith.constant 0 : i32
    %dma_wait3A_2351 = tpu.memref_slice %arg3[%dma_wait3A_2347, %dma_wait3A_2350] : memref<512x4096xf32, #tpu.memory_space<hbm>> -> memref<1x4096xf32, #tpu.memory_space<hbm>>
    %dma_wait3A_2352 = tpu.memref_squeeze %dma_wait3A_2351 : memref<1x4096xf32, #tpu.memory_space<hbm>> -> memref<4096xf32, #tpu.memory_space<hbm>>
    %dma_wait3A_2353 = arith.constant 4096 : i32
    %dma_wait3A_2354 = tpu.memref_slice %arg5[%dma_wait3A_2353] : memref<8192xf32, #tpu.memory_space<vmem>> -> memref<4096xf32, #tpu.memory_space<vmem>>
    %dma_wait3A_2355 = arith.constant 0 : i32
    %dma_wait3A_2356 = tpu.memref_slice %arg3[%dma_wait3A_2347, %dma_wait3A_2355] : memref<512x4096xf32, #tpu.memory_space<hbm>> -> memref<1x4096xf32, #tpu.memory_space<hbm>>
    %dma_wait3A_2357 = tpu.memref_squeeze %dma_wait3A_2356 : memref<1x4096xf32, #tpu.memory_space<hbm>> -> memref<4096xf32, #tpu.memory_space<hbm>>
    tpu.wait_dma2 semaphore(%arg6 : memref<!tpu.dma_semaphore, #tpu.memory_space<semaphore_mem>>) src(%dma_wait3A_2357 : memref<4096xf32, #tpu.memory_space<hbm>>) dst(%dma_wait3A_2354 : memref<4096xf32, #tpu.memory_space<vmem>>)
    %dma_wait3A_2358 = arith.constant 0 : i32
    %dma_wait3A_2359 = arith.constant 4096 : i32
    %dma_wait3A_2360 = tpu.memref_slice %arg5[%dma_wait3A_2359] : memref<8192xf32, #tpu.memory_space<vmem>> -> memref<4096xf32, #tpu.memory_space<vmem>>
    %dma_wait3A_2361 = arith.constant 0 : i32
    %dma_wait3A_2362 = tpu.memref_slice %arg3[%dma_wait3A_2358, %dma_wait3A_2361] : memref<512x4096xf32, #tpu.memory_space<hbm>> -> memref<1x4096xf32, #tpu.memory_space<hbm>>
    %dma_wait3A_2363 = tpu.memref_squeeze %dma_wait3A_2362 : memref<1x4096xf32, #tpu.memory_space<hbm>> -> memref<4096xf32, #tpu.memory_space<hbm>>
    %dma_wait3A_2364 = arith.constant 4096 : i32
    %dma_wait3A_2365 = tpu.memref_slice %arg5[%dma_wait3A_2364] : memref<8192xf32, #tpu.memory_space<vmem>> -> memref<4096xf32, #tpu.memory_space<vmem>>
    %dma_wait3A_2366 = arith.constant 0 : i32
    %dma_wait3A_2367 = tpu.memref_slice %arg3[%dma_wait3A_2358, %dma_wait3A_2366] : memref<512x4096xf32, #tpu.memory_space<hbm>> -> memref<1x4096xf32, #tpu.memory_space<hbm>>
    %dma_wait3A_2368 = tpu.memref_squeeze %dma_wait3A_2367 : memref<1x4096xf32, #tpu.memory_space<hbm>> -> memref<4096xf32, #tpu.memory_space<hbm>>
    tpu.wait_dma2 semaphore(%arg6 : memref<!tpu.dma_semaphore, #tpu.memory_space<semaphore_mem>>) src(%dma_wait3A_2368 : memref<4096xf32, #tpu.memory_space<hbm>>) dst(%dma_wait3A_2365 : memref<4096xf32, #tpu.memory_space<vmem>>)
    %dma_wait3A_2369 = arith.constant 0 : i32
    %dma_wait3A_2370 = arith.constant 4096 : i32
    %dma_wait3A_2371 = tpu.memref_slice %arg5[%dma_wait3A_2370] : memref<8192xf32, #tpu.memory_space<vmem>> -> memref<4096xf32, #tpu.memory_space<vmem>>
    %dma_wait3A_2372 = arith.constant 0 : i32
    %dma_wait3A_2373 = tpu.memref_slice %arg3[%dma_wait3A_2369, %dma_wait3A_2372] : memref<512x4096xf32, #tpu.memory_space<hbm>> -> memref<1x4096xf32, #tpu.memory_space<hbm>>
    %dma_wait3A_2374 = tpu.memref_squeeze %dma_wait3A_2373 : memref<1x4096xf32, #tpu.memory_space<hbm>> -> memref<4096xf32, #tpu.memory_space<hbm>>
    %dma_wait3A_2375 = arith.constant 4096 : i32
    %dma_wait3A_2376 = tpu.memref_slice %arg5[%dma_wait3A_2375] : memref<8192xf32, #tpu.memory_space<vmem>> -> memref<4096xf32, #tpu.memory_space<vmem>>
    %dma_wait3A_2377 = arith.constant 0 : i32
    %dma_wait3A_2378 = tpu.memref_slice %arg3[%dma_wait3A_2369, %dma_wait3A_2377] : memref<512x4096xf32, #tpu.memory_space<hbm>> -> memref<1x4096xf32, #tpu.memory_space<hbm>>
    %dma_wait3A_2379 = tpu.memref_squeeze %dma_wait3A_2378 : memref<1x4096xf32, #tpu.memory_space<hbm>> -> memref<4096xf32, #tpu.memory_space<hbm>>
    tpu.wait_dma2 semaphore(%arg6 : memref<!tpu.dma_semaphore, #tpu.memory_space<semaphore_mem>>) src(%dma_wait3A_2379 : memref<4096xf32, #tpu.memory_space<hbm>>) dst(%dma_wait3A_2376 : memref<4096xf32, #tpu.memory_space<vmem>>)
    %dma_wait3A_2380 = arith.constant 0 : i32
    %dma_wait3A_2381 = arith.constant 4096 : i32
    %dma_wait3A_2382 = tpu.memref_slice %arg5[%dma_wait3A_2381] : memref<8192xf32, #tpu.memory_space<vmem>> -> memref<4096xf32, #tpu.memory_space<vmem>>
    %dma_wait3A_2383 = arith.constant 0 : i32
    %dma_wait3A_2384 = tpu.memref_slice %arg3[%dma_wait3A_2380, %dma_wait3A_2383] : memref<512x4096xf32, #tpu.memory_space<hbm>> -> memref<1x4096xf32, #tpu.memory_space<hbm>>
    %dma_wait3A_2385 = tpu.memref_squeeze %dma_wait3A_2384 : memref<1x4096xf32, #tpu.memory_space<hbm>> -> memref<4096xf32, #tpu.memory_space<hbm>>
    %dma_wait3A_2386 = arith.constant 4096 : i32
    %dma_wait3A_2387 = tpu.memref_slice %arg5[%dma_wait3A_2386] : memref<8192xf32, #tpu.memory_space<vmem>> -> memref<4096xf32, #tpu.memory_space<vmem>>
    %dma_wait3A_2388 = arith.constant 0 : i32
    %dma_wait3A_2389 = tpu.memref_slice %arg3[%dma_wait3A_2380, %dma_wait3A_2388] : memref<512x4096xf32, #tpu.memory_space<hbm>> -> memref<1x4096xf32, #tpu.memory_space<hbm>>
    %dma_wait3A_2390 = tpu.memref_squeeze %dma_wait3A_2389 : memref<1x4096xf32, #tpu.memory_space<hbm>> -> memref<4096xf32, #tpu.memory_space<hbm>>
    tpu.wait_dma2 semaphore(%arg6 : memref<!tpu.dma_semaphore, #tpu.memory_space<semaphore_mem>>) src(%dma_wait3A_2390 : memref<4096xf32, #tpu.memory_space<hbm>>) dst(%dma_wait3A_2387 : memref<4096xf32, #tpu.memory_space<vmem>>)
    %dma_wait3A_2391 = arith.constant 0 : i32
    %dma_wait3A_2392 = arith.constant 4096 : i32
    %dma_wait3A_2393 = tpu.memref_slice %arg5[%dma_wait3A_2392] : memref<8192xf32, #tpu.memory_space<vmem>> -> memref<4096xf32, #tpu.memory_space<vmem>>
    %dma_wait3A_2394 = arith.constant 0 : i32
    %dma_wait3A_2395 = tpu.memref_slice %arg3[%dma_wait3A_2391, %dma_wait3A_2394] : memref<512x4096xf32, #tpu.memory_space<hbm>> -> memref<1x4096xf32, #tpu.memory_space<hbm>>
    %dma_wait3A_2396 = tpu.memref_squeeze %dma_wait3A_2395 : memref<1x4096xf32, #tpu.memory_space<hbm>> -> memref<4096xf32, #tpu.memory_space<hbm>>
    %dma_wait3A_2397 = arith.constant 4096 : i32
    %dma_wait3A_2398 = tpu.memref_slice %arg5[%dma_wait3A_2397] : memref<8192xf32, #tpu.memory_space<vmem>> -> memref<4096xf32, #tpu.memory_space<vmem>>
    %dma_wait3A_2399 = arith.constant 0 : i32
    %dma_wait3A_2400 = tpu.memref_slice %arg3[%dma_wait3A_2391, %dma_wait3A_2399] : memref<512x4096xf32, #tpu.memory_space<hbm>> -> memref<1x4096xf32, #tpu.memory_space<hbm>>
    %dma_wait3A_2401 = tpu.memref_squeeze %dma_wait3A_2400 : memref<1x4096xf32, #tpu.memory_space<hbm>> -> memref<4096xf32, #tpu.memory_space<hbm>>
    tpu.wait_dma2 semaphore(%arg6 : memref<!tpu.dma_semaphore, #tpu.memory_space<semaphore_mem>>) src(%dma_wait3A_2401 : memref<4096xf32, #tpu.memory_space<hbm>>) dst(%dma_wait3A_2398 : memref<4096xf32, #tpu.memory_space<vmem>>)
    return
  }
}

module attributes {stable_mosaic.version = 14 : i64} {
  func.func @_tc_body(%arg0: memref<32x1xf32, #tpu.memory_space<smem>>, %arg1: memref<3584x4096xf32, #tpu.memory_space<any>>, %arg2: memref<512x3584xf32, #tpu.memory_space<vmem>>, %arg3: memref<512x3072xf32, #tpu.memory_space<vmem>>, %arg4: memref<512x512xf32, #tpu.memory_space<vmem>>, %arg5: memref<512x512xf32, #tpu.memory_space<vmem>>, %arg6: memref<32x!tpu.dma_semaphore, #tpu.memory_space<semaphore_mem>>) attributes {dimension_semantics = [], scalar_prefetch = 0 : i64, scratch_operands = 5 : i64, tpu.core_type = #tpu.core_type<tc>} {
    %get3A = arith.constant 0 : index
    %get3A_0 = arith.constant 0 : index
    %get3A_1 = memref.load %arg0[%get3A, %get3A_0] : memref<32x1xf32, #tpu.memory_space<smem>>
    %mul3A = arith.constant 1.250000e-01 : f32
    %mul3A_2 = arith.mulf %get3A_1, %mul3A : f32
    %get3A_3 = arith.constant 31 : index
    %get3A_4 = arith.constant 0 : index
    %get3A_5 = memref.load %arg0[%get3A_3, %get3A_4] : memref<32x1xf32, #tpu.memory_space<smem>>
    %mul3A_6 = arith.constant 1.250000e-01 : f32
    %mul3A_7 = arith.mulf %get3A_5, %mul3A_6 : f32
    %broadcast_in_dim3A = vector.broadcast %mul3A_2 : f32 to vector<512x3584xf32>
    %swap3A = arith.constant 0 : index
    %swap3A_8 = arith.constant 0 : index
    %swap3A_9 = vector.load %arg2[%swap3A, %swap3A_8] : memref<512x3584xf32, #tpu.memory_space<vmem>>, vector<512x3584xf32>
    tpu.vector_store %arg2[%swap3A, %swap3A_8], %broadcast_in_dim3A {strides = array<i32>} : memref<512x3584xf32, #tpu.memory_space<vmem>>, vector<512x3584xf32>,
    %broadcast_in_dim3A_10 = vector.broadcast %mul3A_7 : f32 to vector<512x3072xf32>
    %swap3A_11 = arith.constant 0 : index
    %swap3A_12 = arith.constant 0 : index
    %swap3A_13 = vector.load %arg3[%swap3A_11, %swap3A_12] : memref<512x3072xf32, #tpu.memory_space<vmem>>, vector<512x3072xf32>
    tpu.vector_store %arg3[%swap3A_11, %swap3A_12], %broadcast_in_dim3A_10 {strides = array<i32>} : memref<512x3072xf32, #tpu.memory_space<vmem>>, vector<512x3072xf32>,
    %dma_start3A = arith.constant 0 : i32
    %dma_start3A_14 = tpu.memref_slice %arg6[%dma_start3A] : memref<32x!tpu.dma_semaphore, #tpu.memory_space<semaphore_mem>> -> memref<1x!tpu.dma_semaphore, #tpu.memory_space<semaphore_mem>>
    %dma_start3A_15 = tpu.memref_squeeze %dma_start3A_14 : memref<1x!tpu.dma_semaphore, #tpu.memory_space<semaphore_mem>> -> memref<!tpu.dma_semaphore, #tpu.memory_space<semaphore_mem>>
    %dma_start3A_16 = arith.constant 0 : i32
    %dma_start3A_17 = arith.constant 1024 : i32
    %dma_start3A_18 = tpu.memref_slice %arg1[%dma_start3A_16, %dma_start3A_17] : memref<3584x4096xf32, #tpu.memory_space<any>> -> memref<512x3072xf32, #tpu.memory_space<any>>
    %dma_start3A_19 = arith.constant 0 : i32
    %dma_start3A_20 = arith.constant 0 : i32
    %dma_start3A_21 = tpu.memref_slice %arg2[%dma_start3A_19, %dma_start3A_20] : memref<512x3584xf32, #tpu.memory_space<vmem>> -> memref<512x3072xf32, #tpu.memory_space<vmem>>
    tpu.enqueue_dma source(%dma_start3A_21 : memref<512x3072xf32, #tpu.memory_space<vmem>>) target(%dma_start3A_18 : memref<512x3072xf32, #tpu.memory_space<any>>) target_semaphore(%dma_start3A_15 : memref<!tpu.dma_semaphore, #tpu.memory_space<semaphore_mem>>)
    %dma_start3A_22 = arith.constant 1 : i32
    %dma_start3A_23 = tpu.memref_slice %arg6[%dma_start3A_22] : memref<32x!tpu.dma_semaphore, #tpu.memory_space<semaphore_mem>> -> memref<1x!tpu.dma_semaphore, #tpu.memory_space<semaphore_mem>>
    %dma_start3A_24 = tpu.memref_squeeze %dma_start3A_23 : memref<1x!tpu.dma_semaphore, #tpu.memory_space<semaphore_mem>> -> memref<!tpu.dma_semaphore, #tpu.memory_space<semaphore_mem>>
    %dma_start3A_25 = arith.constant 512 : i32
    %dma_start3A_26 = arith.constant 1536 : i32
    %dma_start3A_27 = tpu.memref_slice %arg1[%dma_start3A_25, %dma_start3A_26] : memref<3584x4096xf32, #tpu.memory_space<any>> -> memref<512x2560xf32, #tpu.memory_space<any>>
    %dma_start3A_28 = arith.constant 0 : i32
    %dma_start3A_29 = arith.constant 0 : i32
    %dma_start3A_30 = tpu.memref_slice %arg2[%dma_start3A_28, %dma_start3A_29] : memref<512x3584xf32, #tpu.memory_space<vmem>> -> memref<512x2560xf32, #tpu.memory_space<vmem>>
    tpu.enqueue_dma source(%dma_start3A_30 : memref<512x2560xf32, #tpu.memory_space<vmem>>) target(%dma_start3A_27 : memref<512x2560xf32, #tpu.memory_space<any>>) target_semaphore(%dma_start3A_24 : memref<!tpu.dma_semaphore, #tpu.memory_space<semaphore_mem>>)
    %dma_start3A_31 = arith.constant 2 : i32
    %dma_start3A_32 = tpu.memref_slice %arg6[%dma_start3A_31] : memref<32x!tpu.dma_semaphore, #tpu.memory_space<semaphore_mem>> -> memref<1x!tpu.dma_semaphore, #tpu.memory_space<semaphore_mem>>
    %dma_start3A_33 = tpu.memref_squeeze %dma_start3A_32 : memref<1x!tpu.dma_semaphore, #tpu.memory_space<semaphore_mem>> -> memref<!tpu.dma_semaphore, #tpu.memory_space<semaphore_mem>>
    %dma_start3A_34 = arith.constant 512 : i32
    %dma_start3A_35 = arith.constant 0 : i32
    %dma_start3A_36 = tpu.memref_slice %arg1[%dma_start3A_34, %dma_start3A_35] : memref<3584x4096xf32, #tpu.memory_space<any>> -> memref<512x512xf32, #tpu.memory_space<any>>
    %dma_start3A_37 = arith.constant 0 : i32
    %dma_start3A_38 = arith.constant 0 : i32
    %dma_start3A_39 = tpu.memref_slice %arg3[%dma_start3A_37, %dma_start3A_38] : memref<512x3072xf32, #tpu.memory_space<vmem>> -> memref<512x512xf32, #tpu.memory_space<vmem>>
    tpu.enqueue_dma source(%dma_start3A_39 : memref<512x512xf32, #tpu.memory_space<vmem>>) target(%dma_start3A_36 : memref<512x512xf32, #tpu.memory_space<any>>) target_semaphore(%dma_start3A_33 : memref<!tpu.dma_semaphore, #tpu.memory_space<semaphore_mem>>)
    %dma_start3A_40 = arith.constant 3 : i32
    %dma_start3A_41 = tpu.memref_slice %arg6[%dma_start3A_40] : memref<32x!tpu.dma_semaphore, #tpu.memory_space<semaphore_mem>> -> memref<1x!tpu.dma_semaphore, #tpu.memory_space<semaphore_mem>>
    %dma_start3A_42 = tpu.memref_squeeze %dma_start3A_41 : memref<1x!tpu.dma_semaphore, #tpu.memory_space<semaphore_mem>> -> memref<!tpu.dma_semaphore, #tpu.memory_space<semaphore_mem>>
    %dma_start3A_43 = arith.constant 1024 : i32
    %dma_start3A_44 = arith.constant 2048 : i32
    %dma_start3A_45 = tpu.memref_slice %arg1[%dma_start3A_43, %dma_start3A_44] : memref<3584x4096xf32, #tpu.memory_space<any>> -> memref<512x2048xf32, #tpu.memory_space<any>>
    %dma_start3A_46 = arith.constant 0 : i32
    %dma_start3A_47 = arith.constant 0 : i32
    %dma_start3A_48 = tpu.memref_slice %arg2[%dma_start3A_46, %dma_start3A_47] : memref<512x3584xf32, #tpu.memory_space<vmem>> -> memref<512x2048xf32, #tpu.memory_space<vmem>>
    tpu.enqueue_dma source(%dma_start3A_48 : memref<512x2048xf32, #tpu.memory_space<vmem>>) target(%dma_start3A_45 : memref<512x2048xf32, #tpu.memory_space<any>>) target_semaphore(%dma_start3A_42 : memref<!tpu.dma_semaphore, #tpu.memory_space<semaphore_mem>>)
    %dma_start3A_49 = arith.constant 4 : i32
    %dma_start3A_50 = tpu.memref_slice %arg6[%dma_start3A_49] : memref<32x!tpu.dma_semaphore, #tpu.memory_space<semaphore_mem>> -> memref<1x!tpu.dma_semaphore, #tpu.memory_space<semaphore_mem>>
    %dma_start3A_51 = tpu.memref_squeeze %dma_start3A_50 : memref<1x!tpu.dma_semaphore, #tpu.memory_space<semaphore_mem>> -> memref<!tpu.dma_semaphore, #tpu.memory_space<semaphore_mem>>
    %dma_start3A_52 = arith.constant 1024 : i32
    %dma_start3A_53 = arith.constant 0 : i32
    %dma_start3A_54 = tpu.memref_slice %arg1[%dma_start3A_52, %dma_start3A_53] : memref<3584x4096xf32, #tpu.memory_space<any>> -> memref<512x1024xf32, #tpu.memory_space<any>>
    %dma_start3A_55 = arith.constant 0 : i32
    %dma_start3A_56 = arith.constant 0 : i32
    %dma_start3A_57 = tpu.memref_slice %arg3[%dma_start3A_55, %dma_start3A_56] : memref<512x3072xf32, #tpu.memory_space<vmem>> -> memref<512x1024xf32, #tpu.memory_space<vmem>>
    tpu.enqueue_dma source(%dma_start3A_57 : memref<512x1024xf32, #tpu.memory_space<vmem>>) target(%dma_start3A_54 : memref<512x1024xf32, #tpu.memory_space<any>>) target_semaphore(%dma_start3A_51 : memref<!tpu.dma_semaphore, #tpu.memory_space<semaphore_mem>>)
    %dma_start3A_58 = arith.constant 5 : i32
    %dma_start3A_59 = tpu.memref_slice %arg6[%dma_start3A_58] : memref<32x!tpu.dma_semaphore, #tpu.memory_space<semaphore_mem>> -> memref<1x!tpu.dma_semaphore, #tpu.memory_space<semaphore_mem>>
    %dma_start3A_60 = tpu.memref_squeeze %dma_start3A_59 : memref<1x!tpu.dma_semaphore, #tpu.memory_space<semaphore_mem>> -> memref<!tpu.dma_semaphore, #tpu.memory_space<semaphore_mem>>
    %dma_start3A_61 = arith.constant 1536 : i32
    %dma_start3A_62 = arith.constant 2560 : i32
    %dma_start3A_63 = tpu.memref_slice %arg1[%dma_start3A_61, %dma_start3A_62] : memref<3584x4096xf32, #tpu.memory_space<any>> -> memref<512x1536xf32, #tpu.memory_space<any>>
    %dma_start3A_64 = arith.constant 0 : i32
    %dma_start3A_65 = arith.constant 0 : i32
    %dma_start3A_66 = tpu.memref_slice %arg2[%dma_start3A_64, %dma_start3A_65] : memref<512x3584xf32, #tpu.memory_space<vmem>> -> memref<512x1536xf32, #tpu.memory_space<vmem>>
    tpu.enqueue_dma source(%dma_start3A_66 : memref<512x1536xf32, #tpu.memory_space<vmem>>) target(%dma_start3A_63 : memref<512x1536xf32, #tpu.memory_space<any>>) target_semaphore(%dma_start3A_60 : memref<!tpu.dma_semaphore, #tpu.memory_space<semaphore_mem>>)
    %dma_start3A_67 = arith.constant 6 : i32
    %dma_start3A_68 = tpu.memref_slice %arg6[%dma_start3A_67] : memref<32x!tpu.dma_semaphore, #tpu.memory_space<semaphore_mem>> -> memref<1x!tpu.dma_semaphore, #tpu.memory_space<semaphore_mem>>
    %dma_start3A_69 = tpu.memref_squeeze %dma_start3A_68 : memref<1x!tpu.dma_semaphore, #tpu.memory_space<semaphore_mem>> -> memref<!tpu.dma_semaphore, #tpu.memory_space<semaphore_mem>>
    %dma_start3A_70 = arith.constant 1536 : i32
    %dma_start3A_71 = arith.constant 0 : i32
    %dma_start3A_72 = tpu.memref_slice %arg1[%dma_start3A_70, %dma_start3A_71] : memref<3584x4096xf32, #tpu.memory_space<any>> -> memref<512x1536xf32, #tpu.memory_space<any>>
    %dma_start3A_73 = arith.constant 0 : i32
    %dma_start3A_74 = arith.constant 0 : i32
    %dma_start3A_75 = tpu.memref_slice %arg3[%dma_start3A_73, %dma_start3A_74] : memref<512x3072xf32, #tpu.memory_space<vmem>> -> memref<512x1536xf32, #tpu.memory_space<vmem>>
    tpu.enqueue_dma source(%dma_start3A_75 : memref<512x1536xf32, #tpu.memory_space<vmem>>) target(%dma_start3A_72 : memref<512x1536xf32, #tpu.memory_space<any>>) target_semaphore(%dma_start3A_69 : memref<!tpu.dma_semaphore, #tpu.memory_space<semaphore_mem>>)
    %dma_start3A_76 = arith.constant 7 : i32
    %dma_start3A_77 = tpu.memref_slice %arg6[%dma_start3A_76] : memref<32x!tpu.dma_semaphore, #tpu.memory_space<semaphore_mem>> -> memref<1x!tpu.dma_semaphore, #tpu.memory_space<semaphore_mem>>
    %dma_start3A_78 = tpu.memref_squeeze %dma_start3A_77 : memref<1x!tpu.dma_semaphore, #tpu.memory_space<semaphore_mem>> -> memref<!tpu.dma_semaphore, #tpu.memory_space<semaphore_mem>>
    %dma_start3A_79 = arith.constant 2048 : i32
    %dma_start3A_80 = arith.constant 3072 : i32
    %dma_start3A_81 = tpu.memref_slice %arg1[%dma_start3A_79, %dma_start3A_80] : memref<3584x4096xf32, #tpu.memory_space<any>> -> memref<512x1024xf32, #tpu.memory_space<any>>
    %dma_start3A_82 = arith.constant 0 : i32
    %dma_start3A_83 = arith.constant 0 : i32
    %dma_start3A_84 = tpu.memref_slice %arg2[%dma_start3A_82, %dma_start3A_83] : memref<512x3584xf32, #tpu.memory_space<vmem>> -> memref<512x1024xf32, #tpu.memory_space<vmem>>
    tpu.enqueue_dma source(%dma_start3A_84 : memref<512x1024xf32, #tpu.memory_space<vmem>>) target(%dma_start3A_81 : memref<512x1024xf32, #tpu.memory_space<any>>) target_semaphore(%dma_start3A_78 : memref<!tpu.dma_semaphore, #tpu.memory_space<semaphore_mem>>)
    %dma_start3A_85 = arith.constant 8 : i32
    %dma_start3A_86 = tpu.memref_slice %arg6[%dma_start3A_85] : memref<32x!tpu.dma_semaphore, #tpu.memory_space<semaphore_mem>> -> memref<1x!tpu.dma_semaphore, #tpu.memory_space<semaphore_mem>>
    %dma_start3A_87 = tpu.memref_squeeze %dma_start3A_86 : memref<1x!tpu.dma_semaphore, #tpu.memory_space<semaphore_mem>> -> memref<!tpu.dma_semaphore, #tpu.memory_space<semaphore_mem>>
    %dma_start3A_88 = arith.constant 2048 : i32
    %dma_start3A_89 = arith.constant 0 : i32
    %dma_start3A_90 = tpu.memref_slice %arg1[%dma_start3A_88, %dma_start3A_89] : memref<3584x4096xf32, #tpu.memory_space<any>> -> memref<512x2048xf32, #tpu.memory_space<any>>
    %dma_start3A_91 = arith.constant 0 : i32
    %dma_start3A_92 = arith.constant 0 : i32
    %dma_start3A_93 = tpu.memref_slice %arg3[%dma_start3A_91, %dma_start3A_92] : memref<512x3072xf32, #tpu.memory_space<vmem>> -> memref<512x2048xf32, #tpu.memory_space<vmem>>
    tpu.enqueue_dma source(%dma_start3A_93 : memref<512x2048xf32, #tpu.memory_space<vmem>>) target(%dma_start3A_90 : memref<512x2048xf32, #tpu.memory_space<any>>) target_semaphore(%dma_start3A_87 : memref<!tpu.dma_semaphore, #tpu.memory_space<semaphore_mem>>)
    %dma_start3A_94 = arith.constant 9 : i32
    %dma_start3A_95 = tpu.memref_slice %arg6[%dma_start3A_94] : memref<32x!tpu.dma_semaphore, #tpu.memory_space<semaphore_mem>> -> memref<1x!tpu.dma_semaphore, #tpu.memory_space<semaphore_mem>>
    %dma_start3A_96 = tpu.memref_squeeze %dma_start3A_95 : memref<1x!tpu.dma_semaphore, #tpu.memory_space<semaphore_mem>> -> memref<!tpu.dma_semaphore, #tpu.memory_space<semaphore_mem>>
    %dma_start3A_97 = arith.constant 2560 : i32
    %dma_start3A_98 = arith.constant 3584 : i32
    %dma_start3A_99 = tpu.memref_slice %arg1[%dma_start3A_97, %dma_start3A_98] : memref<3584x4096xf32, #tpu.memory_space<any>> -> memref<512x512xf32, #tpu.memory_space<any>>
    %dma_start3A_100 = arith.constant 0 : i32
    %dma_start3A_101 = arith.constant 0 : i32
    %dma_start3A_102 = tpu.memref_slice %arg2[%dma_start3A_100, %dma_start3A_101] : memref<512x3584xf32, #tpu.memory_space<vmem>> -> memref<512x512xf32, #tpu.memory_space<vmem>>
    tpu.enqueue_dma source(%dma_start3A_102 : memref<512x512xf32, #tpu.memory_space<vmem>>) target(%dma_start3A_99 : memref<512x512xf32, #tpu.memory_space<any>>) target_semaphore(%dma_start3A_96 : memref<!tpu.dma_semaphore, #tpu.memory_space<semaphore_mem>>)
    %dma_start3A_103 = arith.constant 10 : i32
    %dma_start3A_104 = tpu.memref_slice %arg6[%dma_start3A_103] : memref<32x!tpu.dma_semaphore, #tpu.memory_space<semaphore_mem>> -> memref<1x!tpu.dma_semaphore, #tpu.memory_space<semaphore_mem>>
    %dma_start3A_105 = tpu.memref_squeeze %dma_start3A_104 : memref<1x!tpu.dma_semaphore, #tpu.memory_space<semaphore_mem>> -> memref<!tpu.dma_semaphore, #tpu.memory_space<semaphore_mem>>
    %dma_start3A_106 = arith.constant 2560 : i32
    %dma_start3A_107 = arith.constant 0 : i32
    %dma_start3A_108 = tpu.memref_slice %arg1[%dma_start3A_106, %dma_start3A_107] : memref<3584x4096xf32, #tpu.memory_space<any>> -> memref<512x2560xf32, #tpu.memory_space<any>>
    %dma_start3A_109 = arith.constant 0 : i32
    %dma_start3A_110 = arith.constant 0 : i32
    %dma_start3A_111 = tpu.memref_slice %arg3[%dma_start3A_109, %dma_start3A_110] : memref<512x3072xf32, #tpu.memory_space<vmem>> -> memref<512x2560xf32, #tpu.memory_space<vmem>>
    tpu.enqueue_dma source(%dma_start3A_111 : memref<512x2560xf32, #tpu.memory_space<vmem>>) target(%dma_start3A_108 : memref<512x2560xf32, #tpu.memory_space<any>>) target_semaphore(%dma_start3A_105 : memref<!tpu.dma_semaphore, #tpu.memory_space<semaphore_mem>>)
    %dma_start3A_112 = arith.constant 11 : i32
    %dma_start3A_113 = tpu.memref_slice %arg6[%dma_start3A_112] : memref<32x!tpu.dma_semaphore, #tpu.memory_space<semaphore_mem>> -> memref<1x!tpu.dma_semaphore, #tpu.memory_space<semaphore_mem>>
    %dma_start3A_114 = tpu.memref_squeeze %dma_start3A_113 : memref<1x!tpu.dma_semaphore, #tpu.memory_space<semaphore_mem>> -> memref<!tpu.dma_semaphore, #tpu.memory_space<semaphore_mem>>
    %dma_start3A_115 = arith.constant 3072 : i32
    %dma_start3A_116 = arith.constant 0 : i32
    %dma_start3A_117 = tpu.memref_slice %arg1[%dma_start3A_115, %dma_start3A_116] : memref<3584x4096xf32, #tpu.memory_space<any>> -> memref<512x3072xf32, #tpu.memory_space<any>>
    %dma_start3A_118 = arith.constant 0 : i32
    %dma_start3A_119 = arith.constant 0 : i32
    %dma_start3A_120 = tpu.memref_slice %arg3[%dma_start3A_118, %dma_start3A_119] : memref<512x3072xf32, #tpu.memory_space<vmem>> -> memref<512x3072xf32, #tpu.memory_space<vmem>>
    tpu.enqueue_dma source(%dma_start3A_120 : memref<512x3072xf32, #tpu.memory_space<vmem>>) target(%dma_start3A_117 : memref<512x3072xf32, #tpu.memory_space<any>>) target_semaphore(%dma_start3A_114 : memref<!tpu.dma_semaphore, #tpu.memory_space<semaphore_mem>>)
    %iota3A = tpu.iota {dimensions = array<i32: 1>} : vector<8x128xi32>
    %broadcast_in_dim3A_121 = vector.broadcast %mul3A_2 : f32 to vector<8x128xf32>
    %ge3A = arith.constant 1 : i32
    %ge3A_122 = vector.broadcast %ge3A : i32 to vector<8x128xi32>
    %ge3A_123 = arith.cmpi sge, %iota3A, %ge3A_122 : vector<8x128xi32>
    %get3A_124 = arith.constant 1 : index
    %get3A_125 = arith.constant 0 : index
    %get3A_126 = memref.load %arg0[%get3A_124, %get3A_125] : memref<32x1xf32, #tpu.memory_space<smem>>
    %mul3A_127 = arith.constant 1.250000e-01 : f32
    %mul3A_128 = arith.mulf %get3A_126, %mul3A_127 : f32
    %broadcast_in_dim3A_129 = vector.broadcast %mul3A_128 : f32 to vector<8x128xf32>
    %select_n3A = arith.select %ge3A_123, %broadcast_in_dim3A_129, %broadcast_in_dim3A_121 : vector<8x128xi1>, vector<8x128xf32>
    %ge3A_130 = arith.constant 2 : i32
    %ge3A_131 = vector.broadcast %ge3A_130 : i32 to vector<8x128xi32>
    %ge3A_132 = arith.cmpi sge, %iota3A, %ge3A_131 : vector<8x128xi32>
    %get3A_133 = arith.constant 2 : index
    %get3A_134 = arith.constant 0 : index
    %get3A_135 = memref.load %arg0[%get3A_133, %get3A_134] : memref<32x1xf32, #tpu.memory_space<smem>>
    %mul3A_136 = arith.constant 1.250000e-01 : f32
    %mul3A_137 = arith.mulf %get3A_135, %mul3A_136 : f32
    %broadcast_in_dim3A_138 = vector.broadcast %mul3A_137 : f32 to vector<8x128xf32>
    %select_n3A_139 = arith.select %ge3A_132, %broadcast_in_dim3A_138, %select_n3A : vector<8x128xi1>, vector<8x128xf32>
    %ge3A_140 = arith.constant 3 : i32
    %ge3A_141 = vector.broadcast %ge3A_140 : i32 to vector<8x128xi32>
    %ge3A_142 = arith.cmpi sge, %iota3A, %ge3A_141 : vector<8x128xi32>
    %get3A_143 = arith.constant 3 : index
    %get3A_144 = arith.constant 0 : index
    %get3A_145 = memref.load %arg0[%get3A_143, %get3A_144] : memref<32x1xf32, #tpu.memory_space<smem>>
    %mul3A_146 = arith.constant 1.250000e-01 : f32
    %mul3A_147 = arith.mulf %get3A_145, %mul3A_146 : f32
    %broadcast_in_dim3A_148 = vector.broadcast %mul3A_147 : f32 to vector<8x128xf32>
    %select_n3A_149 = arith.select %ge3A_142, %broadcast_in_dim3A_148, %select_n3A_139 : vector<8x128xi1>, vector<8x128xf32>
    %ge3A_150 = arith.constant 4 : i32
    %ge3A_151 = vector.broadcast %ge3A_150 : i32 to vector<8x128xi32>
    %ge3A_152 = arith.cmpi sge, %iota3A, %ge3A_151 : vector<8x128xi32>
    %get3A_153 = arith.constant 4 : index
    %get3A_154 = arith.constant 0 : index
    %get3A_155 = memref.load %arg0[%get3A_153, %get3A_154] : memref<32x1xf32, #tpu.memory_space<smem>>
    %mul3A_156 = arith.constant 1.250000e-01 : f32
    %mul3A_157 = arith.mulf %get3A_155, %mul3A_156 : f32
    %broadcast_in_dim3A_158 = vector.broadcast %mul3A_157 : f32 to vector<8x128xf32>
    %select_n3A_159 = arith.select %ge3A_152, %broadcast_in_dim3A_158, %select_n3A_149 : vector<8x128xi1>, vector<8x128xf32>
    %ge3A_160 = arith.constant 5 : i32
    %ge3A_161 = vector.broadcast %ge3A_160 : i32 to vector<8x128xi32>
    %ge3A_162 = arith.cmpi sge, %iota3A, %ge3A_161 : vector<8x128xi32>
    %get3A_163 = arith.constant 5 : index
    %get3A_164 = arith.constant 0 : index
    %get3A_165 = memref.load %arg0[%get3A_163, %get3A_164] : memref<32x1xf32, #tpu.memory_space<smem>>
    %mul3A_166 = arith.constant 1.250000e-01 : f32
    %mul3A_167 = arith.mulf %get3A_165, %mul3A_166 : f32
    %broadcast_in_dim3A_168 = vector.broadcast %mul3A_167 : f32 to vector<8x128xf32>
    %select_n3A_169 = arith.select %ge3A_162, %broadcast_in_dim3A_168, %select_n3A_159 : vector<8x128xi1>, vector<8x128xf32>
    %ge3A_170 = arith.constant 6 : i32
    %ge3A_171 = vector.broadcast %ge3A_170 : i32 to vector<8x128xi32>
    %ge3A_172 = arith.cmpi sge, %iota3A, %ge3A_171 : vector<8x128xi32>
    %get3A_173 = arith.constant 6 : index
    %get3A_174 = arith.constant 0 : index
    %get3A_175 = memref.load %arg0[%get3A_173, %get3A_174] : memref<32x1xf32, #tpu.memory_space<smem>>
    %mul3A_176 = arith.constant 1.250000e-01 : f32
    %mul3A_177 = arith.mulf %get3A_175, %mul3A_176 : f32
    %broadcast_in_dim3A_178 = vector.broadcast %mul3A_177 : f32 to vector<8x128xf32>
    %select_n3A_179 = arith.select %ge3A_172, %broadcast_in_dim3A_178, %select_n3A_169 : vector<8x128xi1>, vector<8x128xf32>
    %ge3A_180 = arith.constant 7 : i32
    %ge3A_181 = vector.broadcast %ge3A_180 : i32 to vector<8x128xi32>
    %ge3A_182 = arith.cmpi sge, %iota3A, %ge3A_181 : vector<8x128xi32>
    %get3A_183 = arith.constant 7 : index
    %get3A_184 = arith.constant 0 : index
    %get3A_185 = memref.load %arg0[%get3A_183, %get3A_184] : memref<32x1xf32, #tpu.memory_space<smem>>
    %mul3A_186 = arith.constant 1.250000e-01 : f32
    %mul3A_187 = arith.mulf %get3A_185, %mul3A_186 : f32
    %broadcast_in_dim3A_188 = vector.broadcast %mul3A_187 : f32 to vector<8x128xf32>
    %select_n3A_189 = arith.select %ge3A_182, %broadcast_in_dim3A_188, %select_n3A_179 : vector<8x128xi1>, vector<8x128xf32>
    %ge3A_190 = arith.constant 8 : i32
    %ge3A_191 = vector.broadcast %ge3A_190 : i32 to vector<8x128xi32>
    %ge3A_192 = arith.cmpi sge, %iota3A, %ge3A_191 : vector<8x128xi32>
    %get3A_193 = arith.constant 8 : index
    %get3A_194 = arith.constant 0 : index
    %get3A_195 = memref.load %arg0[%get3A_193, %get3A_194] : memref<32x1xf32, #tpu.memory_space<smem>>
    %mul3A_196 = arith.constant 1.250000e-01 : f32
    %mul3A_197 = arith.mulf %get3A_195, %mul3A_196 : f32
    %broadcast_in_dim3A_198 = vector.broadcast %mul3A_197 : f32 to vector<8x128xf32>
    %select_n3A_199 = arith.select %ge3A_192, %broadcast_in_dim3A_198, %select_n3A_189 : vector<8x128xi1>, vector<8x128xf32>
    %ge3A_200 = arith.constant 9 : i32
    %ge3A_201 = vector.broadcast %ge3A_200 : i32 to vector<8x128xi32>
    %ge3A_202 = arith.cmpi sge, %iota3A, %ge3A_201 : vector<8x128xi32>
    %get3A_203 = arith.constant 9 : index
    %get3A_204 = arith.constant 0 : index
    %get3A_205 = memref.load %arg0[%get3A_203, %get3A_204] : memref<32x1xf32, #tpu.memory_space<smem>>
    %mul3A_206 = arith.constant 1.250000e-01 : f32
    %mul3A_207 = arith.mulf %get3A_205, %mul3A_206 : f32
    %broadcast_in_dim3A_208 = vector.broadcast %mul3A_207 : f32 to vector<8x128xf32>
    %select_n3A_209 = arith.select %ge3A_202, %broadcast_in_dim3A_208, %select_n3A_199 : vector<8x128xi1>, vector<8x128xf32>
    %ge3A_210 = arith.constant 10 : i32
    %ge3A_211 = vector.broadcast %ge3A_210 : i32 to vector<8x128xi32>
    %ge3A_212 = arith.cmpi sge, %iota3A, %ge3A_211 : vector<8x128xi32>
    %get3A_213 = arith.constant 10 : index
    %get3A_214 = arith.constant 0 : index
    %get3A_215 = memref.load %arg0[%get3A_213, %get3A_214] : memref<32x1xf32, #tpu.memory_space<smem>>
    %mul3A_216 = arith.constant 1.250000e-01 : f32
    %mul3A_217 = arith.mulf %get3A_215, %mul3A_216 : f32
    %broadcast_in_dim3A_218 = vector.broadcast %mul3A_217 : f32 to vector<8x128xf32>
    %select_n3A_219 = arith.select %ge3A_212, %broadcast_in_dim3A_218, %select_n3A_209 : vector<8x128xi1>, vector<8x128xf32>
    %ge3A_220 = arith.constant 11 : i32
    %ge3A_221 = vector.broadcast %ge3A_220 : i32 to vector<8x128xi32>
    %ge3A_222 = arith.cmpi sge, %iota3A, %ge3A_221 : vector<8x128xi32>
    %get3A_223 = arith.constant 11 : index
    %get3A_224 = arith.constant 0 : index
    %get3A_225 = memref.load %arg0[%get3A_223, %get3A_224] : memref<32x1xf32, #tpu.memory_space<smem>>
    %mul3A_226 = arith.constant 1.250000e-01 : f32
    %mul3A_227 = arith.mulf %get3A_225, %mul3A_226 : f32
    %broadcast_in_dim3A_228 = vector.broadcast %mul3A_227 : f32 to vector<8x128xf32>
    %select_n3A_229 = arith.select %ge3A_222, %broadcast_in_dim3A_228, %select_n3A_219 : vector<8x128xi1>, vector<8x128xf32>
    %ge3A_230 = arith.constant 12 : i32
    %ge3A_231 = vector.broadcast %ge3A_230 : i32 to vector<8x128xi32>
    %ge3A_232 = arith.cmpi sge, %iota3A, %ge3A_231 : vector<8x128xi32>
    %get3A_233 = arith.constant 12 : index
    %get3A_234 = arith.constant 0 : index
    %get3A_235 = memref.load %arg0[%get3A_233, %get3A_234] : memref<32x1xf32, #tpu.memory_space<smem>>
    %mul3A_236 = arith.constant 1.250000e-01 : f32
    %mul3A_237 = arith.mulf %get3A_235, %mul3A_236 : f32
    %broadcast_in_dim3A_238 = vector.broadcast %mul3A_237 : f32 to vector<8x128xf32>
    %select_n3A_239 = arith.select %ge3A_232, %broadcast_in_dim3A_238, %select_n3A_229 : vector<8x128xi1>, vector<8x128xf32>
    %ge3A_240 = arith.constant 13 : i32
    %ge3A_241 = vector.broadcast %ge3A_240 : i32 to vector<8x128xi32>
    %ge3A_242 = arith.cmpi sge, %iota3A, %ge3A_241 : vector<8x128xi32>
    %get3A_243 = arith.constant 13 : index
    %get3A_244 = arith.constant 0 : index
    %get3A_245 = memref.load %arg0[%get3A_243, %get3A_244] : memref<32x1xf32, #tpu.memory_space<smem>>
    %mul3A_246 = arith.constant 1.250000e-01 : f32
    %mul3A_247 = arith.mulf %get3A_245, %mul3A_246 : f32
    %broadcast_in_dim3A_248 = vector.broadcast %mul3A_247 : f32 to vector<8x128xf32>
    %select_n3A_249 = arith.select %ge3A_242, %broadcast_in_dim3A_248, %select_n3A_239 : vector<8x128xi1>, vector<8x128xf32>
    %ge3A_250 = arith.constant 14 : i32
    %ge3A_251 = vector.broadcast %ge3A_250 : i32 to vector<8x128xi32>
    %ge3A_252 = arith.cmpi sge, %iota3A, %ge3A_251 : vector<8x128xi32>
    %get3A_253 = arith.constant 14 : index
    %get3A_254 = arith.constant 0 : index
    %get3A_255 = memref.load %arg0[%get3A_253, %get3A_254] : memref<32x1xf32, #tpu.memory_space<smem>>
    %mul3A_256 = arith.constant 1.250000e-01 : f32
    %mul3A_257 = arith.mulf %get3A_255, %mul3A_256 : f32
    %broadcast_in_dim3A_258 = vector.broadcast %mul3A_257 : f32 to vector<8x128xf32>
    %select_n3A_259 = arith.select %ge3A_252, %broadcast_in_dim3A_258, %select_n3A_249 : vector<8x128xi1>, vector<8x128xf32>
    %ge3A_260 = arith.constant 15 : i32
    %ge3A_261 = vector.broadcast %ge3A_260 : i32 to vector<8x128xi32>
    %ge3A_262 = arith.cmpi sge, %iota3A, %ge3A_261 : vector<8x128xi32>
    %get3A_263 = arith.constant 15 : index
    %get3A_264 = arith.constant 0 : index
    %get3A_265 = memref.load %arg0[%get3A_263, %get3A_264] : memref<32x1xf32, #tpu.memory_space<smem>>
    %mul3A_266 = arith.constant 1.250000e-01 : f32
    %mul3A_267 = arith.mulf %get3A_265, %mul3A_266 : f32
    %broadcast_in_dim3A_268 = vector.broadcast %mul3A_267 : f32 to vector<8x128xf32>
    %select_n3A_269 = arith.select %ge3A_262, %broadcast_in_dim3A_268, %select_n3A_259 : vector<8x128xi1>, vector<8x128xf32>
    %ge3A_270 = arith.constant 16 : i32
    %ge3A_271 = vector.broadcast %ge3A_270 : i32 to vector<8x128xi32>
    %ge3A_272 = arith.cmpi sge, %iota3A, %ge3A_271 : vector<8x128xi32>
    %get3A_273 = arith.constant 16 : index
    %get3A_274 = arith.constant 0 : index
    %get3A_275 = memref.load %arg0[%get3A_273, %get3A_274] : memref<32x1xf32, #tpu.memory_space<smem>>
    %mul3A_276 = arith.constant 1.250000e-01 : f32
    %mul3A_277 = arith.mulf %get3A_275, %mul3A_276 : f32
    %broadcast_in_dim3A_278 = vector.broadcast %mul3A_277 : f32 to vector<8x128xf32>
    %select_n3A_279 = arith.select %ge3A_272, %broadcast_in_dim3A_278, %select_n3A_269 : vector<8x128xi1>, vector<8x128xf32>
    %ge3A_280 = arith.constant 19 : i32
    %ge3A_281 = vector.broadcast %ge3A_280 : i32 to vector<8x128xi32>
    %ge3A_282 = arith.cmpi sge, %iota3A, %ge3A_281 : vector<8x128xi32>
    %get3A_283 = arith.constant 17 : index
    %get3A_284 = arith.constant 0 : index
    %get3A_285 = memref.load %arg0[%get3A_283, %get3A_284] : memref<32x1xf32, #tpu.memory_space<smem>>
    %mul3A_286 = arith.constant 1.250000e-01 : f32
    %mul3A_287 = arith.mulf %get3A_285, %mul3A_286 : f32
    %broadcast_in_dim3A_288 = vector.broadcast %mul3A_287 : f32 to vector<8x128xf32>
    %select_n3A_289 = arith.select %ge3A_282, %broadcast_in_dim3A_288, %select_n3A_279 : vector<8x128xi1>, vector<8x128xf32>
    %ge3A_290 = arith.constant 21 : i32
    %ge3A_291 = vector.broadcast %ge3A_290 : i32 to vector<8x128xi32>
    %ge3A_292 = arith.cmpi sge, %iota3A, %ge3A_291 : vector<8x128xi32>
    %get3A_293 = arith.constant 18 : index
    %get3A_294 = arith.constant 0 : index
    %get3A_295 = memref.load %arg0[%get3A_293, %get3A_294] : memref<32x1xf32, #tpu.memory_space<smem>>
    %mul3A_296 = arith.constant 1.250000e-01 : f32
    %mul3A_297 = arith.mulf %get3A_295, %mul3A_296 : f32
    %broadcast_in_dim3A_298 = vector.broadcast %mul3A_297 : f32 to vector<8x128xf32>
    %select_n3A_299 = arith.select %ge3A_292, %broadcast_in_dim3A_298, %select_n3A_289 : vector<8x128xi1>, vector<8x128xf32>
    %ge3A_300 = arith.constant 24 : i32
    %ge3A_301 = vector.broadcast %ge3A_300 : i32 to vector<8x128xi32>
    %ge3A_302 = arith.cmpi sge, %iota3A, %ge3A_301 : vector<8x128xi32>
    %get3A_303 = arith.constant 19 : index
    %get3A_304 = arith.constant 0 : index
    %get3A_305 = memref.load %arg0[%get3A_303, %get3A_304] : memref<32x1xf32, #tpu.memory_space<smem>>
    %mul3A_306 = arith.constant 1.250000e-01 : f32
    %mul3A_307 = arith.mulf %get3A_305, %mul3A_306 : f32
    %broadcast_in_dim3A_308 = vector.broadcast %mul3A_307 : f32 to vector<8x128xf32>
    %select_n3A_309 = arith.select %ge3A_302, %broadcast_in_dim3A_308, %select_n3A_299 : vector<8x128xi1>, vector<8x128xf32>
    %ge3A_310 = arith.constant 27 : i32
    %ge3A_311 = vector.broadcast %ge3A_310 : i32 to vector<8x128xi32>
    %ge3A_312 = arith.cmpi sge, %iota3A, %ge3A_311 : vector<8x128xi32>
    %get3A_313 = arith.constant 20 : index
    %get3A_314 = arith.constant 0 : index
    %get3A_315 = memref.load %arg0[%get3A_313, %get3A_314] : memref<32x1xf32, #tpu.memory_space<smem>>
    %mul3A_316 = arith.constant 1.250000e-01 : f32
    %mul3A_317 = arith.mulf %get3A_315, %mul3A_316 : f32
    %broadcast_in_dim3A_318 = vector.broadcast %mul3A_317 : f32 to vector<8x128xf32>
    %select_n3A_319 = arith.select %ge3A_312, %broadcast_in_dim3A_318, %select_n3A_309 : vector<8x128xi1>, vector<8x128xf32>
    %ge3A_320 = arith.constant 31 : i32
    %ge3A_321 = vector.broadcast %ge3A_320 : i32 to vector<8x128xi32>
    %ge3A_322 = arith.cmpi sge, %iota3A, %ge3A_321 : vector<8x128xi32>
    %get3A_323 = arith.constant 21 : index
    %get3A_324 = arith.constant 0 : index
    %get3A_325 = memref.load %arg0[%get3A_323, %get3A_324] : memref<32x1xf32, #tpu.memory_space<smem>>
    %mul3A_326 = arith.constant 1.250000e-01 : f32
    %mul3A_327 = arith.mulf %get3A_325, %mul3A_326 : f32
    %broadcast_in_dim3A_328 = vector.broadcast %mul3A_327 : f32 to vector<8x128xf32>
    %select_n3A_329 = arith.select %ge3A_322, %broadcast_in_dim3A_328, %select_n3A_319 : vector<8x128xi1>, vector<8x128xf32>
    %ge3A_330 = arith.constant 35 : i32
    %ge3A_331 = vector.broadcast %ge3A_330 : i32 to vector<8x128xi32>
    %ge3A_332 = arith.cmpi sge, %iota3A, %ge3A_331 : vector<8x128xi32>
    %get3A_333 = arith.constant 22 : index
    %get3A_334 = arith.constant 0 : index
    %get3A_335 = memref.load %arg0[%get3A_333, %get3A_334] : memref<32x1xf32, #tpu.memory_space<smem>>
    %mul3A_336 = arith.constant 1.250000e-01 : f32
    %mul3A_337 = arith.mulf %get3A_335, %mul3A_336 : f32
    %broadcast_in_dim3A_338 = vector.broadcast %mul3A_337 : f32 to vector<8x128xf32>
    %select_n3A_339 = arith.select %ge3A_332, %broadcast_in_dim3A_338, %select_n3A_329 : vector<8x128xi1>, vector<8x128xf32>
    %ge3A_340 = arith.constant 40 : i32
    %ge3A_341 = vector.broadcast %ge3A_340 : i32 to vector<8x128xi32>
    %ge3A_342 = arith.cmpi sge, %iota3A, %ge3A_341 : vector<8x128xi32>
    %get3A_343 = arith.constant 23 : index
    %get3A_344 = arith.constant 0 : index
    %get3A_345 = memref.load %arg0[%get3A_343, %get3A_344] : memref<32x1xf32, #tpu.memory_space<smem>>
    %mul3A_346 = arith.constant 1.250000e-01 : f32
    %mul3A_347 = arith.mulf %get3A_345, %mul3A_346 : f32
    %broadcast_in_dim3A_348 = vector.broadcast %mul3A_347 : f32 to vector<8x128xf32>
    %select_n3A_349 = arith.select %ge3A_342, %broadcast_in_dim3A_348, %select_n3A_339 : vector<8x128xi1>, vector<8x128xf32>
    %ge3A_350 = arith.constant 46 : i32
    %ge3A_351 = vector.broadcast %ge3A_350 : i32 to vector<8x128xi32>
    %ge3A_352 = arith.cmpi sge, %iota3A, %ge3A_351 : vector<8x128xi32>
    %get3A_353 = arith.constant 24 : index
    %get3A_354 = arith.constant 0 : index
    %get3A_355 = memref.load %arg0[%get3A_353, %get3A_354] : memref<32x1xf32, #tpu.memory_space<smem>>
    %mul3A_356 = arith.constant 1.250000e-01 : f32
    %mul3A_357 = arith.mulf %get3A_355, %mul3A_356 : f32
    %broadcast_in_dim3A_358 = vector.broadcast %mul3A_357 : f32 to vector<8x128xf32>
    %select_n3A_359 = arith.select %ge3A_352, %broadcast_in_dim3A_358, %select_n3A_349 : vector<8x128xi1>, vector<8x128xf32>
    %ge3A_360 = arith.constant 52 : i32
    %ge3A_361 = vector.broadcast %ge3A_360 : i32 to vector<8x128xi32>
    %ge3A_362 = arith.cmpi sge, %iota3A, %ge3A_361 : vector<8x128xi32>
    %get3A_363 = arith.constant 25 : index
    %get3A_364 = arith.constant 0 : index
    %get3A_365 = memref.load %arg0[%get3A_363, %get3A_364] : memref<32x1xf32, #tpu.memory_space<smem>>
    %mul3A_366 = arith.constant 1.250000e-01 : f32
    %mul3A_367 = arith.mulf %get3A_365, %mul3A_366 : f32
    %broadcast_in_dim3A_368 = vector.broadcast %mul3A_367 : f32 to vector<8x128xf32>
    %select_n3A_369 = arith.select %ge3A_362, %broadcast_in_dim3A_368, %select_n3A_359 : vector<8x128xi1>, vector<8x128xf32>
    %ge3A_370 = arith.constant 59 : i32
    %ge3A_371 = vector.broadcast %ge3A_370 : i32 to vector<8x128xi32>
    %ge3A_372 = arith.cmpi sge, %iota3A, %ge3A_371 : vector<8x128xi32>
    %get3A_373 = arith.constant 26 : index
    %get3A_374 = arith.constant 0 : index
    %get3A_375 = memref.load %arg0[%get3A_373, %get3A_374] : memref<32x1xf32, #tpu.memory_space<smem>>
    %mul3A_376 = arith.constant 1.250000e-01 : f32
    %mul3A_377 = arith.mulf %get3A_375, %mul3A_376 : f32
    %broadcast_in_dim3A_378 = vector.broadcast %mul3A_377 : f32 to vector<8x128xf32>
    %select_n3A_379 = arith.select %ge3A_372, %broadcast_in_dim3A_378, %select_n3A_369 : vector<8x128xi1>, vector<8x128xf32>
    %ge3A_380 = arith.constant 67 : i32
    %ge3A_381 = vector.broadcast %ge3A_380 : i32 to vector<8x128xi32>
    %ge3A_382 = arith.cmpi sge, %iota3A, %ge3A_381 : vector<8x128xi32>
    %get3A_383 = arith.constant 27 : index
    %get3A_384 = arith.constant 0 : index
    %get3A_385 = memref.load %arg0[%get3A_383, %get3A_384] : memref<32x1xf32, #tpu.memory_space<smem>>
    %mul3A_386 = arith.constant 1.250000e-01 : f32
    %mul3A_387 = arith.mulf %get3A_385, %mul3A_386 : f32
    %broadcast_in_dim3A_388 = vector.broadcast %mul3A_387 : f32 to vector<8x128xf32>
    %select_n3A_389 = arith.select %ge3A_382, %broadcast_in_dim3A_388, %select_n3A_379 : vector<8x128xi1>, vector<8x128xf32>
    %ge3A_390 = arith.constant 77 : i32
    %ge3A_391 = vector.broadcast %ge3A_390 : i32 to vector<8x128xi32>
    %ge3A_392 = arith.cmpi sge, %iota3A, %ge3A_391 : vector<8x128xi32>
    %get3A_393 = arith.constant 28 : index
    %get3A_394 = arith.constant 0 : index
    %get3A_395 = memref.load %arg0[%get3A_393, %get3A_394] : memref<32x1xf32, #tpu.memory_space<smem>>
    %mul3A_396 = arith.constant 1.250000e-01 : f32
    %mul3A_397 = arith.mulf %get3A_395, %mul3A_396 : f32
    %broadcast_in_dim3A_398 = vector.broadcast %mul3A_397 : f32 to vector<8x128xf32>
    %select_n3A_399 = arith.select %ge3A_392, %broadcast_in_dim3A_398, %select_n3A_389 : vector<8x128xi1>, vector<8x128xf32>
    %ge3A_400 = arith.constant 87 : i32
    %ge3A_401 = vector.broadcast %ge3A_400 : i32 to vector<8x128xi32>
    %ge3A_402 = arith.cmpi sge, %iota3A, %ge3A_401 : vector<8x128xi32>
    %get3A_403 = arith.constant 29 : index
    %get3A_404 = arith.constant 0 : index
    %get3A_405 = memref.load %arg0[%get3A_403, %get3A_404] : memref<32x1xf32, #tpu.memory_space<smem>>
    %mul3A_406 = arith.constant 1.250000e-01 : f32
    %mul3A_407 = arith.mulf %get3A_405, %mul3A_406 : f32
    %broadcast_in_dim3A_408 = vector.broadcast %mul3A_407 : f32 to vector<8x128xf32>
    %select_n3A_409 = arith.select %ge3A_402, %broadcast_in_dim3A_408, %select_n3A_399 : vector<8x128xi1>, vector<8x128xf32>
    %ge3A_410 = arith.constant 99 : i32
    %ge3A_411 = vector.broadcast %ge3A_410 : i32 to vector<8x128xi32>
    %ge3A_412 = arith.cmpi sge, %iota3A, %ge3A_411 : vector<8x128xi32>
    %get3A_413 = arith.constant 30 : index
    %get3A_414 = arith.constant 0 : index
    %get3A_415 = memref.load %arg0[%get3A_413, %get3A_414] : memref<32x1xf32, #tpu.memory_space<smem>>
    %mul3A_416 = arith.constant 1.250000e-01 : f32
    %mul3A_417 = arith.mulf %get3A_415, %mul3A_416 : f32
    %broadcast_in_dim3A_418 = vector.broadcast %mul3A_417 : f32 to vector<8x128xf32>
    %select_n3A_419 = arith.select %ge3A_412, %broadcast_in_dim3A_418, %select_n3A_409 : vector<8x128xi1>, vector<8x128xf32>
    %ge3A_420 = arith.constant 113 : i32
    %ge3A_421 = vector.broadcast %ge3A_420 : i32 to vector<8x128xi32>
    %ge3A_422 = arith.cmpi sge, %iota3A, %ge3A_421 : vector<8x128xi32>
    %get3A_423 = arith.constant 31 : index
    %get3A_424 = arith.constant 0 : index
    %get3A_425 = memref.load %arg0[%get3A_423, %get3A_424] : memref<32x1xf32, #tpu.memory_space<smem>>
    %mul3A_426 = arith.constant 1.250000e-01 : f32
    %mul3A_427 = arith.mulf %get3A_425, %mul3A_426 : f32
    %broadcast_in_dim3A_428 = vector.broadcast %mul3A_427 : f32 to vector<8x128xf32>
    %select_n3A_429 = arith.select %ge3A_422, %broadcast_in_dim3A_428, %select_n3A_419 : vector<8x128xi1>, vector<8x128xf32>
    %slice3A = vector.extract_strided_slice %select_n3A_429 {offsets = [0, 0], sizes = [1, 128], strides = [1, 1]} : vector<8x128xf32> to vector<1x128xf32>
    %broadcast_in_dim3A_430 = vector.shape_cast %slice3A : vector<1x128xf32> to vector<1x128xf32>
    %broadcast_in_dim3A_431 = vector.broadcast %broadcast_in_dim3A_430 : vector<1x128xf32> to vector<512x128xf32>
    %iota3A_432 = tpu.iota {dimensions = array<i32: 0>} : vector<512x512xi32>
    %iota3A_433 = tpu.iota {dimensions = array<i32: 1>} : vector<512x512xi32>
    %sub3A = arith.subi %iota3A_432, %iota3A_433 : vector<512x512xi32>
    %add3A = arith.constant 0 : i32
    %add3A_434 = vector.broadcast %add3A : i32 to vector<512x512xi32>
    %add3A_435 = arith.addi %sub3A, %add3A_434 : vector<512x512xi32>
    %jit3A = arith.constant 0 : i32
    %jit3A_436 = arith.constant 127 : i32
    %max3A = vector.broadcast %jit3A : i32 to vector<512x512xi32>
    %max3A_437 = arith.maxsi %max3A, %add3A_435 : vector<512x512xi32>
    %min3A = vector.broadcast %jit3A_436 : i32 to vector<512x512xi32>
    %min3A_438 = arith.minsi %min3A, %max3A_437 : vector<512x512xi32>
    %lt3A = arith.constant 0 : i32
    %lt3A_439 = vector.broadcast %lt3A : i32 to vector<512x512xi32>
    %lt3A_440 = arith.cmpi slt, %min3A_438, %lt3A_439 : vector<512x512xi32>
    %add3A_441 = arith.constant 128 : i32
    %add3A_442 = vector.broadcast %add3A_441 : i32 to vector<512x512xi32>
    %add3A_443 = arith.addi %min3A_438, %add3A_442 : vector<512x512xi32>
    %select_n3A_444 = arith.select %lt3A_440, %add3A_443, %min3A_438 : vector<512x512xi1>, vector<512x512xi32>
    %reshape3A = vector.shape_cast %select_n3A_444 : vector<512x512xi32> to vector<512x512x1xi32>
    %gather3A = vector.shape_cast %reshape3A : vector<512x512x1xi32> to vector<512x512xi32>
    %gather3A_445 = tpu.dynamic_gather %broadcast_in_dim3A_431[%gather3A] in [1] : vector<512x128xf32>, vector<512x512xi32> -> vector<512x512xf32>
    %swap3A_446 = arith.constant 0 : index
    %swap3A_447 = arith.constant 0 : index
    %swap3A_448 = vector.load %arg4[%swap3A_446, %swap3A_447] : memref<512x512xf32, #tpu.memory_space<vmem>>, vector<512x512xf32>
    tpu.vector_store %arg4[%swap3A_446, %swap3A_447], %gather3A_445 {strides = array<i32>} : memref<512x512xf32, #tpu.memory_space<vmem>>, vector<512x512xf32>,
    %dma_start3A_449 = arith.constant 12 : i32
    %dma_start3A_450 = tpu.memref_slice %arg6[%dma_start3A_449] : memref<32x!tpu.dma_semaphore, #tpu.memory_space<semaphore_mem>> -> memref<1x!tpu.dma_semaphore, #tpu.memory_space<semaphore_mem>>
    %dma_start3A_451 = tpu.memref_squeeze %dma_start3A_450 : memref<1x!tpu.dma_semaphore, #tpu.memory_space<semaphore_mem>> -> memref<!tpu.dma_semaphore, #tpu.memory_space<semaphore_mem>>
    %dma_start3A_452 = arith.constant 0 : i32
    %dma_start3A_453 = arith.constant 512 : i32
    %dma_start3A_454 = tpu.memref_slice %arg1[%dma_start3A_452, %dma_start3A_453] : memref<3584x4096xf32, #tpu.memory_space<any>> -> memref<512x512xf32, #tpu.memory_space<any>>
    tpu.enqueue_dma source(%arg4 : memref<512x512xf32, #tpu.memory_space<vmem>>) target(%dma_start3A_454 : memref<512x512xf32, #tpu.memory_space<any>>) target_semaphore(%dma_start3A_451 : memref<!tpu.dma_semaphore, #tpu.memory_space<semaphore_mem>>)
    %dma_start3A_455 = arith.constant 13 : i32
    %dma_start3A_456 = tpu.memref_slice %arg6[%dma_start3A_455] : memref<32x!tpu.dma_semaphore, #tpu.memory_space<semaphore_mem>> -> memref<1x!tpu.dma_semaphore, #tpu.memory_space<semaphore_mem>>
    %dma_start3A_457 = tpu.memref_squeeze %dma_start3A_456 : memref<1x!tpu.dma_semaphore, #tpu.memory_space<semaphore_mem>> -> memref<!tpu.dma_semaphore, #tpu.memory_space<semaphore_mem>>
    %dma_start3A_458 = arith.constant 512 : i32
    %dma_start3A_459 = arith.constant 1024 : i32
    %dma_start3A_460 = tpu.memref_slice %arg1[%dma_start3A_458, %dma_start3A_459] : memref<3584x4096xf32, #tpu.memory_space<any>> -> memref<512x512xf32, #tpu.memory_space<any>>
    tpu.enqueue_dma source(%arg4 : memref<512x512xf32, #tpu.memory_space<vmem>>) target(%dma_start3A_460 : memref<512x512xf32, #tpu.memory_space<any>>) target_semaphore(%dma_start3A_457 : memref<!tpu.dma_semaphore, #tpu.memory_space<semaphore_mem>>)
    %dma_start3A_461 = arith.constant 14 : i32
    %dma_start3A_462 = tpu.memref_slice %arg6[%dma_start3A_461] : memref<32x!tpu.dma_semaphore, #tpu.memory_space<semaphore_mem>> -> memref<1x!tpu.dma_semaphore, #tpu.memory_space<semaphore_mem>>
    %dma_start3A_463 = tpu.memref_squeeze %dma_start3A_462 : memref<1x!tpu.dma_semaphore, #tpu.memory_space<semaphore_mem>> -> memref<!tpu.dma_semaphore, #tpu.memory_space<semaphore_mem>>
    %dma_start3A_464 = arith.constant 1024 : i32
    %dma_start3A_465 = arith.constant 1536 : i32
    %dma_start3A_466 = tpu.memref_slice %arg1[%dma_start3A_464, %dma_start3A_465] : memref<3584x4096xf32, #tpu.memory_space<any>> -> memref<512x512xf32, #tpu.memory_space<any>>
    tpu.enqueue_dma source(%arg4 : memref<512x512xf32, #tpu.memory_space<vmem>>) target(%dma_start3A_466 : memref<512x512xf32, #tpu.memory_space<any>>) target_semaphore(%dma_start3A_463 : memref<!tpu.dma_semaphore, #tpu.memory_space<semaphore_mem>>)
    %dma_start3A_467 = arith.constant 15 : i32
    %dma_start3A_468 = tpu.memref_slice %arg6[%dma_start3A_467] : memref<32x!tpu.dma_semaphore, #tpu.memory_space<semaphore_mem>> -> memref<1x!tpu.dma_semaphore, #tpu.memory_space<semaphore_mem>>
    %dma_start3A_469 = tpu.memref_squeeze %dma_start3A_468 : memref<1x!tpu.dma_semaphore, #tpu.memory_space<semaphore_mem>> -> memref<!tpu.dma_semaphore, #tpu.memory_space<semaphore_mem>>
    %dma_start3A_470 = arith.constant 1536 : i32
    %dma_start3A_471 = arith.constant 2048 : i32
    %dma_start3A_472 = tpu.memref_slice %arg1[%dma_start3A_470, %dma_start3A_471] : memref<3584x4096xf32, #tpu.memory_space<any>> -> memref<512x512xf32, #tpu.memory_space<any>>
    tpu.enqueue_dma source(%arg4 : memref<512x512xf32, #tpu.memory_space<vmem>>) target(%dma_start3A_472 : memref<512x512xf32, #tpu.memory_space<any>>) target_semaphore(%dma_start3A_469 : memref<!tpu.dma_semaphore, #tpu.memory_space<semaphore_mem>>)
    %dma_start3A_473 = arith.constant 16 : i32
    %dma_start3A_474 = tpu.memref_slice %arg6[%dma_start3A_473] : memref<32x!tpu.dma_semaphore, #tpu.memory_space<semaphore_mem>> -> memref<1x!tpu.dma_semaphore, #tpu.memory_space<semaphore_mem>>
    %dma_start3A_475 = tpu.memref_squeeze %dma_start3A_474 : memref<1x!tpu.dma_semaphore, #tpu.memory_space<semaphore_mem>> -> memref<!tpu.dma_semaphore, #tpu.memory_space<semaphore_mem>>
    %dma_start3A_476 = arith.constant 2048 : i32
    %dma_start3A_477 = arith.constant 2560 : i32
    %dma_start3A_478 = tpu.memref_slice %arg1[%dma_start3A_476, %dma_start3A_477] : memref<3584x4096xf32, #tpu.memory_space<any>> -> memref<512x512xf32, #tpu.memory_space<any>>
    tpu.enqueue_dma source(%arg4 : memref<512x512xf32, #tpu.memory_space<vmem>>) target(%dma_start3A_478 : memref<512x512xf32, #tpu.memory_space<any>>) target_semaphore(%dma_start3A_475 : memref<!tpu.dma_semaphore, #tpu.memory_space<semaphore_mem>>)
    %dma_start3A_479 = arith.constant 17 : i32
    %dma_start3A_480 = tpu.memref_slice %arg6[%dma_start3A_479] : memref<32x!tpu.dma_semaphore, #tpu.memory_space<semaphore_mem>> -> memref<1x!tpu.dma_semaphore, #tpu.memory_space<semaphore_mem>>
    %dma_start3A_481 = tpu.memref_squeeze %dma_start3A_480 : memref<1x!tpu.dma_semaphore, #tpu.memory_space<semaphore_mem>> -> memref<!tpu.dma_semaphore, #tpu.memory_space<semaphore_mem>>
    %dma_start3A_482 = arith.constant 2560 : i32
    %dma_start3A_483 = arith.constant 3072 : i32
    %dma_start3A_484 = tpu.memref_slice %arg1[%dma_start3A_482, %dma_start3A_483] : memref<3584x4096xf32, #tpu.memory_space<any>> -> memref<512x512xf32, #tpu.memory_space<any>>
    tpu.enqueue_dma source(%arg4 : memref<512x512xf32, #tpu.memory_space<vmem>>) target(%dma_start3A_484 : memref<512x512xf32, #tpu.memory_space<any>>) target_semaphore(%dma_start3A_481 : memref<!tpu.dma_semaphore, #tpu.memory_space<semaphore_mem>>)
    %dma_start3A_485 = arith.constant 18 : i32
    %dma_start3A_486 = tpu.memref_slice %arg6[%dma_start3A_485] : memref<32x!tpu.dma_semaphore, #tpu.memory_space<semaphore_mem>> -> memref<1x!tpu.dma_semaphore, #tpu.memory_space<semaphore_mem>>
    %dma_start3A_487 = tpu.memref_squeeze %dma_start3A_486 : memref<1x!tpu.dma_semaphore, #tpu.memory_space<semaphore_mem>> -> memref<!tpu.dma_semaphore, #tpu.memory_space<semaphore_mem>>
    %dma_start3A_488 = arith.constant 3072 : i32
    %dma_start3A_489 = arith.constant 3584 : i32
    %dma_start3A_490 = tpu.memref_slice %arg1[%dma_start3A_488, %dma_start3A_489] : memref<3584x4096xf32, #tpu.memory_space<any>> -> memref<512x512xf32, #tpu.memory_space<any>>
    tpu.enqueue_dma source(%arg4 : memref<512x512xf32, #tpu.memory_space<vmem>>) target(%dma_start3A_490 : memref<512x512xf32, #tpu.memory_space<any>>) target_semaphore(%dma_start3A_487 : memref<!tpu.dma_semaphore, #tpu.memory_space<semaphore_mem>>)
    %iota3A_491 = tpu.iota {dimensions = array<i32: 1>} : vector<8x128xi32>
    %broadcast_in_dim3A_492 = vector.broadcast %mul3A_2 : f32 to vector<8x128xf32>
    %ge3A_493 = arith.constant 1 : i32
    %ge3A_494 = vector.broadcast %ge3A_493 : i32 to vector<8x128xi32>
    %ge3A_495 = arith.cmpi sge, %iota3A_491, %ge3A_494 : vector<8x128xi32>
    %get3A_496 = arith.constant 1 : index
    %get3A_497 = arith.constant 0 : index
    %get3A_498 = memref.load %arg0[%get3A_496, %get3A_497] : memref<32x1xf32, #tpu.memory_space<smem>>
    %mul3A_499 = arith.constant 1.250000e-01 : f32
    %mul3A_500 = arith.mulf %get3A_498, %mul3A_499 : f32
    %broadcast_in_dim3A_501 = vector.broadcast %mul3A_500 : f32 to vector<8x128xf32>
    %select_n3A_502 = arith.select %ge3A_495, %broadcast_in_dim3A_501, %broadcast_in_dim3A_492 : vector<8x128xi1>, vector<8x128xf32>
    %ge3A_503 = arith.constant 2 : i32
    %ge3A_504 = vector.broadcast %ge3A_503 : i32 to vector<8x128xi32>
    %ge3A_505 = arith.cmpi sge, %iota3A_491, %ge3A_504 : vector<8x128xi32>
    %get3A_506 = arith.constant 2 : index
    %get3A_507 = arith.constant 0 : index
    %get3A_508 = memref.load %arg0[%get3A_506, %get3A_507] : memref<32x1xf32, #tpu.memory_space<smem>>
    %mul3A_509 = arith.constant 1.250000e-01 : f32
    %mul3A_510 = arith.mulf %get3A_508, %mul3A_509 : f32
    %broadcast_in_dim3A_511 = vector.broadcast %mul3A_510 : f32 to vector<8x128xf32>
    %select_n3A_512 = arith.select %ge3A_505, %broadcast_in_dim3A_511, %select_n3A_502 : vector<8x128xi1>, vector<8x128xf32>
    %ge3A_513 = arith.constant 3 : i32
    %ge3A_514 = vector.broadcast %ge3A_513 : i32 to vector<8x128xi32>
    %ge3A_515 = arith.cmpi sge, %iota3A_491, %ge3A_514 : vector<8x128xi32>
    %get3A_516 = arith.constant 3 : index
    %get3A_517 = arith.constant 0 : index
    %get3A_518 = memref.load %arg0[%get3A_516, %get3A_517] : memref<32x1xf32, #tpu.memory_space<smem>>
    %mul3A_519 = arith.constant 1.250000e-01 : f32
    %mul3A_520 = arith.mulf %get3A_518, %mul3A_519 : f32
    %broadcast_in_dim3A_521 = vector.broadcast %mul3A_520 : f32 to vector<8x128xf32>
    %select_n3A_522 = arith.select %ge3A_515, %broadcast_in_dim3A_521, %select_n3A_512 : vector<8x128xi1>, vector<8x128xf32>
    %ge3A_523 = arith.constant 4 : i32
    %ge3A_524 = vector.broadcast %ge3A_523 : i32 to vector<8x128xi32>
    %ge3A_525 = arith.cmpi sge, %iota3A_491, %ge3A_524 : vector<8x128xi32>
    %get3A_526 = arith.constant 4 : index
    %get3A_527 = arith.constant 0 : index
    %get3A_528 = memref.load %arg0[%get3A_526, %get3A_527] : memref<32x1xf32, #tpu.memory_space<smem>>
    %mul3A_529 = arith.constant 1.250000e-01 : f32
    %mul3A_530 = arith.mulf %get3A_528, %mul3A_529 : f32
    %broadcast_in_dim3A_531 = vector.broadcast %mul3A_530 : f32 to vector<8x128xf32>
    %select_n3A_532 = arith.select %ge3A_525, %broadcast_in_dim3A_531, %select_n3A_522 : vector<8x128xi1>, vector<8x128xf32>
    %ge3A_533 = arith.constant 5 : i32
    %ge3A_534 = vector.broadcast %ge3A_533 : i32 to vector<8x128xi32>
    %ge3A_535 = arith.cmpi sge, %iota3A_491, %ge3A_534 : vector<8x128xi32>
    %get3A_536 = arith.constant 5 : index
    %get3A_537 = arith.constant 0 : index
    %get3A_538 = memref.load %arg0[%get3A_536, %get3A_537] : memref<32x1xf32, #tpu.memory_space<smem>>
    %mul3A_539 = arith.constant 1.250000e-01 : f32
    %mul3A_540 = arith.mulf %get3A_538, %mul3A_539 : f32
    %broadcast_in_dim3A_541 = vector.broadcast %mul3A_540 : f32 to vector<8x128xf32>
    %select_n3A_542 = arith.select %ge3A_535, %broadcast_in_dim3A_541, %select_n3A_532 : vector<8x128xi1>, vector<8x128xf32>
    %ge3A_543 = arith.constant 6 : i32
    %ge3A_544 = vector.broadcast %ge3A_543 : i32 to vector<8x128xi32>
    %ge3A_545 = arith.cmpi sge, %iota3A_491, %ge3A_544 : vector<8x128xi32>
    %get3A_546 = arith.constant 6 : index
    %get3A_547 = arith.constant 0 : index
    %get3A_548 = memref.load %arg0[%get3A_546, %get3A_547] : memref<32x1xf32, #tpu.memory_space<smem>>
    %mul3A_549 = arith.constant 1.250000e-01 : f32
    %mul3A_550 = arith.mulf %get3A_548, %mul3A_549 : f32
    %broadcast_in_dim3A_551 = vector.broadcast %mul3A_550 : f32 to vector<8x128xf32>
    %select_n3A_552 = arith.select %ge3A_545, %broadcast_in_dim3A_551, %select_n3A_542 : vector<8x128xi1>, vector<8x128xf32>
    %ge3A_553 = arith.constant 7 : i32
    %ge3A_554 = vector.broadcast %ge3A_553 : i32 to vector<8x128xi32>
    %ge3A_555 = arith.cmpi sge, %iota3A_491, %ge3A_554 : vector<8x128xi32>
    %get3A_556 = arith.constant 7 : index
    %get3A_557 = arith.constant 0 : index
    %get3A_558 = memref.load %arg0[%get3A_556, %get3A_557] : memref<32x1xf32, #tpu.memory_space<smem>>
    %mul3A_559 = arith.constant 1.250000e-01 : f32
    %mul3A_560 = arith.mulf %get3A_558, %mul3A_559 : f32
    %broadcast_in_dim3A_561 = vector.broadcast %mul3A_560 : f32 to vector<8x128xf32>
    %select_n3A_562 = arith.select %ge3A_555, %broadcast_in_dim3A_561, %select_n3A_552 : vector<8x128xi1>, vector<8x128xf32>
    %ge3A_563 = arith.constant 8 : i32
    %ge3A_564 = vector.broadcast %ge3A_563 : i32 to vector<8x128xi32>
    %ge3A_565 = arith.cmpi sge, %iota3A_491, %ge3A_564 : vector<8x128xi32>
    %get3A_566 = arith.constant 8 : index
    %get3A_567 = arith.constant 0 : index
    %get3A_568 = memref.load %arg0[%get3A_566, %get3A_567] : memref<32x1xf32, #tpu.memory_space<smem>>
    %mul3A_569 = arith.constant 1.250000e-01 : f32
    %mul3A_570 = arith.mulf %get3A_568, %mul3A_569 : f32
    %broadcast_in_dim3A_571 = vector.broadcast %mul3A_570 : f32 to vector<8x128xf32>
    %select_n3A_572 = arith.select %ge3A_565, %broadcast_in_dim3A_571, %select_n3A_562 : vector<8x128xi1>, vector<8x128xf32>
    %ge3A_573 = arith.constant 9 : i32
    %ge3A_574 = vector.broadcast %ge3A_573 : i32 to vector<8x128xi32>
    %ge3A_575 = arith.cmpi sge, %iota3A_491, %ge3A_574 : vector<8x128xi32>
    %get3A_576 = arith.constant 9 : index
    %get3A_577 = arith.constant 0 : index
    %get3A_578 = memref.load %arg0[%get3A_576, %get3A_577] : memref<32x1xf32, #tpu.memory_space<smem>>
    %mul3A_579 = arith.constant 1.250000e-01 : f32
    %mul3A_580 = arith.mulf %get3A_578, %mul3A_579 : f32
    %broadcast_in_dim3A_581 = vector.broadcast %mul3A_580 : f32 to vector<8x128xf32>
    %select_n3A_582 = arith.select %ge3A_575, %broadcast_in_dim3A_581, %select_n3A_572 : vector<8x128xi1>, vector<8x128xf32>
    %ge3A_583 = arith.constant 10 : i32
    %ge3A_584 = vector.broadcast %ge3A_583 : i32 to vector<8x128xi32>
    %ge3A_585 = arith.cmpi sge, %iota3A_491, %ge3A_584 : vector<8x128xi32>
    %get3A_586 = arith.constant 10 : index
    %get3A_587 = arith.constant 0 : index
    %get3A_588 = memref.load %arg0[%get3A_586, %get3A_587] : memref<32x1xf32, #tpu.memory_space<smem>>
    %mul3A_589 = arith.constant 1.250000e-01 : f32
    %mul3A_590 = arith.mulf %get3A_588, %mul3A_589 : f32
    %broadcast_in_dim3A_591 = vector.broadcast %mul3A_590 : f32 to vector<8x128xf32>
    %select_n3A_592 = arith.select %ge3A_585, %broadcast_in_dim3A_591, %select_n3A_582 : vector<8x128xi1>, vector<8x128xf32>
    %ge3A_593 = arith.constant 11 : i32
    %ge3A_594 = vector.broadcast %ge3A_593 : i32 to vector<8x128xi32>
    %ge3A_595 = arith.cmpi sge, %iota3A_491, %ge3A_594 : vector<8x128xi32>
    %get3A_596 = arith.constant 11 : index
    %get3A_597 = arith.constant 0 : index
    %get3A_598 = memref.load %arg0[%get3A_596, %get3A_597] : memref<32x1xf32, #tpu.memory_space<smem>>
    %mul3A_599 = arith.constant 1.250000e-01 : f32
    %mul3A_600 = arith.mulf %get3A_598, %mul3A_599 : f32
    %broadcast_in_dim3A_601 = vector.broadcast %mul3A_600 : f32 to vector<8x128xf32>
    %select_n3A_602 = arith.select %ge3A_595, %broadcast_in_dim3A_601, %select_n3A_592 : vector<8x128xi1>, vector<8x128xf32>
    %ge3A_603 = arith.constant 12 : i32
    %ge3A_604 = vector.broadcast %ge3A_603 : i32 to vector<8x128xi32>
    %ge3A_605 = arith.cmpi sge, %iota3A_491, %ge3A_604 : vector<8x128xi32>
    %get3A_606 = arith.constant 12 : index
    %get3A_607 = arith.constant 0 : index
    %get3A_608 = memref.load %arg0[%get3A_606, %get3A_607] : memref<32x1xf32, #tpu.memory_space<smem>>
    %mul3A_609 = arith.constant 1.250000e-01 : f32
    %mul3A_610 = arith.mulf %get3A_608, %mul3A_609 : f32
    %broadcast_in_dim3A_611 = vector.broadcast %mul3A_610 : f32 to vector<8x128xf32>
    %select_n3A_612 = arith.select %ge3A_605, %broadcast_in_dim3A_611, %select_n3A_602 : vector<8x128xi1>, vector<8x128xf32>
    %ge3A_613 = arith.constant 13 : i32
    %ge3A_614 = vector.broadcast %ge3A_613 : i32 to vector<8x128xi32>
    %ge3A_615 = arith.cmpi sge, %iota3A_491, %ge3A_614 : vector<8x128xi32>
    %get3A_616 = arith.constant 13 : index
    %get3A_617 = arith.constant 0 : index
    %get3A_618 = memref.load %arg0[%get3A_616, %get3A_617] : memref<32x1xf32, #tpu.memory_space<smem>>
    %mul3A_619 = arith.constant 1.250000e-01 : f32
    %mul3A_620 = arith.mulf %get3A_618, %mul3A_619 : f32
    %broadcast_in_dim3A_621 = vector.broadcast %mul3A_620 : f32 to vector<8x128xf32>
    %select_n3A_622 = arith.select %ge3A_615, %broadcast_in_dim3A_621, %select_n3A_612 : vector<8x128xi1>, vector<8x128xf32>
    %ge3A_623 = arith.constant 14 : i32
    %ge3A_624 = vector.broadcast %ge3A_623 : i32 to vector<8x128xi32>
    %ge3A_625 = arith.cmpi sge, %iota3A_491, %ge3A_624 : vector<8x128xi32>
    %get3A_626 = arith.constant 14 : index
    %get3A_627 = arith.constant 0 : index
    %get3A_628 = memref.load %arg0[%get3A_626, %get3A_627] : memref<32x1xf32, #tpu.memory_space<smem>>
    %mul3A_629 = arith.constant 1.250000e-01 : f32
    %mul3A_630 = arith.mulf %get3A_628, %mul3A_629 : f32
    %broadcast_in_dim3A_631 = vector.broadcast %mul3A_630 : f32 to vector<8x128xf32>
    %select_n3A_632 = arith.select %ge3A_625, %broadcast_in_dim3A_631, %select_n3A_622 : vector<8x128xi1>, vector<8x128xf32>
    %ge3A_633 = arith.constant 15 : i32
    %ge3A_634 = vector.broadcast %ge3A_633 : i32 to vector<8x128xi32>
    %ge3A_635 = arith.cmpi sge, %iota3A_491, %ge3A_634 : vector<8x128xi32>
    %get3A_636 = arith.constant 15 : index
    %get3A_637 = arith.constant 0 : index
    %get3A_638 = memref.load %arg0[%get3A_636, %get3A_637] : memref<32x1xf32, #tpu.memory_space<smem>>
    %mul3A_639 = arith.constant 1.250000e-01 : f32
    %mul3A_640 = arith.mulf %get3A_638, %mul3A_639 : f32
    %broadcast_in_dim3A_641 = vector.broadcast %mul3A_640 : f32 to vector<8x128xf32>
    %select_n3A_642 = arith.select %ge3A_635, %broadcast_in_dim3A_641, %select_n3A_632 : vector<8x128xi1>, vector<8x128xf32>
    %ge3A_643 = arith.constant 16 : i32
    %ge3A_644 = vector.broadcast %ge3A_643 : i32 to vector<8x128xi32>
    %ge3A_645 = arith.cmpi sge, %iota3A_491, %ge3A_644 : vector<8x128xi32>
    %get3A_646 = arith.constant 16 : index
    %get3A_647 = arith.constant 0 : index
    %get3A_648 = memref.load %arg0[%get3A_646, %get3A_647] : memref<32x1xf32, #tpu.memory_space<smem>>
    %mul3A_649 = arith.constant 1.250000e-01 : f32
    %mul3A_650 = arith.mulf %get3A_648, %mul3A_649 : f32
    %broadcast_in_dim3A_651 = vector.broadcast %mul3A_650 : f32 to vector<8x128xf32>
    %select_n3A_652 = arith.select %ge3A_645, %broadcast_in_dim3A_651, %select_n3A_642 : vector<8x128xi1>, vector<8x128xf32>
    %ge3A_653 = arith.constant 19 : i32
    %ge3A_654 = vector.broadcast %ge3A_653 : i32 to vector<8x128xi32>
    %ge3A_655 = arith.cmpi sge, %iota3A_491, %ge3A_654 : vector<8x128xi32>
    %get3A_656 = arith.constant 17 : index
    %get3A_657 = arith.constant 0 : index
    %get3A_658 = memref.load %arg0[%get3A_656, %get3A_657] : memref<32x1xf32, #tpu.memory_space<smem>>
    %mul3A_659 = arith.constant 1.250000e-01 : f32
    %mul3A_660 = arith.mulf %get3A_658, %mul3A_659 : f32
    %broadcast_in_dim3A_661 = vector.broadcast %mul3A_660 : f32 to vector<8x128xf32>
    %select_n3A_662 = arith.select %ge3A_655, %broadcast_in_dim3A_661, %select_n3A_652 : vector<8x128xi1>, vector<8x128xf32>
    %ge3A_663 = arith.constant 21 : i32
    %ge3A_664 = vector.broadcast %ge3A_663 : i32 to vector<8x128xi32>
    %ge3A_665 = arith.cmpi sge, %iota3A_491, %ge3A_664 : vector<8x128xi32>
    %get3A_666 = arith.constant 18 : index
    %get3A_667 = arith.constant 0 : index
    %get3A_668 = memref.load %arg0[%get3A_666, %get3A_667] : memref<32x1xf32, #tpu.memory_space<smem>>
    %mul3A_669 = arith.constant 1.250000e-01 : f32
    %mul3A_670 = arith.mulf %get3A_668, %mul3A_669 : f32
    %broadcast_in_dim3A_671 = vector.broadcast %mul3A_670 : f32 to vector<8x128xf32>
    %select_n3A_672 = arith.select %ge3A_665, %broadcast_in_dim3A_671, %select_n3A_662 : vector<8x128xi1>, vector<8x128xf32>
    %ge3A_673 = arith.constant 24 : i32
    %ge3A_674 = vector.broadcast %ge3A_673 : i32 to vector<8x128xi32>
    %ge3A_675 = arith.cmpi sge, %iota3A_491, %ge3A_674 : vector<8x128xi32>
    %get3A_676 = arith.constant 19 : index
    %get3A_677 = arith.constant 0 : index
    %get3A_678 = memref.load %arg0[%get3A_676, %get3A_677] : memref<32x1xf32, #tpu.memory_space<smem>>
    %mul3A_679 = arith.constant 1.250000e-01 : f32
    %mul3A_680 = arith.mulf %get3A_678, %mul3A_679 : f32
    %broadcast_in_dim3A_681 = vector.broadcast %mul3A_680 : f32 to vector<8x128xf32>
    %select_n3A_682 = arith.select %ge3A_675, %broadcast_in_dim3A_681, %select_n3A_672 : vector<8x128xi1>, vector<8x128xf32>
    %ge3A_683 = arith.constant 27 : i32
    %ge3A_684 = vector.broadcast %ge3A_683 : i32 to vector<8x128xi32>
    %ge3A_685 = arith.cmpi sge, %iota3A_491, %ge3A_684 : vector<8x128xi32>
    %get3A_686 = arith.constant 20 : index
    %get3A_687 = arith.constant 0 : index
    %get3A_688 = memref.load %arg0[%get3A_686, %get3A_687] : memref<32x1xf32, #tpu.memory_space<smem>>
    %mul3A_689 = arith.constant 1.250000e-01 : f32
    %mul3A_690 = arith.mulf %get3A_688, %mul3A_689 : f32
    %broadcast_in_dim3A_691 = vector.broadcast %mul3A_690 : f32 to vector<8x128xf32>
    %select_n3A_692 = arith.select %ge3A_685, %broadcast_in_dim3A_691, %select_n3A_682 : vector<8x128xi1>, vector<8x128xf32>
    %ge3A_693 = arith.constant 31 : i32
    %ge3A_694 = vector.broadcast %ge3A_693 : i32 to vector<8x128xi32>
    %ge3A_695 = arith.cmpi sge, %iota3A_491, %ge3A_694 : vector<8x128xi32>
    %get3A_696 = arith.constant 21 : index
    %get3A_697 = arith.constant 0 : index
    %get3A_698 = memref.load %arg0[%get3A_696, %get3A_697] : memref<32x1xf32, #tpu.memory_space<smem>>
    %mul3A_699 = arith.constant 1.250000e-01 : f32
    %mul3A_700 = arith.mulf %get3A_698, %mul3A_699 : f32
    %broadcast_in_dim3A_701 = vector.broadcast %mul3A_700 : f32 to vector<8x128xf32>
    %select_n3A_702 = arith.select %ge3A_695, %broadcast_in_dim3A_701, %select_n3A_692 : vector<8x128xi1>, vector<8x128xf32>
    %ge3A_703 = arith.constant 35 : i32
    %ge3A_704 = vector.broadcast %ge3A_703 : i32 to vector<8x128xi32>
    %ge3A_705 = arith.cmpi sge, %iota3A_491, %ge3A_704 : vector<8x128xi32>
    %get3A_706 = arith.constant 22 : index
    %get3A_707 = arith.constant 0 : index
    %get3A_708 = memref.load %arg0[%get3A_706, %get3A_707] : memref<32x1xf32, #tpu.memory_space<smem>>
    %mul3A_709 = arith.constant 1.250000e-01 : f32
    %mul3A_710 = arith.mulf %get3A_708, %mul3A_709 : f32
    %broadcast_in_dim3A_711 = vector.broadcast %mul3A_710 : f32 to vector<8x128xf32>
    %select_n3A_712 = arith.select %ge3A_705, %broadcast_in_dim3A_711, %select_n3A_702 : vector<8x128xi1>, vector<8x128xf32>
    %ge3A_713 = arith.constant 40 : i32
    %ge3A_714 = vector.broadcast %ge3A_713 : i32 to vector<8x128xi32>
    %ge3A_715 = arith.cmpi sge, %iota3A_491, %ge3A_714 : vector<8x128xi32>
    %get3A_716 = arith.constant 23 : index
    %get3A_717 = arith.constant 0 : index
    %get3A_718 = memref.load %arg0[%get3A_716, %get3A_717] : memref<32x1xf32, #tpu.memory_space<smem>>
    %mul3A_719 = arith.constant 1.250000e-01 : f32
    %mul3A_720 = arith.mulf %get3A_718, %mul3A_719 : f32
    %broadcast_in_dim3A_721 = vector.broadcast %mul3A_720 : f32 to vector<8x128xf32>
    %select_n3A_722 = arith.select %ge3A_715, %broadcast_in_dim3A_721, %select_n3A_712 : vector<8x128xi1>, vector<8x128xf32>
    %ge3A_723 = arith.constant 46 : i32
    %ge3A_724 = vector.broadcast %ge3A_723 : i32 to vector<8x128xi32>
    %ge3A_725 = arith.cmpi sge, %iota3A_491, %ge3A_724 : vector<8x128xi32>
    %get3A_726 = arith.constant 24 : index
    %get3A_727 = arith.constant 0 : index
    %get3A_728 = memref.load %arg0[%get3A_726, %get3A_727] : memref<32x1xf32, #tpu.memory_space<smem>>
    %mul3A_729 = arith.constant 1.250000e-01 : f32
    %mul3A_730 = arith.mulf %get3A_728, %mul3A_729 : f32
    %broadcast_in_dim3A_731 = vector.broadcast %mul3A_730 : f32 to vector<8x128xf32>
    %select_n3A_732 = arith.select %ge3A_725, %broadcast_in_dim3A_731, %select_n3A_722 : vector<8x128xi1>, vector<8x128xf32>
    %ge3A_733 = arith.constant 52 : i32
    %ge3A_734 = vector.broadcast %ge3A_733 : i32 to vector<8x128xi32>
    %ge3A_735 = arith.cmpi sge, %iota3A_491, %ge3A_734 : vector<8x128xi32>
    %get3A_736 = arith.constant 25 : index
    %get3A_737 = arith.constant 0 : index
    %get3A_738 = memref.load %arg0[%get3A_736, %get3A_737] : memref<32x1xf32, #tpu.memory_space<smem>>
    %mul3A_739 = arith.constant 1.250000e-01 : f32
    %mul3A_740 = arith.mulf %get3A_738, %mul3A_739 : f32
    %broadcast_in_dim3A_741 = vector.broadcast %mul3A_740 : f32 to vector<8x128xf32>
    %select_n3A_742 = arith.select %ge3A_735, %broadcast_in_dim3A_741, %select_n3A_732 : vector<8x128xi1>, vector<8x128xf32>
    %ge3A_743 = arith.constant 59 : i32
    %ge3A_744 = vector.broadcast %ge3A_743 : i32 to vector<8x128xi32>
    %ge3A_745 = arith.cmpi sge, %iota3A_491, %ge3A_744 : vector<8x128xi32>
    %get3A_746 = arith.constant 26 : index
    %get3A_747 = arith.constant 0 : index
    %get3A_748 = memref.load %arg0[%get3A_746, %get3A_747] : memref<32x1xf32, #tpu.memory_space<smem>>
    %mul3A_749 = arith.constant 1.250000e-01 : f32
    %mul3A_750 = arith.mulf %get3A_748, %mul3A_749 : f32
    %broadcast_in_dim3A_751 = vector.broadcast %mul3A_750 : f32 to vector<8x128xf32>
    %select_n3A_752 = arith.select %ge3A_745, %broadcast_in_dim3A_751, %select_n3A_742 : vector<8x128xi1>, vector<8x128xf32>
    %ge3A_753 = arith.constant 67 : i32
    %ge3A_754 = vector.broadcast %ge3A_753 : i32 to vector<8x128xi32>
    %ge3A_755 = arith.cmpi sge, %iota3A_491, %ge3A_754 : vector<8x128xi32>
    %get3A_756 = arith.constant 27 : index
    %get3A_757 = arith.constant 0 : index
    %get3A_758 = memref.load %arg0[%get3A_756, %get3A_757] : memref<32x1xf32, #tpu.memory_space<smem>>
    %mul3A_759 = arith.constant 1.250000e-01 : f32
    %mul3A_760 = arith.mulf %get3A_758, %mul3A_759 : f32
    %broadcast_in_dim3A_761 = vector.broadcast %mul3A_760 : f32 to vector<8x128xf32>
    %select_n3A_762 = arith.select %ge3A_755, %broadcast_in_dim3A_761, %select_n3A_752 : vector<8x128xi1>, vector<8x128xf32>
    %ge3A_763 = arith.constant 77 : i32
    %ge3A_764 = vector.broadcast %ge3A_763 : i32 to vector<8x128xi32>
    %ge3A_765 = arith.cmpi sge, %iota3A_491, %ge3A_764 : vector<8x128xi32>
    %get3A_766 = arith.constant 28 : index
    %get3A_767 = arith.constant 0 : index
    %get3A_768 = memref.load %arg0[%get3A_766, %get3A_767] : memref<32x1xf32, #tpu.memory_space<smem>>
    %mul3A_769 = arith.constant 1.250000e-01 : f32
    %mul3A_770 = arith.mulf %get3A_768, %mul3A_769 : f32
    %broadcast_in_dim3A_771 = vector.broadcast %mul3A_770 : f32 to vector<8x128xf32>
    %select_n3A_772 = arith.select %ge3A_765, %broadcast_in_dim3A_771, %select_n3A_762 : vector<8x128xi1>, vector<8x128xf32>
    %ge3A_773 = arith.constant 87 : i32
    %ge3A_774 = vector.broadcast %ge3A_773 : i32 to vector<8x128xi32>
    %ge3A_775 = arith.cmpi sge, %iota3A_491, %ge3A_774 : vector<8x128xi32>
    %get3A_776 = arith.constant 29 : index
    %get3A_777 = arith.constant 0 : index
    %get3A_778 = memref.load %arg0[%get3A_776, %get3A_777] : memref<32x1xf32, #tpu.memory_space<smem>>
    %mul3A_779 = arith.constant 1.250000e-01 : f32
    %mul3A_780 = arith.mulf %get3A_778, %mul3A_779 : f32
    %broadcast_in_dim3A_781 = vector.broadcast %mul3A_780 : f32 to vector<8x128xf32>
    %select_n3A_782 = arith.select %ge3A_775, %broadcast_in_dim3A_781, %select_n3A_772 : vector<8x128xi1>, vector<8x128xf32>
    %ge3A_783 = arith.constant 99 : i32
    %ge3A_784 = vector.broadcast %ge3A_783 : i32 to vector<8x128xi32>
    %ge3A_785 = arith.cmpi sge, %iota3A_491, %ge3A_784 : vector<8x128xi32>
    %get3A_786 = arith.constant 30 : index
    %get3A_787 = arith.constant 0 : index
    %get3A_788 = memref.load %arg0[%get3A_786, %get3A_787] : memref<32x1xf32, #tpu.memory_space<smem>>
    %mul3A_789 = arith.constant 1.250000e-01 : f32
    %mul3A_790 = arith.mulf %get3A_788, %mul3A_789 : f32
    %broadcast_in_dim3A_791 = vector.broadcast %mul3A_790 : f32 to vector<8x128xf32>
    %select_n3A_792 = arith.select %ge3A_785, %broadcast_in_dim3A_791, %select_n3A_782 : vector<8x128xi1>, vector<8x128xf32>
    %ge3A_793 = arith.constant 113 : i32
    %ge3A_794 = vector.broadcast %ge3A_793 : i32 to vector<8x128xi32>
    %ge3A_795 = arith.cmpi sge, %iota3A_491, %ge3A_794 : vector<8x128xi32>
    %get3A_796 = arith.constant 31 : index
    %get3A_797 = arith.constant 0 : index
    %get3A_798 = memref.load %arg0[%get3A_796, %get3A_797] : memref<32x1xf32, #tpu.memory_space<smem>>
    %mul3A_799 = arith.constant 1.250000e-01 : f32
    %mul3A_800 = arith.mulf %get3A_798, %mul3A_799 : f32
    %broadcast_in_dim3A_801 = vector.broadcast %mul3A_800 : f32 to vector<8x128xf32>
    %select_n3A_802 = arith.select %ge3A_795, %broadcast_in_dim3A_801, %select_n3A_792 : vector<8x128xi1>, vector<8x128xf32>
    %slice3A_803 = vector.extract_strided_slice %select_n3A_802 {offsets = [0, 0], sizes = [1, 128], strides = [1, 1]} : vector<8x128xf32> to vector<1x128xf32>
    %broadcast_in_dim3A_804 = vector.shape_cast %slice3A_803 : vector<1x128xf32> to vector<1x128xf32>
    %broadcast_in_dim3A_805 = vector.broadcast %broadcast_in_dim3A_804 : vector<1x128xf32> to vector<512x128xf32>
    %iota3A_806 = tpu.iota {dimensions = array<i32: 0>} : vector<512x512xi32>
    %iota3A_807 = tpu.iota {dimensions = array<i32: 1>} : vector<512x512xi32>
    %sub3A_808 = arith.subi %iota3A_806, %iota3A_807 : vector<512x512xi32>
    %add3A_809 = arith.constant 512 : i32
    %add3A_810 = vector.broadcast %add3A_809 : i32 to vector<512x512xi32>
    %add3A_811 = arith.addi %sub3A_808, %add3A_810 : vector<512x512xi32>
    %jit3A_812 = arith.constant 0 : i32
    %jit3A_813 = arith.constant 127 : i32
    %max3A_814 = vector.broadcast %jit3A_812 : i32 to vector<512x512xi32>
    %max3A_815 = arith.maxsi %max3A_814, %add3A_811 : vector<512x512xi32>
    %min3A_816 = vector.broadcast %jit3A_813 : i32 to vector<512x512xi32>
    %min3A_817 = arith.minsi %min3A_816, %max3A_815 : vector<512x512xi32>
    %lt3A_818 = arith.constant 0 : i32
    %lt3A_819 = vector.broadcast %lt3A_818 : i32 to vector<512x512xi32>
    %lt3A_820 = arith.cmpi slt, %min3A_817, %lt3A_819 : vector<512x512xi32>
    %add3A_821 = arith.constant 128 : i32
    %add3A_822 = vector.broadcast %add3A_821 : i32 to vector<512x512xi32>
    %add3A_823 = arith.addi %min3A_817, %add3A_822 : vector<512x512xi32>
    %select_n3A_824 = arith.select %lt3A_820, %add3A_823, %min3A_817 : vector<512x512xi1>, vector<512x512xi32>
    %reshape3A_825 = vector.shape_cast %select_n3A_824 : vector<512x512xi32> to vector<512x512x1xi32>
    %gather3A_826 = vector.shape_cast %reshape3A_825 : vector<512x512x1xi32> to vector<512x512xi32>
    %gather3A_827 = tpu.dynamic_gather %broadcast_in_dim3A_805[%gather3A_826] in [1] : vector<512x128xf32>, vector<512x512xi32> -> vector<512x512xf32>
    %swap3A_828 = arith.constant 0 : index
    %swap3A_829 = arith.constant 0 : index
    %swap3A_830 = vector.load %arg5[%swap3A_828, %swap3A_829] : memref<512x512xf32, #tpu.memory_space<vmem>>, vector<512x512xf32>
    tpu.vector_store %arg5[%swap3A_828, %swap3A_829], %gather3A_827 {strides = array<i32>} : memref<512x512xf32, #tpu.memory_space<vmem>>, vector<512x512xf32>,
    %dma_start3A_831 = arith.constant 19 : i32
    %dma_start3A_832 = tpu.memref_slice %arg6[%dma_start3A_831] : memref<32x!tpu.dma_semaphore, #tpu.memory_space<semaphore_mem>> -> memref<1x!tpu.dma_semaphore, #tpu.memory_space<semaphore_mem>>
    %dma_start3A_833 = tpu.memref_squeeze %dma_start3A_832 : memref<1x!tpu.dma_semaphore, #tpu.memory_space<semaphore_mem>> -> memref<!tpu.dma_semaphore, #tpu.memory_space<semaphore_mem>>
    %dma_start3A_834 = arith.constant 0 : i32
    %dma_start3A_835 = arith.constant 0 : i32
    %dma_start3A_836 = tpu.memref_slice %arg1[%dma_start3A_834, %dma_start3A_835] : memref<3584x4096xf32, #tpu.memory_space<any>> -> memref<512x512xf32, #tpu.memory_space<any>>
    tpu.enqueue_dma source(%arg5 : memref<512x512xf32, #tpu.memory_space<vmem>>) target(%dma_start3A_836 : memref<512x512xf32, #tpu.memory_space<any>>) target_semaphore(%dma_start3A_833 : memref<!tpu.dma_semaphore, #tpu.memory_space<semaphore_mem>>)
    %dma_start3A_837 = arith.constant 20 : i32
    %dma_start3A_838 = tpu.memref_slice %arg6[%dma_start3A_837] : memref<32x!tpu.dma_semaphore, #tpu.memory_space<semaphore_mem>> -> memref<1x!tpu.dma_semaphore, #tpu.memory_space<semaphore_mem>>
    %dma_start3A_839 = tpu.memref_squeeze %dma_start3A_838 : memref<1x!tpu.dma_semaphore, #tpu.memory_space<semaphore_mem>> -> memref<!tpu.dma_semaphore, #tpu.memory_space<semaphore_mem>>
    %dma_start3A_840 = arith.constant 512 : i32
    %dma_start3A_841 = arith.constant 512 : i32
    %dma_start3A_842 = tpu.memref_slice %arg1[%dma_start3A_840, %dma_start3A_841] : memref<3584x4096xf32, #tpu.memory_space<any>> -> memref<512x512xf32, #tpu.memory_space<any>>
    tpu.enqueue_dma source(%arg5 : memref<512x512xf32, #tpu.memory_space<vmem>>) target(%dma_start3A_842 : memref<512x512xf32, #tpu.memory_space<any>>) target_semaphore(%dma_start3A_839 : memref<!tpu.dma_semaphore, #tpu.memory_space<semaphore_mem>>)
    %dma_start3A_843 = arith.constant 21 : i32
    %dma_start3A_844 = tpu.memref_slice %arg6[%dma_start3A_843] : memref<32x!tpu.dma_semaphore, #tpu.memory_space<semaphore_mem>> -> memref<1x!tpu.dma_semaphore, #tpu.memory_space<semaphore_mem>>
    %dma_start3A_845 = tpu.memref_squeeze %dma_start3A_844 : memref<1x!tpu.dma_semaphore, #tpu.memory_space<semaphore_mem>> -> memref<!tpu.dma_semaphore, #tpu.memory_space<semaphore_mem>>
    %dma_start3A_846 = arith.constant 1024 : i32
    %dma_start3A_847 = arith.constant 1024 : i32
    %dma_start3A_848 = tpu.memref_slice %arg1[%dma_start3A_846, %dma_start3A_847] : memref<3584x4096xf32, #tpu.memory_space<any>> -> memref<512x512xf32, #tpu.memory_space<any>>
    tpu.enqueue_dma source(%arg5 : memref<512x512xf32, #tpu.memory_space<vmem>>) target(%dma_start3A_848 : memref<512x512xf32, #tpu.memory_space<any>>) target_semaphore(%dma_start3A_845 : memref<!tpu.dma_semaphore, #tpu.memory_space<semaphore_mem>>)
    %dma_start3A_849 = arith.constant 22 : i32
    %dma_start3A_850 = tpu.memref_slice %arg6[%dma_start3A_849] : memref<32x!tpu.dma_semaphore, #tpu.memory_space<semaphore_mem>> -> memref<1x!tpu.dma_semaphore, #tpu.memory_space<semaphore_mem>>
    %dma_start3A_851 = tpu.memref_squeeze %dma_start3A_850 : memref<1x!tpu.dma_semaphore, #tpu.memory_space<semaphore_mem>> -> memref<!tpu.dma_semaphore, #tpu.memory_space<semaphore_mem>>
    %dma_start3A_852 = arith.constant 1536 : i32
    %dma_start3A_853 = arith.constant 1536 : i32
    %dma_start3A_854 = tpu.memref_slice %arg1[%dma_start3A_852, %dma_start3A_853] : memref<3584x4096xf32, #tpu.memory_space<any>> -> memref<512x512xf32, #tpu.memory_space<any>>
    tpu.enqueue_dma source(%arg5 : memref<512x512xf32, #tpu.memory_space<vmem>>) target(%dma_start3A_854 : memref<512x512xf32, #tpu.memory_space<any>>) target_semaphore(%dma_start3A_851 : memref<!tpu.dma_semaphore, #tpu.memory_space<semaphore_mem>>)
    %dma_start3A_855 = arith.constant 23 : i32
    %dma_start3A_856 = tpu.memref_slice %arg6[%dma_start3A_855] : memref<32x!tpu.dma_semaphore, #tpu.memory_space<semaphore_mem>> -> memref<1x!tpu.dma_semaphore, #tpu.memory_space<semaphore_mem>>
    %dma_start3A_857 = tpu.memref_squeeze %dma_start3A_856 : memref<1x!tpu.dma_semaphore, #tpu.memory_space<semaphore_mem>> -> memref<!tpu.dma_semaphore, #tpu.memory_space<semaphore_mem>>
    %dma_start3A_858 = arith.constant 2048 : i32
    %dma_start3A_859 = arith.constant 2048 : i32
    %dma_start3A_860 = tpu.memref_slice %arg1[%dma_start3A_858, %dma_start3A_859] : memref<3584x4096xf32, #tpu.memory_space<any>> -> memref<512x512xf32, #tpu.memory_space<any>>
    tpu.enqueue_dma source(%arg5 : memref<512x512xf32, #tpu.memory_space<vmem>>) target(%dma_start3A_860 : memref<512x512xf32, #tpu.memory_space<any>>) target_semaphore(%dma_start3A_857 : memref<!tpu.dma_semaphore, #tpu.memory_space<semaphore_mem>>)
    %dma_start3A_861 = arith.constant 24 : i32
    %dma_start3A_862 = tpu.memref_slice %arg6[%dma_start3A_861] : memref<32x!tpu.dma_semaphore, #tpu.memory_space<semaphore_mem>> -> memref<1x!tpu.dma_semaphore, #tpu.memory_space<semaphore_mem>>
    %dma_start3A_863 = tpu.memref_squeeze %dma_start3A_862 : memref<1x!tpu.dma_semaphore, #tpu.memory_space<semaphore_mem>> -> memref<!tpu.dma_semaphore, #tpu.memory_space<semaphore_mem>>
    %dma_start3A_864 = arith.constant 2560 : i32
    %dma_start3A_865 = arith.constant 2560 : i32
    %dma_start3A_866 = tpu.memref_slice %arg1[%dma_start3A_864, %dma_start3A_865] : memref<3584x4096xf32, #tpu.memory_space<any>> -> memref<512x512xf32, #tpu.memory_space<any>>
    tpu.enqueue_dma source(%arg5 : memref<512x512xf32, #tpu.memory_space<vmem>>) target(%dma_start3A_866 : memref<512x512xf32, #tpu.memory_space<any>>) target_semaphore(%dma_start3A_863 : memref<!tpu.dma_semaphore, #tpu.memory_space<semaphore_mem>>)
    %dma_start3A_867 = arith.constant 25 : i32
    %dma_start3A_868 = tpu.memref_slice %arg6[%dma_start3A_867] : memref<32x!tpu.dma_semaphore, #tpu.memory_space<semaphore_mem>> -> memref<1x!tpu.dma_semaphore, #tpu.memory_space<semaphore_mem>>
    %dma_start3A_869 = tpu.memref_squeeze %dma_start3A_868 : memref<1x!tpu.dma_semaphore, #tpu.memory_space<semaphore_mem>> -> memref<!tpu.dma_semaphore, #tpu.memory_space<semaphore_mem>>
    %dma_start3A_870 = arith.constant 3072 : i32
    %dma_start3A_871 = arith.constant 3072 : i32
    %dma_start3A_872 = tpu.memref_slice %arg1[%dma_start3A_870, %dma_start3A_871] : memref<3584x4096xf32, #tpu.memory_space<any>> -> memref<512x512xf32, #tpu.memory_space<any>>
    tpu.enqueue_dma source(%arg5 : memref<512x512xf32, #tpu.memory_space<vmem>>) target(%dma_start3A_872 : memref<512x512xf32, #tpu.memory_space<any>>) target_semaphore(%dma_start3A_869 : memref<!tpu.dma_semaphore, #tpu.memory_space<semaphore_mem>>)
    %dma_wait3A = arith.constant 0 : i32
    %dma_wait3A_873 = tpu.memref_slice %arg6[%dma_wait3A] : memref<32x!tpu.dma_semaphore, #tpu.memory_space<semaphore_mem>> -> memref<1x!tpu.dma_semaphore, #tpu.memory_space<semaphore_mem>>
    %dma_wait3A_874 = tpu.memref_squeeze %dma_wait3A_873 : memref<1x!tpu.dma_semaphore, #tpu.memory_space<semaphore_mem>> -> memref<!tpu.dma_semaphore, #tpu.memory_space<semaphore_mem>>
    %dma_wait3A_875 = arith.constant 0 : i32
    %dma_wait3A_876 = arith.constant 1024 : i32
    %dma_wait3A_877 = tpu.memref_slice %arg1[%dma_wait3A_875, %dma_wait3A_876] : memref<3584x4096xf32, #tpu.memory_space<any>> -> memref<512x3072xf32, #tpu.memory_space<any>>
    %dma_wait3A_878 = arith.constant 0 : i32
    %dma_wait3A_879 = arith.constant 0 : i32
    %dma_wait3A_880 = tpu.memref_slice %arg2[%dma_wait3A_878, %dma_wait3A_879] : memref<512x3584xf32, #tpu.memory_space<vmem>> -> memref<512x3072xf32, #tpu.memory_space<vmem>>
    tpu.wait_dma2 semaphore(%dma_wait3A_874 : memref<!tpu.dma_semaphore, #tpu.memory_space<semaphore_mem>>) src(%dma_wait3A_880 : memref<512x3072xf32, #tpu.memory_space<vmem>>) dst(%dma_wait3A_877 : memref<512x3072xf32, #tpu.memory_space<any>>)
    %dma_wait3A_881 = arith.constant 1 : i32
    %dma_wait3A_882 = tpu.memref_slice %arg6[%dma_wait3A_881] : memref<32x!tpu.dma_semaphore, #tpu.memory_space<semaphore_mem>> -> memref<1x!tpu.dma_semaphore, #tpu.memory_space<semaphore_mem>>
    %dma_wait3A_883 = tpu.memref_squeeze %dma_wait3A_882 : memref<1x!tpu.dma_semaphore, #tpu.memory_space<semaphore_mem>> -> memref<!tpu.dma_semaphore, #tpu.memory_space<semaphore_mem>>
    %dma_wait3A_884 = arith.constant 512 : i32
    %dma_wait3A_885 = arith.constant 1536 : i32
    %dma_wait3A_886 = tpu.memref_slice %arg1[%dma_wait3A_884, %dma_wait3A_885] : memref<3584x4096xf32, #tpu.memory_space<any>> -> memref<512x2560xf32, #tpu.memory_space<any>>
    %dma_wait3A_887 = arith.constant 0 : i32
    %dma_wait3A_888 = arith.constant 0 : i32
    %dma_wait3A_889 = tpu.memref_slice %arg2[%dma_wait3A_887, %dma_wait3A_888] : memref<512x3584xf32, #tpu.memory_space<vmem>> -> memref<512x2560xf32, #tpu.memory_space<vmem>>
    tpu.wait_dma2 semaphore(%dma_wait3A_883 : memref<!tpu.dma_semaphore, #tpu.memory_space<semaphore_mem>>) src(%dma_wait3A_889 : memref<512x2560xf32, #tpu.memory_space<vmem>>) dst(%dma_wait3A_886 : memref<512x2560xf32, #tpu.memory_space<any>>)
    %dma_wait3A_890 = arith.constant 2 : i32
    %dma_wait3A_891 = tpu.memref_slice %arg6[%dma_wait3A_890] : memref<32x!tpu.dma_semaphore, #tpu.memory_space<semaphore_mem>> -> memref<1x!tpu.dma_semaphore, #tpu.memory_space<semaphore_mem>>
    %dma_wait3A_892 = tpu.memref_squeeze %dma_wait3A_891 : memref<1x!tpu.dma_semaphore, #tpu.memory_space<semaphore_mem>> -> memref<!tpu.dma_semaphore, #tpu.memory_space<semaphore_mem>>
    %dma_wait3A_893 = arith.constant 512 : i32
    %dma_wait3A_894 = arith.constant 0 : i32
    %dma_wait3A_895 = tpu.memref_slice %arg1[%dma_wait3A_893, %dma_wait3A_894] : memref<3584x4096xf32, #tpu.memory_space<any>> -> memref<512x512xf32, #tpu.memory_space<any>>
    %dma_wait3A_896 = arith.constant 0 : i32
    %dma_wait3A_897 = arith.constant 0 : i32
    %dma_wait3A_898 = tpu.memref_slice %arg3[%dma_wait3A_896, %dma_wait3A_897] : memref<512x3072xf32, #tpu.memory_space<vmem>> -> memref<512x512xf32, #tpu.memory_space<vmem>>
    tpu.wait_dma2 semaphore(%dma_wait3A_892 : memref<!tpu.dma_semaphore, #tpu.memory_space<semaphore_mem>>) src(%dma_wait3A_898 : memref<512x512xf32, #tpu.memory_space<vmem>>) dst(%dma_wait3A_895 : memref<512x512xf32, #tpu.memory_space<any>>)
    %dma_wait3A_899 = arith.constant 3 : i32
    %dma_wait3A_900 = tpu.memref_slice %arg6[%dma_wait3A_899] : memref<32x!tpu.dma_semaphore, #tpu.memory_space<semaphore_mem>> -> memref<1x!tpu.dma_semaphore, #tpu.memory_space<semaphore_mem>>
    %dma_wait3A_901 = tpu.memref_squeeze %dma_wait3A_900 : memref<1x!tpu.dma_semaphore, #tpu.memory_space<semaphore_mem>> -> memref<!tpu.dma_semaphore, #tpu.memory_space<semaphore_mem>>
    %dma_wait3A_902 = arith.constant 1024 : i32
    %dma_wait3A_903 = arith.constant 2048 : i32
    %dma_wait3A_904 = tpu.memref_slice %arg1[%dma_wait3A_902, %dma_wait3A_903] : memref<3584x4096xf32, #tpu.memory_space<any>> -> memref<512x2048xf32, #tpu.memory_space<any>>
    %dma_wait3A_905 = arith.constant 0 : i32
    %dma_wait3A_906 = arith.constant 0 : i32
    %dma_wait3A_907 = tpu.memref_slice %arg2[%dma_wait3A_905, %dma_wait3A_906] : memref<512x3584xf32, #tpu.memory_space<vmem>> -> memref<512x2048xf32, #tpu.memory_space<vmem>>
    tpu.wait_dma2 semaphore(%dma_wait3A_901 : memref<!tpu.dma_semaphore, #tpu.memory_space<semaphore_mem>>) src(%dma_wait3A_907 : memref<512x2048xf32, #tpu.memory_space<vmem>>) dst(%dma_wait3A_904 : memref<512x2048xf32, #tpu.memory_space<any>>)
    %dma_wait3A_908 = arith.constant 4 : i32
    %dma_wait3A_909 = tpu.memref_slice %arg6[%dma_wait3A_908] : memref<32x!tpu.dma_semaphore, #tpu.memory_space<semaphore_mem>> -> memref<1x!tpu.dma_semaphore, #tpu.memory_space<semaphore_mem>>
    %dma_wait3A_910 = tpu.memref_squeeze %dma_wait3A_909 : memref<1x!tpu.dma_semaphore, #tpu.memory_space<semaphore_mem>> -> memref<!tpu.dma_semaphore, #tpu.memory_space<semaphore_mem>>
    %dma_wait3A_911 = arith.constant 1024 : i32
    %dma_wait3A_912 = arith.constant 0 : i32
    %dma_wait3A_913 = tpu.memref_slice %arg1[%dma_wait3A_911, %dma_wait3A_912] : memref<3584x4096xf32, #tpu.memory_space<any>> -> memref<512x1024xf32, #tpu.memory_space<any>>
    %dma_wait3A_914 = arith.constant 0 : i32
    %dma_wait3A_915 = arith.constant 0 : i32
    %dma_wait3A_916 = tpu.memref_slice %arg3[%dma_wait3A_914, %dma_wait3A_915] : memref<512x3072xf32, #tpu.memory_space<vmem>> -> memref<512x1024xf32, #tpu.memory_space<vmem>>
    tpu.wait_dma2 semaphore(%dma_wait3A_910 : memref<!tpu.dma_semaphore, #tpu.memory_space<semaphore_mem>>) src(%dma_wait3A_916 : memref<512x1024xf32, #tpu.memory_space<vmem>>) dst(%dma_wait3A_913 : memref<512x1024xf32, #tpu.memory_space<any>>)
    %dma_wait3A_917 = arith.constant 5 : i32
    %dma_wait3A_918 = tpu.memref_slice %arg6[%dma_wait3A_917] : memref<32x!tpu.dma_semaphore, #tpu.memory_space<semaphore_mem>> -> memref<1x!tpu.dma_semaphore, #tpu.memory_space<semaphore_mem>>
    %dma_wait3A_919 = tpu.memref_squeeze %dma_wait3A_918 : memref<1x!tpu.dma_semaphore, #tpu.memory_space<semaphore_mem>> -> memref<!tpu.dma_semaphore, #tpu.memory_space<semaphore_mem>>
    %dma_wait3A_920 = arith.constant 1536 : i32
    %dma_wait3A_921 = arith.constant 2560 : i32
    %dma_wait3A_922 = tpu.memref_slice %arg1[%dma_wait3A_920, %dma_wait3A_921] : memref<3584x4096xf32, #tpu.memory_space<any>> -> memref<512x1536xf32, #tpu.memory_space<any>>
    %dma_wait3A_923 = arith.constant 0 : i32
    %dma_wait3A_924 = arith.constant 0 : i32
    %dma_wait3A_925 = tpu.memref_slice %arg2[%dma_wait3A_923, %dma_wait3A_924] : memref<512x3584xf32, #tpu.memory_space<vmem>> -> memref<512x1536xf32, #tpu.memory_space<vmem>>
    tpu.wait_dma2 semaphore(%dma_wait3A_919 : memref<!tpu.dma_semaphore, #tpu.memory_space<semaphore_mem>>) src(%dma_wait3A_925 : memref<512x1536xf32, #tpu.memory_space<vmem>>) dst(%dma_wait3A_922 : memref<512x1536xf32, #tpu.memory_space<any>>)
    %dma_wait3A_926 = arith.constant 6 : i32
    %dma_wait3A_927 = tpu.memref_slice %arg6[%dma_wait3A_926] : memref<32x!tpu.dma_semaphore, #tpu.memory_space<semaphore_mem>> -> memref<1x!tpu.dma_semaphore, #tpu.memory_space<semaphore_mem>>
    %dma_wait3A_928 = tpu.memref_squeeze %dma_wait3A_927 : memref<1x!tpu.dma_semaphore, #tpu.memory_space<semaphore_mem>> -> memref<!tpu.dma_semaphore, #tpu.memory_space<semaphore_mem>>
    %dma_wait3A_929 = arith.constant 1536 : i32
    %dma_wait3A_930 = arith.constant 0 : i32
    %dma_wait3A_931 = tpu.memref_slice %arg1[%dma_wait3A_929, %dma_wait3A_930] : memref<3584x4096xf32, #tpu.memory_space<any>> -> memref<512x1536xf32, #tpu.memory_space<any>>
    %dma_wait3A_932 = arith.constant 0 : i32
    %dma_wait3A_933 = arith.constant 0 : i32
    %dma_wait3A_934 = tpu.memref_slice %arg3[%dma_wait3A_932, %dma_wait3A_933] : memref<512x3072xf32, #tpu.memory_space<vmem>> -> memref<512x1536xf32, #tpu.memory_space<vmem>>
    tpu.wait_dma2 semaphore(%dma_wait3A_928 : memref<!tpu.dma_semaphore, #tpu.memory_space<semaphore_mem>>) src(%dma_wait3A_934 : memref<512x1536xf32, #tpu.memory_space<vmem>>) dst(%dma_wait3A_931 : memref<512x1536xf32, #tpu.memory_space<any>>)
    %dma_wait3A_935 = arith.constant 7 : i32
    %dma_wait3A_936 = tpu.memref_slice %arg6[%dma_wait3A_935] : memref<32x!tpu.dma_semaphore, #tpu.memory_space<semaphore_mem>> -> memref<1x!tpu.dma_semaphore, #tpu.memory_space<semaphore_mem>>
    %dma_wait3A_937 = tpu.memref_squeeze %dma_wait3A_936 : memref<1x!tpu.dma_semaphore, #tpu.memory_space<semaphore_mem>> -> memref<!tpu.dma_semaphore, #tpu.memory_space<semaphore_mem>>
    %dma_wait3A_938 = arith.constant 2048 : i32
    %dma_wait3A_939 = arith.constant 3072 : i32
    %dma_wait3A_940 = tpu.memref_slice %arg1[%dma_wait3A_938, %dma_wait3A_939] : memref<3584x4096xf32, #tpu.memory_space<any>> -> memref<512x1024xf32, #tpu.memory_space<any>>
    %dma_wait3A_941 = arith.constant 0 : i32
    %dma_wait3A_942 = arith.constant 0 : i32
    %dma_wait3A_943 = tpu.memref_slice %arg2[%dma_wait3A_941, %dma_wait3A_942] : memref<512x3584xf32, #tpu.memory_space<vmem>> -> memref<512x1024xf32, #tpu.memory_space<vmem>>
    tpu.wait_dma2 semaphore(%dma_wait3A_937 : memref<!tpu.dma_semaphore, #tpu.memory_space<semaphore_mem>>) src(%dma_wait3A_943 : memref<512x1024xf32, #tpu.memory_space<vmem>>) dst(%dma_wait3A_940 : memref<512x1024xf32, #tpu.memory_space<any>>)
    %dma_wait3A_944 = arith.constant 8 : i32
    %dma_wait3A_945 = tpu.memref_slice %arg6[%dma_wait3A_944] : memref<32x!tpu.dma_semaphore, #tpu.memory_space<semaphore_mem>> -> memref<1x!tpu.dma_semaphore, #tpu.memory_space<semaphore_mem>>
    %dma_wait3A_946 = tpu.memref_squeeze %dma_wait3A_945 : memref<1x!tpu.dma_semaphore, #tpu.memory_space<semaphore_mem>> -> memref<!tpu.dma_semaphore, #tpu.memory_space<semaphore_mem>>
    %dma_wait3A_947 = arith.constant 2048 : i32
    %dma_wait3A_948 = arith.constant 0 : i32
    %dma_wait3A_949 = tpu.memref_slice %arg1[%dma_wait3A_947, %dma_wait3A_948] : memref<3584x4096xf32, #tpu.memory_space<any>> -> memref<512x2048xf32, #tpu.memory_space<any>>
    %dma_wait3A_950 = arith.constant 0 : i32
    %dma_wait3A_951 = arith.constant 0 : i32
    %dma_wait3A_952 = tpu.memref_slice %arg3[%dma_wait3A_950, %dma_wait3A_951] : memref<512x3072xf32, #tpu.memory_space<vmem>> -> memref<512x2048xf32, #tpu.memory_space<vmem>>
    tpu.wait_dma2 semaphore(%dma_wait3A_946 : memref<!tpu.dma_semaphore, #tpu.memory_space<semaphore_mem>>) src(%dma_wait3A_952 : memref<512x2048xf32, #tpu.memory_space<vmem>>) dst(%dma_wait3A_949 : memref<512x2048xf32, #tpu.memory_space<any>>)
    %dma_wait3A_953 = arith.constant 9 : i32
    %dma_wait3A_954 = tpu.memref_slice %arg6[%dma_wait3A_953] : memref<32x!tpu.dma_semaphore, #tpu.memory_space<semaphore_mem>> -> memref<1x!tpu.dma_semaphore, #tpu.memory_space<semaphore_mem>>
    %dma_wait3A_955 = tpu.memref_squeeze %dma_wait3A_954 : memref<1x!tpu.dma_semaphore, #tpu.memory_space<semaphore_mem>> -> memref<!tpu.dma_semaphore, #tpu.memory_space<semaphore_mem>>
    %dma_wait3A_956 = arith.constant 2560 : i32
    %dma_wait3A_957 = arith.constant 3584 : i32
    %dma_wait3A_958 = tpu.memref_slice %arg1[%dma_wait3A_956, %dma_wait3A_957] : memref<3584x4096xf32, #tpu.memory_space<any>> -> memref<512x512xf32, #tpu.memory_space<any>>
    %dma_wait3A_959 = arith.constant 0 : i32
    %dma_wait3A_960 = arith.constant 0 : i32
    %dma_wait3A_961 = tpu.memref_slice %arg2[%dma_wait3A_959, %dma_wait3A_960] : memref<512x3584xf32, #tpu.memory_space<vmem>> -> memref<512x512xf32, #tpu.memory_space<vmem>>
    tpu.wait_dma2 semaphore(%dma_wait3A_955 : memref<!tpu.dma_semaphore, #tpu.memory_space<semaphore_mem>>) src(%dma_wait3A_961 : memref<512x512xf32, #tpu.memory_space<vmem>>) dst(%dma_wait3A_958 : memref<512x512xf32, #tpu.memory_space<any>>)
    %dma_wait3A_962 = arith.constant 10 : i32
    %dma_wait3A_963 = tpu.memref_slice %arg6[%dma_wait3A_962] : memref<32x!tpu.dma_semaphore, #tpu.memory_space<semaphore_mem>> -> memref<1x!tpu.dma_semaphore, #tpu.memory_space<semaphore_mem>>
    %dma_wait3A_964 = tpu.memref_squeeze %dma_wait3A_963 : memref<1x!tpu.dma_semaphore, #tpu.memory_space<semaphore_mem>> -> memref<!tpu.dma_semaphore, #tpu.memory_space<semaphore_mem>>
    %dma_wait3A_965 = arith.constant 2560 : i32
    %dma_wait3A_966 = arith.constant 0 : i32
    %dma_wait3A_967 = tpu.memref_slice %arg1[%dma_wait3A_965, %dma_wait3A_966] : memref<3584x4096xf32, #tpu.memory_space<any>> -> memref<512x2560xf32, #tpu.memory_space<any>>
    %dma_wait3A_968 = arith.constant 0 : i32
    %dma_wait3A_969 = arith.constant 0 : i32
    %dma_wait3A_970 = tpu.memref_slice %arg3[%dma_wait3A_968, %dma_wait3A_969] : memref<512x3072xf32, #tpu.memory_space<vmem>> -> memref<512x2560xf32, #tpu.memory_space<vmem>>
    tpu.wait_dma2 semaphore(%dma_wait3A_964 : memref<!tpu.dma_semaphore, #tpu.memory_space<semaphore_mem>>) src(%dma_wait3A_970 : memref<512x2560xf32, #tpu.memory_space<vmem>>) dst(%dma_wait3A_967 : memref<512x2560xf32, #tpu.memory_space<any>>)
    %dma_wait3A_971 = arith.constant 11 : i32
    %dma_wait3A_972 = tpu.memref_slice %arg6[%dma_wait3A_971] : memref<32x!tpu.dma_semaphore, #tpu.memory_space<semaphore_mem>> -> memref<1x!tpu.dma_semaphore, #tpu.memory_space<semaphore_mem>>
    %dma_wait3A_973 = tpu.memref_squeeze %dma_wait3A_972 : memref<1x!tpu.dma_semaphore, #tpu.memory_space<semaphore_mem>> -> memref<!tpu.dma_semaphore, #tpu.memory_space<semaphore_mem>>
    %dma_wait3A_974 = arith.constant 3072 : i32
    %dma_wait3A_975 = arith.constant 0 : i32
    %dma_wait3A_976 = tpu.memref_slice %arg1[%dma_wait3A_974, %dma_wait3A_975] : memref<3584x4096xf32, #tpu.memory_space<any>> -> memref<512x3072xf32, #tpu.memory_space<any>>
    %dma_wait3A_977 = arith.constant 0 : i32
    %dma_wait3A_978 = arith.constant 0 : i32
    %dma_wait3A_979 = tpu.memref_slice %arg3[%dma_wait3A_977, %dma_wait3A_978] : memref<512x3072xf32, #tpu.memory_space<vmem>> -> memref<512x3072xf32, #tpu.memory_space<vmem>>
    tpu.wait_dma2 semaphore(%dma_wait3A_973 : memref<!tpu.dma_semaphore, #tpu.memory_space<semaphore_mem>>) src(%dma_wait3A_979 : memref<512x3072xf32, #tpu.memory_space<vmem>>) dst(%dma_wait3A_976 : memref<512x3072xf32, #tpu.memory_space<any>>)
    %dma_wait3A_980 = arith.constant 12 : i32
    %dma_wait3A_981 = tpu.memref_slice %arg6[%dma_wait3A_980] : memref<32x!tpu.dma_semaphore, #tpu.memory_space<semaphore_mem>> -> memref<1x!tpu.dma_semaphore, #tpu.memory_space<semaphore_mem>>
    %dma_wait3A_982 = tpu.memref_squeeze %dma_wait3A_981 : memref<1x!tpu.dma_semaphore, #tpu.memory_space<semaphore_mem>> -> memref<!tpu.dma_semaphore, #tpu.memory_space<semaphore_mem>>
    %dma_wait3A_983 = arith.constant 0 : i32
    %dma_wait3A_984 = arith.constant 512 : i32
    %dma_wait3A_985 = tpu.memref_slice %arg1[%dma_wait3A_983, %dma_wait3A_984] : memref<3584x4096xf32, #tpu.memory_space<any>> -> memref<512x512xf32, #tpu.memory_space<any>>
    tpu.wait_dma2 semaphore(%dma_wait3A_982 : memref<!tpu.dma_semaphore, #tpu.memory_space<semaphore_mem>>) src(%arg4 : memref<512x512xf32, #tpu.memory_space<vmem>>) dst(%dma_wait3A_985 : memref<512x512xf32, #tpu.memory_space<any>>)
    %dma_wait3A_986 = arith.constant 13 : i32
    %dma_wait3A_987 = tpu.memref_slice %arg6[%dma_wait3A_986] : memref<32x!tpu.dma_semaphore, #tpu.memory_space<semaphore_mem>> -> memref<1x!tpu.dma_semaphore, #tpu.memory_space<semaphore_mem>>
    %dma_wait3A_988 = tpu.memref_squeeze %dma_wait3A_987 : memref<1x!tpu.dma_semaphore, #tpu.memory_space<semaphore_mem>> -> memref<!tpu.dma_semaphore, #tpu.memory_space<semaphore_mem>>
    %dma_wait3A_989 = arith.constant 512 : i32
    %dma_wait3A_990 = arith.constant 1024 : i32
    %dma_wait3A_991 = tpu.memref_slice %arg1[%dma_wait3A_989, %dma_wait3A_990] : memref<3584x4096xf32, #tpu.memory_space<any>> -> memref<512x512xf32, #tpu.memory_space<any>>
    tpu.wait_dma2 semaphore(%dma_wait3A_988 : memref<!tpu.dma_semaphore, #tpu.memory_space<semaphore_mem>>) src(%arg4 : memref<512x512xf32, #tpu.memory_space<vmem>>) dst(%dma_wait3A_991 : memref<512x512xf32, #tpu.memory_space<any>>)
    %dma_wait3A_992 = arith.constant 14 : i32
    %dma_wait3A_993 = tpu.memref_slice %arg6[%dma_wait3A_992] : memref<32x!tpu.dma_semaphore, #tpu.memory_space<semaphore_mem>> -> memref<1x!tpu.dma_semaphore, #tpu.memory_space<semaphore_mem>>
    %dma_wait3A_994 = tpu.memref_squeeze %dma_wait3A_993 : memref<1x!tpu.dma_semaphore, #tpu.memory_space<semaphore_mem>> -> memref<!tpu.dma_semaphore, #tpu.memory_space<semaphore_mem>>
    %dma_wait3A_995 = arith.constant 1024 : i32
    %dma_wait3A_996 = arith.constant 1536 : i32
    %dma_wait3A_997 = tpu.memref_slice %arg1[%dma_wait3A_995, %dma_wait3A_996] : memref<3584x4096xf32, #tpu.memory_space<any>> -> memref<512x512xf32, #tpu.memory_space<any>>
    tpu.wait_dma2 semaphore(%dma_wait3A_994 : memref<!tpu.dma_semaphore, #tpu.memory_space<semaphore_mem>>) src(%arg4 : memref<512x512xf32, #tpu.memory_space<vmem>>) dst(%dma_wait3A_997 : memref<512x512xf32, #tpu.memory_space<any>>)
    %dma_wait3A_998 = arith.constant 15 : i32
    %dma_wait3A_999 = tpu.memref_slice %arg6[%dma_wait3A_998] : memref<32x!tpu.dma_semaphore, #tpu.memory_space<semaphore_mem>> -> memref<1x!tpu.dma_semaphore, #tpu.memory_space<semaphore_mem>>
    %dma_wait3A_1000 = tpu.memref_squeeze %dma_wait3A_999 : memref<1x!tpu.dma_semaphore, #tpu.memory_space<semaphore_mem>> -> memref<!tpu.dma_semaphore, #tpu.memory_space<semaphore_mem>>
    %dma_wait3A_1001 = arith.constant 1536 : i32
    %dma_wait3A_1002 = arith.constant 2048 : i32
    %dma_wait3A_1003 = tpu.memref_slice %arg1[%dma_wait3A_1001, %dma_wait3A_1002] : memref<3584x4096xf32, #tpu.memory_space<any>> -> memref<512x512xf32, #tpu.memory_space<any>>
    tpu.wait_dma2 semaphore(%dma_wait3A_1000 : memref<!tpu.dma_semaphore, #tpu.memory_space<semaphore_mem>>) src(%arg4 : memref<512x512xf32, #tpu.memory_space<vmem>>) dst(%dma_wait3A_1003 : memref<512x512xf32, #tpu.memory_space<any>>)
    %dma_wait3A_1004 = arith.constant 16 : i32
    %dma_wait3A_1005 = tpu.memref_slice %arg6[%dma_wait3A_1004] : memref<32x!tpu.dma_semaphore, #tpu.memory_space<semaphore_mem>> -> memref<1x!tpu.dma_semaphore, #tpu.memory_space<semaphore_mem>>
    %dma_wait3A_1006 = tpu.memref_squeeze %dma_wait3A_1005 : memref<1x!tpu.dma_semaphore, #tpu.memory_space<semaphore_mem>> -> memref<!tpu.dma_semaphore, #tpu.memory_space<semaphore_mem>>
    %dma_wait3A_1007 = arith.constant 2048 : i32
    %dma_wait3A_1008 = arith.constant 2560 : i32
    %dma_wait3A_1009 = tpu.memref_slice %arg1[%dma_wait3A_1007, %dma_wait3A_1008] : memref<3584x4096xf32, #tpu.memory_space<any>> -> memref<512x512xf32, #tpu.memory_space<any>>
    tpu.wait_dma2 semaphore(%dma_wait3A_1006 : memref<!tpu.dma_semaphore, #tpu.memory_space<semaphore_mem>>) src(%arg4 : memref<512x512xf32, #tpu.memory_space<vmem>>) dst(%dma_wait3A_1009 : memref<512x512xf32, #tpu.memory_space<any>>)
    %dma_wait3A_1010 = arith.constant 17 : i32
    %dma_wait3A_1011 = tpu.memref_slice %arg6[%dma_wait3A_1010] : memref<32x!tpu.dma_semaphore, #tpu.memory_space<semaphore_mem>> -> memref<1x!tpu.dma_semaphore, #tpu.memory_space<semaphore_mem>>
    %dma_wait3A_1012 = tpu.memref_squeeze %dma_wait3A_1011 : memref<1x!tpu.dma_semaphore, #tpu.memory_space<semaphore_mem>> -> memref<!tpu.dma_semaphore, #tpu.memory_space<semaphore_mem>>
    %dma_wait3A_1013 = arith.constant 2560 : i32
    %dma_wait3A_1014 = arith.constant 3072 : i32
    %dma_wait3A_1015 = tpu.memref_slice %arg1[%dma_wait3A_1013, %dma_wait3A_1014] : memref<3584x4096xf32, #tpu.memory_space<any>> -> memref<512x512xf32, #tpu.memory_space<any>>
    tpu.wait_dma2 semaphore(%dma_wait3A_1012 : memref<!tpu.dma_semaphore, #tpu.memory_space<semaphore_mem>>) src(%arg4 : memref<512x512xf32, #tpu.memory_space<vmem>>) dst(%dma_wait3A_1015 : memref<512x512xf32, #tpu.memory_space<any>>)
    %dma_wait3A_1016 = arith.constant 18 : i32
    %dma_wait3A_1017 = tpu.memref_slice %arg6[%dma_wait3A_1016] : memref<32x!tpu.dma_semaphore, #tpu.memory_space<semaphore_mem>> -> memref<1x!tpu.dma_semaphore, #tpu.memory_space<semaphore_mem>>
    %dma_wait3A_1018 = tpu.memref_squeeze %dma_wait3A_1017 : memref<1x!tpu.dma_semaphore, #tpu.memory_space<semaphore_mem>> -> memref<!tpu.dma_semaphore, #tpu.memory_space<semaphore_mem>>
    %dma_wait3A_1019 = arith.constant 3072 : i32
    %dma_wait3A_1020 = arith.constant 3584 : i32
    %dma_wait3A_1021 = tpu.memref_slice %arg1[%dma_wait3A_1019, %dma_wait3A_1020] : memref<3584x4096xf32, #tpu.memory_space<any>> -> memref<512x512xf32, #tpu.memory_space<any>>
    tpu.wait_dma2 semaphore(%dma_wait3A_1018 : memref<!tpu.dma_semaphore, #tpu.memory_space<semaphore_mem>>) src(%arg4 : memref<512x512xf32, #tpu.memory_space<vmem>>) dst(%dma_wait3A_1021 : memref<512x512xf32, #tpu.memory_space<any>>)
    %dma_wait3A_1022 = arith.constant 19 : i32
    %dma_wait3A_1023 = tpu.memref_slice %arg6[%dma_wait3A_1022] : memref<32x!tpu.dma_semaphore, #tpu.memory_space<semaphore_mem>> -> memref<1x!tpu.dma_semaphore, #tpu.memory_space<semaphore_mem>>
    %dma_wait3A_1024 = tpu.memref_squeeze %dma_wait3A_1023 : memref<1x!tpu.dma_semaphore, #tpu.memory_space<semaphore_mem>> -> memref<!tpu.dma_semaphore, #tpu.memory_space<semaphore_mem>>
    %dma_wait3A_1025 = arith.constant 0 : i32
    %dma_wait3A_1026 = arith.constant 0 : i32
    %dma_wait3A_1027 = tpu.memref_slice %arg1[%dma_wait3A_1025, %dma_wait3A_1026] : memref<3584x4096xf32, #tpu.memory_space<any>> -> memref<512x512xf32, #tpu.memory_space<any>>
    tpu.wait_dma2 semaphore(%dma_wait3A_1024 : memref<!tpu.dma_semaphore, #tpu.memory_space<semaphore_mem>>) src(%arg5 : memref<512x512xf32, #tpu.memory_space<vmem>>) dst(%dma_wait3A_1027 : memref<512x512xf32, #tpu.memory_space<any>>)
    %dma_wait3A_1028 = arith.constant 20 : i32
    %dma_wait3A_1029 = tpu.memref_slice %arg6[%dma_wait3A_1028] : memref<32x!tpu.dma_semaphore, #tpu.memory_space<semaphore_mem>> -> memref<1x!tpu.dma_semaphore, #tpu.memory_space<semaphore_mem>>
    %dma_wait3A_1030 = tpu.memref_squeeze %dma_wait3A_1029 : memref<1x!tpu.dma_semaphore, #tpu.memory_space<semaphore_mem>> -> memref<!tpu.dma_semaphore, #tpu.memory_space<semaphore_mem>>
    %dma_wait3A_1031 = arith.constant 512 : i32
    %dma_wait3A_1032 = arith.constant 512 : i32
    %dma_wait3A_1033 = tpu.memref_slice %arg1[%dma_wait3A_1031, %dma_wait3A_1032] : memref<3584x4096xf32, #tpu.memory_space<any>> -> memref<512x512xf32, #tpu.memory_space<any>>
    tpu.wait_dma2 semaphore(%dma_wait3A_1030 : memref<!tpu.dma_semaphore, #tpu.memory_space<semaphore_mem>>) src(%arg5 : memref<512x512xf32, #tpu.memory_space<vmem>>) dst(%dma_wait3A_1033 : memref<512x512xf32, #tpu.memory_space<any>>)
    %dma_wait3A_1034 = arith.constant 21 : i32
    %dma_wait3A_1035 = tpu.memref_slice %arg6[%dma_wait3A_1034] : memref<32x!tpu.dma_semaphore, #tpu.memory_space<semaphore_mem>> -> memref<1x!tpu.dma_semaphore, #tpu.memory_space<semaphore_mem>>
    %dma_wait3A_1036 = tpu.memref_squeeze %dma_wait3A_1035 : memref<1x!tpu.dma_semaphore, #tpu.memory_space<semaphore_mem>> -> memref<!tpu.dma_semaphore, #tpu.memory_space<semaphore_mem>>
    %dma_wait3A_1037 = arith.constant 1024 : i32
    %dma_wait3A_1038 = arith.constant 1024 : i32
    %dma_wait3A_1039 = tpu.memref_slice %arg1[%dma_wait3A_1037, %dma_wait3A_1038] : memref<3584x4096xf32, #tpu.memory_space<any>> -> memref<512x512xf32, #tpu.memory_space<any>>
    tpu.wait_dma2 semaphore(%dma_wait3A_1036 : memref<!tpu.dma_semaphore, #tpu.memory_space<semaphore_mem>>) src(%arg5 : memref<512x512xf32, #tpu.memory_space<vmem>>) dst(%dma_wait3A_1039 : memref<512x512xf32, #tpu.memory_space<any>>)
    %dma_wait3A_1040 = arith.constant 22 : i32
    %dma_wait3A_1041 = tpu.memref_slice %arg6[%dma_wait3A_1040] : memref<32x!tpu.dma_semaphore, #tpu.memory_space<semaphore_mem>> -> memref<1x!tpu.dma_semaphore, #tpu.memory_space<semaphore_mem>>
    %dma_wait3A_1042 = tpu.memref_squeeze %dma_wait3A_1041 : memref<1x!tpu.dma_semaphore, #tpu.memory_space<semaphore_mem>> -> memref<!tpu.dma_semaphore, #tpu.memory_space<semaphore_mem>>
    %dma_wait3A_1043 = arith.constant 1536 : i32
    %dma_wait3A_1044 = arith.constant 1536 : i32
    %dma_wait3A_1045 = tpu.memref_slice %arg1[%dma_wait3A_1043, %dma_wait3A_1044] : memref<3584x4096xf32, #tpu.memory_space<any>> -> memref<512x512xf32, #tpu.memory_space<any>>
    tpu.wait_dma2 semaphore(%dma_wait3A_1042 : memref<!tpu.dma_semaphore, #tpu.memory_space<semaphore_mem>>) src(%arg5 : memref<512x512xf32, #tpu.memory_space<vmem>>) dst(%dma_wait3A_1045 : memref<512x512xf32, #tpu.memory_space<any>>)
    %dma_wait3A_1046 = arith.constant 23 : i32
    %dma_wait3A_1047 = tpu.memref_slice %arg6[%dma_wait3A_1046] : memref<32x!tpu.dma_semaphore, #tpu.memory_space<semaphore_mem>> -> memref<1x!tpu.dma_semaphore, #tpu.memory_space<semaphore_mem>>
    %dma_wait3A_1048 = tpu.memref_squeeze %dma_wait3A_1047 : memref<1x!tpu.dma_semaphore, #tpu.memory_space<semaphore_mem>> -> memref<!tpu.dma_semaphore, #tpu.memory_space<semaphore_mem>>
    %dma_wait3A_1049 = arith.constant 2048 : i32
    %dma_wait3A_1050 = arith.constant 2048 : i32
    %dma_wait3A_1051 = tpu.memref_slice %arg1[%dma_wait3A_1049, %dma_wait3A_1050] : memref<3584x4096xf32, #tpu.memory_space<any>> -> memref<512x512xf32, #tpu.memory_space<any>>
    tpu.wait_dma2 semaphore(%dma_wait3A_1048 : memref<!tpu.dma_semaphore, #tpu.memory_space<semaphore_mem>>) src(%arg5 : memref<512x512xf32, #tpu.memory_space<vmem>>) dst(%dma_wait3A_1051 : memref<512x512xf32, #tpu.memory_space<any>>)
    %dma_wait3A_1052 = arith.constant 24 : i32
    %dma_wait3A_1053 = tpu.memref_slice %arg6[%dma_wait3A_1052] : memref<32x!tpu.dma_semaphore, #tpu.memory_space<semaphore_mem>> -> memref<1x!tpu.dma_semaphore, #tpu.memory_space<semaphore_mem>>
    %dma_wait3A_1054 = tpu.memref_squeeze %dma_wait3A_1053 : memref<1x!tpu.dma_semaphore, #tpu.memory_space<semaphore_mem>> -> memref<!tpu.dma_semaphore, #tpu.memory_space<semaphore_mem>>
    %dma_wait3A_1055 = arith.constant 2560 : i32
    %dma_wait3A_1056 = arith.constant 2560 : i32
    %dma_wait3A_1057 = tpu.memref_slice %arg1[%dma_wait3A_1055, %dma_wait3A_1056] : memref<3584x4096xf32, #tpu.memory_space<any>> -> memref<512x512xf32, #tpu.memory_space<any>>
    tpu.wait_dma2 semaphore(%dma_wait3A_1054 : memref<!tpu.dma_semaphore, #tpu.memory_space<semaphore_mem>>) src(%arg5 : memref<512x512xf32, #tpu.memory_space<vmem>>) dst(%dma_wait3A_1057 : memref<512x512xf32, #tpu.memory_space<any>>)
    %dma_wait3A_1058 = arith.constant 25 : i32
    %dma_wait3A_1059 = tpu.memref_slice %arg6[%dma_wait3A_1058] : memref<32x!tpu.dma_semaphore, #tpu.memory_space<semaphore_mem>> -> memref<1x!tpu.dma_semaphore, #tpu.memory_space<semaphore_mem>>
    %dma_wait3A_1060 = tpu.memref_squeeze %dma_wait3A_1059 : memref<1x!tpu.dma_semaphore, #tpu.memory_space<semaphore_mem>> -> memref<!tpu.dma_semaphore, #tpu.memory_space<semaphore_mem>>
    %dma_wait3A_1061 = arith.constant 3072 : i32
    %dma_wait3A_1062 = arith.constant 3072 : i32
    %dma_wait3A_1063 = tpu.memref_slice %arg1[%dma_wait3A_1061, %dma_wait3A_1062] : memref<3584x4096xf32, #tpu.memory_space<any>> -> memref<512x512xf32, #tpu.memory_space<any>>
    tpu.wait_dma2 semaphore(%dma_wait3A_1060 : memref<!tpu.dma_semaphore, #tpu.memory_space<semaphore_mem>>) src(%arg5 : memref<512x512xf32, #tpu.memory_space<vmem>>) dst(%dma_wait3A_1063 : memref<512x512xf32, #tpu.memory_space<any>>)
    return
  }
}

</mosaic_0001>

<sc_bundles>
// kernel: kernel.4.cloned.1.call-start
scs
__scs_entry_jumppad:
0x0: {  	(pc) =	sbr.rel $0x88, $3  }
0x1: {  	(tag) =	ssettag $0x0;
	lr =	simm.s32 $0x1  }
0x2: {  	[smem:$0x3FA0] =	sst lr;
	_ =	strace $0xD0000000  }
0x3: {  	_ = 	snop  }
0x4: {  	_ = 	snop  }
0x5: {  	_ = 	snop  }
0x6: {  	_ = 	snop  }
0x7: {  	_ = 	snop  }
__scs_overlays_trampoline_lowered:
0x8: {  	[smem:$0x3FAF] =	sst s0  }
0x9: {  	[smem:$0x3FB0] =	sst s1  }
0xa: {  	[smem:$0x3FB1] =	sst s2  }
0xb: {  	[smem:$0x3FB2] =	sst s3  }
0xc: {  	[smem:$0x3FB3] =	sst s4  }
0xd: {  	[smem:$0x3FB4] =	sst s5  }
0xe: {  	[smem:$0x3FB5] =	sst s6  }
0xf: {  	[smem:$0x3FB6] =	sst s7  }
0x10: {  	[smem:$0x3FB7] =	sst s8  }
0x11: {  	[smem:$0x3FB8] =	sst s9;
	s0 =	simm.s32 @!p0 $0x0  }
0x12: {  	s1 =	sld [smem:$0x3F9E];
	s0 =	simm.s32 @p0 $0x1  }
0x13: {  	[smem:$0x3FB9] =	sst s0;
	s0 =	simm.s32 @!p1 $0x0  }
0x14: {  	s2 =	sld [smem:$0x3F9D];
	s0 =	simm.s32 @p1 $0x1  }
0x15: {  	[smem:$0x3FBA] =	sst s0;
	s0 =	simm.s32 @!p2 $0x0  }
0x16: {  	s3 =	sld [smem:$0x3FDB];
	s0 =	simm.s32 @p2 $0x1  }
0x17: {  	s4 =	simm.s32 $0x1BF5;
	[smem:$0x3FBC] =	sst s0  }
0x18: {  	s0 =	sld [smem:$0x3F9F];
	_ =	swait.ge [sflag:s4], $0x0  }
0x19: {  	s7 =	sld [smem:$0x3FA0]  }
0x1a: {  	s8 =	sadd.s32 $0xFFFFE003, lr  }
0x1b: {  	s9 =	sadd.s32 $0xFFFFFEF7, lr;
	s5 =	simm.s32 $0xFFFFFFFF;
	p2 =	slt.u32 s8, $0xFFFFF086  }
0x1c: {  	p1 =	slt.u32 s9, $0xF7A;
	s5 =	simm.s32 @!p2 $0x0  }
0x1d: {  	s5 =	simm.s32 @p1 $0x1;
	p0 =	seq.s32 s7, s2  }
0x1e: {  	s7 =	smul.u32 @!p0 $0xF7A, s2;
	p2 =	seq.s32 @!p0 s5, $0x0  }
0x1f: {  	s9 =	smul.u32 $0xF7A, s1;
	s8 =	simm.s32 @!p0 $0x1BF5;
	p2 =	por !p2, p0  }
0x20: {  	[sflag:s8] =	ssyncset.s32 @!p0 $0xFFFFF086;
	s6 =	sadd.s32 @!p0 s3, s7;
	s7 =	simm.s32 @!p0 $0x108  }
0x21: {  	s3 =	sadd.s32 s3, s9;
	s6 =	sadd.s32 @!p0 $0x88, s6;
	s7 =	simm.s32 @p2 $0x1082  }
0x22: {  	[simem:s7], [sflag:s8] =	dma.local @!p0 [hbm:s6], $0xF7A  }
0x23: {  	s9 =	sor.u32 $0xD0000000, s2;
	s6 =	simm.s32 $0x108;
	_ =	swait.ge @!p0 [sflag:s8], $0x0  }
0x24: {  	s3 =	sadd.s32 $0x88, s3;
	s6 =	simm.s32 @!p1 $0x1082;
	[sflag:s4] =	ssyncset.s32 $0xFFFFF086  }
0x25: {  	[simem:s6], [sflag:s4] =	dma.local [hbm:s3], $0xF7A  }
0x26: {  	[smem:$0x3FA0] =	sst s1;
	(tag) =	ssettag s2;
	_ =	strace s9  }
0x27: {  	s1 =	sld [smem:$0x3FB0]  }
0x28: {  	s2 =	sld [smem:$0x3FB1]  }
0x29: {  	s4 =	sld [smem:$0x3FB3]  }
0x2a: {  	p0 =	seq.s32 s5, $0x0;
	s5 =	sld [smem:$0x3FB4]  }
0x2b: {  	s6 =	sld [smem:$0x3FB5]  }
0x2c: {  	s7 =	sld [smem:$0x3FB6]  }
0x2d: {  	s3 =	simm.s32 $0x108;
	s8 =	sld [smem:$0x3FB7]  }
0x2e: {  	s3 =	simm.s32 @!p0 $0x1082;
	s9 =	sld [smem:$0x3FB8]  }
0x2f: {  	lr =	sadd.s32 s0, s3;
	s0 =	sld [smem:$0x3FAF]  }
0x30: {  	s3 =	sld [smem:$0x3FB2]  }
0x31: {  	[smem:$0x3FBB] =	sst s10  }
0x32: {  	s10 =	sld [smem:$0x3FB9];
	_ =	sdelay $0x3  }
0x33: {  	p0 =	seq.s32 s10, $0x1;
	s10 =	sld [smem:$0x3FBB];
	_ =	sdelay $0x3  }
0x34: {  	[smem:$0x3FBB] =	sst s10  }
0x35: {  	s10 =	sld [smem:$0x3FBA];
	_ =	sdelay $0x3  }
0x36: {  	p1 =	seq.s32 s10, $0x1;
	s10 =	sld [smem:$0x3FBB];
	_ =	sdelay $0x3  }
0x37: {  	[smem:$0x3FBB] =	sst s10  }
0x38: {  	s10 =	sld [smem:$0x3FBC]  }
0x39: {  	_ = 	snop;
	(pc) =	sbr.ind lr, $3  }
0x3a: {  	_ = 	snop  }
0x3b: {  	_ = 	snop  }
0x3c: {  	p2 =	seq.s32 s10, $0x1;
	s10 =	sld [smem:$0x3FBB]  }
0x3d: {  	_ =	shalt  }
0x3e: {  	_ =	shalt  }
0x3f: {  	_ =	shalt  }
0x40: {  	_ =	shalt  }
0x41: {  	_ =	shalt  }
0x42: {  	_ =	shalt  }
0x43: {  	_ =	shalt  }
0x44: {  	_ =	shalt  }
0x45: {  	_ =	shalt  }
0x46: {  	_ =	shalt  }
0x47: {  	_ =	shalt  }
0x48: {  	_ =	shalt  }
0x49: {  	_ =	shalt  }
0x4a: {  	_ =	shalt  }
0x4b: {  	_ =	shalt  }
0x4c: {  	_ =	shalt  }
0x4d: {  	_ =	shalt  }
0x4e: {  	_ =	shalt  }
0x4f: {  	_ =	shalt  }
0x50: {  	_ =	shalt  }
0x51: {  	_ =	shalt  }
0x52: {  	_ =	shalt  }
0x53: {  	_ =	shalt  }
0x54: {  	_ =	shalt  }
0x55: {  	_ =	shalt  }
0x56: {  	_ =	shalt  }
0x57: {  	_ =	shalt  }
0x58: {  	_ =	shalt  }
0x59: {  	_ =	shalt  }
0x5a: {  	_ =	shalt  }
0x5b: {  	_ =	shalt  }
0x5c: {  	_ =	shalt  }
0x5d: {  	_ =	shalt  }
0x5e: {  	_ =	shalt  }
0x5f: {  	_ =	shalt  }
0x60: {  	_ =	shalt  }
0x61: {  	_ =	shalt  }
0x62: {  	_ =	shalt  }
0x63: {  	_ =	shalt  }
0x64: {  	_ =	shalt  }
0x65: {  	_ =	shalt  }
0x66: {  	_ =	shalt  }
0x67: {  	_ =	shalt  }
0x68: {  	_ =	shalt  }
0x69: {  	_ =	shalt  }
0x6a: {  	_ =	shalt  }
0x6b: {  	_ =	shalt  }
0x6c: {  	_ =	shalt  }
0x6d: {  	_ =	shalt  }
0x6e: {  	_ =	shalt  }
0x6f: {  	_ =	shalt  }
0x70: {  	_ =	shalt  }
0x71: {  	_ =	shalt  }
0x72: {  	_ =	shalt  }
0x73: {  	_ =	shalt  }
0x74: {  	_ =	shalt  }
0x75: {  	_ =	shalt  }
0x76: {  	_ =	shalt  }
0x77: {  	_ =	shalt  }
0x78: {  	_ =	shalt  }
0x79: {  	_ =	shalt  }
0x7a: {  	_ =	shalt  }
0x7b: {  	_ =	shalt  }
0x7c: {  	_ =	shalt  }
0x7d: {  	_ =	shalt  }
0x7e: {  	_ =	shalt  }
0x7f: {  	_ =	shalt  }
0x80: {  	_ =	shalt  }
0x81: {  	_ =	shalt  }
0x82: {  	_ =	shalt  }
0x83: {  	_ =	shalt  }
0x84: {  	_ =	shalt  }
0x85: {  	_ =	shalt  }
0x86: {  	_ =	shalt  }
0x87: {  	_ =	shalt  }
.Lfunc_end0:
.L_simem_size_0:
called_computation_lowered:
.L_overlay_start_0:
0x88: {  	s2 =	sld [smem:$0x3FD9]  }
0x89: {  	s3 =	sld [smem:$0x3FFE];
	_ =	sdelay $0x1  }
0x8a: {  	s1 =	srdreg.scid  }
0x8b: {  	s0 =	sand.u32 $0x1, s1  }
0x8c: {  	s18 =	sshll.u32 s0, $0xA;
	s2 =	sadd.s32 s3, s2  }
0x8d: {  	s2 =	sadd.s32 s2, s18  }
0x8e: {  	[smem:$0x3FC7] =	sst s2  }
0x8f: {  	_ = 	snop  }
0x90: {  	s2 =	sld [smem:$0x3FC9]  }
0x91: {  	s19 =	sld [smem:$0x3FD0];
	(tm) =	ssettm $0x1  }
0x92: {  	s4 =	sld [smem:$0x3FFB];
	_ =	sdelay $0x3  }
0x93: {  	_ =	strace s4  }
0x94: {  	s4 =	sld [smem:$0x3FFC];
	_ =	sdelay $0x3  }
0x95: {  	_ =	strace s4  }
0x96: {  	s4 =	sld [smem:$0x3FFD];
	_ =	sdelay $0x3  }
0x97: {  	_ =	strace s4  }
0x98: {  	_ =	strace $0x8FFFFFFF  }
0x99: {  	s20 =	sld [smem:$0x3FDB];
	_ =	sdelay $0x1  }
0x9a: {  	s5 =	simm.s32 $_scs_section_size  }
0x9b: {  	s6 =	simm.s32 $_size__tile_overlayer_lowered;
	s7 =	simm.s32 $_tile_overlayer_lowered  }
0x9c: {  	s23 =	simm.s32 $0x1BFF;
	s22 =	sshll.u32 s7, $0x1;
	s4 =	sadd.s32 s5, s20  }
0x9d: {  	s8 =	simm.s32 $0x0;
	s21 =	sshll.u32 s6, $0x1;
	s6 =	sadd.s32 s22, s4  }
0x9e: {  	[timem:s8], [sflag:s23] =	dma.local [hbm:s6], s21  }
0x9f: {  	_ =	swait.ge [sflag:s23], s21  }
0xa0: {  	s5 =	ssub.s32 $0x0, s21;
	[sflag:s23] =	ssyncset.done $0x0  }
0xa1: {  	[sflag:s23] =	ssyncadd.s32 s5;
	_ =	sdelay $0x1  }
0xa2: {  	s24 =	simm.s32 $0x1B8B  }
0xa3: {  	_ =	swait.ge [sflag:s24], $0x1  }
0xa4: {  	[sflag:s24] =	ssyncset.done $0x0  }
0xa5: {  	s25 =	simm.s32 $0x1B8E;
	[sflag:s24] =	ssyncadd.s32 $0xFFFFFFFF  }
0xa6: {  	s26 =	simm.s32 $execute0_lowered;
	[smem:$0x3FD2] =	sst s25  }
0xa7: {  	s5 =	sshll.u32 s26, $0x1;
	_ =	strace $0x80000046;
	[dreg:$0x1] =	wrdreg $0xFFFFFFFF  }
0xa8: {  	s28 =	simm.s32 $_size_execute0_lowered;
	s4 =	sadd.s32 s4, s5;
	[dreg:$0x0] =	wrdreg $0x0  }
0xa9: {  	s5 =	sshll.u32 s28, $0x1;
	[dreg:$0x2] =	wrdreg s4  }
0xaa: {  	[dreg:$0x3] =	wrdreg s5  }
0xab: {  	[dreg:$0x4] =	wrdreg $0xC0  }
0xac: {  	_ =	task [dreg:s8], $0x5FFFF  }
0xad: {  	[dreg:$0x1] =	wrdreg $0xFFFFFFFF  }
0xae: {  	[dreg:$0x0] =	wrdreg $0x60  }
0xaf: {  	[dreg:$0x2] =	wrdreg s2  }
0xb0: {  	[dreg:$0x3] =	wrdreg s19  }
0xb1: {  	[dreg:$0x4] =	wrdreg $0x9  }
0xb2: {  	_ =	task.clear_ibuf [dreg:s8], $0x5FFFF;
	_ =	strace $0x90000046  }
0xb3: {  	s29 =	simm.s32 $0x9;
	_ =	strace $0x80000048  }
0xb4: {  	_ =	swait.ge [sflag:s29], $0x1  }
0xb5: {  	[sflag:s29] =	ssyncadd.s32 $0xFFFFFFFF  }
0xb6: {  	_ =	strace $0x90000048  }
0xb7: {  	_ =	sfence  }
0xb8: {  	s30 =	sld [smem:$0x0];
	_ =	sdelay $0x2  }
0xb9: {  	s31 =	sshll.u32 s1, $0xD;
	s1 =	sshrl.u32 s1, $0x2  }
0xba: {  	s3 =	sand.u32 $0x4000, s31;
	s1 =	sadd.s32 s1, s30  }
0xbb: {  	s0 =	sor.u32 s3, s0;
	s1 =	sshll.u32 s1, $0x11  }
0xbc: {  	s0 =	sor.u32 s1, s0  }
0xbd: {  	s0 =	sadd.s32 $0x8F2B, s0  }
0xbe: {  	[sflag:s0] =	ssyncadd.remote.s32 $0x1  }
0xbf: {  	_ =	sfence.sel $0xFFFF  }
0xc0: {  	[dreg:$0x0] =	wrdreg $0xFFFFFFFF;
	(pc) =	sbr.abs _section_cstart, $3  }
0xc1: {  	[dreg:$0x1] =	wrdreg $0xFFFFFFFF  }
0xc2: {  	_ =	task.clear_ibuf [dreg:s8], $0x2FFFF;
	_ =	strace $0x9FFFFFFF  }
0xc3: {  	(tm) =	ssettm $0x7FFFFFFF  }
tec
execute0_lowered:
.L_overlay_start_1:
0x0: {  	(tag) =	ssettag $0x1  }
0x1: {  	s0 =	srdreg.scid;
	s1 =	stileid.u32;
	v0 =	vlaneseq.u32  }
0x2: {  	s2 =	sand.u32 $0x1, s0;
	s25 =	sshll.u32 s1, $0x1;
	v8 =	vmul.u32 $0xFFFFFFFF, v0  }
0x3: {  	s1 =	sor.u32 s2, s25  }
0x4: {  	s3 =	sor.u32 $0xFE0, s1;
	v0 =	vadd.s32 $0xFFFFF090, v8  }
0x5: {  	v1 =	vadd.s32 s3, v0  }
0x6: {  	v0 =	vimm.s32 $0x0;
	vm0 =	vne.s32 v1, $0x0  }
0x7: {  	v2 =	vsel vm0, $0x1, v0;
	vm0 =	vlt.u32 v1, $0x2  }
0x8: {  	v2 =	vnsel vm0, $0x2, v2;
	vm0 =	vlt.u32 v1, $0x3  }
0x9: {  	v2 =	vnsel vm0, $0x3, v2;
	vm0 =	vlt.u32 v1, $0x4  }
0xa: {  	v2 =	vnsel vm0, $0x4, v2;
	vm0 =	vlt.u32 v1, $0x5  }
0xb: {  	v2 =	vnsel vm0, $0x5, v2;
	vm0 =	vlt.u32 v1, $0x6  }
0xc: {  	v2 =	vnsel vm0, $0x6, v2;
	vm0 =	vlt.u32 v1, $0x7  }
0xd: {  	v2 =	vnsel vm0, $0x7, v2;
	vm0 =	vlt.u32 v1, $0x8  }
0xe: {  	v2 =	vnsel vm0, $0x8, v2;
	vm0 =	vlt.u32 v1, $0x9  }
0xf: {  	v2 =	vnsel vm0, $0x9, v2;
	vm0 =	vlt.u32 v1, $0xA  }
0x10: {  	v2 =	vnsel vm0, $0xA, v2;
	vm0 =	vlt.u32 v1, $0xB  }
0x11: {  	v2 =	vnsel vm0, $0xB, v2;
	vm0 =	vlt.u32 v1, $0xC  }
0x12: {  	v3 =	vimm.s32 $0xA;
	v2 =	vnsel vm0, $0xC, v2;
	vm0 =	vlt.u32 v1, $0xD  }
0x13: {  	v4 =	vadd.s32 $0xFFFFF080, v8;
	v2 =	vnsel vm0, $0xD, v2;
	vm0 =	vlt.u32 v1, $0xE  }
0x14: {  	v11 =	vadd.s32 $0xFFFFF040, v8;
	v2 =	vnsel vm0, $0xE, v2;
	vm0 =	vlt.u32 v1, $0xF  }
0x15: {  	v13 =	vadd.s32 $0xFFFFF030, v8;
	v2 =	vnsel vm0, $0xF, v2;
	vm0 =	vlt.u32 v1, $0x10  }
0x16: {  	v4 =	vadd.s32 s3, v4;
	v2 =	vnsel vm0, $0x10, v2;
	vm0 =	vgt.u32 v1, $0x12  }
0x17: {  	v12 =	vadd.s32 s3, v11;
	v2 =	vsel vm0, $0x11, v2;
	vm0 =	vgt.u32 v1, $0x14  }
0x18: {  	vm1 =	vgt.s32 v4, $0x0;
	v2 =	vsel vm0, $0x12, v2;
	vm0 =	vgt.u32 v1, $0x17  }
0x19: {  	v5 =	vsel vm1, $0x1, v0;
	v2 =	vsel vm0, $0x13, v2;
	vm0 =	vlt.s32 v4, $0x2  }
0x1a: {  	vm1 =	vgt.u32 v1, $0x1A;
	v5 =	vnsel vm0, $0x2, v5;
	vm0 =	vlt.s32 v4, $0x3  }
0x1b: {  	v2 =	vsel vm1, $0x14, v2;
	v5 =	vnsel vm0, $0x3, v5;
	vm0 =	vlt.s32 v4, $0x4  }
0x1c: {  	vm1 =	vgt.u32 v1, $0x1E;
	v5 =	vnsel vm0, $0x4, v5;
	vm0 =	vlt.s32 v4, $0x5  }
0x1d: {  	v2 =	vsel vm1, $0x15, v2;
	v5 =	vnsel vm0, $0x5, v5;
	vm0 =	vlt.s32 v4, $0x6  }
0x1e: {  	vm1 =	vgt.u32 v1, $0x22;
	v5 =	vnsel vm0, $0x6, v5;
	vm0 =	vlt.s32 v4, $0x7  }
0x1f: {  	v2 =	vsel vm1, $0x16, v2;
	v5 =	vnsel vm0, $0x7, v5;
	vm0 =	vlt.s32 v4, $0x8  }
0x20: {  	vm1 =	vgt.u32 v1, $0x27;
	v5 =	vnsel vm0, $0x8, v5;
	vm0 =	vlt.s32 v4, $0x9  }
0x21: {  	v2 =	vsel vm1, $0x17, v2;
	v5 =	vnsel vm0, $0x9, v5;
	vm0 =	vlt.s32 v4, $0xA  }
0x22: {  	vm1 =	vgt.u32 v1, $0x2D;
	v5 =	vnsel vm0, $0xA, v5;
	vm0 =	vlt.s32 v4, $0xB  }
0x23: {  	v2 =	vsel vm1, $0x18, v2;
	v5 =	vnsel vm0, $0xB, v5;
	vm0 =	vlt.s32 v4, $0xC  }
0x24: {  	vm1 =	vgt.u32 v1, $0x33;
	v5 =	vnsel vm0, $0xC, v5;
	vm0 =	vlt.s32 v4, $0xD  }
0x25: {  	v2 =	vsel vm1, $0x19, v2;
	v5 =	vnsel vm0, $0xD, v5;
	vm0 =	vlt.s32 v4, $0xE  }
0x26: {  	vm1 =	vgt.u32 v1, $0x3A;
	v5 =	vnsel vm0, $0xE, v5;
	vm0 =	vlt.s32 v4, $0xF  }
0x27: {  	v2 =	vsel vm1, $0x1A, v2;
	v5 =	vnsel vm0, $0xF, v5;
	vm0 =	vlt.s32 v4, $0x10  }
0x28: {  	vm1 =	vgt.u32 v1, $0x42;
	v5 =	vnsel vm0, $0x10, v5;
	vm0 =	vgt.s32 v4, $0x12  }
0x29: {  	v2 =	vsel vm1, $0x1B, v2;
	v5 =	vsel vm0, $0x11, v5;
	vm0 =	vgt.s32 v4, $0x14  }
0x2a: {  	vm1 =	vgt.u32 v1, $0x4C;
	v5 =	vsel vm0, $0x12, v5;
	vm0 =	vgt.s32 v4, $0x17  }
0x2b: {  	v2 =	vsel vm1, $0x1C, v2;
	v5 =	vsel vm0, $0x13, v5;
	vm0 =	vgt.s32 v4, $0x1A  }
0x2c: {  	vm1 =	vgt.u32 v1, $0x56;
	v5 =	vsel vm0, $0x14, v5;
	vm0 =	vgt.s32 v4, $0x1E  }
0x2d: {  	v2 =	vsel vm1, $0x1D, v2;
	v5 =	vsel vm0, $0x15, v5;
	vm0 =	vgt.s32 v4, $0x22  }
0x2e: {  	vm1 =	vgt.u32 v1, $0x62;
	v5 =	vsel vm0, $0x16, v5;
	vm0 =	vgt.s32 v4, $0x27  }
0x2f: {  	v2 =	vsel vm1, $0x1E, v2;
	v5 =	vsel vm0, $0x17, v5;
	vm0 =	vgt.s32 v4, $0x2D  }
0x30: {  	vm1 =	vgt.u32 v1, $0x70;
	v1 =	vsel vm0, $0x18, v5;
	vm0 =	vgt.s32 v4, $0x33  }
0x31: {  	v5 =	vsel vm1, $0x1F, v2;
	v1 =	vsel vm0, $0x19, v1;
	vm0 =	vgt.s32 v4, $0x3A  }
0x32: {  	v2 =	vadd.s32 $0xFFFFF060, v8;
	v1 =	vsel vm0, $0x1A, v1;
	vm0 =	vgt.s32 v4, $0x42  }
0x33: {  	v9 =	vadd.s32 s3, v2;
	v6 =	vsel vm0, $0x1B, v1;
	vm0 =	vgt.s32 v4, $0x4C  }
0x34: {  	vm1 =	vgt.s32 v4, $0x56;
	v2 =	vsel vm0, $0x1C, v6;
	vm0 =	vne.s32 v9, $0x0  }
0x35: {  	vm7 =	vlt.u32 v5, $0x10;
	v6 =	vsel vm0, $0x1, v0;
	vm0 =	vlt.u32 v9, $0x2  }
0x36: {  	v2 =	vsel vm1, $0x1D, v2;
	v6 =	vnsel vm0, $0x2, v6;
	vm0 =	vlt.u32 v9, $0x3  }
0x37: {  	vm1 =	vgt.s32 v4, $0x62;
	v6 =	vnsel vm0, $0x3, v6;
	vm0 =	vlt.u32 v9, $0x4  }
0x38: {  	v2 =	vsel vm1, $0x1E, v2;
	v6 =	vnsel vm0, $0x4, v6;
	vm0 =	vlt.u32 v9, $0x5  }
0x39: {  	vm1 =	vgt.s32 v4, $0x70;
	v4 =	vnsel vm0, $0x5, v6;
	vm0 =	vlt.u32 v9, $0x6  }
0x3a: {  	v1 =	vand.u32 $0xF, v5;
	v4 =	vnsel vm0, $0x6, v4;
	vm0 =	vlt.u32 v9, $0x7  }
0x3b: {  	v7 =	vsel vm1, $0x1F, v2;
	v4 =	vnsel vm0, $0x7, v4;
	vm0 =	vlt.u32 v9, $0x8  }
0x3c: {  	v2 =	vand.u32 $0xF, v7;
	v4 =	vnsel vm0, $0x8, v4;
	vm0 =	vlt.u32 v9, $0x9  }
0x3d: {  	vm6 =	vlt.u32 v7, $0x10;
	v4 =	vnsel vm0, $0x9, v4;
	vm0 =	vlt.u32 v9, $0xA  }
0x3e: {  	v6 =	vadd.s32 $0xFFFFF070, v8;
	v4 =	vnsel vm0, $0xA, v4;
	vm0 =	vlt.u32 v9, $0xB  }
0x3f: {  	v6 =	vadd.s32 s3, v6;
	v4 =	vnsel vm0, $0xB, v4;
	vm0 =	vlt.u32 v9, $0xC  }
0x40: {  	vm1 =	vgt.u32 v6, $0x42;
	v4 =	vnsel vm0, $0xC, v4;
	vm0 =	vlt.u32 v9, $0xD  }
0x41: {  	vm2 =	vgt.u32 v6, $0x56;
	v4 =	vnsel vm0, $0xD, v4;
	vm0 =	vlt.u32 v9, $0xE  }
0x42: {  	vm3 =	vgt.u32 v6, $0x62;
	v4 =	vnsel vm0, $0xE, v4;
	vm0 =	vlt.u32 v9, $0xF  }
0x43: {  	vm4 =	vgt.u32 v6, $0x70;
	v4 =	vnsel vm0, $0xF, v4;
	vm0 =	vlt.u32 v9, $0x10  }
0x44: {  	v3 =	vsel vm1, $0xB, v3;
	v4 =	vnsel vm0, $0x10, v4;
	vm0 =	vgt.u32 v9, $0x12  }
0x45: {  	vm1 =	vgt.u32 v6, $0x4C;
	v4 =	vsel vm0, $0x11, v4;
	vm0 =	vgt.u32 v9, $0x14  }
0x46: {  	v6 =	vadd.s32 $0xFFFFF050, v8;
	v4 =	vsel vm0, $0x12, v4;
	vm0 =	vgt.u32 v9, $0x17  }
0x47: {  	v3 =	vsel vm1, $0xC, v3;
	v4 =	vsel vm0, $0x13, v4;
	vm0 =	vgt.u32 v9, $0x1A  }
0x48: {  	v6 =	vadd.s32 s3, v6;
	v4 =	vsel vm0, $0x14, v4;
	vm0 =	vgt.u32 v9, $0x1E  }
0x49: {  	v3 =	vsel vm2, $0xD, v3;
	v4 =	vsel vm0, $0x15, v4;
	vm0 =	vgt.u32 v9, $0x22  }
0x4a: {  	vm1 =	vne.s32 v6, $0x0;
	v4 =	vsel vm0, $0x16, v4;
	vm0 =	vgt.u32 v9, $0x27  }
0x4b: {  	v10 =	vsel vm1, $0x1, v0;
	v4 =	vsel vm0, $0x17, v4;
	vm0 =	vlt.u32 v6, $0x2  }
0x4c: {  	v3 =	vsel vm3, $0xE, v3;
	v10 =	vnsel vm0, $0x2, v10;
	vm0 =	vlt.u32 v6, $0x3  }
0x4d: {  	vm1 =	vgt.u32 v9, $0x2D;
	v10 =	vnsel vm0, $0x3, v10;
	vm0 =	vlt.u32 v6, $0x4  }
0x4e: {  	v3 =	vsel vm4, $0xF, v3;
	v10 =	vnsel vm0, $0x4, v10;
	vm0 =	vlt.u32 v6, $0x5  }
0x4f: {  	v4 =	vsel vm1, $0x18, v4;
	v10 =	vnsel vm0, $0x5, v10;
	vm0 =	vlt.u32 v6, $0x6  }
0x50: {  	vm1 =	vgt.u32 v9, $0x33;
	v10 =	vnsel vm0, $0x6, v10;
	vm0 =	vlt.u32 v6, $0x7  }
0x51: {  	v4 =	vsel vm1, $0x19, v4;
	v10 =	vnsel vm0, $0x7, v10;
	vm0 =	vlt.u32 v6, $0x8  }
0x52: {  	vm1 =	vgt.u32 v9, $0x3A;
	v10 =	vnsel vm0, $0x8, v10;
	vm0 =	vlt.u32 v6, $0x9  }
0x53: {  	v4 =	vsel vm1, $0x1A, v4;
	v10 =	vnsel vm0, $0x9, v10;
	vm0 =	vlt.u32 v6, $0xA  }
0x54: {  	vm1 =	vgt.u32 v9, $0x42;
	v10 =	vnsel vm0, $0xA, v10;
	vm0 =	vlt.u32 v6, $0xB  }
0x55: {  	v4 =	vsel vm1, $0x1B, v4;
	v10 =	vnsel vm0, $0xB, v10;
	vm0 =	vlt.u32 v6, $0xC  }
0x56: {  	vm1 =	vgt.u32 v9, $0x4C;
	v10 =	vnsel vm0, $0xC, v10;
	vm0 =	vlt.u32 v6, $0xD  }
0x57: {  	v4 =	vsel vm1, $0x1C, v4;
	v10 =	vnsel vm0, $0xD, v10;
	vm0 =	vlt.u32 v6, $0xE  }
0x58: {  	vm1 =	vgt.u32 v9, $0x56;
	v10 =	vnsel vm0, $0xE, v10;
	vm0 =	vlt.u32 v6, $0xF  }
0x59: {  	v4 =	vsel vm1, $0x1D, v4;
	v10 =	vnsel vm0, $0xF, v10;
	vm0 =	vlt.u32 v6, $0x10  }
0x5a: {  	vm1 =	vgt.u32 v9, $0x62;
	v10 =	vnsel vm0, $0x10, v10;
	vm0 =	vgt.u32 v6, $0x12  }
0x5b: {  	v4 =	vsel vm1, $0x1E, v4;
	v10 =	vsel vm0, $0x11, v10;
	vm0 =	vgt.u32 v6, $0x14  }
0x5c: {  	vm1 =	vgt.u32 v9, $0x70;
	v10 =	vsel vm0, $0x12, v10;
	vm0 =	vgt.u32 v6, $0x17  }
0x5d: {  	v9 =	vsel vm1, $0x1F, v4;
	v10 =	vsel vm0, $0x13, v10;
	vm0 =	vgt.u32 v6, $0x1A  }
0x5e: {  	vm1 =	vgt.s32 v12, $0x0;
	v10 =	vsel vm0, $0x14, v10;
	vm0 =	vgt.u32 v6, $0x1E  }
0x5f: {  	v4 =	vand.u32 $0xF, v9;
	v10 =	vsel vm0, $0x15, v10;
	vm0 =	vgt.u32 v6, $0x22  }
0x60: {  	v11 =	vsel vm1, $0x1, v0;
	v10 =	vsel vm0, $0x16, v10;
	vm0 =	vlt.s32 v12, $0x2  }
0x61: {  	vm1 =	vgt.u32 v6, $0x27;
	v11 =	vnsel vm0, $0x2, v11;
	vm0 =	vlt.s32 v12, $0x3  }
0x62: {  	v10 =	vsel vm1, $0x17, v10;
	v11 =	vnsel vm0, $0x3, v11;
	vm0 =	vlt.s32 v12, $0x4  }
0x63: {  	vm1 =	vgt.u32 v6, $0x2D;
	v11 =	vnsel vm0, $0x4, v11;
	vm0 =	vlt.s32 v12, $0x5  }
0x64: {  	v10 =	vsel vm1, $0x18, v10;
	v11 =	vnsel vm0, $0x5, v11;
	vm0 =	vlt.s32 v12, $0x6  }
0x65: {  	vm1 =	vgt.u32 v6, $0x33;
	v11 =	vnsel vm0, $0x6, v11;
	vm0 =	vlt.s32 v12, $0x7  }
0x66: {  	v10 =	vsel vm1, $0x19, v10;
	v11 =	vnsel vm0, $0x7, v11;
	vm0 =	vlt.s32 v12, $0x8  }
0x67: {  	vm1 =	vgt.u32 v6, $0x3A;
	v11 =	vnsel vm0, $0x8, v11;
	vm0 =	vlt.s32 v12, $0x9  }
0x68: {  	v10 =	vsel vm1, $0x1A, v10;
	v11 =	vnsel vm0, $0x9, v11;
	vm0 =	vlt.s32 v12, $0xA  }
0x69: {  	vm1 =	vgt.u32 v6, $0x42;
	v11 =	vnsel vm0, $0xA, v11;
	vm0 =	vlt.s32 v12, $0xB  }
0x6a: {  	v10 =	vsel vm1, $0x1B, v10;
	v11 =	vnsel vm0, $0xB, v11;
	vm0 =	vlt.s32 v12, $0xC  }
0x6b: {  	vm1 =	vgt.u32 v6, $0x4C;
	v11 =	vnsel vm0, $0xC, v11;
	vm0 =	vlt.s32 v12, $0xD  }
0x6c: {  	v10 =	vsel vm1, $0x1C, v10;
	v11 =	vnsel vm0, $0xD, v11;
	vm0 =	vlt.s32 v12, $0xE  }
0x6d: {  	vm1 =	vgt.u32 v6, $0x56;
	v11 =	vnsel vm0, $0xE, v11;
	vm0 =	vlt.s32 v12, $0xF  }
0x6e: {  	v10 =	vsel vm1, $0x1D, v10;
	v11 =	vnsel vm0, $0xF, v11;
	vm0 =	vlt.s32 v12, $0x10  }
0x6f: {  	vm1 =	vgt.u32 v6, $0x62;
	v11 =	vnsel vm0, $0x10, v11;
	vm0 =	vgt.s32 v12, $0x12  }
0x70: {  	v10 =	vsel vm1, $0x1E, v10;
	v11 =	vsel vm0, $0x11, v11;
	vm0 =	vgt.s32 v12, $0x14  }
0x71: {  	vm1 =	vgt.u32 v6, $0x70;
	v6 =	vsel vm0, $0x12, v11;
	vm0 =	vgt.s32 v12, $0x17  }
0x72: {  	vm5 =	vlt.u32 v9, $0x10;
	v11 =	vsel vm0, $0x13, v6;
	vm0 =	vgt.s32 v12, $0x1A  }
0x73: {  	v10 =	vsel vm1, $0x1F, v10;
	v11 =	vsel vm0, $0x14, v11;
	vm0 =	vgt.s32 v12, $0x1E  }
0x74: {  	vm4 =	vlt.u32 v10, $0x10;
	v11 =	vsel vm0, $0x15, v11;
	vm0 =	vgt.s32 v12, $0x22  }
0x75: {  	v14 =	vsel vm0, $0x16, v11;
	vm0 =	vgt.s32 v12, $0x27;
	v11 =	vadd.s32 s3, v13  }
0x76: {  	v13 =	vsel vm0, $0x17, v14;
	vm0 =	vgt.s32 v12, $0x2D;
	vm1 =	vne.s32 v11, $0x0  }
0x77: {  	v13 =	vsel vm0, $0x18, v13;
	v14 =	vsel vm1, $0x1, v0;
	vm0 =	vlt.u32 v11, $0x2  }
0x78: {  	v6 =	vand.u32 $0xF, v10;
	vm1 =	vgt.s32 v12, $0x33;
	v14 =	vnsel vm0, $0x2, v14  }
0x79: {  	vm0 =	vlt.u32 v11, $0x3;
	v13 =	vsel vm1, $0x19, v13;
	vm1 =	vgt.s32 v12, $0x3A  }
0x7a: {  	v14 =	vnsel vm0, $0x3, v14;
	vm0 =	vlt.u32 v11, $0x4;
	v13 =	vsel vm1, $0x1A, v13  }
0x7b: {  	vm1 =	vgt.s32 v12, $0x42;
	v14 =	vnsel vm0, $0x4, v14;
	vm0 =	vlt.u32 v11, $0x5  }
0x7c: {  	v13 =	vsel vm1, $0x1B, v13;
	v14 =	vnsel vm0, $0x5, v14;
	vm0 =	vlt.u32 v11, $0x6  }
0x7d: {  	vm1 =	vgt.s32 v12, $0x4C;
	v14 =	vnsel vm0, $0x6, v14;
	vm0 =	vlt.u32 v11, $0x7  }
0x7e: {  	v13 =	vsel vm1, $0x1C, v13;
	v14 =	vnsel vm0, $0x7, v14;
	vm0 =	vlt.u32 v11, $0x8  }
0x7f: {  	vm1 =	vgt.s32 v12, $0x56;
	v14 =	vnsel vm0, $0x8, v14;
	vm0 =	vlt.u32 v11, $0x9  }
0x80: {  	v13 =	vsel vm1, $0x1D, v13;
	v14 =	vnsel vm0, $0x9, v14;
	vm0 =	vlt.u32 v11, $0xA  }
0x81: {  	vm1 =	vgt.s32 v12, $0x62;
	v14 =	vnsel vm0, $0xA, v14;
	vm0 =	vlt.u32 v11, $0xB  }
0x82: {  	v13 =	vsel vm1, $0x1E, v13;
	v14 =	vnsel vm0, $0xB, v14;
	vm0 =	vlt.u32 v11, $0xC  }
0x83: {  	vm1 =	vgt.s32 v12, $0x70;
	v14 =	vnsel vm0, $0xC, v14;
	vm0 =	vlt.u32 v11, $0xD  }
0x84: {  	v12 =	vsel vm1, $0x1F, v13;
	v14 =	vnsel vm0, $0xD, v14;
	vm0 =	vlt.u32 v11, $0xE  }
0x85: {  	vm3 =	vlt.u32 v12, $0x10;
	v14 =	vnsel vm0, $0xE, v14;
	vm0 =	vlt.u32 v11, $0xF  }
0x86: {  	v13 =	vnsel vm0, $0xF, v14;
	vm0 =	vlt.u32 v11, $0x10;
	v14 =	vadd.s32 $0xFFFFF020, v8  }
0x87: {  	v8 =	vadd.s32 $0xFFFFF010, v8;
	v13 =	vnsel vm0, $0x10, v13;
	vm0 =	vgt.u32 v11, $0x12  }
0x88: {  	v15 =	vsel vm0, $0x11, v13;
	vm0 =	vgt.u32 v11, $0x14;
	v13 =	vadd.s32 s3, v14  }
0x89: {  	v14 =	vsel vm0, $0x12, v15;
	vm0 =	vgt.u32 v11, $0x17;
	vm1 =	vgt.s32 v13, $0x0  }
0x8a: {  	v14 =	vsel vm0, $0x13, v14;
	v15 =	vsel vm1, $0x1, v0;
	vm0 =	vlt.s32 v13, $0x2  }
0x8b: {  	v16 =	vadd.s32 s3, v8;
	v15 =	vnsel vm0, $0x2, v15;
	vm0 =	vlt.s32 v13, $0x3  }
0x8c: {  	vm2 =	vgt.s32 v13, $0x70;
	v15 =	vnsel vm0, $0x3, v15;
	vm0 =	vlt.s32 v13, $0x4  }
0x8d: {  	vm1 =	vgt.u32 v11, $0x1A;
	v15 =	vnsel vm0, $0x4, v15;
	vm0 =	vlt.s32 v13, $0x5  }
0x8e: {  	v14 =	vsel vm1, $0x14, v14;
	v15 =	vnsel vm0, $0x5, v15;
	vm0 =	vlt.s32 v13, $0x6  }
0x8f: {  	vm1 =	vgt.u32 v11, $0x1E;
	v15 =	vnsel vm0, $0x6, v15;
	vm0 =	vlt.s32 v13, $0x7  }
0x90: {  	v14 =	vsel vm1, $0x15, v14;
	v15 =	vnsel vm0, $0x7, v15;
	vm0 =	vlt.s32 v13, $0x8  }
0x91: {  	vm1 =	vgt.u32 v11, $0x22;
	v15 =	vnsel vm0, $0x8, v15;
	vm0 =	vlt.s32 v13, $0x9  }
0x92: {  	v14 =	vsel vm1, $0x16, v14;
	v15 =	vnsel vm0, $0x9, v15;
	vm0 =	vlt.s32 v13, $0xA  }
0x93: {  	vm1 =	vgt.u32 v11, $0x27;
	v15 =	vnsel vm0, $0xA, v15;
	vm0 =	vlt.s32 v13, $0xB  }
0x94: {  	v14 =	vsel vm1, $0x17, v14;
	v15 =	vnsel vm0, $0xB, v15;
	vm0 =	vlt.s32 v13, $0xC  }
0x95: {  	vm1 =	vgt.u32 v11, $0x2D;
	v15 =	vnsel vm0, $0xC, v15;
	vm0 =	vlt.s32 v13, $0xD  }
0x96: {  	v14 =	vsel vm1, $0x18, v14;
	v15 =	vnsel vm0, $0xD, v15;
	vm0 =	vlt.s32 v13, $0xE  }
0x97: {  	vm1 =	vgt.u32 v11, $0x33;
	v15 =	vnsel vm0, $0xE, v15;
	vm0 =	vlt.s32 v13, $0xF  }
0x98: {  	v14 =	vsel vm1, $0x19, v14;
	v15 =	vnsel vm0, $0xF, v15;
	vm0 =	vlt.s32 v13, $0x10  }
0x99: {  	vm1 =	vgt.s32 v16, $0x0;
	v8 =	vnsel vm0, $0x10, v15;
	vm0 =	vgt.s32 v13, $0x12  }
0x9a: {  	v15 =	vsel vm1, $0x1, v0;
	v8 =	vsel vm0, $0x11, v8;
	vm0 =	vlt.s32 v16, $0x2  }
0x9b: {  	vm1 =	vgt.s32 v13, $0x14;
	v15 =	vnsel vm0, $0x2, v15;
	vm0 =	vlt.s32 v16, $0x3  }
0x9c: {  	v8 =	vsel vm1, $0x12, v8;
	vm1 =	vgt.s32 v13, $0x17;
	v15 =	vnsel vm0, $0x3, v15  }
0x9d: {  	vm0 =	vlt.s32 v16, $0x4;
	v8 =	vsel vm1, $0x13, v8;
	vm1 =	vgt.s32 v13, $0x1A  }
0x9e: {  	v15 =	vnsel vm0, $0x4, v15;
	vm0 =	vlt.s32 v16, $0x5;
	v8 =	vsel vm1, $0x14, v8  }
0x9f: {  	vm1 =	vgt.s32 v13, $0x1E;
	v15 =	vnsel vm0, $0x5, v15;
	vm0 =	vlt.s32 v16, $0x6  }
0xa0: {  	v8 =	vsel vm1, $0x15, v8;
	v15 =	vnsel vm0, $0x6, v15;
	vm0 =	vlt.s32 v16, $0x7  }
0xa1: {  	vm1 =	vgt.s32 v13, $0x22;
	v15 =	vnsel vm0, $0x7, v15;
	vm0 =	vlt.s32 v16, $0x8  }
0xa2: {  	v8 =	vsel vm1, $0x16, v8;
	v15 =	vnsel vm0, $0x8, v15;
	vm0 =	vlt.s32 v16, $0x9  }
0xa3: {  	vm1 =	vgt.s32 v13, $0x27;
	v15 =	vnsel vm0, $0x9, v15;
	vm0 =	vlt.s32 v16, $0xA  }
0xa4: {  	v8 =	vsel vm1, $0x17, v8;
	v15 =	vnsel vm0, $0xA, v15;
	vm0 =	vlt.s32 v16, $0xB  }
0xa5: {  	vm1 =	vgt.s32 v13, $0x2D;
	v15 =	vnsel vm0, $0xB, v15;
	vm0 =	vlt.s32 v16, $0xC  }
0xa6: {  	v8 =	vsel vm1, $0x18, v8;
	v15 =	vnsel vm0, $0xC, v15;
	vm0 =	vlt.s32 v16, $0xD  }
0xa7: {  	vm1 =	vgt.s32 v13, $0x33;
	v15 =	vnsel vm0, $0xD, v15;
	vm0 =	vlt.s32 v16, $0xE  }
0xa8: {  	v8 =	vsel vm1, $0x19, v8;
	v15 =	vnsel vm0, $0xE, v15;
	vm0 =	vlt.s32 v16, $0xF  }
0xa9: {  	vm1 =	vgt.s32 v13, $0x3A;
	v15 =	vnsel vm0, $0xF, v15;
	vm0 =	vlt.s32 v16, $0x10  }
0xaa: {  	v8 =	vsel vm1, $0x1A, v8;
	v15 =	vnsel vm0, $0x10, v15;
	vm0 =	vgt.s32 v16, $0x12  }
0xab: {  	vm1 =	vgt.s32 v13, $0x42;
	v15 =	vsel vm0, $0x11, v15;
	vm0 =	vgt.s32 v16, $0x14  }
0xac: {  	v8 =	vsel vm1, $0x1B, v8;
	v15 =	vsel vm0, $0x12, v15;
	vm0 =	vgt.s32 v16, $0x17  }
0xad: {  	vm1 =	vgt.s32 v13, $0x4C;
	v15 =	vsel vm0, $0x13, v15;
	vm0 =	vgt.s32 v16, $0x1A  }
0xae: {  	v8 =	vsel vm1, $0x1C, v8;
	v15 =	vsel vm0, $0x14, v15;
	vm0 =	vgt.s32 v16, $0x1E  }
0xaf: {  	s26 =	rddreg [dreg:$0x1];
	s5 =	simm.s32 $0x0;
	s21 =	simm.s32 $0x2;
	vm1 =	vgt.s32 v13, $0x56;
	v15 =	vsel vm0, $0x15, v15;
	vm0 =	vgt.s32 v16, $0x22  }
0xb0: {  	s31 =	simm.s32 $0xF00;
	s4 =	simm.s32 $0xEC0;
	s22 =	simm.s32 $0xE80;
	v8 =	vsel vm1, $0x1D, v8;
	v15 =	vsel vm0, $0x16, v15;
	vm0 =	vgt.s32 v16, $0x27  }
0xb1: {  	s23 =	simm.s32 $0xE60;
	s24 =	simm.s32 $0xE40;
	s28 =	simm.s32 $0x0;
	vm1 =	vgt.s32 v13, $0x62;
	v15 =	vsel vm0, $0x17, v15;
	vm0 =	vgt.s32 v16, $0x2D  }
0xb2: {  	[smem:$0x7FF] =	sst s5;
	s0 =	simm.s32 $0xEE0;
	s2 =	ssub.s32 $0x2, s2;
	v17 =	vsel vm1, $0x1E, v8;
	v15 =	vsel vm0, $0x18, v15;
	vm0 =	vgt.s32 v16, $0x33  }
0xb3: {  	_ =	strace $0x80000047;
	s1 =	sshll.u32 s1, $0x9;
	s29 =	sshrl.u32 s2, $0x1;
	v8 =	vand.u32 $0xF, v12;
	v15 =	vsel vm0, $0x19, v15;
	vm0 =	vgt.s32 v16, $0x3A  }
0xb4: {  	s25 =	simm.s32 $0xE20;
	s1 =	sadd.s32 s26, s1;
	s30 =	ssub.s32 s2, s29;
	vm1 =	vgt.u32 v11, $0x3A;
	v15 =	vsel vm0, $0x1A, v15;
	vm0 =	vgt.s32 v16, $0x42  }
0xb5: {  	s26 =	simm.s32 $0x1;
	s2 =	sadd.s32 $0x4000, s1;
	s6 =	sadd.s32 $0x8000, s1;
	v17 =	vsel vm2, $0x1F, v17;
	v15 =	vsel vm0, $0x1B, v15;
	vm0 =	vgt.s32 v16, $0x4C  }
0xb6: {  	s7 =	sadd.s32 $0xC000, s1;
	s8 =	sadd.s32 $0x10000, s1;
	s9 =	sadd.s32 $0x14000, s1;
	v13 =	vand.u32 $0xF, v17;
	v15 =	vsel vm0, $0x1C, v15;
	vm0 =	vgt.s32 v16, $0x56  }
0xb7: {  	s10 =	sadd.s32 $0x18000, s1;
	s11 =	sadd.s32 $0x1C000, s1;
	s12 =	sadd.s32 $0x20000, s1;
	v11 =	vsel vm0, $0x1D, v15;
	vm0 =	vgt.s32 v16, $0x62;
	v15 =	vimm.s32 $0xF  }
0xb8: {  	s13 =	sadd.s32 $0x24000, s1;
	s14 =	sadd.s32 $0x28000, s1;
	s15 =	sadd.s32 $0x2C000, s1;
	v11 =	vsel vm0, $0x1E, v11;
	vm0 =	vgt.s32 v16, $0x70;
	v16 =	vsel vm1, $0x1A, v14  }
0xb9: {  	s16 =	sadd.s32 $0x30000, s1;
	s17 =	sadd.s32 $0x34000, s1;
	s18 =	sadd.s32 $0x38000, s1;
	vm1 =	vlt.u32 v17, $0x10;
	v18 =	vsel vm0, $0x1F, v11;
	v11 =	vand.u32 $0xF, v16  }
0xba: {  	s19 =	sadd.s32 $0x3C000, s1;
	s20 =	smax.u32 s30, $0x1;
	s3 =	simm.s32 $0xEA0;
	vm2 =	vlt.u32 v16, $0x10;
	v14 =	vand.u32 $0xF, v18;
	vm0 =	vlt.u32 v18, $0x10  }
.LBB2_1:
0xbb: {  	s29 =	rddreg [dreg:$0x0]  }
0xbc: {  	[tilespmem:s5], [sflag:$0x2] =	stream.linear.gather [hbm4b:s29+s5], $0x20, $0x38;
	[tilespmem:$0x2020] =	vst v63  }
0xbd: {  	_ =	swait.ge [sflag:s21], $0x20  }
0xbe: {  	[sflag:s21] =	ssyncset.done $0x0  }
0xbf: {  	[sflag:s21] =	ssyncadd.s32 $0xFFFFFFE0  }
0xc0: {  	v5 =	vld [tilespmem:$0x0]  }
0xc1: {  	v7 =	vld [tilespmem:$0x10];
	_ =	sdelay $0x3  }
0xc2: {  	v5 =	vmul.f32 $1.250000000e-01, v5  }
0xc3: {  	v7 =	vmul.f32 $1.250000000e-01, v7  }
0xc4: {  	v10 =	vperm.xlane v5, v0  }
0xc5: {  	s30 =	simm.s32 $0x300;
	s29 =	simm.s32 $0x40;
	v9 =	vperm.xlane v7, v15  }
.LBB2_2:
0xc6: {  	p0 =	sne.s32 s30, $0x3F00;
	[tilespmem:s29+$0x1050] =	vst v10  }
0xc7: {  	[tilespmem:s29+$0xFFFFFFE0] =	vst v9  }
0xc8: {  	[tilespmem:s29+$0xFE0] =	vst v10  }
0xc9: {  	[tilespmem:s29+$0xFFFFFFF0] =	vst v9  }
0xca: {  	[tilespmem:s29+$0xFF0] =	vst v10  }
0xcb: {  	[tilespmem:s29+$0x0] =	vst v9  }
0xcc: {  	[tilespmem:s29+$0x1000] =	vst v10  }
0xcd: {  	[tilespmem:s29+$0x10] =	vst v9  }
0xce: {  	[tilespmem:s29+$0x1010] =	vst v10  }
0xcf: {  	[tilespmem:s29+$0x20] =	vst v9  }
0xd0: {  	[tilespmem:s29+$0x1020] =	vst v10  }
.Ltmp0:
0xd1: {  	[tilespmem:s29+$0x30] =	vst v9;
	(pc) =	sbr.rel @p0 .LBB2_2-.Ltmp0, $4  }
0xd2: {  	[tilespmem:s29+$0x1030] =	vst v10  }
0xd3: {  	[tilespmem:s29+$0x40] =	vst v9  }
0xd4: {  	[tilespmem:s29+$0x1040] =	vst v10  }
0xd5: {  	[tilespmem:s29+$0x50] =	vst v9;
	s29 =	sshra.s32 s30, $0x2;
	s30 =	sadd.s32 $0x200, s30  }
0xd6: {  	[tilespmem:s29+$0x1050] =	vst v10  }
0xd7: {  	[tilespmem:s29+$0xFFFFFFE0] =	vst v9  }
0xd8: {  	[tilespmem:s29+$0xFE0] =	vst v10  }
0xd9: {  	[tilespmem:s29+$0xFFFFFFF0] =	vst v9  }
0xda: {  	[tilespmem:s29+$0xFF0] =	vst v10  }
0xdb: {  	[tilespmem:s29+$0x0] =	vst v9  }
0xdc: {  	[tilespmem:s29+$0x1000] =	vst v10  }
0xdd: {  	[tilespmem:s29+$0x10] =	vst v9  }
0xde: {  	[tilespmem:s29+$0x1010] =	vst v10  }
0xdf: {  	[tilespmem:s29+$0x20] =	vst v9  }
0xe0: {  	[tilespmem:s29+$0x1020] =	vst v10  }
0xe1: {  	[tilespmem:s29+$0x30] =	vst v9  }
0xe2: {  	[tilespmem:s29+$0x1030] =	vst v10  }
0xe3: {  	[tilespmem:s29+$0x40] =	vst v9;
	v12 =	vperm.xlane v5, v1;
	v16 =	vperm.xlane v7, v1  }
0xe4: {  	[tilespmem:s29+$0x1040] =	vst v10;
	v10 =	vperm.xlane v5, v2;
	v17 =	vperm.xlane v7, v2  }
0xe5: {  	[tilespmem:s29+$0x50] =	vst v9;
	v9 =	vsel vm7, v12, v16;
	v12 =	vperm.xlane v7, v3  }
0xe6: {  	v16 =	vperm.xlane v7, v4;
	[tilespmem:$0xF90] =	vst v9;
	v9 =	vsel vm6, v10, v17;
	v10 =	vperm.xlane v5, v4  }
0xe7: {  	v17 =	vperm.xlane v7, v6;
	[tilespmem:$0xFA0] =	vst v9;
	v9 =	vperm.xlane v5, v6  }
0xe8: {  	[tilespmem:$0xFB0] =	vst v12;
	v12 =	vperm.xlane v5, v8;
	v10 =	vsel vm5, v10, v16;
	v16 =	vperm.xlane v7, v8  }
0xe9: {  	[tilespmem:$0xFC0] =	vst v10;
	v9 =	vsel vm4, v9, v17;
	v10 =	vperm.xlane v5, v11;
	v17 =	vperm.xlane v7, v11  }
0xea: {  	[tilespmem:$0xFD0] =	vst v9;
	v9 =	vsel vm3, v12, v16;
	v12 =	vperm.xlane v5, v13;
	v16 =	vperm.xlane v7, v13  }
0xeb: {  	v5 =	vperm.xlane v5, v14;
	v7 =	vperm.xlane v7, v14;
	[tilespmem:$0xFE0] =	vst v9;
	v9 =	vsel vm2, v10, v17  }
0xec: {  	[tilespmem:$0xFF0] =	vst v9;
	v9 =	vsel vm1, v12, v16  }
0xed: {  	v5 =	vsel vm0, v5, v7;
	[tilespmem:$0x1000] =	vst v9  }
0xee: {  	s30 =	simm.s32 $0x1000;
	[tilespmem:$0x1010] =	vst v5  }
0xef: {  	[hbm4b:s1+s5] =	stream.linear.scatter [tilespmem:s30], [sflag:$0x1], $0x1000, $0x38;
	[tilespmem:$0x2020] =	vst v63  }
0xf0: {  	s30 =	simm.s32 $0xFE0  }
0xf1: {  	[hbm4b:s2+s5] =	stream.linear.scatter [tilespmem:s30], [sflag:$0x1], $0x1000, $0x38;
	[tilespmem:$0x2020] =	vst v63  }
0xf2: {  	s30 =	simm.s32 $0xFC0  }
0xf3: {  	[hbm4b:s6+s5] =	stream.linear.scatter [tilespmem:s30], [sflag:$0x1], $0x1000, $0x38;
	[tilespmem:$0x2020] =	vst v63  }
0xf4: {  	s30 =	simm.s32 $0xFA0  }
0xf5: {  	[hbm4b:s7+s5] =	stream.linear.scatter [tilespmem:s30], [sflag:$0x1], $0x1000, $0x38;
	[tilespmem:$0x2020] =	vst v63  }
0xf6: {  	s30 =	simm.s32 $0xF80  }
0xf7: {  	[hbm4b:s8+s5] =	stream.linear.scatter [tilespmem:s30], [sflag:$0x1], $0x1000, $0x38;
	[tilespmem:$0x2020] =	vst v63  }
0xf8: {  	s30 =	simm.s32 $0xF60  }
0xf9: {  	[hbm4b:s9+s5] =	stream.linear.scatter [tilespmem:s30], [sflag:$0x1], $0x1000, $0x38;
	[tilespmem:$0x2020] =	vst v63  }
0xfa: {  	s30 =	simm.s32 $0xF40  }
0xfb: {  	[hbm4b:s10+s5] =	stream.linear.scatter [tilespmem:s30], [sflag:$0x1], $0x1000, $0x38;
	[tilespmem:$0x2020] =	vst v63  }
0xfc: {  	s30 =	simm.s32 $0xF20  }
0xfd: {  	[hbm4b:s11+s5] =	stream.linear.scatter [tilespmem:s30], [sflag:$0x1], $0x1000, $0x38;
	[tilespmem:$0x2020] =	vst v63  }
0xfe: {  	_ = 	snop  }
0xff: {  	[hbm4b:s12+s5] =	stream.linear.scatter [tilespmem:s31], [sflag:$0x1], $0x1000, $0x38;
	[tilespmem:$0x2020] =	vst v63  }
0x100: {  	_ = 	snop  }
0x101: {  	[hbm4b:s13+s5] =	stream.linear.scatter [tilespmem:s0], [sflag:$0x1], $0x1000, $0x38;
	[tilespmem:$0x2020] =	vst v63  }
0x102: {  	_ = 	snop  }
0x103: {  	[hbm4b:s14+s5] =	stream.linear.scatter [tilespmem:s4], [sflag:$0x1], $0x1000, $0x38;
	[tilespmem:$0x2020] =	vst v63  }
0x104: {  	_ = 	snop  }
0x105: {  	[hbm4b:s15+s5] =	stream.linear.scatter [tilespmem:s3], [sflag:$0x1], $0x1000, $0x38;
	[tilespmem:$0x2020] =	vst v63  }
0x106: {  	_ = 	snop  }
0x107: {  	[hbm4b:s16+s5] =	stream.linear.scatter [tilespmem:s22], [sflag:$0x1], $0x1000, $0x38;
	[tilespmem:$0x2020] =	vst v63  }
0x108: {  	_ = 	snop  }
0x109: {  	[hbm4b:s17+s5] =	stream.linear.scatter [tilespmem:s23], [sflag:$0x1], $0x1000, $0x38;
	[tilespmem:$0x2020] =	vst v63  }
0x10a: {  	_ = 	snop  }
0x10b: {  	[hbm4b:s18+s5] =	stream.linear.scatter [tilespmem:s24], [sflag:$0x1], $0x1000, $0x38;
	[tilespmem:$0x2020] =	vst v63  }
0x10c: {  	_ = 	snop  }
0x10d: {  	[hbm4b:s19+s5] =	stream.linear.scatter [tilespmem:s25], [sflag:$0x1], $0x1000, $0x38;
	[tilespmem:$0x2020] =	vst v63  }
0x10e: {  	_ =	swait.ge [sflag:s26], $0x1000  }
0x10f: {  	[sflag:s26] =	ssyncset.done $0x0  }
0x110: {  	[sflag:s26] =	ssyncadd.s32 $0xFFFFF000  }
0x111: {  	_ =	swait.ge [sflag:s26], $0x1000  }
0x112: {  	[sflag:s26] =	ssyncset.done $0x0  }
0x113: {  	[sflag:s26] =	ssyncadd.s32 $0xFFFFF000  }
0x114: {  	_ =	swait.ge [sflag:s26], $0x1000  }
0x115: {  	[sflag:s26] =	ssyncset.done $0x0  }
0x116: {  	[sflag:s26] =	ssyncadd.s32 $0xFFFFF000  }
0x117: {  	_ =	swait.ge [sflag:s26], $0x1000  }
0x118: {  	[sflag:s26] =	ssyncset.done $0x0  }
0x119: {  	[sflag:s26] =	ssyncadd.s32 $0xFFFFF000  }
0x11a: {  	_ =	swait.ge [sflag:s26], $0x1000  }
0x11b: {  	[sflag:s26] =	ssyncset.done $0x0  }
0x11c: {  	[sflag:s26] =	ssyncadd.s32 $0xFFFFF000  }
0x11d: {  	_ =	swait.ge [sflag:s26], $0x1000  }
0x11e: {  	[sflag:s26] =	ssyncset.done $0x0  }
0x11f: {  	[sflag:s26] =	ssyncadd.s32 $0xFFFFF000  }
0x120: {  	_ =	swait.ge [sflag:s26], $0x1000  }
0x121: {  	[sflag:s26] =	ssyncset.done $0x0  }
0x122: {  	[sflag:s26] =	ssyncadd.s32 $0xFFFFF000  }
0x123: {  	_ =	swait.ge [sflag:s26], $0x1000  }
0x124: {  	[sflag:s26] =	ssyncset.done $0x0  }
0x125: {  	[sflag:s26] =	ssyncadd.s32 $0xFFFFF000  }
0x126: {  	_ =	swait.ge [sflag:s26], $0x1000  }
0x127: {  	[sflag:s26] =	ssyncset.done $0x0  }
0x128: {  	[sflag:s26] =	ssyncadd.s32 $0xFFFFF000  }
0x129: {  	_ =	swait.ge [sflag:s26], $0x1000  }
0x12a: {  	[sflag:s26] =	ssyncset.done $0x0  }
0x12b: {  	[sflag:s26] =	ssyncadd.s32 $0xFFFFF000  }
0x12c: {  	_ =	swait.ge [sflag:s26], $0x1000  }
0x12d: {  	[sflag:s26] =	ssyncset.done $0x0  }
0x12e: {  	[sflag:s26] =	ssyncadd.s32 $0xFFFFF000  }
0x12f: {  	_ =	swait.ge [sflag:s26], $0x1000  }
0x130: {  	[sflag:s26] =	ssyncset.done $0x0  }
0x131: {  	[sflag:s26] =	ssyncadd.s32 $0xFFFFF000  }
0x132: {  	_ =	swait.ge [sflag:s26], $0x1000  }
0x133: {  	[sflag:s26] =	ssyncset.done $0x0  }
0x134: {  	[sflag:s26] =	ssyncadd.s32 $0xFFFFF000  }
0x135: {  	_ =	swait.ge [sflag:s26], $0x1000  }
0x136: {  	[sflag:s26] =	ssyncset.done $0x0  }
0x137: {  	s28 =	sadd.s32 $0x1, s28;
	[sflag:s26] =	ssyncadd.s32 $0xFFFFF000  }
0x138: {  	p0 =	sne.s32 s28, s20;
	_ =	swait.ge [sflag:s26], $0x1000  }
.Ltmp1:
0x139: {  	[sflag:s26] =	ssyncset.done $0x0;
	(pc) =	sbr.rel @p0 .LBB2_1-.Ltmp1, $4  }
0x13a: {  	[sflag:s26] =	ssyncadd.s32 $0xFFFFF000  }
0x13b: {  	_ =	swait.ge [sflag:s26], $0x1000  }
0x13c: {  	[sflag:s26] =	ssyncset.done $0x0  }
0x13d: {  	[sflag:s26] =	ssyncadd.s32 $0xFFFFF000  }
0x13e: {  	_ =	sfence.sel $0x180000  }
0x13f: {  	[bflag:$0x0] =	sbarrier.arrive $0xFFFF  }
0x140: {  	_ =	strace $0x90000047  }
0x141: {  	s0 =	stileid.u32;
	[bflag:$0x2] =	sbarrier.arrive $0xFFFF  }
0x142: {  	p0 =	sne.s32 s0, $0x0;
	s0 =	rddreg [dreg:$0x2]  }
0x143: {  	s0 =	sadd.s32 @!p0 $0x100000, s0  }
0x144: {  	[sflag:s0] =	ssyncadd.tile.s32 @!p0 $0x1;
	_ =	shalt  }
.Lfunc_end2:
_tile_overlayer_lowered:
.L_overlay_start_2:
0x145: {  	(tag) =	ssettag $0x2  }
0x146: {  	s0 =	rddreg [dreg:$0x0];
	s2 =	stileid.u32  }
0x147: {  	s1 =	rddreg [dreg:$0x1];
	p0 =	sne.s32 s2, $0x0  }
0x148: {  	s3 =	rddreg [dreg:$0x2];
	[bflag:$0x3] =	sbarrier.arrive $0xFFFF;
	s2 =	simm.s32 @!p0 $0x1C02  }
0x149: {  	[timem:s3], [sflag:s2] =	dma.local @!p0 [hbm:s0], s1  }
0x14a: {  	s0 =	simm.s32 @!p0 $0x2  }
0x14b: {  	_ =	swait.ge @!p0 [sflag:s0], s1  }
0x14c: {  	s1 =	ssub.s32 @!p0 $0x0, s1;
	[sflag:s0] =	ssyncset.done @!p0 $0x0  }
0x14d: {  	[sflag:s0] =	ssyncadd.s32 @!p0 s1  }
0x14e: {  	[bflag:$0x3] =	sbarrier.arrive $0xFFFF  }
0x14f: {  	_ =	shalt  }

</sc_bundles>
